<compile_context>
chip_gen: v7x
topology: tpu7x:2x2x1
jax: 0.10.2.dev20260603
libtpu: 0.0.44.dev20260713+nightly
codegen_flags: <defaults>
</compile_context>

<pallas_src>
import functools

import jax
import jax.numpy as jnp
from jax import lax
from jax.experimental import pallas as pl
from jax.experimental.pallas import tpu as pltpu
from jax.experimental.pallas import tpu_sc as plsc

_N = 10000
_E = 320000
_D = 128
_B = 8
_NP = 10240
_NTILES = 32
_CHUNK = 128
_TCH = 160
_NCHUNKS = _NTILES * _TCH
_KB = 16
_CA = 256
_CB = 2 * _TCH - _CA
_RPS = _NP // 16
_BLK = 2560

_DN_NT = (((1,), (1,)), ((), ()))
_DN_TN = (((0,), (0,)), ((), ()))


def _dense0_body(x_ref, w0_ref, b0_ref, w1_ref, b1_ref, v0_ref, v1_ref):
    x = x_ref[...]
    v0_ref[...] = lax.dot_general(x, w0_ref[...], _DN_NT,
                                  preferred_element_type=jnp.float32) + b0_ref[...]
    v1_ref[...] = lax.dot_general(x, w1_ref[...], _DN_NT,
                                  preferred_element_type=jnp.float32) + b1_ref[...]


def _dense0(x, w0, b0, w1, b1):
    wspec = pl.BlockSpec((_D, _D), lambda i: (0, 0))
    bspec = pl.BlockSpec((1, _D), lambda i: (0, 0))
    rspec = pl.BlockSpec((_BLK, _D), lambda i: (i, 0))
    return pl.pallas_call(
        _dense0_body,
        grid=(_NP // _BLK,),
        in_specs=[rspec, wspec, bspec, wspec, bspec],
        out_specs=[rspec, rspec],
        out_shape=[jax.ShapeDtypeStruct((_NP, _D), jnp.float32)] * 2,
    )(x, w0, b0, w1, b1)


def _dense1_body(v0p_ref, agg_ref, w0_ref, b0_ref, w1_ref, b1_ref,
                 v0_ref, v1_ref):
    x = jnp.maximum(v0p_ref[...] + agg_ref[0] + agg_ref[1], 0.0)
    v0_ref[...] = lax.dot_general(x, w0_ref[...], _DN_NT,
                                  preferred_element_type=jnp.float32) + b0_ref[...]
    v1_ref[...] = lax.dot_general(x, w1_ref[...], _DN_NT,
                                  preferred_element_type=jnp.float32) + b1_ref[...]


def _dense1(v0p, agg, w0, b0, w1, b1):
    wspec = pl.BlockSpec((_D, _D), lambda i: (0, 0))
    bspec = pl.BlockSpec((1, _D), lambda i: (0, 0))
    rspec = pl.BlockSpec((_BLK, _D), lambda i: (i, 0))
    aspec = pl.BlockSpec((2, _BLK, _D), lambda i: (0, i, 0))
    return pl.pallas_call(
        _dense1_body,
        grid=(_NP // _BLK,),
        in_specs=[rspec, aspec, wspec, bspec, wspec, bspec],
        out_specs=[rspec, rspec],
        out_shape=[jax.ShapeDtypeStruct((_NP, _D), jnp.float32)] * 2,
    )(v0p, agg, w0, b0, w1, b1)


def _head_body(v0_ref, agg_ref, idx_ref, fw1_ref, fb1_ref, fw2_ref, fb2_ref,
               out_ref):
    h = jnp.maximum(v0_ref[...] + agg_ref[0] + agg_ref[1], 0.0)
    idx = idx_ref[...]
    onehot = (idx == lax.broadcasted_iota(jnp.int32, (_NP, _B), 1)
              ).astype(jnp.float32)
    counts = jnp.sum(onehot, axis=0)
    sums = lax.dot_general(onehot, h, _DN_TN,
                           preferred_element_type=jnp.float32)
    avg = sums / jnp.maximum(counts, 1.0)[:, None]
    neg = jnp.float32(-jnp.inf)
    mx = jnp.stack(
        [jnp.max(jnp.where(idx == s, h, neg), axis=0) for s in range(_B)],
        axis=0)
    cat = jnp.concatenate([avg, mx], axis=1)
    z = jnp.maximum(
        lax.dot_general(cat, fw1_ref[...], _DN_NT,
                        preferred_element_type=jnp.float32) + fb1_ref[...], 0.0)
    out_ref[...] = lax.dot_general(z, fw2_ref[...], _DN_NT,
                                   preferred_element_type=jnp.float32) + fb2_ref[...]


def _head(v0, agg, vidx, fw1, fb1, fw2, fb2):
    return pl.pallas_call(
        _head_body,
        out_shape=jax.ShapeDtypeStruct((_B, 10), jnp.float32),
    )(v0, agg, vidx, fw1, fb1, fw2, fb2)



@functools.cache
def _make_agg():
    mesh = plsc.VectorSubcoreMesh(core_axis_name="c", subcore_axis_name="s",
                                  num_cores=2, num_subcores=16)

    @functools.partial(
        pl.kernel,
        mesh=mesh,
        out_type=jax.ShapeDtypeStruct((2, _NP, _D), jnp.float32),
        scratch_types=[
            pltpu.VMEM((_KB, _CHUNK), jnp.int32),
            pltpu.VMEM((_KB, _CHUNK), jnp.int32),
            pltpu.VMEM((_CHUNK, _D), jnp.float32),
            pltpu.VMEM((_CHUNK, _D), jnp.float32),
            pltpu.VMEM_SHARED((_NP, _D), jnp.float32),
            pltpu.SemaphoreType.DMA,
            pltpu.SemaphoreType.DMA,
            pltpu.SemaphoreType.DMA,
            pltpu.SemaphoreType.DMA,
        ],
    )
    def _agg(v1_hbm, gidx_hbm, sidx_hbm, zeros_hbm, out_hbm,
             gidx_v, sidx_v, buf0, buf1, acc, gsem0, gsem1, ssem0, ssem1):
        cid = lax.axis_index("c")
        sid = lax.axis_index("s")
        base = jnp.where(cid == 0, sid * _CA, 16 * _CA + sid * _CB)
        nblk = jnp.where(cid == 0, _CA // _KB, _CB // _KB)

        r0 = sid * _RPS
        pltpu.sync_copy(zeros_hbm.at[pl.ds(r0, _RPS)], acc.at[pl.ds(r0, _RPS)])
        plsc.subcore_barrier()

        bufs = (buf0, buf1)
        gsems = (gsem0, gsem1)
        ssems = (ssem0, ssem1)

        def blk_body(bk, carry):
            c0 = base + bk * _KB
            pltpu.sync_copy(gidx_hbm.at[pl.ds(c0, _KB)], gidx_v)
            pltpu.sync_copy(sidx_hbm.at[pl.ds(c0, _KB)], sidx_v)

            dg = [None] * _KB
            ds = [None] * _KB
            dg[0] = pltpu.async_copy(v1_hbm.at[gidx_v.at[0]], bufs[0], gsems[0])
            for j in range(_KB):
                b = j & 1
                if j + 1 < _KB:
                    if j >= 1:
                        ds[j - 1].wait()
                    dg[j + 1] = pltpu.async_copy(
                        v1_hbm.at[gidx_v.at[j + 1]], bufs[1 - b], gsems[1 - b])
                dg[j].wait()
                ds[j] = pltpu.async_copy(
                    bufs[b], acc.at[sidx_v.at[j]], ssems[b], add=True)
            ds[_KB - 2].wait()
            ds[_KB - 1].wait()
            return carry

        lax.fori_loop(0, nblk, blk_body, 0)

        plsc.subcore_barrier()
        pltpu.sync_copy(acc.at[pl.ds(r0, _RPS)], out_hbm.at[cid, pl.ds(r0, _RPS)])

    return _agg


def kernel(verts, edges, verts_idx, edges_idx,
           w0_0, b0_0, w1_0, b1_0, w0_1, b0_1, w1_1, b1_1,
           fc1_w, fc1_b, fc2_w, fc2_b):
    pad_rows = _NP - _N
    xp = jnp.pad(verts, ((0, pad_rows), (0, 0)))
    src = edges[:, 0]
    dst = edges[:, 1]
    npad = _NCHUNKS * _CHUNK - 2 * _E
    gidx = jnp.concatenate(
        [dst, src, jnp.zeros((npad,), jnp.int32)]).reshape(_NCHUNKS, _CHUNK)
    dump = _N + (jnp.arange(npad, dtype=jnp.int32) % (_NP - _N))
    sidx = jnp.concatenate([src, dst, dump]).reshape(_NCHUNKS, _CHUNK)
    zeros_np = jnp.zeros((_NP, _D), jnp.float32)
    vidx = jnp.pad(verts_idx, (0, pad_rows), constant_values=_B).reshape(_NP, 1)

    b0_0r = b0_0.reshape(1, _D)
    b1_0r = b1_0.reshape(1, _D)
    b0_1r = b0_1.reshape(1, _D)
    b1_1r = b1_1.reshape(1, _D)
    fb1 = fc1_b.reshape(1, -1)
    fb2 = fc2_b.reshape(1, -1)

    agg = _make_agg()
    v0a, v1a = _dense0(xp, w0_0, b0_0r, w1_0, b1_0r)
    agg0 = agg(v1a, gidx, sidx, zeros_np)
    v0b, v1b = _dense1(v0a, agg0, w0_1, b0_1r, w1_1, b1_1r)
    agg1 = agg(v1b, gidx, sidx, zeros_np)
    return _head(v0b, agg1, vidx, fc1_w, fb1, fc2_w, fb2)

# --- scband reference (transcript-rebuilt; emitter-appended) ---
"""Pipeline reference for scband-graph-conv-clf-50130858279304 (READ-ONLY COPY).

The authoritative reference and input builder live on the scoring server;
editing this copy changes nothing except your own understanding.
"""

import jax, jax.numpy as jnp
import numpy as np

N = 10000
E = 320000
D = 128
H1 = 128
H2 = 128
B = 8
CLASSES = 10


def setup_inputs(seed: int = 0) -> dict:
    key = jax.random.key(seed)
    ks = jax.random.split(key, 16)
    verts = jax.random.normal(ks[0], (N, D), dtype=jnp.float32)
    edges = jax.random.randint(ks[1], (E, 2), 0, N, dtype=jnp.int32)
    verts_idx = jnp.sort(jax.random.randint(ks[2], (N,), 0, B, dtype=jnp.int32))
    edges_idx = jnp.sort(jax.random.randint(ks[3], (E,), 0, B, dtype=jnp.int32))
    # GraphConv layer 0 params (pytorch3d GraphConv: w0 self-term, w1 neighbor-term)
    w0_0 = 0.01 * jax.random.normal(ks[4], (H1, D), dtype=jnp.float32)
    b0_0 = jnp.zeros((H1,), dtype=jnp.float32)
    w1_0 = 0.01 * jax.random.normal(ks[5], (H1, D), dtype=jnp.float32)
    b1_0 = jnp.zeros((H1,), dtype=jnp.float32)
    # GraphConv layer 1 params
    w0_1 = 0.01 * jax.random.normal(ks[6], (H2, H1), dtype=jnp.float32)
    b0_1 = jnp.zeros((H2,), dtype=jnp.float32)
    w1_1 = 0.01 * jax.random.normal(ks[7], (H2, H1), dtype=jnp.float32)
    b1_1 = jnp.zeros((H2,), dtype=jnp.float32)
    # FC heads
    fc1_w = 0.01 * jax.random.normal(ks[8], (1024, H2 * 2), dtype=jnp.float32)
    fc1_b = jnp.zeros((1024,), dtype=jnp.float32)
    fc2_w = 0.01 * jax.random.normal(ks[9], (CLASSES, 1024), dtype=jnp.float32)
    fc2_b = jnp.zeros((CLASSES,), dtype=jnp.float32)
    return {
        'verts': verts, 'edges': edges, 'verts_idx': verts_idx, 'edges_idx': edges_idx,
        'w0_0': w0_0, 'b0_0': b0_0, 'w1_0': w1_0, 'b1_0': b1_0,
        'w0_1': w0_1, 'b0_1': b0_1, 'w1_1': w1_1, 'b1_1': b1_1,
        'fc1_w': fc1_w, 'fc1_b': fc1_b, 'fc2_w': fc2_w, 'fc2_b': fc2_b,
    }


def _graph_conv(x, edges, w0, b0, w1, b1):
    # pytorch3d GraphConv (directed=False):
    # out = W0 x + sum_{j in N(i)} W1 x_j  (both edge directions)
    v0 = x @ w0.T + b0
    v1 = x @ w1.T + b1
    src = edges[:, 0]
    dst = edges[:, 1]
    agg = jnp.zeros_like(v0).at[src].add(v1[dst])
    agg = agg.at[dst].add(v1[src])
    return v0 + agg


def reference(verts, edges, verts_idx, edges_idx,
              w0_0, b0_0, w1_0, b1_0, w0_1, b0_1, w1_1, b1_1,
              fc1_w, fc1_b, fc2_w, fc2_b):
    h = jax.nn.relu(_graph_conv(verts, edges, w0_0, b0_0, w1_0, b1_0))
    h = jax.nn.relu(_graph_conv(h, edges, w0_1, b0_1, w1_1, b1_1))
    # GlobalAveragePooling over verts grouped by mesh id
    counts = jnp.bincount(verts_idx, length=B).astype(jnp.float32)
    sums = jax.ops.segment_sum(h, verts_idx, num_segments=B)
    avg_pool = sums / jnp.clip(counts, 1.0)[:, None]
    # GlobalMaxPooling over verts grouped by mesh id
    max_pool = jax.ops.segment_max(h, verts_idx, num_segments=B)
    out = jnp.concatenate([avg_pool, max_pool], axis=1)
    out = jax.nn.relu(out @ fc1_w.T + fc1_b)
    out = out @ fc2_w.T + fc2_b
    return out

if __name__ == "__main__":
    import jax
    _d = setup_inputs()
    print(jax.jit(kernel)(*tuple(_d.values())))

</pallas_src>

<mosaic_0001>
#map = affine_map<(d0, d1) -> (0, 0)>
#map1 = affine_map<(d0, d1) -> (0, 0, 0)>
module attributes {stable_mosaic.version = 14 : i64} {
  func.func @_agg(%arg0: i32, %arg1: i32, %arg2: memref<10240x128xf32, #tpu.memory_space<hbm>>, %arg3: memref<5120x128xi32, #tpu.memory_space<hbm>>, %arg4: memref<5120x128xi32, #tpu.memory_space<hbm>>, %arg5: memref<10240x128xf32, #tpu.memory_space<hbm>>, %arg6: memref<2x10240x128xf32, #tpu.memory_space<hbm>>, %arg7: memref<16x128xi32, #tpu.memory_space<vmem>>, %arg8: memref<16x128xi32, #tpu.memory_space<vmem>>, %arg9: memref<128x128xf32, #tpu.memory_space<vmem>>, %arg10: memref<128x128xf32, #tpu.memory_space<vmem>>, %arg11: memref<10240x128xf32, #tpu.memory_space<vmem_shared>>, %arg12: memref<!tpu.dma_semaphore, #tpu.memory_space<semaphore_mem>>, %arg13: memref<!tpu.dma_semaphore, #tpu.memory_space<semaphore_mem>>, %arg14: memref<!tpu.dma_semaphore, #tpu.memory_space<semaphore_mem>>, %arg15: memref<!tpu.dma_semaphore, #tpu.memory_space<semaphore_mem>>) attributes {dimension_semantics = [#tpu.dimension_semantics<core_parallel>, #tpu.dimension_semantics<subcore_parallel>], iteration_bounds = array<i64: 2, 16>, scalar_prefetch = 0 : i64, scratch_operands = 9 : i64, tpu.core_type = #tpu.core_type<sc_vector_subcore>, window_params = [{transform_indices = #map}, {transform_indices = #map}, {transform_indices = #map}, {transform_indices = #map}, {transform_indices = #map1}]} {
    %eq3A = arith.constant 0 : i32
    %eq3A_0 = arith.cmpi eq, %arg0, %eq3A : i32
    %mul3A = arith.constant 256 : i32
    %mul3A_1 = arith.muli %arg1, %mul3A : i32
    %mul3A_2 = arith.constant 64 : i32
    %mul3A_3 = arith.muli %arg1, %mul3A_2 : i32
    %add3A = arith.constant 4096 : i32
    %add3A_4 = arith.addi %add3A, %mul3A_3 : i32
    %select_n3A = arith.select %eq3A_0, %mul3A_1, %add3A_4 : i32
    %eq3A_5 = arith.constant 0 : i32
    %eq3A_6 = arith.cmpi eq, %arg0, %eq3A_5 : i32
    %jit3A = arith.constant 16 : i32
    %jit3A_7 = arith.constant 4 : i32
    %select_n3A_8 = arith.select %eq3A_6, %jit3A, %jit3A_7 : i32
    %mul3A_9 = arith.constant 640 : i32
    %mul3A_10 = arith.muli %arg1, %mul3A_9 : i32
    "tpu.region"() ({
      %run_scoped3A = tpu.sem_alloc : memref<!tpu.dma_semaphore, #tpu.memory_space<semaphore_mem>>
      %dma_start3A = arith.constant 0 : i32
      %dma_start3A_21 = tpu.memref_slice %arg11[%mul3A_10, %dma_start3A] : memref<10240x128xf32, #tpu.memory_space<vmem_shared>> -> memref<640x128xf32, #tpu.memory_space<vmem_shared>>
      %dma_start3A_22 = arith.constant 0 : i32
      %dma_start3A_23 = tpu.memref_slice %arg5[%mul3A_10, %dma_start3A_22] : memref<10240x128xf32, #tpu.memory_space<hbm>> -> memref<640x128xf32, #tpu.memory_space<hbm>>
      tpu.enqueue_dma source(%dma_start3A_23 : memref<640x128xf32, #tpu.memory_space<hbm>>) target(%dma_start3A_21 : memref<640x128xf32, #tpu.memory_space<vmem_shared>>) target_semaphore(%run_scoped3A : memref<!tpu.dma_semaphore, #tpu.memory_space<semaphore_mem>>)
      %dma_wait3A = arith.constant 0 : i32
      %dma_wait3A_24 = tpu.memref_slice %arg11[%mul3A_10, %dma_wait3A] : memref<10240x128xf32, #tpu.memory_space<vmem_shared>> -> memref<640x128xf32, #tpu.memory_space<vmem_shared>>
      %dma_wait3A_25 = arith.constant 0 : i32
      %dma_wait3A_26 = tpu.memref_slice %arg5[%mul3A_10, %dma_wait3A_25] : memref<10240x128xf32, #tpu.memory_space<hbm>> -> memref<640x128xf32, #tpu.memory_space<hbm>>
      tpu.wait_dma2 semaphore(%run_scoped3A : memref<!tpu.dma_semaphore, #tpu.memory_space<semaphore_mem>>) src(%dma_wait3A_26 : memref<640x128xf32, #tpu.memory_space<hbm>>) dst(%dma_wait3A_24 : memref<640x128xf32, #tpu.memory_space<vmem_shared>>)
      tpu.yield
    }) : () -> ()
    %barrier3A = arith.constant 0 : index
    tpu.barrier barrier_id(%barrier3A)
    %while3A = arith.constant 0 : i32
    %while3A_11 = arith.constant 0 : i32
    %while3A_12 = arith.subi %select_n3A_8, %while3A_11 : i32
    %while3A_13 = arith.addi %while3A_11, %while3A_12 : i32
    %while3A_14 = arith.constant 1 : i32
    %while3A_15 = arith.divsi %while3A_12, %while3A_14 : i32
    %while3A_16 = arith.muli %while3A_15, %while3A_14 : i32
    %while3A_17 = arith.addi %while3A_11, %while3A_16 : i32
    %while3A_18 = arith.constant 1 : i32
    scf.for %while3A_21 = %while3A_11 to %while3A_17 step %while3A_18  : i32 {
      %mul3A_22 = arith.constant 16 : i32
      %mul3A_23 = arith.muli %while3A_21, %mul3A_22 : i32
      %add3A_24 = arith.addi %select_n3A, %mul3A_23 : i32
      "tpu.region"() ({
        %run_scoped3A = tpu.sem_alloc : memref<!tpu.dma_semaphore, #tpu.memory_space<semaphore_mem>>
        %dma_start3A_471 = arith.constant 0 : i32
        %dma_start3A_472 = tpu.memref_slice %arg3[%add3A_24, %dma_start3A_471] : memref<5120x128xi32, #tpu.memory_space<hbm>> -> memref<16x128xi32, #tpu.memory_space<hbm>>
        %dma_start3A_473 = arith.constant 0 : i32
        %dma_start3A_474 = tpu.memref_slice %arg3[%add3A_24, %dma_start3A_473] : memref<5120x128xi32, #tpu.memory_space<hbm>> -> memref<16x128xi32, #tpu.memory_space<hbm>>
        tpu.enqueue_dma source(%dma_start3A_474 : memref<16x128xi32, #tpu.memory_space<hbm>>) target(%arg7 : memref<16x128xi32, #tpu.memory_space<vmem>>) target_semaphore(%run_scoped3A : memref<!tpu.dma_semaphore, #tpu.memory_space<semaphore_mem>>)
        %dma_wait3A_475 = arith.constant 0 : i32
        %dma_wait3A_476 = tpu.memref_slice %arg3[%add3A_24, %dma_wait3A_475] : memref<5120x128xi32, #tpu.memory_space<hbm>> -> memref<16x128xi32, #tpu.memory_space<hbm>>
        %dma_wait3A_477 = arith.constant 0 : i32
        %dma_wait3A_478 = tpu.memref_slice %arg3[%add3A_24, %dma_wait3A_477] : memref<5120x128xi32, #tpu.memory_space<hbm>> -> memref<16x128xi32, #tpu.memory_space<hbm>>
        tpu.wait_dma2 semaphore(%run_scoped3A : memref<!tpu.dma_semaphore, #tpu.memory_space<semaphore_mem>>) src(%dma_wait3A_478 : memref<16x128xi32, #tpu.memory_space<hbm>>) dst(%arg7 : memref<16x128xi32, #tpu.memory_space<vmem>>)
        tpu.yield
      }) : () -> ()
      "tpu.region"() ({
        %run_scoped3A = tpu.sem_alloc : memref<!tpu.dma_semaphore, #tpu.memory_space<semaphore_mem>>
        %dma_start3A_471 = arith.constant 0 : i32
        %dma_start3A_472 = tpu.memref_slice %arg4[%add3A_24, %dma_start3A_471] : memref<5120x128xi32, #tpu.memory_space<hbm>> -> memref<16x128xi32, #tpu.memory_space<hbm>>
        %dma_start3A_473 = arith.constant 0 : i32
        %dma_start3A_474 = tpu.memref_slice %arg4[%add3A_24, %dma_start3A_473] : memref<5120x128xi32, #tpu.memory_space<hbm>> -> memref<16x128xi32, #tpu.memory_space<hbm>>
        tpu.enqueue_dma source(%dma_start3A_474 : memref<16x128xi32, #tpu.memory_space<hbm>>) target(%arg8 : memref<16x128xi32, #tpu.memory_space<vmem>>) target_semaphore(%run_scoped3A : memref<!tpu.dma_semaphore, #tpu.memory_space<semaphore_mem>>)
        %dma_wait3A_475 = arith.constant 0 : i32
        %dma_wait3A_476 = tpu.memref_slice %arg4[%add3A_24, %dma_wait3A_475] : memref<5120x128xi32, #tpu.memory_space<hbm>> -> memref<16x128xi32, #tpu.memory_space<hbm>>
        %dma_wait3A_477 = arith.constant 0 : i32
        %dma_wait3A_478 = tpu.memref_slice %arg4[%add3A_24, %dma_wait3A_477] : memref<5120x128xi32, #tpu.memory_space<hbm>> -> memref<16x128xi32, #tpu.memory_space<hbm>>
        tpu.wait_dma2 semaphore(%run_scoped3A : memref<!tpu.dma_semaphore, #tpu.memory_space<semaphore_mem>>) src(%dma_wait3A_478 : memref<16x128xi32, #tpu.memory_space<hbm>>) dst(%arg8 : memref<16x128xi32, #tpu.memory_space<vmem>>)
        tpu.yield
      }) : () -> ()
      %dma_start3A = arith.constant 0 : i32
      %dma_start3A_25 = arith.constant 0 : i32
      %dma_start3A_26 = tpu.memref_slice %arg7[%dma_start3A, %dma_start3A_25] : memref<16x128xi32, #tpu.memory_space<vmem>> -> memref<1x128xi32, #tpu.memory_space<vmem>>
      %dma_start3A_27 = tpu.memref_squeeze %dma_start3A_26 : memref<1x128xi32, #tpu.memory_space<vmem>> -> memref<128xi32, #tpu.memory_space<vmem>>
      %dma_start3A_28 = arith.constant 0 : i32
      %dma_start3A_29 = arith.constant 0 : i32
      %dma_start3A_30 = tpu.memref_slice %arg2[%dma_start3A_28, %dma_start3A_29] : memref<10240x128xf32, #tpu.memory_space<hbm>> -> memref<10240x128xf32, #tpu.memory_space<hbm>>
      tpu.enqueue_indirect_dma source(%dma_start3A_30 : memref<10240x128xf32, #tpu.memory_space<hbm>>) target(%arg9 : memref<128x128xf32, #tpu.memory_space<vmem>>) offsets(%dma_start3A_27 : memref<128xi32, #tpu.memory_space<vmem>>) semaphore(%arg12 : memref<!tpu.dma_semaphore, #tpu.memory_space<semaphore_mem>>)
      %dma_start3A_31 = arith.constant 1 : i32
      %dma_start3A_32 = arith.constant 0 : i32
      %dma_start3A_33 = tpu.memref_slice %arg7[%dma_start3A_31, %dma_start3A_32] : memref<16x128xi32, #tpu.memory_space<vmem>> -> memref<1x128xi32, #tpu.memory_space<vmem>>
      %dma_start3A_34 = tpu.memref_squeeze %dma_start3A_33 : memref<1x128xi32, #tpu.memory_space<vmem>> -> memref<128xi32, #tpu.memory_space<vmem>>
      %dma_start3A_35 = arith.constant 0 : i32
      %dma_start3A_36 = arith.constant 0 : i32
      %dma_start3A_37 = tpu.memref_slice %arg2[%dma_start3A_35, %dma_start3A_36] : memref<10240x128xf32, #tpu.memory_space<hbm>> -> memref<10240x128xf32, #tpu.memory_space<hbm>>
      tpu.enqueue_indirect_dma source(%dma_start3A_37 : memref<10240x128xf32, #tpu.memory_space<hbm>>) target(%arg10 : memref<128x128xf32, #tpu.memory_space<vmem>>) offsets(%dma_start3A_34 : memref<128xi32, #tpu.memory_space<vmem>>) semaphore(%arg13 : memref<!tpu.dma_semaphore, #tpu.memory_space<semaphore_mem>>)
      %dma_wait3A = arith.constant 0 : i32
      %dma_wait3A_38 = arith.constant 0 : i32
      %dma_wait3A_39 = tpu.memref_slice %arg7[%dma_wait3A, %dma_wait3A_38] : memref<16x128xi32, #tpu.memory_space<vmem>> -> memref<1x128xi32, #tpu.memory_space<vmem>>
      %dma_wait3A_40 = tpu.memref_squeeze %dma_wait3A_39 : memref<1x128xi32, #tpu.memory_space<vmem>> -> memref<128xi32, #tpu.memory_space<vmem>>
      %dma_wait3A_41 = arith.constant 0 : i32
      %dma_wait3A_42 = arith.constant 0 : i32
      %dma_wait3A_43 = tpu.memref_slice %arg2[%dma_wait3A_41, %dma_wait3A_42] : memref<10240x128xf32, #tpu.memory_space<hbm>> -> memref<10240x128xf32, #tpu.memory_space<hbm>>
      tpu.wait_indirect_dma semaphore(%arg12 : memref<!tpu.dma_semaphore, #tpu.memory_space<semaphore_mem>>) src(%dma_wait3A_43 : memref<10240x128xf32, #tpu.memory_space<hbm>>) dst(%arg9 : memref<128x128xf32, #tpu.memory_space<vmem>>)
      %dma_start3A_44 = arith.constant 0 : i32
      %dma_start3A_45 = arith.constant 0 : i32
      %dma_start3A_46 = tpu.memref_slice %arg8[%dma_start3A_44, %dma_start3A_45] : memref<16x128xi32, #tpu.memory_space<vmem>> -> memref<1x128xi32, #tpu.memory_space<vmem>>
      %dma_start3A_47 = tpu.memref_squeeze %dma_start3A_46 : memref<1x128xi32, #tpu.memory_space<vmem>> -> memref<128xi32, #tpu.memory_space<vmem>>
      %dma_start3A_48 = arith.constant 0 : i32
      %dma_start3A_49 = arith.constant 0 : i32
      %dma_start3A_50 = tpu.memref_slice %arg11[%dma_start3A_48, %dma_start3A_49] : memref<10240x128xf32, #tpu.memory_space<vmem_shared>> -> memref<10240x128xf32, #tpu.memory_space<vmem_shared>>
      tpu.enqueue_indirect_dma source(%arg9 : memref<128x128xf32, #tpu.memory_space<vmem>>) target(%dma_start3A_50 : memref<10240x128xf32, #tpu.memory_space<vmem_shared>>) offsets(%dma_start3A_47 : memref<128xi32, #tpu.memory_space<vmem>>) semaphore(%arg14 : memref<!tpu.dma_semaphore, #tpu.memory_space<semaphore_mem>>) {add = true}
      %dma_wait3A_51 = arith.constant 0 : i32
      %dma_wait3A_52 = arith.constant 0 : i32
      %dma_wait3A_53 = tpu.memref_slice %arg8[%dma_wait3A_51, %dma_wait3A_52] : memref<16x128xi32, #tpu.memory_space<vmem>> -> memref<1x128xi32, #tpu.memory_space<vmem>>
      %dma_wait3A_54 = tpu.memref_squeeze %dma_wait3A_53 : memref<1x128xi32, #tpu.memory_space<vmem>> -> memref<128xi32, #tpu.memory_space<vmem>>
      %dma_wait3A_55 = arith.constant 0 : i32
      %dma_wait3A_56 = arith.constant 0 : i32
      %dma_wait3A_57 = tpu.memref_slice %arg11[%dma_wait3A_55, %dma_wait3A_56] : memref<10240x128xf32, #tpu.memory_space<vmem_shared>> -> memref<10240x128xf32, #tpu.memory_space<vmem_shared>>
      tpu.wait_indirect_dma semaphore(%arg14 : memref<!tpu.dma_semaphore, #tpu.memory_space<semaphore_mem>>) src(%arg9 : memref<128x128xf32, #tpu.memory_space<vmem>>) dst(%dma_wait3A_57 : memref<10240x128xf32, #tpu.memory_space<vmem_shared>>)
      %dma_start3A_58 = arith.constant 2 : i32
      %dma_start3A_59 = arith.constant 0 : i32
      %dma_start3A_60 = tpu.memref_slice %arg7[%dma_start3A_58, %dma_start3A_59] : memref<16x128xi32, #tpu.memory_space<vmem>> -> memref<1x128xi32, #tpu.memory_space<vmem>>
      %dma_start3A_61 = tpu.memref_squeeze %dma_start3A_60 : memref<1x128xi32, #tpu.memory_space<vmem>> -> memref<128xi32, #tpu.memory_space<vmem>>
      %dma_start3A_62 = arith.constant 0 : i32
      %dma_start3A_63 = arith.constant 0 : i32
      %dma_start3A_64 = tpu.memref_slice %arg2[%dma_start3A_62, %dma_start3A_63] : memref<10240x128xf32, #tpu.memory_space<hbm>> -> memref<10240x128xf32, #tpu.memory_space<hbm>>
      tpu.enqueue_indirect_dma source(%dma_start3A_64 : memref<10240x128xf32, #tpu.memory_space<hbm>>) target(%arg9 : memref<128x128xf32, #tpu.memory_space<vmem>>) offsets(%dma_start3A_61 : memref<128xi32, #tpu.memory_space<vmem>>) semaphore(%arg12 : memref<!tpu.dma_semaphore, #tpu.memory_space<semaphore_mem>>)
      %dma_wait3A_65 = arith.constant 1 : i32
      %dma_wait3A_66 = arith.constant 0 : i32
      %dma_wait3A_67 = tpu.memref_slice %arg7[%dma_wait3A_65, %dma_wait3A_66] : memref<16x128xi32, #tpu.memory_space<vmem>> -> memref<1x128xi32, #tpu.memory_space<vmem>>
      %dma_wait3A_68 = tpu.memref_squeeze %dma_wait3A_67 : memref<1x128xi32, #tpu.memory_space<vmem>> -> memref<128xi32, #tpu.memory_space<vmem>>
      %dma_wait3A_69 = arith.constant 0 : i32
      %dma_wait3A_70 = arith.constant 0 : i32
      %dma_wait3A_71 = tpu.memref_slice %arg2[%dma_wait3A_69, %dma_wait3A_70] : memref<10240x128xf32, #tpu.memory_space<hbm>> -> memref<10240x128xf32, #tpu.memory_space<hbm>>
      tpu.wait_indirect_dma semaphore(%arg13 : memref<!tpu.dma_semaphore, #tpu.memory_space<semaphore_mem>>) src(%dma_wait3A_71 : memref<10240x128xf32, #tpu.memory_space<hbm>>) dst(%arg10 : memref<128x128xf32, #tpu.memory_space<vmem>>)
      %dma_start3A_72 = arith.constant 1 : i32
      %dma_start3A_73 = arith.constant 0 : i32
      %dma_start3A_74 = tpu.memref_slice %arg8[%dma_start3A_72, %dma_start3A_73] : memref<16x128xi32, #tpu.memory_space<vmem>> -> memref<1x128xi32, #tpu.memory_space<vmem>>
      %dma_start3A_75 = tpu.memref_squeeze %dma_start3A_74 : memref<1x128xi32, #tpu.memory_space<vmem>> -> memref<128xi32, #tpu.memory_space<vmem>>
      %dma_start3A_76 = arith.constant 0 : i32
      %dma_start3A_77 = arith.constant 0 : i32
      %dma_start3A_78 = tpu.memref_slice %arg11[%dma_start3A_76, %dma_start3A_77] : memref<10240x128xf32, #tpu.memory_space<vmem_shared>> -> memref<10240x128xf32, #tpu.memory_space<vmem_shared>>
      tpu.enqueue_indirect_dma source(%arg10 : memref<128x128xf32, #tpu.memory_space<vmem>>) target(%dma_start3A_78 : memref<10240x128xf32, #tpu.memory_space<vmem_shared>>) offsets(%dma_start3A_75 : memref<128xi32, #tpu.memory_space<vmem>>) semaphore(%arg15 : memref<!tpu.dma_semaphore, #tpu.memory_space<semaphore_mem>>) {add = true}
      %dma_wait3A_79 = arith.constant 1 : i32
      %dma_wait3A_80 = arith.constant 0 : i32
      %dma_wait3A_81 = tpu.memref_slice %arg8[%dma_wait3A_79, %dma_wait3A_80] : memref<16x128xi32, #tpu.memory_space<vmem>> -> memref<1x128xi32, #tpu.memory_space<vmem>>
      %dma_wait3A_82 = tpu.memref_squeeze %dma_wait3A_81 : memref<1x128xi32, #tpu.memory_space<vmem>> -> memref<128xi32, #tpu.memory_space<vmem>>
      %dma_wait3A_83 = arith.constant 0 : i32
      %dma_wait3A_84 = arith.constant 0 : i32
      %dma_wait3A_85 = tpu.memref_slice %arg11[%dma_wait3A_83, %dma_wait3A_84] : memref<10240x128xf32, #tpu.memory_space<vmem_shared>> -> memref<10240x128xf32, #tpu.memory_space<vmem_shared>>
      tpu.wait_indirect_dma semaphore(%arg15 : memref<!tpu.dma_semaphore, #tpu.memory_space<semaphore_mem>>) src(%arg10 : memref<128x128xf32, #tpu.memory_space<vmem>>) dst(%dma_wait3A_85 : memref<10240x128xf32, #tpu.memory_space<vmem_shared>>)
      %dma_start3A_86 = arith.constant 3 : i32
      %dma_start3A_87 = arith.constant 0 : i32
      %dma_start3A_88 = tpu.memref_slice %arg7[%dma_start3A_86, %dma_start3A_87] : memref<16x128xi32, #tpu.memory_space<vmem>> -> memref<1x128xi32, #tpu.memory_space<vmem>>
      %dma_start3A_89 = tpu.memref_squeeze %dma_start3A_88 : memref<1x128xi32, #tpu.memory_space<vmem>> -> memref<128xi32, #tpu.memory_space<vmem>>
      %dma_start3A_90 = arith.constant 0 : i32
      %dma_start3A_91 = arith.constant 0 : i32
      %dma_start3A_92 = tpu.memref_slice %arg2[%dma_start3A_90, %dma_start3A_91] : memref<10240x128xf32, #tpu.memory_space<hbm>> -> memref<10240x128xf32, #tpu.memory_space<hbm>>
      tpu.enqueue_indirect_dma source(%dma_start3A_92 : memref<10240x128xf32, #tpu.memory_space<hbm>>) target(%arg10 : memref<128x128xf32, #tpu.memory_space<vmem>>) offsets(%dma_start3A_89 : memref<128xi32, #tpu.memory_space<vmem>>) semaphore(%arg13 : memref<!tpu.dma_semaphore, #tpu.memory_space<semaphore_mem>>)
      %dma_wait3A_93 = arith.constant 2 : i32
      %dma_wait3A_94 = arith.constant 0 : i32
      %dma_wait3A_95 = tpu.memref_slice %arg7[%dma_wait3A_93, %dma_wait3A_94] : memref<16x128xi32, #tpu.memory_space<vmem>> -> memref<1x128xi32, #tpu.memory_space<vmem>>
      %dma_wait3A_96 = tpu.memref_squeeze %dma_wait3A_95 : memref<1x128xi32, #tpu.memory_space<vmem>> -> memref<128xi32, #tpu.memory_space<vmem>>
      %dma_wait3A_97 = arith.constant 0 : i32
      %dma_wait3A_98 = arith.constant 0 : i32
      %dma_wait3A_99 = tpu.memref_slice %arg2[%dma_wait3A_97, %dma_wait3A_98] : memref<10240x128xf32, #tpu.memory_space<hbm>> -> memref<10240x128xf32, #tpu.memory_space<hbm>>
      tpu.wait_indirect_dma semaphore(%arg12 : memref<!tpu.dma_semaphore, #tpu.memory_space<semaphore_mem>>) src(%dma_wait3A_99 : memref<10240x128xf32, #tpu.memory_space<hbm>>) dst(%arg9 : memref<128x128xf32, #tpu.memory_space<vmem>>)
      %dma_start3A_100 = arith.constant 2 : i32
      %dma_start3A_101 = arith.constant 0 : i32
      %dma_start3A_102 = tpu.memref_slice %arg8[%dma_start3A_100, %dma_start3A_101] : memref<16x128xi32, #tpu.memory_space<vmem>> -> memref<1x128xi32, #tpu.memory_space<vmem>>
      %dma_start3A_103 = tpu.memref_squeeze %dma_start3A_102 : memref<1x128xi32, #tpu.memory_space<vmem>> -> memref<128xi32, #tpu.memory_space<vmem>>
      %dma_start3A_104 = arith.constant 0 : i32
      %dma_start3A_105 = arith.constant 0 : i32
      %dma_start3A_106 = tpu.memref_slice %arg11[%dma_start3A_104, %dma_start3A_105] : memref<10240x128xf32, #tpu.memory_space<vmem_shared>> -> memref<10240x128xf32, #tpu.memory_space<vmem_shared>>
      tpu.enqueue_indirect_dma source(%arg9 : memref<128x128xf32, #tpu.memory_space<vmem>>) target(%dma_start3A_106 : memref<10240x128xf32, #tpu.memory_space<vmem_shared>>) offsets(%dma_start3A_103 : memref<128xi32, #tpu.memory_space<vmem>>) semaphore(%arg14 : memref<!tpu.dma_semaphore, #tpu.memory_space<semaphore_mem>>) {add = true}
      %dma_wait3A_107 = arith.constant 2 : i32
      %dma_wait3A_108 = arith.constant 0 : i32
      %dma_wait3A_109 = tpu.memref_slice %arg8[%dma_wait3A_107, %dma_wait3A_108] : memref<16x128xi32, #tpu.memory_space<vmem>> -> memref<1x128xi32, #tpu.memory_space<vmem>>
      %dma_wait3A_110 = tpu.memref_squeeze %dma_wait3A_109 : memref<1x128xi32, #tpu.memory_space<vmem>> -> memref<128xi32, #tpu.memory_space<vmem>>
      %dma_wait3A_111 = arith.constant 0 : i32
      %dma_wait3A_112 = arith.constant 0 : i32
      %dma_wait3A_113 = tpu.memref_slice %arg11[%dma_wait3A_111, %dma_wait3A_112] : memref<10240x128xf32, #tpu.memory_space<vmem_shared>> -> memref<10240x128xf32, #tpu.memory_space<vmem_shared>>
      tpu.wait_indirect_dma semaphore(%arg14 : memref<!tpu.dma_semaphore, #tpu.memory_space<semaphore_mem>>) src(%arg9 : memref<128x128xf32, #tpu.memory_space<vmem>>) dst(%dma_wait3A_113 : memref<10240x128xf32, #tpu.memory_space<vmem_shared>>)
      %dma_start3A_114 = arith.constant 4 : i32
      %dma_start3A_115 = arith.constant 0 : i32
      %dma_start3A_116 = tpu.memref_slice %arg7[%dma_start3A_114, %dma_start3A_115] : memref<16x128xi32, #tpu.memory_space<vmem>> -> memref<1x128xi32, #tpu.memory_space<vmem>>
      %dma_start3A_117 = tpu.memref_squeeze %dma_start3A_116 : memref<1x128xi32, #tpu.memory_space<vmem>> -> memref<128xi32, #tpu.memory_space<vmem>>
      %dma_start3A_118 = arith.constant 0 : i32
      %dma_start3A_119 = arith.constant 0 : i32
      %dma_start3A_120 = tpu.memref_slice %arg2[%dma_start3A_118, %dma_start3A_119] : memref<10240x128xf32, #tpu.memory_space<hbm>> -> memref<10240x128xf32, #tpu.memory_space<hbm>>
      tpu.enqueue_indirect_dma source(%dma_start3A_120 : memref<10240x128xf32, #tpu.memory_space<hbm>>) target(%arg9 : memref<128x128xf32, #tpu.memory_space<vmem>>) offsets(%dma_start3A_117 : memref<128xi32, #tpu.memory_space<vmem>>) semaphore(%arg12 : memref<!tpu.dma_semaphore, #tpu.memory_space<semaphore_mem>>)
      %dma_wait3A_121 = arith.constant 3 : i32
      %dma_wait3A_122 = arith.constant 0 : i32
      %dma_wait3A_123 = tpu.memref_slice %arg7[%dma_wait3A_121, %dma_wait3A_122] : memref<16x128xi32, #tpu.memory_space<vmem>> -> memref<1x128xi32, #tpu.memory_space<vmem>>
      %dma_wait3A_124 = tpu.memref_squeeze %dma_wait3A_123 : memref<1x128xi32, #tpu.memory_space<vmem>> -> memref<128xi32, #tpu.memory_space<vmem>>
      %dma_wait3A_125 = arith.constant 0 : i32
      %dma_wait3A_126 = arith.constant 0 : i32
      %dma_wait3A_127 = tpu.memref_slice %arg2[%dma_wait3A_125, %dma_wait3A_126] : memref<10240x128xf32, #tpu.memory_space<hbm>> -> memref<10240x128xf32, #tpu.memory_space<hbm>>
      tpu.wait_indirect_dma semaphore(%arg13 : memref<!tpu.dma_semaphore, #tpu.memory_space<semaphore_mem>>) src(%dma_wait3A_127 : memref<10240x128xf32, #tpu.memory_space<hbm>>) dst(%arg10 : memref<128x128xf32, #tpu.memory_space<vmem>>)
      %dma_start3A_128 = arith.constant 3 : i32
      %dma_start3A_129 = arith.constant 0 : i32
      %dma_start3A_130 = tpu.memref_slice %arg8[%dma_start3A_128, %dma_start3A_129] : memref<16x128xi32, #tpu.memory_space<vmem>> -> memref<1x128xi32, #tpu.memory_space<vmem>>
      %dma_start3A_131 = tpu.memref_squeeze %dma_start3A_130 : memref<1x128xi32, #tpu.memory_space<vmem>> -> memref<128xi32, #tpu.memory_space<vmem>>
      %dma_start3A_132 = arith.constant 0 : i32
      %dma_start3A_133 = arith.constant 0 : i32
      %dma_start3A_134 = tpu.memref_slice %arg11[%dma_start3A_132, %dma_start3A_133] : memref<10240x128xf32, #tpu.memory_space<vmem_shared>> -> memref<10240x128xf32, #tpu.memory_space<vmem_shared>>
      tpu.enqueue_indirect_dma source(%arg10 : memref<128x128xf32, #tpu.memory_space<vmem>>) target(%dma_start3A_134 : memref<10240x128xf32, #tpu.memory_space<vmem_shared>>) offsets(%dma_start3A_131 : memref<128xi32, #tpu.memory_space<vmem>>) semaphore(%arg15 : memref<!tpu.dma_semaphore, #tpu.memory_space<semaphore_mem>>) {add = true}
      %dma_wait3A_135 = arith.constant 3 : i32
      %dma_wait3A_136 = arith.constant 0 : i32
      %dma_wait3A_137 = tpu.memref_slice %arg8[%dma_wait3A_135, %dma_wait3A_136] : memref<16x128xi32, #tpu.memory_space<vmem>> -> memref<1x128xi32, #tpu.memory_space<vmem>>
      %dma_wait3A_138 = tpu.memref_squeeze %dma_wait3A_137 : memref<1x128xi32, #tpu.memory_space<vmem>> -> memref<128xi32, #tpu.memory_space<vmem>>
      %dma_wait3A_139 = arith.constant 0 : i32
      %dma_wait3A_140 = arith.constant 0 : i32
      %dma_wait3A_141 = tpu.memref_slice %arg11[%dma_wait3A_139, %dma_wait3A_140] : memref<10240x128xf32, #tpu.memory_space<vmem_shared>> -> memref<10240x128xf32, #tpu.memory_space<vmem_shared>>
      tpu.wait_indirect_dma semaphore(%arg15 : memref<!tpu.dma_semaphore, #tpu.memory_space<semaphore_mem>>) src(%arg10 : memref<128x128xf32, #tpu.memory_space<vmem>>) dst(%dma_wait3A_141 : memref<10240x128xf32, #tpu.memory_space<vmem_shared>>)
      %dma_start3A_142 = arith.constant 5 : i32
      %dma_start3A_143 = arith.constant 0 : i32
      %dma_start3A_144 = tpu.memref_slice %arg7[%dma_start3A_142, %dma_start3A_143] : memref<16x128xi32, #tpu.memory_space<vmem>> -> memref<1x128xi32, #tpu.memory_space<vmem>>
      %dma_start3A_145 = tpu.memref_squeeze %dma_start3A_144 : memref<1x128xi32, #tpu.memory_space<vmem>> -> memref<128xi32, #tpu.memory_space<vmem>>
      %dma_start3A_146 = arith.constant 0 : i32
      %dma_start3A_147 = arith.constant 0 : i32
      %dma_start3A_148 = tpu.memref_slice %arg2[%dma_start3A_146, %dma_start3A_147] : memref<10240x128xf32, #tpu.memory_space<hbm>> -> memref<10240x128xf32, #tpu.memory_space<hbm>>
      tpu.enqueue_indirect_dma source(%dma_start3A_148 : memref<10240x128xf32, #tpu.memory_space<hbm>>) target(%arg10 : memref<128x128xf32, #tpu.memory_space<vmem>>) offsets(%dma_start3A_145 : memref<128xi32, #tpu.memory_space<vmem>>) semaphore(%arg13 : memref<!tpu.dma_semaphore, #tpu.memory_space<semaphore_mem>>)
      %dma_wait3A_149 = arith.constant 4 : i32
      %dma_wait3A_150 = arith.constant 0 : i32
      %dma_wait3A_151 = tpu.memref_slice %arg7[%dma_wait3A_149, %dma_wait3A_150] : memref<16x128xi32, #tpu.memory_space<vmem>> -> memref<1x128xi32, #tpu.memory_space<vmem>>
      %dma_wait3A_152 = tpu.memref_squeeze %dma_wait3A_151 : memref<1x128xi32, #tpu.memory_space<vmem>> -> memref<128xi32, #tpu.memory_space<vmem>>
      %dma_wait3A_153 = arith.constant 0 : i32
      %dma_wait3A_154 = arith.constant 0 : i32
      %dma_wait3A_155 = tpu.memref_slice %arg2[%dma_wait3A_153, %dma_wait3A_154] : memref<10240x128xf32, #tpu.memory_space<hbm>> -> memref<10240x128xf32, #tpu.memory_space<hbm>>
      tpu.wait_indirect_dma semaphore(%arg12 : memref<!tpu.dma_semaphore, #tpu.memory_space<semaphore_mem>>) src(%dma_wait3A_155 : memref<10240x128xf32, #tpu.memory_space<hbm>>) dst(%arg9 : memref<128x128xf32, #tpu.memory_space<vmem>>)
      %dma_start3A_156 = arith.constant 4 : i32
      %dma_start3A_157 = arith.constant 0 : i32
      %dma_start3A_158 = tpu.memref_slice %arg8[%dma_start3A_156, %dma_start3A_157] : memref<16x128xi32, #tpu.memory_space<vmem>> -> memref<1x128xi32, #tpu.memory_space<vmem>>
      %dma_start3A_159 = tpu.memref_squeeze %dma_start3A_158 : memref<1x128xi32, #tpu.memory_space<vmem>> -> memref<128xi32, #tpu.memory_space<vmem>>
      %dma_start3A_160 = arith.constant 0 : i32
      %dma_start3A_161 = arith.constant 0 : i32
      %dma_start3A_162 = tpu.memref_slice %arg11[%dma_start3A_160, %dma_start3A_161] : memref<10240x128xf32, #tpu.memory_space<vmem_shared>> -> memref<10240x128xf32, #tpu.memory_space<vmem_shared>>
      tpu.enqueue_indirect_dma source(%arg9 : memref<128x128xf32, #tpu.memory_space<vmem>>) target(%dma_start3A_162 : memref<10240x128xf32, #tpu.memory_space<vmem_shared>>) offsets(%dma_start3A_159 : memref<128xi32, #tpu.memory_space<vmem>>) semaphore(%arg14 : memref<!tpu.dma_semaphore, #tpu.memory_space<semaphore_mem>>) {add = true}
      %dma_wait3A_163 = arith.constant 4 : i32
      %dma_wait3A_164 = arith.constant 0 : i32
      %dma_wait3A_165 = tpu.memref_slice %arg8[%dma_wait3A_163, %dma_wait3A_164] : memref<16x128xi32, #tpu.memory_space<vmem>> -> memref<1x128xi32, #tpu.memory_space<vmem>>
      %dma_wait3A_166 = tpu.memref_squeeze %dma_wait3A_165 : memref<1x128xi32, #tpu.memory_space<vmem>> -> memref<128xi32, #tpu.memory_space<vmem>>
      %dma_wait3A_167 = arith.constant 0 : i32
      %dma_wait3A_168 = arith.constant 0 : i32
      %dma_wait3A_169 = tpu.memref_slice %arg11[%dma_wait3A_167, %dma_wait3A_168] : memref<10240x128xf32, #tpu.memory_space<vmem_shared>> -> memref<10240x128xf32, #tpu.memory_space<vmem_shared>>
      tpu.wait_indirect_dma semaphore(%arg14 : memref<!tpu.dma_semaphore, #tpu.memory_space<semaphore_mem>>) src(%arg9 : memref<128x128xf32, #tpu.memory_space<vmem>>) dst(%dma_wait3A_169 : memref<10240x128xf32, #tpu.memory_space<vmem_shared>>)
      %dma_start3A_170 = arith.constant 6 : i32
      %dma_start3A_171 = arith.constant 0 : i32
      %dma_start3A_172 = tpu.memref_slice %arg7[%dma_start3A_170, %dma_start3A_171] : memref<16x128xi32, #tpu.memory_space<vmem>> -> memref<1x128xi32, #tpu.memory_space<vmem>>
      %dma_start3A_173 = tpu.memref_squeeze %dma_start3A_172 : memref<1x128xi32, #tpu.memory_space<vmem>> -> memref<128xi32, #tpu.memory_space<vmem>>
      %dma_start3A_174 = arith.constant 0 : i32
      %dma_start3A_175 = arith.constant 0 : i32
      %dma_start3A_176 = tpu.memref_slice %arg2[%dma_start3A_174, %dma_start3A_175] : memref<10240x128xf32, #tpu.memory_space<hbm>> -> memref<10240x128xf32, #tpu.memory_space<hbm>>
      tpu.enqueue_indirect_dma source(%dma_start3A_176 : memref<10240x128xf32, #tpu.memory_space<hbm>>) target(%arg9 : memref<128x128xf32, #tpu.memory_space<vmem>>) offsets(%dma_start3A_173 : memref<128xi32, #tpu.memory_space<vmem>>) semaphore(%arg12 : memref<!tpu.dma_semaphore, #tpu.memory_space<semaphore_mem>>)
      %dma_wait3A_177 = arith.constant 5 : i32
      %dma_wait3A_178 = arith.constant 0 : i32
      %dma_wait3A_179 = tpu.memref_slice %arg7[%dma_wait3A_177, %dma_wait3A_178] : memref<16x128xi32, #tpu.memory_space<vmem>> -> memref<1x128xi32, #tpu.memory_space<vmem>>
      %dma_wait3A_180 = tpu.memref_squeeze %dma_wait3A_179 : memref<1x128xi32, #tpu.memory_space<vmem>> -> memref<128xi32, #tpu.memory_space<vmem>>
      %dma_wait3A_181 = arith.constant 0 : i32
      %dma_wait3A_182 = arith.constant 0 : i32
      %dma_wait3A_183 = tpu.memref_slice %arg2[%dma_wait3A_181, %dma_wait3A_182] : memref<10240x128xf32, #tpu.memory_space<hbm>> -> memref<10240x128xf32, #tpu.memory_space<hbm>>
      tpu.wait_indirect_dma semaphore(%arg13 : memref<!tpu.dma_semaphore, #tpu.memory_space<semaphore_mem>>) src(%dma_wait3A_183 : memref<10240x128xf32, #tpu.memory_space<hbm>>) dst(%arg10 : memref<128x128xf32, #tpu.memory_space<vmem>>)
      %dma_start3A_184 = arith.constant 5 : i32
      %dma_start3A_185 = arith.constant 0 : i32
      %dma_start3A_186 = tpu.memref_slice %arg8[%dma_start3A_184, %dma_start3A_185] : memref<16x128xi32, #tpu.memory_space<vmem>> -> memref<1x128xi32, #tpu.memory_space<vmem>>
      %dma_start3A_187 = tpu.memref_squeeze %dma_start3A_186 : memref<1x128xi32, #tpu.memory_space<vmem>> -> memref<128xi32, #tpu.memory_space<vmem>>
      %dma_start3A_188 = arith.constant 0 : i32
      %dma_start3A_189 = arith.constant 0 : i32
      %dma_start3A_190 = tpu.memref_slice %arg11[%dma_start3A_188, %dma_start3A_189] : memref<10240x128xf32, #tpu.memory_space<vmem_shared>> -> memref<10240x128xf32, #tpu.memory_space<vmem_shared>>
      tpu.enqueue_indirect_dma source(%arg10 : memref<128x128xf32, #tpu.memory_space<vmem>>) target(%dma_start3A_190 : memref<10240x128xf32, #tpu.memory_space<vmem_shared>>) offsets(%dma_start3A_187 : memref<128xi32, #tpu.memory_space<vmem>>) semaphore(%arg15 : memref<!tpu.dma_semaphore, #tpu.memory_space<semaphore_mem>>) {add = true}
      %dma_wait3A_191 = arith.constant 5 : i32
      %dma_wait3A_192 = arith.constant 0 : i32
      %dma_wait3A_193 = tpu.memref_slice %arg8[%dma_wait3A_191, %dma_wait3A_192] : memref<16x128xi32, #tpu.memory_space<vmem>> -> memref<1x128xi32, #tpu.memory_space<vmem>>
      %dma_wait3A_194 = tpu.memref_squeeze %dma_wait3A_193 : memref<1x128xi32, #tpu.memory_space<vmem>> -> memref<128xi32, #tpu.memory_space<vmem>>
      %dma_wait3A_195 = arith.constant 0 : i32
      %dma_wait3A_196 = arith.constant 0 : i32
      %dma_wait3A_197 = tpu.memref_slice %arg11[%dma_wait3A_195, %dma_wait3A_196] : memref<10240x128xf32, #tpu.memory_space<vmem_shared>> -> memref<10240x128xf32, #tpu.memory_space<vmem_shared>>
      tpu.wait_indirect_dma semaphore(%arg15 : memref<!tpu.dma_semaphore, #tpu.memory_space<semaphore_mem>>) src(%arg10 : memref<128x128xf32, #tpu.memory_space<vmem>>) dst(%dma_wait3A_197 : memref<10240x128xf32, #tpu.memory_space<vmem_shared>>)
      %dma_start3A_198 = arith.constant 7 : i32
      %dma_start3A_199 = arith.constant 0 : i32
      %dma_start3A_200 = tpu.memref_slice %arg7[%dma_start3A_198, %dma_start3A_199] : memref<16x128xi32, #tpu.memory_space<vmem>> -> memref<1x128xi32, #tpu.memory_space<vmem>>
      %dma_start3A_201 = tpu.memref_squeeze %dma_start3A_200 : memref<1x128xi32, #tpu.memory_space<vmem>> -> memref<128xi32, #tpu.memory_space<vmem>>
      %dma_start3A_202 = arith.constant 0 : i32
      %dma_start3A_203 = arith.constant 0 : i32
      %dma_start3A_204 = tpu.memref_slice %arg2[%dma_start3A_202, %dma_start3A_203] : memref<10240x128xf32, #tpu.memory_space<hbm>> -> memref<10240x128xf32, #tpu.memory_space<hbm>>
      tpu.enqueue_indirect_dma source(%dma_start3A_204 : memref<10240x128xf32, #tpu.memory_space<hbm>>) target(%arg10 : memref<128x128xf32, #tpu.memory_space<vmem>>) offsets(%dma_start3A_201 : memref<128xi32, #tpu.memory_space<vmem>>) semaphore(%arg13 : memref<!tpu.dma_semaphore, #tpu.memory_space<semaphore_mem>>)
      %dma_wait3A_205 = arith.constant 6 : i32
      %dma_wait3A_206 = arith.constant 0 : i32
      %dma_wait3A_207 = tpu.memref_slice %arg7[%dma_wait3A_205, %dma_wait3A_206] : memref<16x128xi32, #tpu.memory_space<vmem>> -> memref<1x128xi32, #tpu.memory_space<vmem>>
      %dma_wait3A_208 = tpu.memref_squeeze %dma_wait3A_207 : memref<1x128xi32, #tpu.memory_space<vmem>> -> memref<128xi32, #tpu.memory_space<vmem>>
      %dma_wait3A_209 = arith.constant 0 : i32
      %dma_wait3A_210 = arith.constant 0 : i32
      %dma_wait3A_211 = tpu.memref_slice %arg2[%dma_wait3A_209, %dma_wait3A_210] : memref<10240x128xf32, #tpu.memory_space<hbm>> -> memref<10240x128xf32, #tpu.memory_space<hbm>>
      tpu.wait_indirect_dma semaphore(%arg12 : memref<!tpu.dma_semaphore, #tpu.memory_space<semaphore_mem>>) src(%dma_wait3A_211 : memref<10240x128xf32, #tpu.memory_space<hbm>>) dst(%arg9 : memref<128x128xf32, #tpu.memory_space<vmem>>)
      %dma_start3A_212 = arith.constant 6 : i32
      %dma_start3A_213 = arith.constant 0 : i32
      %dma_start3A_214 = tpu.memref_slice %arg8[%dma_start3A_212, %dma_start3A_213] : memref<16x128xi32, #tpu.memory_space<vmem>> -> memref<1x128xi32, #tpu.memory_space<vmem>>
      %dma_start3A_215 = tpu.memref_squeeze %dma_start3A_214 : memref<1x128xi32, #tpu.memory_space<vmem>> -> memref<128xi32, #tpu.memory_space<vmem>>
      %dma_start3A_216 = arith.constant 0 : i32
      %dma_start3A_217 = arith.constant 0 : i32
      %dma_start3A_218 = tpu.memref_slice %arg11[%dma_start3A_216, %dma_start3A_217] : memref<10240x128xf32, #tpu.memory_space<vmem_shared>> -> memref<10240x128xf32, #tpu.memory_space<vmem_shared>>
      tpu.enqueue_indirect_dma source(%arg9 : memref<128x128xf32, #tpu.memory_space<vmem>>) target(%dma_start3A_218 : memref<10240x128xf32, #tpu.memory_space<vmem_shared>>) offsets(%dma_start3A_215 : memref<128xi32, #tpu.memory_space<vmem>>) semaphore(%arg14 : memref<!tpu.dma_semaphore, #tpu.memory_space<semaphore_mem>>) {add = true}
      %dma_wait3A_219 = arith.constant 6 : i32
      %dma_wait3A_220 = arith.constant 0 : i32
      %dma_wait3A_221 = tpu.memref_slice %arg8[%dma_wait3A_219, %dma_wait3A_220] : memref<16x128xi32, #tpu.memory_space<vmem>> -> memref<1x128xi32, #tpu.memory_space<vmem>>
      %dma_wait3A_222 = tpu.memref_squeeze %dma_wait3A_221 : memref<1x128xi32, #tpu.memory_space<vmem>> -> memref<128xi32, #tpu.memory_space<vmem>>
      %dma_wait3A_223 = arith.constant 0 : i32
      %dma_wait3A_224 = arith.constant 0 : i32
      %dma_wait3A_225 = tpu.memref_slice %arg11[%dma_wait3A_223, %dma_wait3A_224] : memref<10240x128xf32, #tpu.memory_space<vmem_shared>> -> memref<10240x128xf32, #tpu.memory_space<vmem_shared>>
      tpu.wait_indirect_dma semaphore(%arg14 : memref<!tpu.dma_semaphore, #tpu.memory_space<semaphore_mem>>) src(%arg9 : memref<128x128xf32, #tpu.memory_space<vmem>>) dst(%dma_wait3A_225 : memref<10240x128xf32, #tpu.memory_space<vmem_shared>>)
      %dma_start3A_226 = arith.constant 8 : i32
      %dma_start3A_227 = arith.constant 0 : i32
      %dma_start3A_228 = tpu.memref_slice %arg7[%dma_start3A_226, %dma_start3A_227] : memref<16x128xi32, #tpu.memory_space<vmem>> -> memref<1x128xi32, #tpu.memory_space<vmem>>
      %dma_start3A_229 = tpu.memref_squeeze %dma_start3A_228 : memref<1x128xi32, #tpu.memory_space<vmem>> -> memref<128xi32, #tpu.memory_space<vmem>>
      %dma_start3A_230 = arith.constant 0 : i32
      %dma_start3A_231 = arith.constant 0 : i32
      %dma_start3A_232 = tpu.memref_slice %arg2[%dma_start3A_230, %dma_start3A_231] : memref<10240x128xf32, #tpu.memory_space<hbm>> -> memref<10240x128xf32, #tpu.memory_space<hbm>>
      tpu.enqueue_indirect_dma source(%dma_start3A_232 : memref<10240x128xf32, #tpu.memory_space<hbm>>) target(%arg9 : memref<128x128xf32, #tpu.memory_space<vmem>>) offsets(%dma_start3A_229 : memref<128xi32, #tpu.memory_space<vmem>>) semaphore(%arg12 : memref<!tpu.dma_semaphore, #tpu.memory_space<semaphore_mem>>)
      %dma_wait3A_233 = arith.constant 7 : i32
      %dma_wait3A_234 = arith.constant 0 : i32
      %dma_wait3A_235 = tpu.memref_slice %arg7[%dma_wait3A_233, %dma_wait3A_234] : memref<16x128xi32, #tpu.memory_space<vmem>> -> memref<1x128xi32, #tpu.memory_space<vmem>>
      %dma_wait3A_236 = tpu.memref_squeeze %dma_wait3A_235 : memref<1x128xi32, #tpu.memory_space<vmem>> -> memref<128xi32, #tpu.memory_space<vmem>>
      %dma_wait3A_237 = arith.constant 0 : i32
      %dma_wait3A_238 = arith.constant 0 : i32
      %dma_wait3A_239 = tpu.memref_slice %arg2[%dma_wait3A_237, %dma_wait3A_238] : memref<10240x128xf32, #tpu.memory_space<hbm>> -> memref<10240x128xf32, #tpu.memory_space<hbm>>
      tpu.wait_indirect_dma semaphore(%arg13 : memref<!tpu.dma_semaphore, #tpu.memory_space<semaphore_mem>>) src(%dma_wait3A_239 : memref<10240x128xf32, #tpu.memory_space<hbm>>) dst(%arg10 : memref<128x128xf32, #tpu.memory_space<vmem>>)
      %dma_start3A_240 = arith.constant 7 : i32
      %dma_start3A_241 = arith.constant 0 : i32
      %dma_start3A_242 = tpu.memref_slice %arg8[%dma_start3A_240, %dma_start3A_241] : memref<16x128xi32, #tpu.memory_space<vmem>> -> memref<1x128xi32, #tpu.memory_space<vmem>>
      %dma_start3A_243 = tpu.memref_squeeze %dma_start3A_242 : memref<1x128xi32, #tpu.memory_space<vmem>> -> memref<128xi32, #tpu.memory_space<vmem>>
      %dma_start3A_244 = arith.constant 0 : i32
      %dma_start3A_245 = arith.constant 0 : i32
      %dma_start3A_246 = tpu.memref_slice %arg11[%dma_start3A_244, %dma_start3A_245] : memref<10240x128xf32, #tpu.memory_space<vmem_shared>> -> memref<10240x128xf32, #tpu.memory_space<vmem_shared>>
      tpu.enqueue_indirect_dma source(%arg10 : memref<128x128xf32, #tpu.memory_space<vmem>>) target(%dma_start3A_246 : memref<10240x128xf32, #tpu.memory_space<vmem_shared>>) offsets(%dma_start3A_243 : memref<128xi32, #tpu.memory_space<vmem>>) semaphore(%arg15 : memref<!tpu.dma_semaphore, #tpu.memory_space<semaphore_mem>>) {add = true}
      %dma_wait3A_247 = arith.constant 7 : i32
      %dma_wait3A_248 = arith.constant 0 : i32
      %dma_wait3A_249 = tpu.memref_slice %arg8[%dma_wait3A_247, %dma_wait3A_248] : memref<16x128xi32, #tpu.memory_space<vmem>> -> memref<1x128xi32, #tpu.memory_space<vmem>>
      %dma_wait3A_250 = tpu.memref_squeeze %dma_wait3A_249 : memref<1x128xi32, #tpu.memory_space<vmem>> -> memref<128xi32, #tpu.memory_space<vmem>>
      %dma_wait3A_251 = arith.constant 0 : i32
      %dma_wait3A_252 = arith.constant 0 : i32
      %dma_wait3A_253 = tpu.memref_slice %arg11[%dma_wait3A_251, %dma_wait3A_252] : memref<10240x128xf32, #tpu.memory_space<vmem_shared>> -> memref<10240x128xf32, #tpu.memory_space<vmem_shared>>
      tpu.wait_indirect_dma semaphore(%arg15 : memref<!tpu.dma_semaphore, #tpu.memory_space<semaphore_mem>>) src(%arg10 : memref<128x128xf32, #tpu.memory_space<vmem>>) dst(%dma_wait3A_253 : memref<10240x128xf32, #tpu.memory_space<vmem_shared>>)
      %dma_start3A_254 = arith.constant 9 : i32
      %dma_start3A_255 = arith.constant 0 : i32
      %dma_start3A_256 = tpu.memref_slice %arg7[%dma_start3A_254, %dma_start3A_255] : memref<16x128xi32, #tpu.memory_space<vmem>> -> memref<1x128xi32, #tpu.memory_space<vmem>>
      %dma_start3A_257 = tpu.memref_squeeze %dma_start3A_256 : memref<1x128xi32, #tpu.memory_space<vmem>> -> memref<128xi32, #tpu.memory_space<vmem>>
      %dma_start3A_258 = arith.constant 0 : i32
      %dma_start3A_259 = arith.constant 0 : i32
      %dma_start3A_260 = tpu.memref_slice %arg2[%dma_start3A_258, %dma_start3A_259] : memref<10240x128xf32, #tpu.memory_space<hbm>> -> memref<10240x128xf32, #tpu.memory_space<hbm>>
      tpu.enqueue_indirect_dma source(%dma_start3A_260 : memref<10240x128xf32, #tpu.memory_space<hbm>>) target(%arg10 : memref<128x128xf32, #tpu.memory_space<vmem>>) offsets(%dma_start3A_257 : memref<128xi32, #tpu.memory_space<vmem>>) semaphore(%arg13 : memref<!tpu.dma_semaphore, #tpu.memory_space<semaphore_mem>>)
      %dma_wait3A_261 = arith.constant 8 : i32
      %dma_wait3A_262 = arith.constant 0 : i32
      %dma_wait3A_263 = tpu.memref_slice %arg7[%dma_wait3A_261, %dma_wait3A_262] : memref<16x128xi32, #tpu.memory_space<vmem>> -> memref<1x128xi32, #tpu.memory_space<vmem>>
      %dma_wait3A_264 = tpu.memref_squeeze %dma_wait3A_263 : memref<1x128xi32, #tpu.memory_space<vmem>> -> memref<128xi32, #tpu.memory_space<vmem>>
      %dma_wait3A_265 = arith.constant 0 : i32
      %dma_wait3A_266 = arith.constant 0 : i32
      %dma_wait3A_267 = tpu.memref_slice %arg2[%dma_wait3A_265, %dma_wait3A_266] : memref<10240x128xf32, #tpu.memory_space<hbm>> -> memref<10240x128xf32, #tpu.memory_space<hbm>>
      tpu.wait_indirect_dma semaphore(%arg12 : memref<!tpu.dma_semaphore, #tpu.memory_space<semaphore_mem>>) src(%dma_wait3A_267 : memref<10240x128xf32, #tpu.memory_space<hbm>>) dst(%arg9 : memref<128x128xf32, #tpu.memory_space<vmem>>)
      %dma_start3A_268 = arith.constant 8 : i32
      %dma_start3A_269 = arith.constant 0 : i32
      %dma_start3A_270 = tpu.memref_slice %arg8[%dma_start3A_268, %dma_start3A_269] : memref<16x128xi32, #tpu.memory_space<vmem>> -> memref<1x128xi32, #tpu.memory_space<vmem>>
      %dma_start3A_271 = tpu.memref_squeeze %dma_start3A_270 : memref<1x128xi32, #tpu.memory_space<vmem>> -> memref<128xi32, #tpu.memory_space<vmem>>
      %dma_start3A_272 = arith.constant 0 : i32
      %dma_start3A_273 = arith.constant 0 : i32
      %dma_start3A_274 = tpu.memref_slice %arg11[%dma_start3A_272, %dma_start3A_273] : memref<10240x128xf32, #tpu.memory_space<vmem_shared>> -> memref<10240x128xf32, #tpu.memory_space<vmem_shared>>
      tpu.enqueue_indirect_dma source(%arg9 : memref<128x128xf32, #tpu.memory_space<vmem>>) target(%dma_start3A_274 : memref<10240x128xf32, #tpu.memory_space<vmem_shared>>) offsets(%dma_start3A_271 : memref<128xi32, #tpu.memory_space<vmem>>) semaphore(%arg14 : memref<!tpu.dma_semaphore, #tpu.memory_space<semaphore_mem>>) {add = true}
      %dma_wait3A_275 = arith.constant 8 : i32
      %dma_wait3A_276 = arith.constant 0 : i32
      %dma_wait3A_277 = tpu.memref_slice %arg8[%dma_wait3A_275, %dma_wait3A_276] : memref<16x128xi32, #tpu.memory_space<vmem>> -> memref<1x128xi32, #tpu.memory_space<vmem>>
      %dma_wait3A_278 = tpu.memref_squeeze %dma_wait3A_277 : memref<1x128xi32, #tpu.memory_space<vmem>> -> memref<128xi32, #tpu.memory_space<vmem>>
      %dma_wait3A_279 = arith.constant 0 : i32
      %dma_wait3A_280 = arith.constant 0 : i32
      %dma_wait3A_281 = tpu.memref_slice %arg11[%dma_wait3A_279, %dma_wait3A_280] : memref<10240x128xf32, #tpu.memory_space<vmem_shared>> -> memref<10240x128xf32, #tpu.memory_space<vmem_shared>>
      tpu.wait_indirect_dma semaphore(%arg14 : memref<!tpu.dma_semaphore, #tpu.memory_space<semaphore_mem>>) src(%arg9 : memref<128x128xf32, #tpu.memory_space<vmem>>) dst(%dma_wait3A_281 : memref<10240x128xf32, #tpu.memory_space<vmem_shared>>)
      %dma_start3A_282 = arith.constant 10 : i32
      %dma_start3A_283 = arith.constant 0 : i32
      %dma_start3A_284 = tpu.memref_slice %arg7[%dma_start3A_282, %dma_start3A_283] : memref<16x128xi32, #tpu.memory_space<vmem>> -> memref<1x128xi32, #tpu.memory_space<vmem>>
      %dma_start3A_285 = tpu.memref_squeeze %dma_start3A_284 : memref<1x128xi32, #tpu.memory_space<vmem>> -> memref<128xi32, #tpu.memory_space<vmem>>
      %dma_start3A_286 = arith.constant 0 : i32
      %dma_start3A_287 = arith.constant 0 : i32
      %dma_start3A_288 = tpu.memref_slice %arg2[%dma_start3A_286, %dma_start3A_287] : memref<10240x128xf32, #tpu.memory_space<hbm>> -> memref<10240x128xf32, #tpu.memory_space<hbm>>
      tpu.enqueue_indirect_dma source(%dma_start3A_288 : memref<10240x128xf32, #tpu.memory_space<hbm>>) target(%arg9 : memref<128x128xf32, #tpu.memory_space<vmem>>) offsets(%dma_start3A_285 : memref<128xi32, #tpu.memory_space<vmem>>) semaphore(%arg12 : memref<!tpu.dma_semaphore, #tpu.memory_space<semaphore_mem>>)
      %dma_wait3A_289 = arith.constant 9 : i32
      %dma_wait3A_290 = arith.constant 0 : i32
      %dma_wait3A_291 = tpu.memref_slice %arg7[%dma_wait3A_289, %dma_wait3A_290] : memref<16x128xi32, #tpu.memory_space<vmem>> -> memref<1x128xi32, #tpu.memory_space<vmem>>
      %dma_wait3A_292 = tpu.memref_squeeze %dma_wait3A_291 : memref<1x128xi32, #tpu.memory_space<vmem>> -> memref<128xi32, #tpu.memory_space<vmem>>
      %dma_wait3A_293 = arith.constant 0 : i32
      %dma_wait3A_294 = arith.constant 0 : i32
      %dma_wait3A_295 = tpu.memref_slice %arg2[%dma_wait3A_293, %dma_wait3A_294] : memref<10240x128xf32, #tpu.memory_space<hbm>> -> memref<10240x128xf32, #tpu.memory_space<hbm>>
      tpu.wait_indirect_dma semaphore(%arg13 : memref<!tpu.dma_semaphore, #tpu.memory_space<semaphore_mem>>) src(%dma_wait3A_295 : memref<10240x128xf32, #tpu.memory_space<hbm>>) dst(%arg10 : memref<128x128xf32, #tpu.memory_space<vmem>>)
      %dma_start3A_296 = arith.constant 9 : i32
      %dma_start3A_297 = arith.constant 0 : i32
      %dma_start3A_298 = tpu.memref_slice %arg8[%dma_start3A_296, %dma_start3A_297] : memref<16x128xi32, #tpu.memory_space<vmem>> -> memref<1x128xi32, #tpu.memory_space<vmem>>
      %dma_start3A_299 = tpu.memref_squeeze %dma_start3A_298 : memref<1x128xi32, #tpu.memory_space<vmem>> -> memref<128xi32, #tpu.memory_space<vmem>>
      %dma_start3A_300 = arith.constant 0 : i32
      %dma_start3A_301 = arith.constant 0 : i32
      %dma_start3A_302 = tpu.memref_slice %arg11[%dma_start3A_300, %dma_start3A_301] : memref<10240x128xf32, #tpu.memory_space<vmem_shared>> -> memref<10240x128xf32, #tpu.memory_space<vmem_shared>>
      tpu.enqueue_indirect_dma source(%arg10 : memref<128x128xf32, #tpu.memory_space<vmem>>) target(%dma_start3A_302 : memref<10240x128xf32, #tpu.memory_space<vmem_shared>>) offsets(%dma_start3A_299 : memref<128xi32, #tpu.memory_space<vmem>>) semaphore(%arg15 : memref<!tpu.dma_semaphore, #tpu.memory_space<semaphore_mem>>) {add = true}
      %dma_wait3A_303 = arith.constant 9 : i32
      %dma_wait3A_304 = arith.constant 0 : i32
      %dma_wait3A_305 = tpu.memref_slice %arg8[%dma_wait3A_303, %dma_wait3A_304] : memref<16x128xi32, #tpu.memory_space<vmem>> -> memref<1x128xi32, #tpu.memory_space<vmem>>
      %dma_wait3A_306 = tpu.memref_squeeze %dma_wait3A_305 : memref<1x128xi32, #tpu.memory_space<vmem>> -> memref<128xi32, #tpu.memory_space<vmem>>
      %dma_wait3A_307 = arith.constant 0 : i32
      %dma_wait3A_308 = arith.constant 0 : i32
      %dma_wait3A_309 = tpu.memref_slice %arg11[%dma_wait3A_307, %dma_wait3A_308] : memref<10240x128xf32, #tpu.memory_space<vmem_shared>> -> memref<10240x128xf32, #tpu.memory_space<vmem_shared>>
      tpu.wait_indirect_dma semaphore(%arg15 : memref<!tpu.dma_semaphore, #tpu.memory_space<semaphore_mem>>) src(%arg10 : memref<128x128xf32, #tpu.memory_space<vmem>>) dst(%dma_wait3A_309 : memref<10240x128xf32, #tpu.memory_space<vmem_shared>>)
      %dma_start3A_310 = arith.constant 11 : i32
      %dma_start3A_311 = arith.constant 0 : i32
      %dma_start3A_312 = tpu.memref_slice %arg7[%dma_start3A_310, %dma_start3A_311] : memref<16x128xi32, #tpu.memory_space<vmem>> -> memref<1x128xi32, #tpu.memory_space<vmem>>
      %dma_start3A_313 = tpu.memref_squeeze %dma_start3A_312 : memref<1x128xi32, #tpu.memory_space<vmem>> -> memref<128xi32, #tpu.memory_space<vmem>>
      %dma_start3A_314 = arith.constant 0 : i32
      %dma_start3A_315 = arith.constant 0 : i32
      %dma_start3A_316 = tpu.memref_slice %arg2[%dma_start3A_314, %dma_start3A_315] : memref<10240x128xf32, #tpu.memory_space<hbm>> -> memref<10240x128xf32, #tpu.memory_space<hbm>>
      tpu.enqueue_indirect_dma source(%dma_start3A_316 : memref<10240x128xf32, #tpu.memory_space<hbm>>) target(%arg10 : memref<128x128xf32, #tpu.memory_space<vmem>>) offsets(%dma_start3A_313 : memref<128xi32, #tpu.memory_space<vmem>>) semaphore(%arg13 : memref<!tpu.dma_semaphore, #tpu.memory_space<semaphore_mem>>)
      %dma_wait3A_317 = arith.constant 10 : i32
      %dma_wait3A_318 = arith.constant 0 : i32
      %dma_wait3A_319 = tpu.memref_slice %arg7[%dma_wait3A_317, %dma_wait3A_318] : memref<16x128xi32, #tpu.memory_space<vmem>> -> memref<1x128xi32, #tpu.memory_space<vmem>>
      %dma_wait3A_320 = tpu.memref_squeeze %dma_wait3A_319 : memref<1x128xi32, #tpu.memory_space<vmem>> -> memref<128xi32, #tpu.memory_space<vmem>>
      %dma_wait3A_321 = arith.constant 0 : i32
      %dma_wait3A_322 = arith.constant 0 : i32
      %dma_wait3A_323 = tpu.memref_slice %arg2[%dma_wait3A_321, %dma_wait3A_322] : memref<10240x128xf32, #tpu.memory_space<hbm>> -> memref<10240x128xf32, #tpu.memory_space<hbm>>
      tpu.wait_indirect_dma semaphore(%arg12 : memref<!tpu.dma_semaphore, #tpu.memory_space<semaphore_mem>>) src(%dma_wait3A_323 : memref<10240x128xf32, #tpu.memory_space<hbm>>) dst(%arg9 : memref<128x128xf32, #tpu.memory_space<vmem>>)
      %dma_start3A_324 = arith.constant 10 : i32
      %dma_start3A_325 = arith.constant 0 : i32
      %dma_start3A_326 = tpu.memref_slice %arg8[%dma_start3A_324, %dma_start3A_325] : memref<16x128xi32, #tpu.memory_space<vmem>> -> memref<1x128xi32, #tpu.memory_space<vmem>>
      %dma_start3A_327 = tpu.memref_squeeze %dma_start3A_326 : memref<1x128xi32, #tpu.memory_space<vmem>> -> memref<128xi32, #tpu.memory_space<vmem>>
      %dma_start3A_328 = arith.constant 0 : i32
      %dma_start3A_329 = arith.constant 0 : i32
      %dma_start3A_330 = tpu.memref_slice %arg11[%dma_start3A_328, %dma_start3A_329] : memref<10240x128xf32, #tpu.memory_space<vmem_shared>> -> memref<10240x128xf32, #tpu.memory_space<vmem_shared>>
      tpu.enqueue_indirect_dma source(%arg9 : memref<128x128xf32, #tpu.memory_space<vmem>>) target(%dma_start3A_330 : memref<10240x128xf32, #tpu.memory_space<vmem_shared>>) offsets(%dma_start3A_327 : memref<128xi32, #tpu.memory_space<vmem>>) semaphore(%arg14 : memref<!tpu.dma_semaphore, #tpu.memory_space<semaphore_mem>>) {add = true}
      %dma_wait3A_331 = arith.constant 10 : i32
      %dma_wait3A_332 = arith.constant 0 : i32
      %dma_wait3A_333 = tpu.memref_slice %arg8[%dma_wait3A_331, %dma_wait3A_332] : memref<16x128xi32, #tpu.memory_space<vmem>> -> memref<1x128xi32, #tpu.memory_space<vmem>>
      %dma_wait3A_334 = tpu.memref_squeeze %dma_wait3A_333 : memref<1x128xi32, #tpu.memory_space<vmem>> -> memref<128xi32, #tpu.memory_space<vmem>>
      %dma_wait3A_335 = arith.constant 0 : i32
      %dma_wait3A_336 = arith.constant 0 : i32
      %dma_wait3A_337 = tpu.memref_slice %arg11[%dma_wait3A_335, %dma_wait3A_336] : memref<10240x128xf32, #tpu.memory_space<vmem_shared>> -> memref<10240x128xf32, #tpu.memory_space<vmem_shared>>
      tpu.wait_indirect_dma semaphore(%arg14 : memref<!tpu.dma_semaphore, #tpu.memory_space<semaphore_mem>>) src(%arg9 : memref<128x128xf32, #tpu.memory_space<vmem>>) dst(%dma_wait3A_337 : memref<10240x128xf32, #tpu.memory_space<vmem_shared>>)
      %dma_start3A_338 = arith.constant 12 : i32
      %dma_start3A_339 = arith.constant 0 : i32
      %dma_start3A_340 = tpu.memref_slice %arg7[%dma_start3A_338, %dma_start3A_339] : memref<16x128xi32, #tpu.memory_space<vmem>> -> memref<1x128xi32, #tpu.memory_space<vmem>>
      %dma_start3A_341 = tpu.memref_squeeze %dma_start3A_340 : memref<1x128xi32, #tpu.memory_space<vmem>> -> memref<128xi32, #tpu.memory_space<vmem>>
      %dma_start3A_342 = arith.constant 0 : i32
      %dma_start3A_343 = arith.constant 0 : i32
      %dma_start3A_344 = tpu.memref_slice %arg2[%dma_start3A_342, %dma_start3A_343] : memref<10240x128xf32, #tpu.memory_space<hbm>> -> memref<10240x128xf32, #tpu.memory_space<hbm>>
      tpu.enqueue_indirect_dma source(%dma_start3A_344 : memref<10240x128xf32, #tpu.memory_space<hbm>>) target(%arg9 : memref<128x128xf32, #tpu.memory_space<vmem>>) offsets(%dma_start3A_341 : memref<128xi32, #tpu.memory_space<vmem>>) semaphore(%arg12 : memref<!tpu.dma_semaphore, #tpu.memory_space<semaphore_mem>>)
      %dma_wait3A_345 = arith.constant 11 : i32
      %dma_wait3A_346 = arith.constant 0 : i32
      %dma_wait3A_347 = tpu.memref_slice %arg7[%dma_wait3A_345, %dma_wait3A_346] : memref<16x128xi32, #tpu.memory_space<vmem>> -> memref<1x128xi32, #tpu.memory_space<vmem>>
      %dma_wait3A_348 = tpu.memref_squeeze %dma_wait3A_347 : memref<1x128xi32, #tpu.memory_space<vmem>> -> memref<128xi32, #tpu.memory_space<vmem>>
      %dma_wait3A_349 = arith.constant 0 : i32
      %dma_wait3A_350 = arith.constant 0 : i32
      %dma_wait3A_351 = tpu.memref_slice %arg2[%dma_wait3A_349, %dma_wait3A_350] : memref<10240x128xf32, #tpu.memory_space<hbm>> -> memref<10240x128xf32, #tpu.memory_space<hbm>>
      tpu.wait_indirect_dma semaphore(%arg13 : memref<!tpu.dma_semaphore, #tpu.memory_space<semaphore_mem>>) src(%dma_wait3A_351 : memref<10240x128xf32, #tpu.memory_space<hbm>>) dst(%arg10 : memref<128x128xf32, #tpu.memory_space<vmem>>)
      %dma_start3A_352 = arith.constant 11 : i32
      %dma_start3A_353 = arith.constant 0 : i32
      %dma_start3A_354 = tpu.memref_slice %arg8[%dma_start3A_352, %dma_start3A_353] : memref<16x128xi32, #tpu.memory_space<vmem>> -> memref<1x128xi32, #tpu.memory_space<vmem>>
      %dma_start3A_355 = tpu.memref_squeeze %dma_start3A_354 : memref<1x128xi32, #tpu.memory_space<vmem>> -> memref<128xi32, #tpu.memory_space<vmem>>
      %dma_start3A_356 = arith.constant 0 : i32
      %dma_start3A_357 = arith.constant 0 : i32
      %dma_start3A_358 = tpu.memref_slice %arg11[%dma_start3A_356, %dma_start3A_357] : memref<10240x128xf32, #tpu.memory_space<vmem_shared>> -> memref<10240x128xf32, #tpu.memory_space<vmem_shared>>
      tpu.enqueue_indirect_dma source(%arg10 : memref<128x128xf32, #tpu.memory_space<vmem>>) target(%dma_start3A_358 : memref<10240x128xf32, #tpu.memory_space<vmem_shared>>) offsets(%dma_start3A_355 : memref<128xi32, #tpu.memory_space<vmem>>) semaphore(%arg15 : memref<!tpu.dma_semaphore, #tpu.memory_space<semaphore_mem>>) {add = true}
      %dma_wait3A_359 = arith.constant 11 : i32
      %dma_wait3A_360 = arith.constant 0 : i32
      %dma_wait3A_361 = tpu.memref_slice %arg8[%dma_wait3A_359, %dma_wait3A_360] : memref<16x128xi32, #tpu.memory_space<vmem>> -> memref<1x128xi32, #tpu.memory_space<vmem>>
      %dma_wait3A_362 = tpu.memref_squeeze %dma_wait3A_361 : memref<1x128xi32, #tpu.memory_space<vmem>> -> memref<128xi32, #tpu.memory_space<vmem>>
      %dma_wait3A_363 = arith.constant 0 : i32
      %dma_wait3A_364 = arith.constant 0 : i32
      %dma_wait3A_365 = tpu.memref_slice %arg11[%dma_wait3A_363, %dma_wait3A_364] : memref<10240x128xf32, #tpu.memory_space<vmem_shared>> -> memref<10240x128xf32, #tpu.memory_space<vmem_shared>>
      tpu.wait_indirect_dma semaphore(%arg15 : memref<!tpu.dma_semaphore, #tpu.memory_space<semaphore_mem>>) src(%arg10 : memref<128x128xf32, #tpu.memory_space<vmem>>) dst(%dma_wait3A_365 : memref<10240x128xf32, #tpu.memory_space<vmem_shared>>)
      %dma_start3A_366 = arith.constant 13 : i32
      %dma_start3A_367 = arith.constant 0 : i32
      %dma_start3A_368 = tpu.memref_slice %arg7[%dma_start3A_366, %dma_start3A_367] : memref<16x128xi32, #tpu.memory_space<vmem>> -> memref<1x128xi32, #tpu.memory_space<vmem>>
      %dma_start3A_369 = tpu.memref_squeeze %dma_start3A_368 : memref<1x128xi32, #tpu.memory_space<vmem>> -> memref<128xi32, #tpu.memory_space<vmem>>
      %dma_start3A_370 = arith.constant 0 : i32
      %dma_start3A_371 = arith.constant 0 : i32
      %dma_start3A_372 = tpu.memref_slice %arg2[%dma_start3A_370, %dma_start3A_371] : memref<10240x128xf32, #tpu.memory_space<hbm>> -> memref<10240x128xf32, #tpu.memory_space<hbm>>
      tpu.enqueue_indirect_dma source(%dma_start3A_372 : memref<10240x128xf32, #tpu.memory_space<hbm>>) target(%arg10 : memref<128x128xf32, #tpu.memory_space<vmem>>) offsets(%dma_start3A_369 : memref<128xi32, #tpu.memory_space<vmem>>) semaphore(%arg13 : memref<!tpu.dma_semaphore, #tpu.memory_space<semaphore_mem>>)
      %dma_wait3A_373 = arith.constant 12 : i32
      %dma_wait3A_374 = arith.constant 0 : i32
      %dma_wait3A_375 = tpu.memref_slice %arg7[%dma_wait3A_373, %dma_wait3A_374] : memref<16x128xi32, #tpu.memory_space<vmem>> -> memref<1x128xi32, #tpu.memory_space<vmem>>
      %dma_wait3A_376 = tpu.memref_squeeze %dma_wait3A_375 : memref<1x128xi32, #tpu.memory_space<vmem>> -> memref<128xi32, #tpu.memory_space<vmem>>
      %dma_wait3A_377 = arith.constant 0 : i32
      %dma_wait3A_378 = arith.constant 0 : i32
      %dma_wait3A_379 = tpu.memref_slice %arg2[%dma_wait3A_377, %dma_wait3A_378] : memref<10240x128xf32, #tpu.memory_space<hbm>> -> memref<10240x128xf32, #tpu.memory_space<hbm>>
      tpu.wait_indirect_dma semaphore(%arg12 : memref<!tpu.dma_semaphore, #tpu.memory_space<semaphore_mem>>) src(%dma_wait3A_379 : memref<10240x128xf32, #tpu.memory_space<hbm>>) dst(%arg9 : memref<128x128xf32, #tpu.memory_space<vmem>>)
      %dma_start3A_380 = arith.constant 12 : i32
      %dma_start3A_381 = arith.constant 0 : i32
      %dma_start3A_382 = tpu.memref_slice %arg8[%dma_start3A_380, %dma_start3A_381] : memref<16x128xi32, #tpu.memory_space<vmem>> -> memref<1x128xi32, #tpu.memory_space<vmem>>
      %dma_start3A_383 = tpu.memref_squeeze %dma_start3A_382 : memref<1x128xi32, #tpu.memory_space<vmem>> -> memref<128xi32, #tpu.memory_space<vmem>>
      %dma_start3A_384 = arith.constant 0 : i32
      %dma_start3A_385 = arith.constant 0 : i32
      %dma_start3A_386 = tpu.memref_slice %arg11[%dma_start3A_384, %dma_start3A_385] : memref<10240x128xf32, #tpu.memory_space<vmem_shared>> -> memref<10240x128xf32, #tpu.memory_space<vmem_shared>>
      tpu.enqueue_indirect_dma source(%arg9 : memref<128x128xf32, #tpu.memory_space<vmem>>) target(%dma_start3A_386 : memref<10240x128xf32, #tpu.memory_space<vmem_shared>>) offsets(%dma_start3A_383 : memref<128xi32, #tpu.memory_space<vmem>>) semaphore(%arg14 : memref<!tpu.dma_semaphore, #tpu.memory_space<semaphore_mem>>) {add = true}
      %dma_wait3A_387 = arith.constant 12 : i32
      %dma_wait3A_388 = arith.constant 0 : i32
      %dma_wait3A_389 = tpu.memref_slice %arg8[%dma_wait3A_387, %dma_wait3A_388] : memref<16x128xi32, #tpu.memory_space<vmem>> -> memref<1x128xi32, #tpu.memory_space<vmem>>
      %dma_wait3A_390 = tpu.memref_squeeze %dma_wait3A_389 : memref<1x128xi32, #tpu.memory_space<vmem>> -> memref<128xi32, #tpu.memory_space<vmem>>
      %dma_wait3A_391 = arith.constant 0 : i32
      %dma_wait3A_392 = arith.constant 0 : i32
      %dma_wait3A_393 = tpu.memref_slice %arg11[%dma_wait3A_391, %dma_wait3A_392] : memref<10240x128xf32, #tpu.memory_space<vmem_shared>> -> memref<10240x128xf32, #tpu.memory_space<vmem_shared>>
      tpu.wait_indirect_dma semaphore(%arg14 : memref<!tpu.dma_semaphore, #tpu.memory_space<semaphore_mem>>) src(%arg9 : memref<128x128xf32, #tpu.memory_space<vmem>>) dst(%dma_wait3A_393 : memref<10240x128xf32, #tpu.memory_space<vmem_shared>>)
      %dma_start3A_394 = arith.constant 14 : i32
      %dma_start3A_395 = arith.constant 0 : i32
      %dma_start3A_396 = tpu.memref_slice %arg7[%dma_start3A_394, %dma_start3A_395] : memref<16x128xi32, #tpu.memory_space<vmem>> -> memref<1x128xi32, #tpu.memory_space<vmem>>
      %dma_start3A_397 = tpu.memref_squeeze %dma_start3A_396 : memref<1x128xi32, #tpu.memory_space<vmem>> -> memref<128xi32, #tpu.memory_space<vmem>>
      %dma_start3A_398 = arith.constant 0 : i32
      %dma_start3A_399 = arith.constant 0 : i32
      %dma_start3A_400 = tpu.memref_slice %arg2[%dma_start3A_398, %dma_start3A_399] : memref<10240x128xf32, #tpu.memory_space<hbm>> -> memref<10240x128xf32, #tpu.memory_space<hbm>>
      tpu.enqueue_indirect_dma source(%dma_start3A_400 : memref<10240x128xf32, #tpu.memory_space<hbm>>) target(%arg9 : memref<128x128xf32, #tpu.memory_space<vmem>>) offsets(%dma_start3A_397 : memref<128xi32, #tpu.memory_space<vmem>>) semaphore(%arg12 : memref<!tpu.dma_semaphore, #tpu.memory_space<semaphore_mem>>)
      %dma_wait3A_401 = arith.constant 13 : i32
      %dma_wait3A_402 = arith.constant 0 : i32
      %dma_wait3A_403 = tpu.memref_slice %arg7[%dma_wait3A_401, %dma_wait3A_402] : memref<16x128xi32, #tpu.memory_space<vmem>> -> memref<1x128xi32, #tpu.memory_space<vmem>>
      %dma_wait3A_404 = tpu.memref_squeeze %dma_wait3A_403 : memref<1x128xi32, #tpu.memory_space<vmem>> -> memref<128xi32, #tpu.memory_space<vmem>>
      %dma_wait3A_405 = arith.constant 0 : i32
      %dma_wait3A_406 = arith.constant 0 : i32
      %dma_wait3A_407 = tpu.memref_slice %arg2[%dma_wait3A_405, %dma_wait3A_406] : memref<10240x128xf32, #tpu.memory_space<hbm>> -> memref<10240x128xf32, #tpu.memory_space<hbm>>
      tpu.wait_indirect_dma semaphore(%arg13 : memref<!tpu.dma_semaphore, #tpu.memory_space<semaphore_mem>>) src(%dma_wait3A_407 : memref<10240x128xf32, #tpu.memory_space<hbm>>) dst(%arg10 : memref<128x128xf32, #tpu.memory_space<vmem>>)
      %dma_start3A_408 = arith.constant 13 : i32
      %dma_start3A_409 = arith.constant 0 : i32
      %dma_start3A_410 = tpu.memref_slice %arg8[%dma_start3A_408, %dma_start3A_409] : memref<16x128xi32, #tpu.memory_space<vmem>> -> memref<1x128xi32, #tpu.memory_space<vmem>>
      %dma_start3A_411 = tpu.memref_squeeze %dma_start3A_410 : memref<1x128xi32, #tpu.memory_space<vmem>> -> memref<128xi32, #tpu.memory_space<vmem>>
      %dma_start3A_412 = arith.constant 0 : i32
      %dma_start3A_413 = arith.constant 0 : i32
      %dma_start3A_414 = tpu.memref_slice %arg11[%dma_start3A_412, %dma_start3A_413] : memref<10240x128xf32, #tpu.memory_space<vmem_shared>> -> memref<10240x128xf32, #tpu.memory_space<vmem_shared>>
      tpu.enqueue_indirect_dma source(%arg10 : memref<128x128xf32, #tpu.memory_space<vmem>>) target(%dma_start3A_414 : memref<10240x128xf32, #tpu.memory_space<vmem_shared>>) offsets(%dma_start3A_411 : memref<128xi32, #tpu.memory_space<vmem>>) semaphore(%arg15 : memref<!tpu.dma_semaphore, #tpu.memory_space<semaphore_mem>>) {add = true}
      %dma_wait3A_415 = arith.constant 13 : i32
      %dma_wait3A_416 = arith.constant 0 : i32
      %dma_wait3A_417 = tpu.memref_slice %arg8[%dma_wait3A_415, %dma_wait3A_416] : memref<16x128xi32, #tpu.memory_space<vmem>> -> memref<1x128xi32, #tpu.memory_space<vmem>>
      %dma_wait3A_418 = tpu.memref_squeeze %dma_wait3A_417 : memref<1x128xi32, #tpu.memory_space<vmem>> -> memref<128xi32, #tpu.memory_space<vmem>>
      %dma_wait3A_419 = arith.constant 0 : i32
      %dma_wait3A_420 = arith.constant 0 : i32
      %dma_wait3A_421 = tpu.memref_slice %arg11[%dma_wait3A_419, %dma_wait3A_420] : memref<10240x128xf32, #tpu.memory_space<vmem_shared>> -> memref<10240x128xf32, #tpu.memory_space<vmem_shared>>
      tpu.wait_indirect_dma semaphore(%arg15 : memref<!tpu.dma_semaphore, #tpu.memory_space<semaphore_mem>>) src(%arg10 : memref<128x128xf32, #tpu.memory_space<vmem>>) dst(%dma_wait3A_421 : memref<10240x128xf32, #tpu.memory_space<vmem_shared>>)
      %dma_start3A_422 = arith.constant 15 : i32
      %dma_start3A_423 = arith.constant 0 : i32
      %dma_start3A_424 = tpu.memref_slice %arg7[%dma_start3A_422, %dma_start3A_423] : memref<16x128xi32, #tpu.memory_space<vmem>> -> memref<1x128xi32, #tpu.memory_space<vmem>>
      %dma_start3A_425 = tpu.memref_squeeze %dma_start3A_424 : memref<1x128xi32, #tpu.memory_space<vmem>> -> memref<128xi32, #tpu.memory_space<vmem>>
      %dma_start3A_426 = arith.constant 0 : i32
      %dma_start3A_427 = arith.constant 0 : i32
      %dma_start3A_428 = tpu.memref_slice %arg2[%dma_start3A_426, %dma_start3A_427] : memref<10240x128xf32, #tpu.memory_space<hbm>> -> memref<10240x128xf32, #tpu.memory_space<hbm>>
      tpu.enqueue_indirect_dma source(%dma_start3A_428 : memref<10240x128xf32, #tpu.memory_space<hbm>>) target(%arg10 : memref<128x128xf32, #tpu.memory_space<vmem>>) offsets(%dma_start3A_425 : memref<128xi32, #tpu.memory_space<vmem>>) semaphore(%arg13 : memref<!tpu.dma_semaphore, #tpu.memory_space<semaphore_mem>>)
      %dma_wait3A_429 = arith.constant 14 : i32
      %dma_wait3A_430 = arith.constant 0 : i32
      %dma_wait3A_431 = tpu.memref_slice %arg7[%dma_wait3A_429, %dma_wait3A_430] : memref<16x128xi32, #tpu.memory_space<vmem>> -> memref<1x128xi32, #tpu.memory_space<vmem>>
      %dma_wait3A_432 = tpu.memref_squeeze %dma_wait3A_431 : memref<1x128xi32, #tpu.memory_space<vmem>> -> memref<128xi32, #tpu.memory_space<vmem>>
      %dma_wait3A_433 = arith.constant 0 : i32
      %dma_wait3A_434 = arith.constant 0 : i32
      %dma_wait3A_435 = tpu.memref_slice %arg2[%dma_wait3A_433, %dma_wait3A_434] : memref<10240x128xf32, #tpu.memory_space<hbm>> -> memref<10240x128xf32, #tpu.memory_space<hbm>>
      tpu.wait_indirect_dma semaphore(%arg12 : memref<!tpu.dma_semaphore, #tpu.memory_space<semaphore_mem>>) src(%dma_wait3A_435 : memref<10240x128xf32, #tpu.memory_space<hbm>>) dst(%arg9 : memref<128x128xf32, #tpu.memory_space<vmem>>)
      %dma_start3A_436 = arith.constant 14 : i32
      %dma_start3A_437 = arith.constant 0 : i32
      %dma_start3A_438 = tpu.memref_slice %arg8[%dma_start3A_436, %dma_start3A_437] : memref<16x128xi32, #tpu.memory_space<vmem>> -> memref<1x128xi32, #tpu.memory_space<vmem>>
      %dma_start3A_439 = tpu.memref_squeeze %dma_start3A_438 : memref<1x128xi32, #tpu.memory_space<vmem>> -> memref<128xi32, #tpu.memory_space<vmem>>
      %dma_start3A_440 = arith.constant 0 : i32
      %dma_start3A_441 = arith.constant 0 : i32
      %dma_start3A_442 = tpu.memref_slice %arg11[%dma_start3A_440, %dma_start3A_441] : memref<10240x128xf32, #tpu.memory_space<vmem_shared>> -> memref<10240x128xf32, #tpu.memory_space<vmem_shared>>
      tpu.enqueue_indirect_dma source(%arg9 : memref<128x128xf32, #tpu.memory_space<vmem>>) target(%dma_start3A_442 : memref<10240x128xf32, #tpu.memory_space<vmem_shared>>) offsets(%dma_start3A_439 : memref<128xi32, #tpu.memory_space<vmem>>) semaphore(%arg14 : memref<!tpu.dma_semaphore, #tpu.memory_space<semaphore_mem>>) {add = true}
      %dma_wait3A_443 = arith.constant 15 : i32
      %dma_wait3A_444 = arith.constant 0 : i32
      %dma_wait3A_445 = tpu.memref_slice %arg7[%dma_wait3A_443, %dma_wait3A_444] : memref<16x128xi32, #tpu.memory_space<vmem>> -> memref<1x128xi32, #tpu.memory_space<vmem>>
      %dma_wait3A_446 = tpu.memref_squeeze %dma_wait3A_445 : memref<1x128xi32, #tpu.memory_space<vmem>> -> memref<128xi32, #tpu.memory_space<vmem>>
      %dma_wait3A_447 = arith.constant 0 : i32
      %dma_wait3A_448 = arith.constant 0 : i32
      %dma_wait3A_449 = tpu.memref_slice %arg2[%dma_wait3A_447, %dma_wait3A_448] : memref<10240x128xf32, #tpu.memory_space<hbm>> -> memref<10240x128xf32, #tpu.memory_space<hbm>>
      tpu.wait_indirect_dma semaphore(%arg13 : memref<!tpu.dma_semaphore, #tpu.memory_space<semaphore_mem>>) src(%dma_wait3A_449 : memref<10240x128xf32, #tpu.memory_space<hbm>>) dst(%arg10 : memref<128x128xf32, #tpu.memory_space<vmem>>)
      %dma_start3A_450 = arith.constant 15 : i32
      %dma_start3A_451 = arith.constant 0 : i32
      %dma_start3A_452 = tpu.memref_slice %arg8[%dma_start3A_450, %dma_start3A_451] : memref<16x128xi32, #tpu.memory_space<vmem>> -> memref<1x128xi32, #tpu.memory_space<vmem>>
      %dma_start3A_453 = tpu.memref_squeeze %dma_start3A_452 : memref<1x128xi32, #tpu.memory_space<vmem>> -> memref<128xi32, #tpu.memory_space<vmem>>
      %dma_start3A_454 = arith.constant 0 : i32
      %dma_start3A_455 = arith.constant 0 : i32
      %dma_start3A_456 = tpu.memref_slice %arg11[%dma_start3A_454, %dma_start3A_455] : memref<10240x128xf32, #tpu.memory_space<vmem_shared>> -> memref<10240x128xf32, #tpu.memory_space<vmem_shared>>
      tpu.enqueue_indirect_dma source(%arg10 : memref<128x128xf32, #tpu.memory_space<vmem>>) target(%dma_start3A_456 : memref<10240x128xf32, #tpu.memory_space<vmem_shared>>) offsets(%dma_start3A_453 : memref<128xi32, #tpu.memory_space<vmem>>) semaphore(%arg15 : memref<!tpu.dma_semaphore, #tpu.memory_space<semaphore_mem>>) {add = true}
      %dma_wait3A_457 = arith.constant 14 : i32
      %dma_wait3A_458 = arith.constant 0 : i32
      %dma_wait3A_459 = tpu.memref_slice %arg8[%dma_wait3A_457, %dma_wait3A_458] : memref<16x128xi32, #tpu.memory_space<vmem>> -> memref<1x128xi32, #tpu.memory_space<vmem>>
      %dma_wait3A_460 = tpu.memref_squeeze %dma_wait3A_459 : memref<1x128xi32, #tpu.memory_space<vmem>> -> memref<128xi32, #tpu.memory_space<vmem>>
      %dma_wait3A_461 = arith.constant 0 : i32
      %dma_wait3A_462 = arith.constant 0 : i32
      %dma_wait3A_463 = tpu.memref_slice %arg11[%dma_wait3A_461, %dma_wait3A_462] : memref<10240x128xf32, #tpu.memory_space<vmem_shared>> -> memref<10240x128xf32, #tpu.memory_space<vmem_shared>>
      tpu.wait_indirect_dma semaphore(%arg14 : memref<!tpu.dma_semaphore, #tpu.memory_space<semaphore_mem>>) src(%arg9 : memref<128x128xf32, #tpu.memory_space<vmem>>) dst(%dma_wait3A_463 : memref<10240x128xf32, #tpu.memory_space<vmem_shared>>)
      %dma_wait3A_464 = arith.constant 15 : i32
      %dma_wait3A_465 = arith.constant 0 : i32
      %dma_wait3A_466 = tpu.memref_slice %arg8[%dma_wait3A_464, %dma_wait3A_465] : memref<16x128xi32, #tpu.memory_space<vmem>> -> memref<1x128xi32, #tpu.memory_space<vmem>>
      %dma_wait3A_467 = tpu.memref_squeeze %dma_wait3A_466 : memref<1x128xi32, #tpu.memory_space<vmem>> -> memref<128xi32, #tpu.memory_space<vmem>>
      %dma_wait3A_468 = arith.constant 0 : i32
      %dma_wait3A_469 = arith.constant 0 : i32
      %dma_wait3A_470 = tpu.memref_slice %arg11[%dma_wait3A_468, %dma_wait3A_469] : memref<10240x128xf32, #tpu.memory_space<vmem_shared>> -> memref<10240x128xf32, #tpu.memory_space<vmem_shared>>
      tpu.wait_indirect_dma semaphore(%arg15 : memref<!tpu.dma_semaphore, #tpu.memory_space<semaphore_mem>>) src(%arg10 : memref<128x128xf32, #tpu.memory_space<vmem>>) dst(%dma_wait3A_470 : memref<10240x128xf32, #tpu.memory_space<vmem_shared>>)
    }
    %while3A_19 = arith.constant 1 : i32
    scf.for %while3A_21 = %while3A_17 to %while3A_13 step %while3A_19  : i32 {
      %mul3A_22 = arith.constant 16 : i32
      %mul3A_23 = arith.muli %while3A_21, %mul3A_22 : i32
      %add3A_24 = arith.addi %select_n3A, %mul3A_23 : i32
      "tpu.region"() ({
        %run_scoped3A = tpu.sem_alloc : memref<!tpu.dma_semaphore, #tpu.memory_space<semaphore_mem>>
        %dma_start3A_471 = arith.constant 0 : i32
        %dma_start3A_472 = tpu.memref_slice %arg3[%add3A_24, %dma_start3A_471] : memref<5120x128xi32, #tpu.memory_space<hbm>> -> memref<16x128xi32, #tpu.memory_space<hbm>>
        %dma_start3A_473 = arith.constant 0 : i32
        %dma_start3A_474 = tpu.memref_slice %arg3[%add3A_24, %dma_start3A_473] : memref<5120x128xi32, #tpu.memory_space<hbm>> -> memref<16x128xi32, #tpu.memory_space<hbm>>
        tpu.enqueue_dma source(%dma_start3A_474 : memref<16x128xi32, #tpu.memory_space<hbm>>) target(%arg7 : memref<16x128xi32, #tpu.memory_space<vmem>>) target_semaphore(%run_scoped3A : memref<!tpu.dma_semaphore, #tpu.memory_space<semaphore_mem>>)
        %dma_wait3A_475 = arith.constant 0 : i32
        %dma_wait3A_476 = tpu.memref_slice %arg3[%add3A_24, %dma_wait3A_475] : memref<5120x128xi32, #tpu.memory_space<hbm>> -> memref<16x128xi32, #tpu.memory_space<hbm>>
        %dma_wait3A_477 = arith.constant 0 : i32
        %dma_wait3A_478 = tpu.memref_slice %arg3[%add3A_24, %dma_wait3A_477] : memref<5120x128xi32, #tpu.memory_space<hbm>> -> memref<16x128xi32, #tpu.memory_space<hbm>>
        tpu.wait_dma2 semaphore(%run_scoped3A : memref<!tpu.dma_semaphore, #tpu.memory_space<semaphore_mem>>) src(%dma_wait3A_478 : memref<16x128xi32, #tpu.memory_space<hbm>>) dst(%arg7 : memref<16x128xi32, #tpu.memory_space<vmem>>)
        tpu.yield
      }) : () -> ()
      "tpu.region"() ({
        %run_scoped3A = tpu.sem_alloc : memref<!tpu.dma_semaphore, #tpu.memory_space<semaphore_mem>>
        %dma_start3A_471 = arith.constant 0 : i32
        %dma_start3A_472 = tpu.memref_slice %arg4[%add3A_24, %dma_start3A_471] : memref<5120x128xi32, #tpu.memory_space<hbm>> -> memref<16x128xi32, #tpu.memory_space<hbm>>
        %dma_start3A_473 = arith.constant 0 : i32
        %dma_start3A_474 = tpu.memref_slice %arg4[%add3A_24, %dma_start3A_473] : memref<5120x128xi32, #tpu.memory_space<hbm>> -> memref<16x128xi32, #tpu.memory_space<hbm>>
        tpu.enqueue_dma source(%dma_start3A_474 : memref<16x128xi32, #tpu.memory_space<hbm>>) target(%arg8 : memref<16x128xi32, #tpu.memory_space<vmem>>) target_semaphore(%run_scoped3A : memref<!tpu.dma_semaphore, #tpu.memory_space<semaphore_mem>>)
        %dma_wait3A_475 = arith.constant 0 : i32
        %dma_wait3A_476 = tpu.memref_slice %arg4[%add3A_24, %dma_wait3A_475] : memref<5120x128xi32, #tpu.memory_space<hbm>> -> memref<16x128xi32, #tpu.memory_space<hbm>>
        %dma_wait3A_477 = arith.constant 0 : i32
        %dma_wait3A_478 = tpu.memref_slice %arg4[%add3A_24, %dma_wait3A_477] : memref<5120x128xi32, #tpu.memory_space<hbm>> -> memref<16x128xi32, #tpu.memory_space<hbm>>
        tpu.wait_dma2 semaphore(%run_scoped3A : memref<!tpu.dma_semaphore, #tpu.memory_space<semaphore_mem>>) src(%dma_wait3A_478 : memref<16x128xi32, #tpu.memory_space<hbm>>) dst(%arg8 : memref<16x128xi32, #tpu.memory_space<vmem>>)
        tpu.yield
      }) : () -> ()
      %dma_start3A = arith.constant 0 : i32
      %dma_start3A_25 = arith.constant 0 : i32
      %dma_start3A_26 = tpu.memref_slice %arg7[%dma_start3A, %dma_start3A_25] : memref<16x128xi32, #tpu.memory_space<vmem>> -> memref<1x128xi32, #tpu.memory_space<vmem>>
      %dma_start3A_27 = tpu.memref_squeeze %dma_start3A_26 : memref<1x128xi32, #tpu.memory_space<vmem>> -> memref<128xi32, #tpu.memory_space<vmem>>
      %dma_start3A_28 = arith.constant 0 : i32
      %dma_start3A_29 = arith.constant 0 : i32
      %dma_start3A_30 = tpu.memref_slice %arg2[%dma_start3A_28, %dma_start3A_29] : memref<10240x128xf32, #tpu.memory_space<hbm>> -> memref<10240x128xf32, #tpu.memory_space<hbm>>
      tpu.enqueue_indirect_dma source(%dma_start3A_30 : memref<10240x128xf32, #tpu.memory_space<hbm>>) target(%arg9 : memref<128x128xf32, #tpu.memory_space<vmem>>) offsets(%dma_start3A_27 : memref<128xi32, #tpu.memory_space<vmem>>) semaphore(%arg12 : memref<!tpu.dma_semaphore, #tpu.memory_space<semaphore_mem>>)
      %dma_start3A_31 = arith.constant 1 : i32
      %dma_start3A_32 = arith.constant 0 : i32
      %dma_start3A_33 = tpu.memref_slice %arg7[%dma_start3A_31, %dma_start3A_32] : memref<16x128xi32, #tpu.memory_space<vmem>> -> memref<1x128xi32, #tpu.memory_space<vmem>>
      %dma_start3A_34 = tpu.memref_squeeze %dma_start3A_33 : memref<1x128xi32, #tpu.memory_space<vmem>> -> memref<128xi32, #tpu.memory_space<vmem>>
      %dma_start3A_35 = arith.constant 0 : i32
      %dma_start3A_36 = arith.constant 0 : i32
      %dma_start3A_37 = tpu.memref_slice %arg2[%dma_start3A_35, %dma_start3A_36] : memref<10240x128xf32, #tpu.memory_space<hbm>> -> memref<10240x128xf32, #tpu.memory_space<hbm>>
      tpu.enqueue_indirect_dma source(%dma_start3A_37 : memref<10240x128xf32, #tpu.memory_space<hbm>>) target(%arg10 : memref<128x128xf32, #tpu.memory_space<vmem>>) offsets(%dma_start3A_34 : memref<128xi32, #tpu.memory_space<vmem>>) semaphore(%arg13 : memref<!tpu.dma_semaphore, #tpu.memory_space<semaphore_mem>>)
      %dma_wait3A = arith.constant 0 : i32
      %dma_wait3A_38 = arith.constant 0 : i32
      %dma_wait3A_39 = tpu.memref_slice %arg7[%dma_wait3A, %dma_wait3A_38] : memref<16x128xi32, #tpu.memory_space<vmem>> -> memref<1x128xi32, #tpu.memory_space<vmem>>
      %dma_wait3A_40 = tpu.memref_squeeze %dma_wait3A_39 : memref<1x128xi32, #tpu.memory_space<vmem>> -> memref<128xi32, #tpu.memory_space<vmem>>
      %dma_wait3A_41 = arith.constant 0 : i32
      %dma_wait3A_42 = arith.constant 0 : i32
      %dma_wait3A_43 = tpu.memref_slice %arg2[%dma_wait3A_41, %dma_wait3A_42] : memref<10240x128xf32, #tpu.memory_space<hbm>> -> memref<10240x128xf32, #tpu.memory_space<hbm>>
      tpu.wait_indirect_dma semaphore(%arg12 : memref<!tpu.dma_semaphore, #tpu.memory_space<semaphore_mem>>) src(%dma_wait3A_43 : memref<10240x128xf32, #tpu.memory_space<hbm>>) dst(%arg9 : memref<128x128xf32, #tpu.memory_space<vmem>>)
      %dma_start3A_44 = arith.constant 0 : i32
      %dma_start3A_45 = arith.constant 0 : i32
      %dma_start3A_46 = tpu.memref_slice %arg8[%dma_start3A_44, %dma_start3A_45] : memref<16x128xi32, #tpu.memory_space<vmem>> -> memref<1x128xi32, #tpu.memory_space<vmem>>
      %dma_start3A_47 = tpu.memref_squeeze %dma_start3A_46 : memref<1x128xi32, #tpu.memory_space<vmem>> -> memref<128xi32, #tpu.memory_space<vmem>>
      %dma_start3A_48 = arith.constant 0 : i32
      %dma_start3A_49 = arith.constant 0 : i32
      %dma_start3A_50 = tpu.memref_slice %arg11[%dma_start3A_48, %dma_start3A_49] : memref<10240x128xf32, #tpu.memory_space<vmem_shared>> -> memref<10240x128xf32, #tpu.memory_space<vmem_shared>>
      tpu.enqueue_indirect_dma source(%arg9 : memref<128x128xf32, #tpu.memory_space<vmem>>) target(%dma_start3A_50 : memref<10240x128xf32, #tpu.memory_space<vmem_shared>>) offsets(%dma_start3A_47 : memref<128xi32, #tpu.memory_space<vmem>>) semaphore(%arg14 : memref<!tpu.dma_semaphore, #tpu.memory_space<semaphore_mem>>) {add = true}
      %dma_wait3A_51 = arith.constant 0 : i32
      %dma_wait3A_52 = arith.constant 0 : i32
      %dma_wait3A_53 = tpu.memref_slice %arg8[%dma_wait3A_51, %dma_wait3A_52] : memref<16x128xi32, #tpu.memory_space<vmem>> -> memref<1x128xi32, #tpu.memory_space<vmem>>
      %dma_wait3A_54 = tpu.memref_squeeze %dma_wait3A_53 : memref<1x128xi32, #tpu.memory_space<vmem>> -> memref<128xi32, #tpu.memory_space<vmem>>
      %dma_wait3A_55 = arith.constant 0 : i32
      %dma_wait3A_56 = arith.constant 0 : i32
      %dma_wait3A_57 = tpu.memref_slice %arg11[%dma_wait3A_55, %dma_wait3A_56] : memref<10240x128xf32, #tpu.memory_space<vmem_shared>> -> memref<10240x128xf32, #tpu.memory_space<vmem_shared>>
      tpu.wait_indirect_dma semaphore(%arg14 : memref<!tpu.dma_semaphore, #tpu.memory_space<semaphore_mem>>) src(%arg9 : memref<128x128xf32, #tpu.memory_space<vmem>>) dst(%dma_wait3A_57 : memref<10240x128xf32, #tpu.memory_space<vmem_shared>>)
      %dma_start3A_58 = arith.constant 2 : i32
      %dma_start3A_59 = arith.constant 0 : i32
      %dma_start3A_60 = tpu.memref_slice %arg7[%dma_start3A_58, %dma_start3A_59] : memref<16x128xi32, #tpu.memory_space<vmem>> -> memref<1x128xi32, #tpu.memory_space<vmem>>
      %dma_start3A_61 = tpu.memref_squeeze %dma_start3A_60 : memref<1x128xi32, #tpu.memory_space<vmem>> -> memref<128xi32, #tpu.memory_space<vmem>>
      %dma_start3A_62 = arith.constant 0 : i32
      %dma_start3A_63 = arith.constant 0 : i32
      %dma_start3A_64 = tpu.memref_slice %arg2[%dma_start3A_62, %dma_start3A_63] : memref<10240x128xf32, #tpu.memory_space<hbm>> -> memref<10240x128xf32, #tpu.memory_space<hbm>>
      tpu.enqueue_indirect_dma source(%dma_start3A_64 : memref<10240x128xf32, #tpu.memory_space<hbm>>) target(%arg9 : memref<128x128xf32, #tpu.memory_space<vmem>>) offsets(%dma_start3A_61 : memref<128xi32, #tpu.memory_space<vmem>>) semaphore(%arg12 : memref<!tpu.dma_semaphore, #tpu.memory_space<semaphore_mem>>)
      %dma_wait3A_65 = arith.constant 1 : i32
      %dma_wait3A_66 = arith.constant 0 : i32
      %dma_wait3A_67 = tpu.memref_slice %arg7[%dma_wait3A_65, %dma_wait3A_66] : memref<16x128xi32, #tpu.memory_space<vmem>> -> memref<1x128xi32, #tpu.memory_space<vmem>>
      %dma_wait3A_68 = tpu.memref_squeeze %dma_wait3A_67 : memref<1x128xi32, #tpu.memory_space<vmem>> -> memref<128xi32, #tpu.memory_space<vmem>>
      %dma_wait3A_69 = arith.constant 0 : i32
      %dma_wait3A_70 = arith.constant 0 : i32
      %dma_wait3A_71 = tpu.memref_slice %arg2[%dma_wait3A_69, %dma_wait3A_70] : memref<10240x128xf32, #tpu.memory_space<hbm>> -> memref<10240x128xf32, #tpu.memory_space<hbm>>
      tpu.wait_indirect_dma semaphore(%arg13 : memref<!tpu.dma_semaphore, #tpu.memory_space<semaphore_mem>>) src(%dma_wait3A_71 : memref<10240x128xf32, #tpu.memory_space<hbm>>) dst(%arg10 : memref<128x128xf32, #tpu.memory_space<vmem>>)
      %dma_start3A_72 = arith.constant 1 : i32
      %dma_start3A_73 = arith.constant 0 : i32
      %dma_start3A_74 = tpu.memref_slice %arg8[%dma_start3A_72, %dma_start3A_73] : memref<16x128xi32, #tpu.memory_space<vmem>> -> memref<1x128xi32, #tpu.memory_space<vmem>>
      %dma_start3A_75 = tpu.memref_squeeze %dma_start3A_74 : memref<1x128xi32, #tpu.memory_space<vmem>> -> memref<128xi32, #tpu.memory_space<vmem>>
      %dma_start3A_76 = arith.constant 0 : i32
      %dma_start3A_77 = arith.constant 0 : i32
      %dma_start3A_78 = tpu.memref_slice %arg11[%dma_start3A_76, %dma_start3A_77] : memref<10240x128xf32, #tpu.memory_space<vmem_shared>> -> memref<10240x128xf32, #tpu.memory_space<vmem_shared>>
      tpu.enqueue_indirect_dma source(%arg10 : memref<128x128xf32, #tpu.memory_space<vmem>>) target(%dma_start3A_78 : memref<10240x128xf32, #tpu.memory_space<vmem_shared>>) offsets(%dma_start3A_75 : memref<128xi32, #tpu.memory_space<vmem>>) semaphore(%arg15 : memref<!tpu.dma_semaphore, #tpu.memory_space<semaphore_mem>>) {add = true}
      %dma_wait3A_79 = arith.constant 1 : i32
      %dma_wait3A_80 = arith.constant 0 : i32
      %dma_wait3A_81 = tpu.memref_slice %arg8[%dma_wait3A_79, %dma_wait3A_80] : memref<16x128xi32, #tpu.memory_space<vmem>> -> memref<1x128xi32, #tpu.memory_space<vmem>>
      %dma_wait3A_82 = tpu.memref_squeeze %dma_wait3A_81 : memref<1x128xi32, #tpu.memory_space<vmem>> -> memref<128xi32, #tpu.memory_space<vmem>>
      %dma_wait3A_83 = arith.constant 0 : i32
      %dma_wait3A_84 = arith.constant 0 : i32
      %dma_wait3A_85 = tpu.memref_slice %arg11[%dma_wait3A_83, %dma_wait3A_84] : memref<10240x128xf32, #tpu.memory_space<vmem_shared>> -> memref<10240x128xf32, #tpu.memory_space<vmem_shared>>
      tpu.wait_indirect_dma semaphore(%arg15 : memref<!tpu.dma_semaphore, #tpu.memory_space<semaphore_mem>>) src(%arg10 : memref<128x128xf32, #tpu.memory_space<vmem>>) dst(%dma_wait3A_85 : memref<10240x128xf32, #tpu.memory_space<vmem_shared>>)
      %dma_start3A_86 = arith.constant 3 : i32
      %dma_start3A_87 = arith.constant 0 : i32
      %dma_start3A_88 = tpu.memref_slice %arg7[%dma_start3A_86, %dma_start3A_87] : memref<16x128xi32, #tpu.memory_space<vmem>> -> memref<1x128xi32, #tpu.memory_space<vmem>>
      %dma_start3A_89 = tpu.memref_squeeze %dma_start3A_88 : memref<1x128xi32, #tpu.memory_space<vmem>> -> memref<128xi32, #tpu.memory_space<vmem>>
      %dma_start3A_90 = arith.constant 0 : i32
      %dma_start3A_91 = arith.constant 0 : i32
      %dma_start3A_92 = tpu.memref_slice %arg2[%dma_start3A_90, %dma_start3A_91] : memref<10240x128xf32, #tpu.memory_space<hbm>> -> memref<10240x128xf32, #tpu.memory_space<hbm>>
      tpu.enqueue_indirect_dma source(%dma_start3A_92 : memref<10240x128xf32, #tpu.memory_space<hbm>>) target(%arg10 : memref<128x128xf32, #tpu.memory_space<vmem>>) offsets(%dma_start3A_89 : memref<128xi32, #tpu.memory_space<vmem>>) semaphore(%arg13 : memref<!tpu.dma_semaphore, #tpu.memory_space<semaphore_mem>>)
      %dma_wait3A_93 = arith.constant 2 : i32
      %dma_wait3A_94 = arith.constant 0 : i32
      %dma_wait3A_95 = tpu.memref_slice %arg7[%dma_wait3A_93, %dma_wait3A_94] : memref<16x128xi32, #tpu.memory_space<vmem>> -> memref<1x128xi32, #tpu.memory_space<vmem>>
      %dma_wait3A_96 = tpu.memref_squeeze %dma_wait3A_95 : memref<1x128xi32, #tpu.memory_space<vmem>> -> memref<128xi32, #tpu.memory_space<vmem>>
      %dma_wait3A_97 = arith.constant 0 : i32
      %dma_wait3A_98 = arith.constant 0 : i32
      %dma_wait3A_99 = tpu.memref_slice %arg2[%dma_wait3A_97, %dma_wait3A_98] : memref<10240x128xf32, #tpu.memory_space<hbm>> -> memref<10240x128xf32, #tpu.memory_space<hbm>>
      tpu.wait_indirect_dma semaphore(%arg12 : memref<!tpu.dma_semaphore, #tpu.memory_space<semaphore_mem>>) src(%dma_wait3A_99 : memref<10240x128xf32, #tpu.memory_space<hbm>>) dst(%arg9 : memref<128x128xf32, #tpu.memory_space<vmem>>)
      %dma_start3A_100 = arith.constant 2 : i32
      %dma_start3A_101 = arith.constant 0 : i32
      %dma_start3A_102 = tpu.memref_slice %arg8[%dma_start3A_100, %dma_start3A_101] : memref<16x128xi32, #tpu.memory_space<vmem>> -> memref<1x128xi32, #tpu.memory_space<vmem>>
      %dma_start3A_103 = tpu.memref_squeeze %dma_start3A_102 : memref<1x128xi32, #tpu.memory_space<vmem>> -> memref<128xi32, #tpu.memory_space<vmem>>
      %dma_start3A_104 = arith.constant 0 : i32
      %dma_start3A_105 = arith.constant 0 : i32
      %dma_start3A_106 = tpu.memref_slice %arg11[%dma_start3A_104, %dma_start3A_105] : memref<10240x128xf32, #tpu.memory_space<vmem_shared>> -> memref<10240x128xf32, #tpu.memory_space<vmem_shared>>
      tpu.enqueue_indirect_dma source(%arg9 : memref<128x128xf32, #tpu.memory_space<vmem>>) target(%dma_start3A_106 : memref<10240x128xf32, #tpu.memory_space<vmem_shared>>) offsets(%dma_start3A_103 : memref<128xi32, #tpu.memory_space<vmem>>) semaphore(%arg14 : memref<!tpu.dma_semaphore, #tpu.memory_space<semaphore_mem>>) {add = true}
      %dma_wait3A_107 = arith.constant 2 : i32
      %dma_wait3A_108 = arith.constant 0 : i32
      %dma_wait3A_109 = tpu.memref_slice %arg8[%dma_wait3A_107, %dma_wait3A_108] : memref<16x128xi32, #tpu.memory_space<vmem>> -> memref<1x128xi32, #tpu.memory_space<vmem>>
      %dma_wait3A_110 = tpu.memref_squeeze %dma_wait3A_109 : memref<1x128xi32, #tpu.memory_space<vmem>> -> memref<128xi32, #tpu.memory_space<vmem>>
      %dma_wait3A_111 = arith.constant 0 : i32
      %dma_wait3A_112 = arith.constant 0 : i32
      %dma_wait3A_113 = tpu.memref_slice %arg11[%dma_wait3A_111, %dma_wait3A_112] : memref<10240x128xf32, #tpu.memory_space<vmem_shared>> -> memref<10240x128xf32, #tpu.memory_space<vmem_shared>>
      tpu.wait_indirect_dma semaphore(%arg14 : memref<!tpu.dma_semaphore, #tpu.memory_space<semaphore_mem>>) src(%arg9 : memref<128x128xf32, #tpu.memory_space<vmem>>) dst(%dma_wait3A_113 : memref<10240x128xf32, #tpu.memory_space<vmem_shared>>)
      %dma_start3A_114 = arith.constant 4 : i32
      %dma_start3A_115 = arith.constant 0 : i32
      %dma_start3A_116 = tpu.memref_slice %arg7[%dma_start3A_114, %dma_start3A_115] : memref<16x128xi32, #tpu.memory_space<vmem>> -> memref<1x128xi32, #tpu.memory_space<vmem>>
      %dma_start3A_117 = tpu.memref_squeeze %dma_start3A_116 : memref<1x128xi32, #tpu.memory_space<vmem>> -> memref<128xi32, #tpu.memory_space<vmem>>
      %dma_start3A_118 = arith.constant 0 : i32
      %dma_start3A_119 = arith.constant 0 : i32
      %dma_start3A_120 = tpu.memref_slice %arg2[%dma_start3A_118, %dma_start3A_119] : memref<10240x128xf32, #tpu.memory_space<hbm>> -> memref<10240x128xf32, #tpu.memory_space<hbm>>
      tpu.enqueue_indirect_dma source(%dma_start3A_120 : memref<10240x128xf32, #tpu.memory_space<hbm>>) target(%arg9 : memref<128x128xf32, #tpu.memory_space<vmem>>) offsets(%dma_start3A_117 : memref<128xi32, #tpu.memory_space<vmem>>) semaphore(%arg12 : memref<!tpu.dma_semaphore, #tpu.memory_space<semaphore_mem>>)
      %dma_wait3A_121 = arith.constant 3 : i32
      %dma_wait3A_122 = arith.constant 0 : i32
      %dma_wait3A_123 = tpu.memref_slice %arg7[%dma_wait3A_121, %dma_wait3A_122] : memref<16x128xi32, #tpu.memory_space<vmem>> -> memref<1x128xi32, #tpu.memory_space<vmem>>
      %dma_wait3A_124 = tpu.memref_squeeze %dma_wait3A_123 : memref<1x128xi32, #tpu.memory_space<vmem>> -> memref<128xi32, #tpu.memory_space<vmem>>
      %dma_wait3A_125 = arith.constant 0 : i32
      %dma_wait3A_126 = arith.constant 0 : i32
      %dma_wait3A_127 = tpu.memref_slice %arg2[%dma_wait3A_125, %dma_wait3A_126] : memref<10240x128xf32, #tpu.memory_space<hbm>> -> memref<10240x128xf32, #tpu.memory_space<hbm>>
      tpu.wait_indirect_dma semaphore(%arg13 : memref<!tpu.dma_semaphore, #tpu.memory_space<semaphore_mem>>) src(%dma_wait3A_127 : memref<10240x128xf32, #tpu.memory_space<hbm>>) dst(%arg10 : memref<128x128xf32, #tpu.memory_space<vmem>>)
      %dma_start3A_128 = arith.constant 3 : i32
      %dma_start3A_129 = arith.constant 0 : i32
      %dma_start3A_130 = tpu.memref_slice %arg8[%dma_start3A_128, %dma_start3A_129] : memref<16x128xi32, #tpu.memory_space<vmem>> -> memref<1x128xi32, #tpu.memory_space<vmem>>
      %dma_start3A_131 = tpu.memref_squeeze %dma_start3A_130 : memref<1x128xi32, #tpu.memory_space<vmem>> -> memref<128xi32, #tpu.memory_space<vmem>>
      %dma_start3A_132 = arith.constant 0 : i32
      %dma_start3A_133 = arith.constant 0 : i32
      %dma_start3A_134 = tpu.memref_slice %arg11[%dma_start3A_132, %dma_start3A_133] : memref<10240x128xf32, #tpu.memory_space<vmem_shared>> -> memref<10240x128xf32, #tpu.memory_space<vmem_shared>>
      tpu.enqueue_indirect_dma source(%arg10 : memref<128x128xf32, #tpu.memory_space<vmem>>) target(%dma_start3A_134 : memref<10240x128xf32, #tpu.memory_space<vmem_shared>>) offsets(%dma_start3A_131 : memref<128xi32, #tpu.memory_space<vmem>>) semaphore(%arg15 : memref<!tpu.dma_semaphore, #tpu.memory_space<semaphore_mem>>) {add = true}
      %dma_wait3A_135 = arith.constant 3 : i32
      %dma_wait3A_136 = arith.constant 0 : i32
      %dma_wait3A_137 = tpu.memref_slice %arg8[%dma_wait3A_135, %dma_wait3A_136] : memref<16x128xi32, #tpu.memory_space<vmem>> -> memref<1x128xi32, #tpu.memory_space<vmem>>
      %dma_wait3A_138 = tpu.memref_squeeze %dma_wait3A_137 : memref<1x128xi32, #tpu.memory_space<vmem>> -> memref<128xi32, #tpu.memory_space<vmem>>
      %dma_wait3A_139 = arith.constant 0 : i32
      %dma_wait3A_140 = arith.constant 0 : i32
      %dma_wait3A_141 = tpu.memref_slice %arg11[%dma_wait3A_139, %dma_wait3A_140] : memref<10240x128xf32, #tpu.memory_space<vmem_shared>> -> memref<10240x128xf32, #tpu.memory_space<vmem_shared>>
      tpu.wait_indirect_dma semaphore(%arg15 : memref<!tpu.dma_semaphore, #tpu.memory_space<semaphore_mem>>) src(%arg10 : memref<128x128xf32, #tpu.memory_space<vmem>>) dst(%dma_wait3A_141 : memref<10240x128xf32, #tpu.memory_space<vmem_shared>>)
      %dma_start3A_142 = arith.constant 5 : i32
      %dma_start3A_143 = arith.constant 0 : i32
      %dma_start3A_144 = tpu.memref_slice %arg7[%dma_start3A_142, %dma_start3A_143] : memref<16x128xi32, #tpu.memory_space<vmem>> -> memref<1x128xi32, #tpu.memory_space<vmem>>
      %dma_start3A_145 = tpu.memref_squeeze %dma_start3A_144 : memref<1x128xi32, #tpu.memory_space<vmem>> -> memref<128xi32, #tpu.memory_space<vmem>>
      %dma_start3A_146 = arith.constant 0 : i32
      %dma_start3A_147 = arith.constant 0 : i32
      %dma_start3A_148 = tpu.memref_slice %arg2[%dma_start3A_146, %dma_start3A_147] : memref<10240x128xf32, #tpu.memory_space<hbm>> -> memref<10240x128xf32, #tpu.memory_space<hbm>>
      tpu.enqueue_indirect_dma source(%dma_start3A_148 : memref<10240x128xf32, #tpu.memory_space<hbm>>) target(%arg10 : memref<128x128xf32, #tpu.memory_space<vmem>>) offsets(%dma_start3A_145 : memref<128xi32, #tpu.memory_space<vmem>>) semaphore(%arg13 : memref<!tpu.dma_semaphore, #tpu.memory_space<semaphore_mem>>)
      %dma_wait3A_149 = arith.constant 4 : i32
      %dma_wait3A_150 = arith.constant 0 : i32
      %dma_wait3A_151 = tpu.memref_slice %arg7[%dma_wait3A_149, %dma_wait3A_150] : memref<16x128xi32, #tpu.memory_space<vmem>> -> memref<1x128xi32, #tpu.memory_space<vmem>>
      %dma_wait3A_152 = tpu.memref_squeeze %dma_wait3A_151 : memref<1x128xi32, #tpu.memory_space<vmem>> -> memref<128xi32, #tpu.memory_space<vmem>>
      %dma_wait3A_153 = arith.constant 0 : i32
      %dma_wait3A_154 = arith.constant 0 : i32
      %dma_wait3A_155 = tpu.memref_slice %arg2[%dma_wait3A_153, %dma_wait3A_154] : memref<10240x128xf32, #tpu.memory_space<hbm>> -> memref<10240x128xf32, #tpu.memory_space<hbm>>
      tpu.wait_indirect_dma semaphore(%arg12 : memref<!tpu.dma_semaphore, #tpu.memory_space<semaphore_mem>>) src(%dma_wait3A_155 : memref<10240x128xf32, #tpu.memory_space<hbm>>) dst(%arg9 : memref<128x128xf32, #tpu.memory_space<vmem>>)
      %dma_start3A_156 = arith.constant 4 : i32
      %dma_start3A_157 = arith.constant 0 : i32
      %dma_start3A_158 = tpu.memref_slice %arg8[%dma_start3A_156, %dma_start3A_157] : memref<16x128xi32, #tpu.memory_space<vmem>> -> memref<1x128xi32, #tpu.memory_space<vmem>>
      %dma_start3A_159 = tpu.memref_squeeze %dma_start3A_158 : memref<1x128xi32, #tpu.memory_space<vmem>> -> memref<128xi32, #tpu.memory_space<vmem>>
      %dma_start3A_160 = arith.constant 0 : i32
      %dma_start3A_161 = arith.constant 0 : i32
      %dma_start3A_162 = tpu.memref_slice %arg11[%dma_start3A_160, %dma_start3A_161] : memref<10240x128xf32, #tpu.memory_space<vmem_shared>> -> memref<10240x128xf32, #tpu.memory_space<vmem_shared>>
      tpu.enqueue_indirect_dma source(%arg9 : memref<128x128xf32, #tpu.memory_space<vmem>>) target(%dma_start3A_162 : memref<10240x128xf32, #tpu.memory_space<vmem_shared>>) offsets(%dma_start3A_159 : memref<128xi32, #tpu.memory_space<vmem>>) semaphore(%arg14 : memref<!tpu.dma_semaphore, #tpu.memory_space<semaphore_mem>>) {add = true}
      %dma_wait3A_163 = arith.constant 4 : i32
      %dma_wait3A_164 = arith.constant 0 : i32
      %dma_wait3A_165 = tpu.memref_slice %arg8[%dma_wait3A_163, %dma_wait3A_164] : memref<16x128xi32, #tpu.memory_space<vmem>> -> memref<1x128xi32, #tpu.memory_space<vmem>>
      %dma_wait3A_166 = tpu.memref_squeeze %dma_wait3A_165 : memref<1x128xi32, #tpu.memory_space<vmem>> -> memref<128xi32, #tpu.memory_space<vmem>>
      %dma_wait3A_167 = arith.constant 0 : i32
      %dma_wait3A_168 = arith.constant 0 : i32
      %dma_wait3A_169 = tpu.memref_slice %arg11[%dma_wait3A_167, %dma_wait3A_168] : memref<10240x128xf32, #tpu.memory_space<vmem_shared>> -> memref<10240x128xf32, #tpu.memory_space<vmem_shared>>
      tpu.wait_indirect_dma semaphore(%arg14 : memref<!tpu.dma_semaphore, #tpu.memory_space<semaphore_mem>>) src(%arg9 : memref<128x128xf32, #tpu.memory_space<vmem>>) dst(%dma_wait3A_169 : memref<10240x128xf32, #tpu.memory_space<vmem_shared>>)
      %dma_start3A_170 = arith.constant 6 : i32
      %dma_start3A_171 = arith.constant 0 : i32
      %dma_start3A_172 = tpu.memref_slice %arg7[%dma_start3A_170, %dma_start3A_171] : memref<16x128xi32, #tpu.memory_space<vmem>> -> memref<1x128xi32, #tpu.memory_space<vmem>>
      %dma_start3A_173 = tpu.memref_squeeze %dma_start3A_172 : memref<1x128xi32, #tpu.memory_space<vmem>> -> memref<128xi32, #tpu.memory_space<vmem>>
      %dma_start3A_174 = arith.constant 0 : i32
      %dma_start3A_175 = arith.constant 0 : i32
      %dma_start3A_176 = tpu.memref_slice %arg2[%dma_start3A_174, %dma_start3A_175] : memref<10240x128xf32, #tpu.memory_space<hbm>> -> memref<10240x128xf32, #tpu.memory_space<hbm>>
      tpu.enqueue_indirect_dma source(%dma_start3A_176 : memref<10240x128xf32, #tpu.memory_space<hbm>>) target(%arg9 : memref<128x128xf32, #tpu.memory_space<vmem>>) offsets(%dma_start3A_173 : memref<128xi32, #tpu.memory_space<vmem>>) semaphore(%arg12 : memref<!tpu.dma_semaphore, #tpu.memory_space<semaphore_mem>>)
      %dma_wait3A_177 = arith.constant 5 : i32
      %dma_wait3A_178 = arith.constant 0 : i32
      %dma_wait3A_179 = tpu.memref_slice %arg7[%dma_wait3A_177, %dma_wait3A_178] : memref<16x128xi32, #tpu.memory_space<vmem>> -> memref<1x128xi32, #tpu.memory_space<vmem>>
      %dma_wait3A_180 = tpu.memref_squeeze %dma_wait3A_179 : memref<1x128xi32, #tpu.memory_space<vmem>> -> memref<128xi32, #tpu.memory_space<vmem>>
      %dma_wait3A_181 = arith.constant 0 : i32
      %dma_wait3A_182 = arith.constant 0 : i32
      %dma_wait3A_183 = tpu.memref_slice %arg2[%dma_wait3A_181, %dma_wait3A_182] : memref<10240x128xf32, #tpu.memory_space<hbm>> -> memref<10240x128xf32, #tpu.memory_space<hbm>>
      tpu.wait_indirect_dma semaphore(%arg13 : memref<!tpu.dma_semaphore, #tpu.memory_space<semaphore_mem>>) src(%dma_wait3A_183 : memref<10240x128xf32, #tpu.memory_space<hbm>>) dst(%arg10 : memref<128x128xf32, #tpu.memory_space<vmem>>)
      %dma_start3A_184 = arith.constant 5 : i32
      %dma_start3A_185 = arith.constant 0 : i32
      %dma_start3A_186 = tpu.memref_slice %arg8[%dma_start3A_184, %dma_start3A_185] : memref<16x128xi32, #tpu.memory_space<vmem>> -> memref<1x128xi32, #tpu.memory_space<vmem>>
      %dma_start3A_187 = tpu.memref_squeeze %dma_start3A_186 : memref<1x128xi32, #tpu.memory_space<vmem>> -> memref<128xi32, #tpu.memory_space<vmem>>
      %dma_start3A_188 = arith.constant 0 : i32
      %dma_start3A_189 = arith.constant 0 : i32
      %dma_start3A_190 = tpu.memref_slice %arg11[%dma_start3A_188, %dma_start3A_189] : memref<10240x128xf32, #tpu.memory_space<vmem_shared>> -> memref<10240x128xf32, #tpu.memory_space<vmem_shared>>
      tpu.enqueue_indirect_dma source(%arg10 : memref<128x128xf32, #tpu.memory_space<vmem>>) target(%dma_start3A_190 : memref<10240x128xf32, #tpu.memory_space<vmem_shared>>) offsets(%dma_start3A_187 : memref<128xi32, #tpu.memory_space<vmem>>) semaphore(%arg15 : memref<!tpu.dma_semaphore, #tpu.memory_space<semaphore_mem>>) {add = true}
      %dma_wait3A_191 = arith.constant 5 : i32
      %dma_wait3A_192 = arith.constant 0 : i32
      %dma_wait3A_193 = tpu.memref_slice %arg8[%dma_wait3A_191, %dma_wait3A_192] : memref<16x128xi32, #tpu.memory_space<vmem>> -> memref<1x128xi32, #tpu.memory_space<vmem>>
      %dma_wait3A_194 = tpu.memref_squeeze %dma_wait3A_193 : memref<1x128xi32, #tpu.memory_space<vmem>> -> memref<128xi32, #tpu.memory_space<vmem>>
      %dma_wait3A_195 = arith.constant 0 : i32
      %dma_wait3A_196 = arith.constant 0 : i32
      %dma_wait3A_197 = tpu.memref_slice %arg11[%dma_wait3A_195, %dma_wait3A_196] : memref<10240x128xf32, #tpu.memory_space<vmem_shared>> -> memref<10240x128xf32, #tpu.memory_space<vmem_shared>>
      tpu.wait_indirect_dma semaphore(%arg15 : memref<!tpu.dma_semaphore, #tpu.memory_space<semaphore_mem>>) src(%arg10 : memref<128x128xf32, #tpu.memory_space<vmem>>) dst(%dma_wait3A_197 : memref<10240x128xf32, #tpu.memory_space<vmem_shared>>)
      %dma_start3A_198 = arith.constant 7 : i32
      %dma_start3A_199 = arith.constant 0 : i32
      %dma_start3A_200 = tpu.memref_slice %arg7[%dma_start3A_198, %dma_start3A_199] : memref<16x128xi32, #tpu.memory_space<vmem>> -> memref<1x128xi32, #tpu.memory_space<vmem>>
      %dma_start3A_201 = tpu.memref_squeeze %dma_start3A_200 : memref<1x128xi32, #tpu.memory_space<vmem>> -> memref<128xi32, #tpu.memory_space<vmem>>
      %dma_start3A_202 = arith.constant 0 : i32
      %dma_start3A_203 = arith.constant 0 : i32
      %dma_start3A_204 = tpu.memref_slice %arg2[%dma_start3A_202, %dma_start3A_203] : memref<10240x128xf32, #tpu.memory_space<hbm>> -> memref<10240x128xf32, #tpu.memory_space<hbm>>
      tpu.enqueue_indirect_dma source(%dma_start3A_204 : memref<10240x128xf32, #tpu.memory_space<hbm>>) target(%arg10 : memref<128x128xf32, #tpu.memory_space<vmem>>) offsets(%dma_start3A_201 : memref<128xi32, #tpu.memory_space<vmem>>) semaphore(%arg13 : memref<!tpu.dma_semaphore, #tpu.memory_space<semaphore_mem>>)
      %dma_wait3A_205 = arith.constant 6 : i32
      %dma_wait3A_206 = arith.constant 0 : i32
      %dma_wait3A_207 = tpu.memref_slice %arg7[%dma_wait3A_205, %dma_wait3A_206] : memref<16x128xi32, #tpu.memory_space<vmem>> -> memref<1x128xi32, #tpu.memory_space<vmem>>
      %dma_wait3A_208 = tpu.memref_squeeze %dma_wait3A_207 : memref<1x128xi32, #tpu.memory_space<vmem>> -> memref<128xi32, #tpu.memory_space<vmem>>
      %dma_wait3A_209 = arith.constant 0 : i32
      %dma_wait3A_210 = arith.constant 0 : i32
      %dma_wait3A_211 = tpu.memref_slice %arg2[%dma_wait3A_209, %dma_wait3A_210] : memref<10240x128xf32, #tpu.memory_space<hbm>> -> memref<10240x128xf32, #tpu.memory_space<hbm>>
      tpu.wait_indirect_dma semaphore(%arg12 : memref<!tpu.dma_semaphore, #tpu.memory_space<semaphore_mem>>) src(%dma_wait3A_211 : memref<10240x128xf32, #tpu.memory_space<hbm>>) dst(%arg9 : memref<128x128xf32, #tpu.memory_space<vmem>>)
      %dma_start3A_212 = arith.constant 6 : i32
      %dma_start3A_213 = arith.constant 0 : i32
      %dma_start3A_214 = tpu.memref_slice %arg8[%dma_start3A_212, %dma_start3A_213] : memref<16x128xi32, #tpu.memory_space<vmem>> -> memref<1x128xi32, #tpu.memory_space<vmem>>
      %dma_start3A_215 = tpu.memref_squeeze %dma_start3A_214 : memref<1x128xi32, #tpu.memory_space<vmem>> -> memref<128xi32, #tpu.memory_space<vmem>>
      %dma_start3A_216 = arith.constant 0 : i32
      %dma_start3A_217 = arith.constant 0 : i32
      %dma_start3A_218 = tpu.memref_slice %arg11[%dma_start3A_216, %dma_start3A_217] : memref<10240x128xf32, #tpu.memory_space<vmem_shared>> -> memref<10240x128xf32, #tpu.memory_space<vmem_shared>>
      tpu.enqueue_indirect_dma source(%arg9 : memref<128x128xf32, #tpu.memory_space<vmem>>) target(%dma_start3A_218 : memref<10240x128xf32, #tpu.memory_space<vmem_shared>>) offsets(%dma_start3A_215 : memref<128xi32, #tpu.memory_space<vmem>>) semaphore(%arg14 : memref<!tpu.dma_semaphore, #tpu.memory_space<semaphore_mem>>) {add = true}
      %dma_wait3A_219 = arith.constant 6 : i32
      %dma_wait3A_220 = arith.constant 0 : i32
      %dma_wait3A_221 = tpu.memref_slice %arg8[%dma_wait3A_219, %dma_wait3A_220] : memref<16x128xi32, #tpu.memory_space<vmem>> -> memref<1x128xi32, #tpu.memory_space<vmem>>
      %dma_wait3A_222 = tpu.memref_squeeze %dma_wait3A_221 : memref<1x128xi32, #tpu.memory_space<vmem>> -> memref<128xi32, #tpu.memory_space<vmem>>
      %dma_wait3A_223 = arith.constant 0 : i32
      %dma_wait3A_224 = arith.constant 0 : i32
      %dma_wait3A_225 = tpu.memref_slice %arg11[%dma_wait3A_223, %dma_wait3A_224] : memref<10240x128xf32, #tpu.memory_space<vmem_shared>> -> memref<10240x128xf32, #tpu.memory_space<vmem_shared>>
      tpu.wait_indirect_dma semaphore(%arg14 : memref<!tpu.dma_semaphore, #tpu.memory_space<semaphore_mem>>) src(%arg9 : memref<128x128xf32, #tpu.memory_space<vmem>>) dst(%dma_wait3A_225 : memref<10240x128xf32, #tpu.memory_space<vmem_shared>>)
      %dma_start3A_226 = arith.constant 8 : i32
      %dma_start3A_227 = arith.constant 0 : i32
      %dma_start3A_228 = tpu.memref_slice %arg7[%dma_start3A_226, %dma_start3A_227] : memref<16x128xi32, #tpu.memory_space<vmem>> -> memref<1x128xi32, #tpu.memory_space<vmem>>
      %dma_start3A_229 = tpu.memref_squeeze %dma_start3A_228 : memref<1x128xi32, #tpu.memory_space<vmem>> -> memref<128xi32, #tpu.memory_space<vmem>>
      %dma_start3A_230 = arith.constant 0 : i32
      %dma_start3A_231 = arith.constant 0 : i32
      %dma_start3A_232 = tpu.memref_slice %arg2[%dma_start3A_230, %dma_start3A_231] : memref<10240x128xf32, #tpu.memory_space<hbm>> -> memref<10240x128xf32, #tpu.memory_space<hbm>>
      tpu.enqueue_indirect_dma source(%dma_start3A_232 : memref<10240x128xf32, #tpu.memory_space<hbm>>) target(%arg9 : memref<128x128xf32, #tpu.memory_space<vmem>>) offsets(%dma_start3A_229 : memref<128xi32, #tpu.memory_space<vmem>>) semaphore(%arg12 : memref<!tpu.dma_semaphore, #tpu.memory_space<semaphore_mem>>)
      %dma_wait3A_233 = arith.constant 7 : i32
      %dma_wait3A_234 = arith.constant 0 : i32
      %dma_wait3A_235 = tpu.memref_slice %arg7[%dma_wait3A_233, %dma_wait3A_234] : memref<16x128xi32, #tpu.memory_space<vmem>> -> memref<1x128xi32, #tpu.memory_space<vmem>>
      %dma_wait3A_236 = tpu.memref_squeeze %dma_wait3A_235 : memref<1x128xi32, #tpu.memory_space<vmem>> -> memref<128xi32, #tpu.memory_space<vmem>>
      %dma_wait3A_237 = arith.constant 0 : i32
      %dma_wait3A_238 = arith.constant 0 : i32
      %dma_wait3A_239 = tpu.memref_slice %arg2[%dma_wait3A_237, %dma_wait3A_238] : memref<10240x128xf32, #tpu.memory_space<hbm>> -> memref<10240x128xf32, #tpu.memory_space<hbm>>
      tpu.wait_indirect_dma semaphore(%arg13 : memref<!tpu.dma_semaphore, #tpu.memory_space<semaphore_mem>>) src(%dma_wait3A_239 : memref<10240x128xf32, #tpu.memory_space<hbm>>) dst(%arg10 : memref<128x128xf32, #tpu.memory_space<vmem>>)
      %dma_start3A_240 = arith.constant 7 : i32
      %dma_start3A_241 = arith.constant 0 : i32
      %dma_start3A_242 = tpu.memref_slice %arg8[%dma_start3A_240, %dma_start3A_241] : memref<16x128xi32, #tpu.memory_space<vmem>> -> memref<1x128xi32, #tpu.memory_space<vmem>>
      %dma_start3A_243 = tpu.memref_squeeze %dma_start3A_242 : memref<1x128xi32, #tpu.memory_space<vmem>> -> memref<128xi32, #tpu.memory_space<vmem>>
      %dma_start3A_244 = arith.constant 0 : i32
      %dma_start3A_245 = arith.constant 0 : i32
      %dma_start3A_246 = tpu.memref_slice %arg11[%dma_start3A_244, %dma_start3A_245] : memref<10240x128xf32, #tpu.memory_space<vmem_shared>> -> memref<10240x128xf32, #tpu.memory_space<vmem_shared>>
      tpu.enqueue_indirect_dma source(%arg10 : memref<128x128xf32, #tpu.memory_space<vmem>>) target(%dma_start3A_246 : memref<10240x128xf32, #tpu.memory_space<vmem_shared>>) offsets(%dma_start3A_243 : memref<128xi32, #tpu.memory_space<vmem>>) semaphore(%arg15 : memref<!tpu.dma_semaphore, #tpu.memory_space<semaphore_mem>>) {add = true}
      %dma_wait3A_247 = arith.constant 7 : i32
      %dma_wait3A_248 = arith.constant 0 : i32
      %dma_wait3A_249 = tpu.memref_slice %arg8[%dma_wait3A_247, %dma_wait3A_248] : memref<16x128xi32, #tpu.memory_space<vmem>> -> memref<1x128xi32, #tpu.memory_space<vmem>>
      %dma_wait3A_250 = tpu.memref_squeeze %dma_wait3A_249 : memref<1x128xi32, #tpu.memory_space<vmem>> -> memref<128xi32, #tpu.memory_space<vmem>>
      %dma_wait3A_251 = arith.constant 0 : i32
      %dma_wait3A_252 = arith.constant 0 : i32
      %dma_wait3A_253 = tpu.memref_slice %arg11[%dma_wait3A_251, %dma_wait3A_252] : memref<10240x128xf32, #tpu.memory_space<vmem_shared>> -> memref<10240x128xf32, #tpu.memory_space<vmem_shared>>
      tpu.wait_indirect_dma semaphore(%arg15 : memref<!tpu.dma_semaphore, #tpu.memory_space<semaphore_mem>>) src(%arg10 : memref<128x128xf32, #tpu.memory_space<vmem>>) dst(%dma_wait3A_253 : memref<10240x128xf32, #tpu.memory_space<vmem_shared>>)
      %dma_start3A_254 = arith.constant 9 : i32
      %dma_start3A_255 = arith.constant 0 : i32
      %dma_start3A_256 = tpu.memref_slice %arg7[%dma_start3A_254, %dma_start3A_255] : memref<16x128xi32, #tpu.memory_space<vmem>> -> memref<1x128xi32, #tpu.memory_space<vmem>>
      %dma_start3A_257 = tpu.memref_squeeze %dma_start3A_256 : memref<1x128xi32, #tpu.memory_space<vmem>> -> memref<128xi32, #tpu.memory_space<vmem>>
      %dma_start3A_258 = arith.constant 0 : i32
      %dma_start3A_259 = arith.constant 0 : i32
      %dma_start3A_260 = tpu.memref_slice %arg2[%dma_start3A_258, %dma_start3A_259] : memref<10240x128xf32, #tpu.memory_space<hbm>> -> memref<10240x128xf32, #tpu.memory_space<hbm>>
      tpu.enqueue_indirect_dma source(%dma_start3A_260 : memref<10240x128xf32, #tpu.memory_space<hbm>>) target(%arg10 : memref<128x128xf32, #tpu.memory_space<vmem>>) offsets(%dma_start3A_257 : memref<128xi32, #tpu.memory_space<vmem>>) semaphore(%arg13 : memref<!tpu.dma_semaphore, #tpu.memory_space<semaphore_mem>>)
      %dma_wait3A_261 = arith.constant 8 : i32
      %dma_wait3A_262 = arith.constant 0 : i32
      %dma_wait3A_263 = tpu.memref_slice %arg7[%dma_wait3A_261, %dma_wait3A_262] : memref<16x128xi32, #tpu.memory_space<vmem>> -> memref<1x128xi32, #tpu.memory_space<vmem>>
      %dma_wait3A_264 = tpu.memref_squeeze %dma_wait3A_263 : memref<1x128xi32, #tpu.memory_space<vmem>> -> memref<128xi32, #tpu.memory_space<vmem>>
      %dma_wait3A_265 = arith.constant 0 : i32
      %dma_wait3A_266 = arith.constant 0 : i32
      %dma_wait3A_267 = tpu.memref_slice %arg2[%dma_wait3A_265, %dma_wait3A_266] : memref<10240x128xf32, #tpu.memory_space<hbm>> -> memref<10240x128xf32, #tpu.memory_space<hbm>>
      tpu.wait_indirect_dma semaphore(%arg12 : memref<!tpu.dma_semaphore, #tpu.memory_space<semaphore_mem>>) src(%dma_wait3A_267 : memref<10240x128xf32, #tpu.memory_space<hbm>>) dst(%arg9 : memref<128x128xf32, #tpu.memory_space<vmem>>)
      %dma_start3A_268 = arith.constant 8 : i32
      %dma_start3A_269 = arith.constant 0 : i32
      %dma_start3A_270 = tpu.memref_slice %arg8[%dma_start3A_268, %dma_start3A_269] : memref<16x128xi32, #tpu.memory_space<vmem>> -> memref<1x128xi32, #tpu.memory_space<vmem>>
      %dma_start3A_271 = tpu.memref_squeeze %dma_start3A_270 : memref<1x128xi32, #tpu.memory_space<vmem>> -> memref<128xi32, #tpu.memory_space<vmem>>
      %dma_start3A_272 = arith.constant 0 : i32
      %dma_start3A_273 = arith.constant 0 : i32
      %dma_start3A_274 = tpu.memref_slice %arg11[%dma_start3A_272, %dma_start3A_273] : memref<10240x128xf32, #tpu.memory_space<vmem_shared>> -> memref<10240x128xf32, #tpu.memory_space<vmem_shared>>
      tpu.enqueue_indirect_dma source(%arg9 : memref<128x128xf32, #tpu.memory_space<vmem>>) target(%dma_start3A_274 : memref<10240x128xf32, #tpu.memory_space<vmem_shared>>) offsets(%dma_start3A_271 : memref<128xi32, #tpu.memory_space<vmem>>) semaphore(%arg14 : memref<!tpu.dma_semaphore, #tpu.memory_space<semaphore_mem>>) {add = true}
      %dma_wait3A_275 = arith.constant 8 : i32
      %dma_wait3A_276 = arith.constant 0 : i32
      %dma_wait3A_277 = tpu.memref_slice %arg8[%dma_wait3A_275, %dma_wait3A_276] : memref<16x128xi32, #tpu.memory_space<vmem>> -> memref<1x128xi32, #tpu.memory_space<vmem>>
      %dma_wait3A_278 = tpu.memref_squeeze %dma_wait3A_277 : memref<1x128xi32, #tpu.memory_space<vmem>> -> memref<128xi32, #tpu.memory_space<vmem>>
      %dma_wait3A_279 = arith.constant 0 : i32
      %dma_wait3A_280 = arith.constant 0 : i32
      %dma_wait3A_281 = tpu.memref_slice %arg11[%dma_wait3A_279, %dma_wait3A_280] : memref<10240x128xf32, #tpu.memory_space<vmem_shared>> -> memref<10240x128xf32, #tpu.memory_space<vmem_shared>>
      tpu.wait_indirect_dma semaphore(%arg14 : memref<!tpu.dma_semaphore, #tpu.memory_space<semaphore_mem>>) src(%arg9 : memref<128x128xf32, #tpu.memory_space<vmem>>) dst(%dma_wait3A_281 : memref<10240x128xf32, #tpu.memory_space<vmem_shared>>)
      %dma_start3A_282 = arith.constant 10 : i32
      %dma_start3A_283 = arith.constant 0 : i32
      %dma_start3A_284 = tpu.memref_slice %arg7[%dma_start3A_282, %dma_start3A_283] : memref<16x128xi32, #tpu.memory_space<vmem>> -> memref<1x128xi32, #tpu.memory_space<vmem>>
      %dma_start3A_285 = tpu.memref_squeeze %dma_start3A_284 : memref<1x128xi32, #tpu.memory_space<vmem>> -> memref<128xi32, #tpu.memory_space<vmem>>
      %dma_start3A_286 = arith.constant 0 : i32
      %dma_start3A_287 = arith.constant 0 : i32
      %dma_start3A_288 = tpu.memref_slice %arg2[%dma_start3A_286, %dma_start3A_287] : memref<10240x128xf32, #tpu.memory_space<hbm>> -> memref<10240x128xf32, #tpu.memory_space<hbm>>
      tpu.enqueue_indirect_dma source(%dma_start3A_288 : memref<10240x128xf32, #tpu.memory_space<hbm>>) target(%arg9 : memref<128x128xf32, #tpu.memory_space<vmem>>) offsets(%dma_start3A_285 : memref<128xi32, #tpu.memory_space<vmem>>) semaphore(%arg12 : memref<!tpu.dma_semaphore, #tpu.memory_space<semaphore_mem>>)
      %dma_wait3A_289 = arith.constant 9 : i32
      %dma_wait3A_290 = arith.constant 0 : i32
      %dma_wait3A_291 = tpu.memref_slice %arg7[%dma_wait3A_289, %dma_wait3A_290] : memref<16x128xi32, #tpu.memory_space<vmem>> -> memref<1x128xi32, #tpu.memory_space<vmem>>
      %dma_wait3A_292 = tpu.memref_squeeze %dma_wait3A_291 : memref<1x128xi32, #tpu.memory_space<vmem>> -> memref<128xi32, #tpu.memory_space<vmem>>
      %dma_wait3A_293 = arith.constant 0 : i32
      %dma_wait3A_294 = arith.constant 0 : i32
      %dma_wait3A_295 = tpu.memref_slice %arg2[%dma_wait3A_293, %dma_wait3A_294] : memref<10240x128xf32, #tpu.memory_space<hbm>> -> memref<10240x128xf32, #tpu.memory_space<hbm>>
      tpu.wait_indirect_dma semaphore(%arg13 : memref<!tpu.dma_semaphore, #tpu.memory_space<semaphore_mem>>) src(%dma_wait3A_295 : memref<10240x128xf32, #tpu.memory_space<hbm>>) dst(%arg10 : memref<128x128xf32, #tpu.memory_space<vmem>>)
      %dma_start3A_296 = arith.constant 9 : i32
      %dma_start3A_297 = arith.constant 0 : i32
      %dma_start3A_298 = tpu.memref_slice %arg8[%dma_start3A_296, %dma_start3A_297] : memref<16x128xi32, #tpu.memory_space<vmem>> -> memref<1x128xi32, #tpu.memory_space<vmem>>
      %dma_start3A_299 = tpu.memref_squeeze %dma_start3A_298 : memref<1x128xi32, #tpu.memory_space<vmem>> -> memref<128xi32, #tpu.memory_space<vmem>>
      %dma_start3A_300 = arith.constant 0 : i32
      %dma_start3A_301 = arith.constant 0 : i32
      %dma_start3A_302 = tpu.memref_slice %arg11[%dma_start3A_300, %dma_start3A_301] : memref<10240x128xf32, #tpu.memory_space<vmem_shared>> -> memref<10240x128xf32, #tpu.memory_space<vmem_shared>>
      tpu.enqueue_indirect_dma source(%arg10 : memref<128x128xf32, #tpu.memory_space<vmem>>) target(%dma_start3A_302 : memref<10240x128xf32, #tpu.memory_space<vmem_shared>>) offsets(%dma_start3A_299 : memref<128xi32, #tpu.memory_space<vmem>>) semaphore(%arg15 : memref<!tpu.dma_semaphore, #tpu.memory_space<semaphore_mem>>) {add = true}
      %dma_wait3A_303 = arith.constant 9 : i32
      %dma_wait3A_304 = arith.constant 0 : i32
      %dma_wait3A_305 = tpu.memref_slice %arg8[%dma_wait3A_303, %dma_wait3A_304] : memref<16x128xi32, #tpu.memory_space<vmem>> -> memref<1x128xi32, #tpu.memory_space<vmem>>
      %dma_wait3A_306 = tpu.memref_squeeze %dma_wait3A_305 : memref<1x128xi32, #tpu.memory_space<vmem>> -> memref<128xi32, #tpu.memory_space<vmem>>
      %dma_wait3A_307 = arith.constant 0 : i32
      %dma_wait3A_308 = arith.constant 0 : i32
      %dma_wait3A_309 = tpu.memref_slice %arg11[%dma_wait3A_307, %dma_wait3A_308] : memref<10240x128xf32, #tpu.memory_space<vmem_shared>> -> memref<10240x128xf32, #tpu.memory_space<vmem_shared>>
      tpu.wait_indirect_dma semaphore(%arg15 : memref<!tpu.dma_semaphore, #tpu.memory_space<semaphore_mem>>) src(%arg10 : memref<128x128xf32, #tpu.memory_space<vmem>>) dst(%dma_wait3A_309 : memref<10240x128xf32, #tpu.memory_space<vmem_shared>>)
      %dma_start3A_310 = arith.constant 11 : i32
      %dma_start3A_311 = arith.constant 0 : i32
      %dma_start3A_312 = tpu.memref_slice %arg7[%dma_start3A_310, %dma_start3A_311] : memref<16x128xi32, #tpu.memory_space<vmem>> -> memref<1x128xi32, #tpu.memory_space<vmem>>
      %dma_start3A_313 = tpu.memref_squeeze %dma_start3A_312 : memref<1x128xi32, #tpu.memory_space<vmem>> -> memref<128xi32, #tpu.memory_space<vmem>>
      %dma_start3A_314 = arith.constant 0 : i32
      %dma_start3A_315 = arith.constant 0 : i32
      %dma_start3A_316 = tpu.memref_slice %arg2[%dma_start3A_314, %dma_start3A_315] : memref<10240x128xf32, #tpu.memory_space<hbm>> -> memref<10240x128xf32, #tpu.memory_space<hbm>>
      tpu.enqueue_indirect_dma source(%dma_start3A_316 : memref<10240x128xf32, #tpu.memory_space<hbm>>) target(%arg10 : memref<128x128xf32, #tpu.memory_space<vmem>>) offsets(%dma_start3A_313 : memref<128xi32, #tpu.memory_space<vmem>>) semaphore(%arg13 : memref<!tpu.dma_semaphore, #tpu.memory_space<semaphore_mem>>)
      %dma_wait3A_317 = arith.constant 10 : i32
      %dma_wait3A_318 = arith.constant 0 : i32
      %dma_wait3A_319 = tpu.memref_slice %arg7[%dma_wait3A_317, %dma_wait3A_318] : memref<16x128xi32, #tpu.memory_space<vmem>> -> memref<1x128xi32, #tpu.memory_space<vmem>>
      %dma_wait3A_320 = tpu.memref_squeeze %dma_wait3A_319 : memref<1x128xi32, #tpu.memory_space<vmem>> -> memref<128xi32, #tpu.memory_space<vmem>>
      %dma_wait3A_321 = arith.constant 0 : i32
      %dma_wait3A_322 = arith.constant 0 : i32
      %dma_wait3A_323 = tpu.memref_slice %arg2[%dma_wait3A_321, %dma_wait3A_322] : memref<10240x128xf32, #tpu.memory_space<hbm>> -> memref<10240x128xf32, #tpu.memory_space<hbm>>
      tpu.wait_indirect_dma semaphore(%arg12 : memref<!tpu.dma_semaphore, #tpu.memory_space<semaphore_mem>>) src(%dma_wait3A_323 : memref<10240x128xf32, #tpu.memory_space<hbm>>) dst(%arg9 : memref<128x128xf32, #tpu.memory_space<vmem>>)
      %dma_start3A_324 = arith.constant 10 : i32
      %dma_start3A_325 = arith.constant 0 : i32
      %dma_start3A_326 = tpu.memref_slice %arg8[%dma_start3A_324, %dma_start3A_325] : memref<16x128xi32, #tpu.memory_space<vmem>> -> memref<1x128xi32, #tpu.memory_space<vmem>>
      %dma_start3A_327 = tpu.memref_squeeze %dma_start3A_326 : memref<1x128xi32, #tpu.memory_space<vmem>> -> memref<128xi32, #tpu.memory_space<vmem>>
      %dma_start3A_328 = arith.constant 0 : i32
      %dma_start3A_329 = arith.constant 0 : i32
      %dma_start3A_330 = tpu.memref_slice %arg11[%dma_start3A_328, %dma_start3A_329] : memref<10240x128xf32, #tpu.memory_space<vmem_shared>> -> memref<10240x128xf32, #tpu.memory_space<vmem_shared>>
      tpu.enqueue_indirect_dma source(%arg9 : memref<128x128xf32, #tpu.memory_space<vmem>>) target(%dma_start3A_330 : memref<10240x128xf32, #tpu.memory_space<vmem_shared>>) offsets(%dma_start3A_327 : memref<128xi32, #tpu.memory_space<vmem>>) semaphore(%arg14 : memref<!tpu.dma_semaphore, #tpu.memory_space<semaphore_mem>>) {add = true}
      %dma_wait3A_331 = arith.constant 10 : i32
      %dma_wait3A_332 = arith.constant 0 : i32
      %dma_wait3A_333 = tpu.memref_slice %arg8[%dma_wait3A_331, %dma_wait3A_332] : memref<16x128xi32, #tpu.memory_space<vmem>> -> memref<1x128xi32, #tpu.memory_space<vmem>>
      %dma_wait3A_334 = tpu.memref_squeeze %dma_wait3A_333 : memref<1x128xi32, #tpu.memory_space<vmem>> -> memref<128xi32, #tpu.memory_space<vmem>>
      %dma_wait3A_335 = arith.constant 0 : i32
      %dma_wait3A_336 = arith.constant 0 : i32
      %dma_wait3A_337 = tpu.memref_slice %arg11[%dma_wait3A_335, %dma_wait3A_336] : memref<10240x128xf32, #tpu.memory_space<vmem_shared>> -> memref<10240x128xf32, #tpu.memory_space<vmem_shared>>
      tpu.wait_indirect_dma semaphore(%arg14 : memref<!tpu.dma_semaphore, #tpu.memory_space<semaphore_mem>>) src(%arg9 : memref<128x128xf32, #tpu.memory_space<vmem>>) dst(%dma_wait3A_337 : memref<10240x128xf32, #tpu.memory_space<vmem_shared>>)
      %dma_start3A_338 = arith.constant 12 : i32
      %dma_start3A_339 = arith.constant 0 : i32
      %dma_start3A_340 = tpu.memref_slice %arg7[%dma_start3A_338, %dma_start3A_339] : memref<16x128xi32, #tpu.memory_space<vmem>> -> memref<1x128xi32, #tpu.memory_space<vmem>>
      %dma_start3A_341 = tpu.memref_squeeze %dma_start3A_340 : memref<1x128xi32, #tpu.memory_space<vmem>> -> memref<128xi32, #tpu.memory_space<vmem>>
      %dma_start3A_342 = arith.constant 0 : i32
      %dma_start3A_343 = arith.constant 0 : i32
      %dma_start3A_344 = tpu.memref_slice %arg2[%dma_start3A_342, %dma_start3A_343] : memref<10240x128xf32, #tpu.memory_space<hbm>> -> memref<10240x128xf32, #tpu.memory_space<hbm>>
      tpu.enqueue_indirect_dma source(%dma_start3A_344 : memref<10240x128xf32, #tpu.memory_space<hbm>>) target(%arg9 : memref<128x128xf32, #tpu.memory_space<vmem>>) offsets(%dma_start3A_341 : memref<128xi32, #tpu.memory_space<vmem>>) semaphore(%arg12 : memref<!tpu.dma_semaphore, #tpu.memory_space<semaphore_mem>>)
      %dma_wait3A_345 = arith.constant 11 : i32
      %dma_wait3A_346 = arith.constant 0 : i32
      %dma_wait3A_347 = tpu.memref_slice %arg7[%dma_wait3A_345, %dma_wait3A_346] : memref<16x128xi32, #tpu.memory_space<vmem>> -> memref<1x128xi32, #tpu.memory_space<vmem>>
      %dma_wait3A_348 = tpu.memref_squeeze %dma_wait3A_347 : memref<1x128xi32, #tpu.memory_space<vmem>> -> memref<128xi32, #tpu.memory_space<vmem>>
      %dma_wait3A_349 = arith.constant 0 : i32
      %dma_wait3A_350 = arith.constant 0 : i32
      %dma_wait3A_351 = tpu.memref_slice %arg2[%dma_wait3A_349, %dma_wait3A_350] : memref<10240x128xf32, #tpu.memory_space<hbm>> -> memref<10240x128xf32, #tpu.memory_space<hbm>>
      tpu.wait_indirect_dma semaphore(%arg13 : memref<!tpu.dma_semaphore, #tpu.memory_space<semaphore_mem>>) src(%dma_wait3A_351 : memref<10240x128xf32, #tpu.memory_space<hbm>>) dst(%arg10 : memref<128x128xf32, #tpu.memory_space<vmem>>)
      %dma_start3A_352 = arith.constant 11 : i32
      %dma_start3A_353 = arith.constant 0 : i32
      %dma_start3A_354 = tpu.memref_slice %arg8[%dma_start3A_352, %dma_start3A_353] : memref<16x128xi32, #tpu.memory_space<vmem>> -> memref<1x128xi32, #tpu.memory_space<vmem>>
      %dma_start3A_355 = tpu.memref_squeeze %dma_start3A_354 : memref<1x128xi32, #tpu.memory_space<vmem>> -> memref<128xi32, #tpu.memory_space<vmem>>
      %dma_start3A_356 = arith.constant 0 : i32
      %dma_start3A_357 = arith.constant 0 : i32
      %dma_start3A_358 = tpu.memref_slice %arg11[%dma_start3A_356, %dma_start3A_357] : memref<10240x128xf32, #tpu.memory_space<vmem_shared>> -> memref<10240x128xf32, #tpu.memory_space<vmem_shared>>
      tpu.enqueue_indirect_dma source(%arg10 : memref<128x128xf32, #tpu.memory_space<vmem>>) target(%dma_start3A_358 : memref<10240x128xf32, #tpu.memory_space<vmem_shared>>) offsets(%dma_start3A_355 : memref<128xi32, #tpu.memory_space<vmem>>) semaphore(%arg15 : memref<!tpu.dma_semaphore, #tpu.memory_space<semaphore_mem>>) {add = true}
      %dma_wait3A_359 = arith.constant 11 : i32
      %dma_wait3A_360 = arith.constant 0 : i32
      %dma_wait3A_361 = tpu.memref_slice %arg8[%dma_wait3A_359, %dma_wait3A_360] : memref<16x128xi32, #tpu.memory_space<vmem>> -> memref<1x128xi32, #tpu.memory_space<vmem>>
      %dma_wait3A_362 = tpu.memref_squeeze %dma_wait3A_361 : memref<1x128xi32, #tpu.memory_space<vmem>> -> memref<128xi32, #tpu.memory_space<vmem>>
      %dma_wait3A_363 = arith.constant 0 : i32
      %dma_wait3A_364 = arith.constant 0 : i32
      %dma_wait3A_365 = tpu.memref_slice %arg11[%dma_wait3A_363, %dma_wait3A_364] : memref<10240x128xf32, #tpu.memory_space<vmem_shared>> -> memref<10240x128xf32, #tpu.memory_space<vmem_shared>>
      tpu.wait_indirect_dma semaphore(%arg15 : memref<!tpu.dma_semaphore, #tpu.memory_space<semaphore_mem>>) src(%arg10 : memref<128x128xf32, #tpu.memory_space<vmem>>) dst(%dma_wait3A_365 : memref<10240x128xf32, #tpu.memory_space<vmem_shared>>)
      %dma_start3A_366 = arith.constant 13 : i32
      %dma_start3A_367 = arith.constant 0 : i32
      %dma_start3A_368 = tpu.memref_slice %arg7[%dma_start3A_366, %dma_start3A_367] : memref<16x128xi32, #tpu.memory_space<vmem>> -> memref<1x128xi32, #tpu.memory_space<vmem>>
      %dma_start3A_369 = tpu.memref_squeeze %dma_start3A_368 : memref<1x128xi32, #tpu.memory_space<vmem>> -> memref<128xi32, #tpu.memory_space<vmem>>
      %dma_start3A_370 = arith.constant 0 : i32
      %dma_start3A_371 = arith.constant 0 : i32
      %dma_start3A_372 = tpu.memref_slice %arg2[%dma_start3A_370, %dma_start3A_371] : memref<10240x128xf32, #tpu.memory_space<hbm>> -> memref<10240x128xf32, #tpu.memory_space<hbm>>
      tpu.enqueue_indirect_dma source(%dma_start3A_372 : memref<10240x128xf32, #tpu.memory_space<hbm>>) target(%arg10 : memref<128x128xf32, #tpu.memory_space<vmem>>) offsets(%dma_start3A_369 : memref<128xi32, #tpu.memory_space<vmem>>) semaphore(%arg13 : memref<!tpu.dma_semaphore, #tpu.memory_space<semaphore_mem>>)
      %dma_wait3A_373 = arith.constant 12 : i32
      %dma_wait3A_374 = arith.constant 0 : i32
      %dma_wait3A_375 = tpu.memref_slice %arg7[%dma_wait3A_373, %dma_wait3A_374] : memref<16x128xi32, #tpu.memory_space<vmem>> -> memref<1x128xi32, #tpu.memory_space<vmem>>
      %dma_wait3A_376 = tpu.memref_squeeze %dma_wait3A_375 : memref<1x128xi32, #tpu.memory_space<vmem>> -> memref<128xi32, #tpu.memory_space<vmem>>
      %dma_wait3A_377 = arith.constant 0 : i32
      %dma_wait3A_378 = arith.constant 0 : i32
      %dma_wait3A_379 = tpu.memref_slice %arg2[%dma_wait3A_377, %dma_wait3A_378] : memref<10240x128xf32, #tpu.memory_space<hbm>> -> memref<10240x128xf32, #tpu.memory_space<hbm>>
      tpu.wait_indirect_dma semaphore(%arg12 : memref<!tpu.dma_semaphore, #tpu.memory_space<semaphore_mem>>) src(%dma_wait3A_379 : memref<10240x128xf32, #tpu.memory_space<hbm>>) dst(%arg9 : memref<128x128xf32, #tpu.memory_space<vmem>>)
      %dma_start3A_380 = arith.constant 12 : i32
      %dma_start3A_381 = arith.constant 0 : i32
      %dma_start3A_382 = tpu.memref_slice %arg8[%dma_start3A_380, %dma_start3A_381] : memref<16x128xi32, #tpu.memory_space<vmem>> -> memref<1x128xi32, #tpu.memory_space<vmem>>
      %dma_start3A_383 = tpu.memref_squeeze %dma_start3A_382 : memref<1x128xi32, #tpu.memory_space<vmem>> -> memref<128xi32, #tpu.memory_space<vmem>>
      %dma_start3A_384 = arith.constant 0 : i32
      %dma_start3A_385 = arith.constant 0 : i32
      %dma_start3A_386 = tpu.memref_slice %arg11[%dma_start3A_384, %dma_start3A_385] : memref<10240x128xf32, #tpu.memory_space<vmem_shared>> -> memref<10240x128xf32, #tpu.memory_space<vmem_shared>>
      tpu.enqueue_indirect_dma source(%arg9 : memref<128x128xf32, #tpu.memory_space<vmem>>) target(%dma_start3A_386 : memref<10240x128xf32, #tpu.memory_space<vmem_shared>>) offsets(%dma_start3A_383 : memref<128xi32, #tpu.memory_space<vmem>>) semaphore(%arg14 : memref<!tpu.dma_semaphore, #tpu.memory_space<semaphore_mem>>) {add = true}
      %dma_wait3A_387 = arith.constant 12 : i32
      %dma_wait3A_388 = arith.constant 0 : i32
      %dma_wait3A_389 = tpu.memref_slice %arg8[%dma_wait3A_387, %dma_wait3A_388] : memref<16x128xi32, #tpu.memory_space<vmem>> -> memref<1x128xi32, #tpu.memory_space<vmem>>
      %dma_wait3A_390 = tpu.memref_squeeze %dma_wait3A_389 : memref<1x128xi32, #tpu.memory_space<vmem>> -> memref<128xi32, #tpu.memory_space<vmem>>
      %dma_wait3A_391 = arith.constant 0 : i32
      %dma_wait3A_392 = arith.constant 0 : i32
      %dma_wait3A_393 = tpu.memref_slice %arg11[%dma_wait3A_391, %dma_wait3A_392] : memref<10240x128xf32, #tpu.memory_space<vmem_shared>> -> memref<10240x128xf32, #tpu.memory_space<vmem_shared>>
      tpu.wait_indirect_dma semaphore(%arg14 : memref<!tpu.dma_semaphore, #tpu.memory_space<semaphore_mem>>) src(%arg9 : memref<128x128xf32, #tpu.memory_space<vmem>>) dst(%dma_wait3A_393 : memref<10240x128xf32, #tpu.memory_space<vmem_shared>>)
      %dma_start3A_394 = arith.constant 14 : i32
      %dma_start3A_395 = arith.constant 0 : i32
      %dma_start3A_396 = tpu.memref_slice %arg7[%dma_start3A_394, %dma_start3A_395] : memref<16x128xi32, #tpu.memory_space<vmem>> -> memref<1x128xi32, #tpu.memory_space<vmem>>
      %dma_start3A_397 = tpu.memref_squeeze %dma_start3A_396 : memref<1x128xi32, #tpu.memory_space<vmem>> -> memref<128xi32, #tpu.memory_space<vmem>>
      %dma_start3A_398 = arith.constant 0 : i32
      %dma_start3A_399 = arith.constant 0 : i32
      %dma_start3A_400 = tpu.memref_slice %arg2[%dma_start3A_398, %dma_start3A_399] : memref<10240x128xf32, #tpu.memory_space<hbm>> -> memref<10240x128xf32, #tpu.memory_space<hbm>>
      tpu.enqueue_indirect_dma source(%dma_start3A_400 : memref<10240x128xf32, #tpu.memory_space<hbm>>) target(%arg9 : memref<128x128xf32, #tpu.memory_space<vmem>>) offsets(%dma_start3A_397 : memref<128xi32, #tpu.memory_space<vmem>>) semaphore(%arg12 : memref<!tpu.dma_semaphore, #tpu.memory_space<semaphore_mem>>)
      %dma_wait3A_401 = arith.constant 13 : i32
      %dma_wait3A_402 = arith.constant 0 : i32
      %dma_wait3A_403 = tpu.memref_slice %arg7[%dma_wait3A_401, %dma_wait3A_402] : memref<16x128xi32, #tpu.memory_space<vmem>> -> memref<1x128xi32, #tpu.memory_space<vmem>>
      %dma_wait3A_404 = tpu.memref_squeeze %dma_wait3A_403 : memref<1x128xi32, #tpu.memory_space<vmem>> -> memref<128xi32, #tpu.memory_space<vmem>>
      %dma_wait3A_405 = arith.constant 0 : i32
      %dma_wait3A_406 = arith.constant 0 : i32
      %dma_wait3A_407 = tpu.memref_slice %arg2[%dma_wait3A_405, %dma_wait3A_406] : memref<10240x128xf32, #tpu.memory_space<hbm>> -> memref<10240x128xf32, #tpu.memory_space<hbm>>
      tpu.wait_indirect_dma semaphore(%arg13 : memref<!tpu.dma_semaphore, #tpu.memory_space<semaphore_mem>>) src(%dma_wait3A_407 : memref<10240x128xf32, #tpu.memory_space<hbm>>) dst(%arg10 : memref<128x128xf32, #tpu.memory_space<vmem>>)
      %dma_start3A_408 = arith.constant 13 : i32
      %dma_start3A_409 = arith.constant 0 : i32
      %dma_start3A_410 = tpu.memref_slice %arg8[%dma_start3A_408, %dma_start3A_409] : memref<16x128xi32, #tpu.memory_space<vmem>> -> memref<1x128xi32, #tpu.memory_space<vmem>>
      %dma_start3A_411 = tpu.memref_squeeze %dma_start3A_410 : memref<1x128xi32, #tpu.memory_space<vmem>> -> memref<128xi32, #tpu.memory_space<vmem>>
      %dma_start3A_412 = arith.constant 0 : i32
      %dma_start3A_413 = arith.constant 0 : i32
      %dma_start3A_414 = tpu.memref_slice %arg11[%dma_start3A_412, %dma_start3A_413] : memref<10240x128xf32, #tpu.memory_space<vmem_shared>> -> memref<10240x128xf32, #tpu.memory_space<vmem_shared>>
      tpu.enqueue_indirect_dma source(%arg10 : memref<128x128xf32, #tpu.memory_space<vmem>>) target(%dma_start3A_414 : memref<10240x128xf32, #tpu.memory_space<vmem_shared>>) offsets(%dma_start3A_411 : memref<128xi32, #tpu.memory_space<vmem>>) semaphore(%arg15 : memref<!tpu.dma_semaphore, #tpu.memory_space<semaphore_mem>>) {add = true}
      %dma_wait3A_415 = arith.constant 13 : i32
      %dma_wait3A_416 = arith.constant 0 : i32
      %dma_wait3A_417 = tpu.memref_slice %arg8[%dma_wait3A_415, %dma_wait3A_416] : memref<16x128xi32, #tpu.memory_space<vmem>> -> memref<1x128xi32, #tpu.memory_space<vmem>>
      %dma_wait3A_418 = tpu.memref_squeeze %dma_wait3A_417 : memref<1x128xi32, #tpu.memory_space<vmem>> -> memref<128xi32, #tpu.memory_space<vmem>>
      %dma_wait3A_419 = arith.constant 0 : i32
      %dma_wait3A_420 = arith.constant 0 : i32
      %dma_wait3A_421 = tpu.memref_slice %arg11[%dma_wait3A_419, %dma_wait3A_420] : memref<10240x128xf32, #tpu.memory_space<vmem_shared>> -> memref<10240x128xf32, #tpu.memory_space<vmem_shared>>
      tpu.wait_indirect_dma semaphore(%arg15 : memref<!tpu.dma_semaphore, #tpu.memory_space<semaphore_mem>>) src(%arg10 : memref<128x128xf32, #tpu.memory_space<vmem>>) dst(%dma_wait3A_421 : memref<10240x128xf32, #tpu.memory_space<vmem_shared>>)
      %dma_start3A_422 = arith.constant 15 : i32
      %dma_start3A_423 = arith.constant 0 : i32
      %dma_start3A_424 = tpu.memref_slice %arg7[%dma_start3A_422, %dma_start3A_423] : memref<16x128xi32, #tpu.memory_space<vmem>> -> memref<1x128xi32, #tpu.memory_space<vmem>>
      %dma_start3A_425 = tpu.memref_squeeze %dma_start3A_424 : memref<1x128xi32, #tpu.memory_space<vmem>> -> memref<128xi32, #tpu.memory_space<vmem>>
      %dma_start3A_426 = arith.constant 0 : i32
      %dma_start3A_427 = arith.constant 0 : i32
      %dma_start3A_428 = tpu.memref_slice %arg2[%dma_start3A_426, %dma_start3A_427] : memref<10240x128xf32, #tpu.memory_space<hbm>> -> memref<10240x128xf32, #tpu.memory_space<hbm>>
      tpu.enqueue_indirect_dma source(%dma_start3A_428 : memref<10240x128xf32, #tpu.memory_space<hbm>>) target(%arg10 : memref<128x128xf32, #tpu.memory_space<vmem>>) offsets(%dma_start3A_425 : memref<128xi32, #tpu.memory_space<vmem>>) semaphore(%arg13 : memref<!tpu.dma_semaphore, #tpu.memory_space<semaphore_mem>>)
      %dma_wait3A_429 = arith.constant 14 : i32
      %dma_wait3A_430 = arith.constant 0 : i32
      %dma_wait3A_431 = tpu.memref_slice %arg7[%dma_wait3A_429, %dma_wait3A_430] : memref<16x128xi32, #tpu.memory_space<vmem>> -> memref<1x128xi32, #tpu.memory_space<vmem>>
      %dma_wait3A_432 = tpu.memref_squeeze %dma_wait3A_431 : memref<1x128xi32, #tpu.memory_space<vmem>> -> memref<128xi32, #tpu.memory_space<vmem>>
      %dma_wait3A_433 = arith.constant 0 : i32
      %dma_wait3A_434 = arith.constant 0 : i32
      %dma_wait3A_435 = tpu.memref_slice %arg2[%dma_wait3A_433, %dma_wait3A_434] : memref<10240x128xf32, #tpu.memory_space<hbm>> -> memref<10240x128xf32, #tpu.memory_space<hbm>>
      tpu.wait_indirect_dma semaphore(%arg12 : memref<!tpu.dma_semaphore, #tpu.memory_space<semaphore_mem>>) src(%dma_wait3A_435 : memref<10240x128xf32, #tpu.memory_space<hbm>>) dst(%arg9 : memref<128x128xf32, #tpu.memory_space<vmem>>)
      %dma_start3A_436 = arith.constant 14 : i32
      %dma_start3A_437 = arith.constant 0 : i32
      %dma_start3A_438 = tpu.memref_slice %arg8[%dma_start3A_436, %dma_start3A_437] : memref<16x128xi32, #tpu.memory_space<vmem>> -> memref<1x128xi32, #tpu.memory_space<vmem>>
      %dma_start3A_439 = tpu.memref_squeeze %dma_start3A_438 : memref<1x128xi32, #tpu.memory_space<vmem>> -> memref<128xi32, #tpu.memory_space<vmem>>
      %dma_start3A_440 = arith.constant 0 : i32
      %dma_start3A_441 = arith.constant 0 : i32
      %dma_start3A_442 = tpu.memref_slice %arg11[%dma_start3A_440, %dma_start3A_441] : memref<10240x128xf32, #tpu.memory_space<vmem_shared>> -> memref<10240x128xf32, #tpu.memory_space<vmem_shared>>
      tpu.enqueue_indirect_dma source(%arg9 : memref<128x128xf32, #tpu.memory_space<vmem>>) target(%dma_start3A_442 : memref<10240x128xf32, #tpu.memory_space<vmem_shared>>) offsets(%dma_start3A_439 : memref<128xi32, #tpu.memory_space<vmem>>) semaphore(%arg14 : memref<!tpu.dma_semaphore, #tpu.memory_space<semaphore_mem>>) {add = true}
      %dma_wait3A_443 = arith.constant 15 : i32
      %dma_wait3A_444 = arith.constant 0 : i32
      %dma_wait3A_445 = tpu.memref_slice %arg7[%dma_wait3A_443, %dma_wait3A_444] : memref<16x128xi32, #tpu.memory_space<vmem>> -> memref<1x128xi32, #tpu.memory_space<vmem>>
      %dma_wait3A_446 = tpu.memref_squeeze %dma_wait3A_445 : memref<1x128xi32, #tpu.memory_space<vmem>> -> memref<128xi32, #tpu.memory_space<vmem>>
      %dma_wait3A_447 = arith.constant 0 : i32
      %dma_wait3A_448 = arith.constant 0 : i32
      %dma_wait3A_449 = tpu.memref_slice %arg2[%dma_wait3A_447, %dma_wait3A_448] : memref<10240x128xf32, #tpu.memory_space<hbm>> -> memref<10240x128xf32, #tpu.memory_space<hbm>>
      tpu.wait_indirect_dma semaphore(%arg13 : memref<!tpu.dma_semaphore, #tpu.memory_space<semaphore_mem>>) src(%dma_wait3A_449 : memref<10240x128xf32, #tpu.memory_space<hbm>>) dst(%arg10 : memref<128x128xf32, #tpu.memory_space<vmem>>)
      %dma_start3A_450 = arith.constant 15 : i32
      %dma_start3A_451 = arith.constant 0 : i32
      %dma_start3A_452 = tpu.memref_slice %arg8[%dma_start3A_450, %dma_start3A_451] : memref<16x128xi32, #tpu.memory_space<vmem>> -> memref<1x128xi32, #tpu.memory_space<vmem>>
      %dma_start3A_453 = tpu.memref_squeeze %dma_start3A_452 : memref<1x128xi32, #tpu.memory_space<vmem>> -> memref<128xi32, #tpu.memory_space<vmem>>
      %dma_start3A_454 = arith.constant 0 : i32
      %dma_start3A_455 = arith.constant 0 : i32
      %dma_start3A_456 = tpu.memref_slice %arg11[%dma_start3A_454, %dma_start3A_455] : memref<10240x128xf32, #tpu.memory_space<vmem_shared>> -> memref<10240x128xf32, #tpu.memory_space<vmem_shared>>
      tpu.enqueue_indirect_dma source(%arg10 : memref<128x128xf32, #tpu.memory_space<vmem>>) target(%dma_start3A_456 : memref<10240x128xf32, #tpu.memory_space<vmem_shared>>) offsets(%dma_start3A_453 : memref<128xi32, #tpu.memory_space<vmem>>) semaphore(%arg15 : memref<!tpu.dma_semaphore, #tpu.memory_space<semaphore_mem>>) {add = true}
      %dma_wait3A_457 = arith.constant 14 : i32
      %dma_wait3A_458 = arith.constant 0 : i32
      %dma_wait3A_459 = tpu.memref_slice %arg8[%dma_wait3A_457, %dma_wait3A_458] : memref<16x128xi32, #tpu.memory_space<vmem>> -> memref<1x128xi32, #tpu.memory_space<vmem>>
      %dma_wait3A_460 = tpu.memref_squeeze %dma_wait3A_459 : memref<1x128xi32, #tpu.memory_space<vmem>> -> memref<128xi32, #tpu.memory_space<vmem>>
      %dma_wait3A_461 = arith.constant 0 : i32
      %dma_wait3A_462 = arith.constant 0 : i32
      %dma_wait3A_463 = tpu.memref_slice %arg11[%dma_wait3A_461, %dma_wait3A_462] : memref<10240x128xf32, #tpu.memory_space<vmem_shared>> -> memref<10240x128xf32, #tpu.memory_space<vmem_shared>>
      tpu.wait_indirect_dma semaphore(%arg14 : memref<!tpu.dma_semaphore, #tpu.memory_space<semaphore_mem>>) src(%arg9 : memref<128x128xf32, #tpu.memory_space<vmem>>) dst(%dma_wait3A_463 : memref<10240x128xf32, #tpu.memory_space<vmem_shared>>)
      %dma_wait3A_464 = arith.constant 15 : i32
      %dma_wait3A_465 = arith.constant 0 : i32
      %dma_wait3A_466 = tpu.memref_slice %arg8[%dma_wait3A_464, %dma_wait3A_465] : memref<16x128xi32, #tpu.memory_space<vmem>> -> memref<1x128xi32, #tpu.memory_space<vmem>>
      %dma_wait3A_467 = tpu.memref_squeeze %dma_wait3A_466 : memref<1x128xi32, #tpu.memory_space<vmem>> -> memref<128xi32, #tpu.memory_space<vmem>>
      %dma_wait3A_468 = arith.constant 0 : i32
      %dma_wait3A_469 = arith.constant 0 : i32
      %dma_wait3A_470 = tpu.memref_slice %arg11[%dma_wait3A_468, %dma_wait3A_469] : memref<10240x128xf32, #tpu.memory_space<vmem_shared>> -> memref<10240x128xf32, #tpu.memory_space<vmem_shared>>
      tpu.wait_indirect_dma semaphore(%arg15 : memref<!tpu.dma_semaphore, #tpu.memory_space<semaphore_mem>>) src(%arg10 : memref<128x128xf32, #tpu.memory_space<vmem>>) dst(%dma_wait3A_470 : memref<10240x128xf32, #tpu.memory_space<vmem_shared>>)
    }
    %barrier3A_20 = arith.constant 0 : index
    tpu.barrier barrier_id(%barrier3A_20)
    "tpu.region"() ({
      %run_scoped3A = tpu.sem_alloc : memref<!tpu.dma_semaphore, #tpu.memory_space<semaphore_mem>>
      %dma_start3A = arith.constant 0 : i32
      %dma_start3A_21 = tpu.memref_slice %arg6[%arg0, %mul3A_10, %dma_start3A] : memref<2x10240x128xf32, #tpu.memory_space<hbm>> -> memref<1x640x128xf32, #tpu.memory_space<hbm>>
      %dma_start3A_22 = tpu.memref_squeeze %dma_start3A_21 : memref<1x640x128xf32, #tpu.memory_space<hbm>> -> memref<640x128xf32, #tpu.memory_space<hbm>>
      %dma_start3A_23 = arith.constant 0 : i32
      %dma_start3A_24 = tpu.memref_slice %arg11[%mul3A_10, %dma_start3A_23] : memref<10240x128xf32, #tpu.memory_space<vmem_shared>> -> memref<640x128xf32, #tpu.memory_space<vmem_shared>>
      tpu.enqueue_dma source(%dma_start3A_24 : memref<640x128xf32, #tpu.memory_space<vmem_shared>>) target(%dma_start3A_22 : memref<640x128xf32, #tpu.memory_space<hbm>>) target_semaphore(%run_scoped3A : memref<!tpu.dma_semaphore, #tpu.memory_space<semaphore_mem>>)
      %dma_wait3A = arith.constant 0 : i32
      %dma_wait3A_25 = tpu.memref_slice %arg6[%arg0, %mul3A_10, %dma_wait3A] : memref<2x10240x128xf32, #tpu.memory_space<hbm>> -> memref<1x640x128xf32, #tpu.memory_space<hbm>>
      %dma_wait3A_26 = tpu.memref_squeeze %dma_wait3A_25 : memref<1x640x128xf32, #tpu.memory_space<hbm>> -> memref<640x128xf32, #tpu.memory_space<hbm>>
      %dma_wait3A_27 = arith.constant 0 : i32
      %dma_wait3A_28 = tpu.memref_slice %arg11[%mul3A_10, %dma_wait3A_27] : memref<10240x128xf32, #tpu.memory_space<vmem_shared>> -> memref<640x128xf32, #tpu.memory_space<vmem_shared>>
      tpu.wait_dma2 semaphore(%run_scoped3A : memref<!tpu.dma_semaphore, #tpu.memory_space<semaphore_mem>>) src(%dma_wait3A_28 : memref<640x128xf32, #tpu.memory_space<vmem_shared>>) dst(%dma_wait3A_26 : memref<640x128xf32, #tpu.memory_space<hbm>>)
      tpu.yield
    }) : () -> ()
    return
  }
}

#map = affine_map<(d0, d1) -> (0, 0)>
#map1 = affine_map<(d0, d1) -> (0, 0, 0)>
module attributes {stable_mosaic.version = 14 : i64} {
  func.func @_agg(%arg0: i32, %arg1: i32, %arg2: memref<10240x128xf32, #tpu.memory_space<hbm>>, %arg3: memref<5120x128xi32, #tpu.memory_space<hbm>>, %arg4: memref<5120x128xi32, #tpu.memory_space<hbm>>, %arg5: memref<10240x128xf32, #tpu.memory_space<hbm>>, %arg6: memref<2x10240x128xf32, #tpu.memory_space<hbm>>, %arg7: memref<16x128xi32, #tpu.memory_space<vmem>>, %arg8: memref<16x128xi32, #tpu.memory_space<vmem>>, %arg9: memref<128x128xf32, #tpu.memory_space<vmem>>, %arg10: memref<128x128xf32, #tpu.memory_space<vmem>>, %arg11: memref<10240x128xf32, #tpu.memory_space<vmem_shared>>, %arg12: memref<!tpu.dma_semaphore, #tpu.memory_space<semaphore_mem>>, %arg13: memref<!tpu.dma_semaphore, #tpu.memory_space<semaphore_mem>>, %arg14: memref<!tpu.dma_semaphore, #tpu.memory_space<semaphore_mem>>, %arg15: memref<!tpu.dma_semaphore, #tpu.memory_space<semaphore_mem>>) attributes {dimension_semantics = [#tpu.dimension_semantics<core_parallel>, #tpu.dimension_semantics<subcore_parallel>], iteration_bounds = array<i64: 2, 16>, scalar_prefetch = 0 : i64, scratch_operands = 9 : i64, tpu.core_type = #tpu.core_type<sc_vector_subcore>, window_params = [{transform_indices = #map}, {transform_indices = #map}, {transform_indices = #map}, {transform_indices = #map}, {transform_indices = #map1}]} {
    %eq3A = arith.constant 0 : i32
    %eq3A_0 = arith.cmpi eq, %arg0, %eq3A : i32
    %mul3A = arith.constant 256 : i32
    %mul3A_1 = arith.muli %arg1, %mul3A : i32
    %mul3A_2 = arith.constant 64 : i32
    %mul3A_3 = arith.muli %arg1, %mul3A_2 : i32
    %add3A = arith.constant 4096 : i32
    %add3A_4 = arith.addi %add3A, %mul3A_3 : i32
    %select_n3A = arith.select %eq3A_0, %mul3A_1, %add3A_4 : i32
    %eq3A_5 = arith.constant 0 : i32
    %eq3A_6 = arith.cmpi eq, %arg0, %eq3A_5 : i32
    %jit3A = arith.constant 16 : i32
    %jit3A_7 = arith.constant 4 : i32
    %select_n3A_8 = arith.select %eq3A_6, %jit3A, %jit3A_7 : i32
    %mul3A_9 = arith.constant 640 : i32
    %mul3A_10 = arith.muli %arg1, %mul3A_9 : i32
    "tpu.region"() ({
      %run_scoped3A = tpu.sem_alloc : memref<!tpu.dma_semaphore, #tpu.memory_space<semaphore_mem>>
      %dma_start3A = arith.constant 0 : i32
      %dma_start3A_21 = tpu.memref_slice %arg11[%mul3A_10, %dma_start3A] : memref<10240x128xf32, #tpu.memory_space<vmem_shared>> -> memref<640x128xf32, #tpu.memory_space<vmem_shared>>
      %dma_start3A_22 = arith.constant 0 : i32
      %dma_start3A_23 = tpu.memref_slice %arg5[%mul3A_10, %dma_start3A_22] : memref<10240x128xf32, #tpu.memory_space<hbm>> -> memref<640x128xf32, #tpu.memory_space<hbm>>
      tpu.enqueue_dma source(%dma_start3A_23 : memref<640x128xf32, #tpu.memory_space<hbm>>) target(%dma_start3A_21 : memref<640x128xf32, #tpu.memory_space<vmem_shared>>) target_semaphore(%run_scoped3A : memref<!tpu.dma_semaphore, #tpu.memory_space<semaphore_mem>>)
      %dma_wait3A = arith.constant 0 : i32
      %dma_wait3A_24 = tpu.memref_slice %arg11[%mul3A_10, %dma_wait3A] : memref<10240x128xf32, #tpu.memory_space<vmem_shared>> -> memref<640x128xf32, #tpu.memory_space<vmem_shared>>
      %dma_wait3A_25 = arith.constant 0 : i32
      %dma_wait3A_26 = tpu.memref_slice %arg5[%mul3A_10, %dma_wait3A_25] : memref<10240x128xf32, #tpu.memory_space<hbm>> -> memref<640x128xf32, #tpu.memory_space<hbm>>
      tpu.wait_dma2 semaphore(%run_scoped3A : memref<!tpu.dma_semaphore, #tpu.memory_space<semaphore_mem>>) src(%dma_wait3A_26 : memref<640x128xf32, #tpu.memory_space<hbm>>) dst(%dma_wait3A_24 : memref<640x128xf32, #tpu.memory_space<vmem_shared>>)
      tpu.yield
    }) : () -> ()
    %barrier3A = arith.constant 0 : index
    tpu.barrier barrier_id(%barrier3A)
    %while3A = arith.constant 0 : i32
    %while3A_11 = arith.constant 0 : i32
    %while3A_12 = arith.subi %select_n3A_8, %while3A_11 : i32
    %while3A_13 = arith.addi %while3A_11, %while3A_12 : i32
    %while3A_14 = arith.constant 1 : i32
    %while3A_15 = arith.divsi %while3A_12, %while3A_14 : i32
    %while3A_16 = arith.muli %while3A_15, %while3A_14 : i32
    %while3A_17 = arith.addi %while3A_11, %while3A_16 : i32
    %while3A_18 = arith.constant 1 : i32
    scf.for %while3A_21 = %while3A_11 to %while3A_17 step %while3A_18  : i32 {
      %mul3A_22 = arith.constant 16 : i32
      %mul3A_23 = arith.muli %while3A_21, %mul3A_22 : i32
      %add3A_24 = arith.addi %select_n3A, %mul3A_23 : i32
      "tpu.region"() ({
        %run_scoped3A = tpu.sem_alloc : memref<!tpu.dma_semaphore, #tpu.memory_space<semaphore_mem>>
        %dma_start3A_471 = arith.constant 0 : i32
        %dma_start3A_472 = tpu.memref_slice %arg3[%add3A_24, %dma_start3A_471] : memref<5120x128xi32, #tpu.memory_space<hbm>> -> memref<16x128xi32, #tpu.memory_space<hbm>>
        %dma_start3A_473 = arith.constant 0 : i32
        %dma_start3A_474 = tpu.memref_slice %arg3[%add3A_24, %dma_start3A_473] : memref<5120x128xi32, #tpu.memory_space<hbm>> -> memref<16x128xi32, #tpu.memory_space<hbm>>
        tpu.enqueue_dma source(%dma_start3A_474 : memref<16x128xi32, #tpu.memory_space<hbm>>) target(%arg7 : memref<16x128xi32, #tpu.memory_space<vmem>>) target_semaphore(%run_scoped3A : memref<!tpu.dma_semaphore, #tpu.memory_space<semaphore_mem>>)
        %dma_wait3A_475 = arith.constant 0 : i32
        %dma_wait3A_476 = tpu.memref_slice %arg3[%add3A_24, %dma_wait3A_475] : memref<5120x128xi32, #tpu.memory_space<hbm>> -> memref<16x128xi32, #tpu.memory_space<hbm>>
        %dma_wait3A_477 = arith.constant 0 : i32
        %dma_wait3A_478 = tpu.memref_slice %arg3[%add3A_24, %dma_wait3A_477] : memref<5120x128xi32, #tpu.memory_space<hbm>> -> memref<16x128xi32, #tpu.memory_space<hbm>>
        tpu.wait_dma2 semaphore(%run_scoped3A : memref<!tpu.dma_semaphore, #tpu.memory_space<semaphore_mem>>) src(%dma_wait3A_478 : memref<16x128xi32, #tpu.memory_space<hbm>>) dst(%arg7 : memref<16x128xi32, #tpu.memory_space<vmem>>)
        tpu.yield
      }) : () -> ()
      "tpu.region"() ({
        %run_scoped3A = tpu.sem_alloc : memref<!tpu.dma_semaphore, #tpu.memory_space<semaphore_mem>>
        %dma_start3A_471 = arith.constant 0 : i32
        %dma_start3A_472 = tpu.memref_slice %arg4[%add3A_24, %dma_start3A_471] : memref<5120x128xi32, #tpu.memory_space<hbm>> -> memref<16x128xi32, #tpu.memory_space<hbm>>
        %dma_start3A_473 = arith.constant 0 : i32
        %dma_start3A_474 = tpu.memref_slice %arg4[%add3A_24, %dma_start3A_473] : memref<5120x128xi32, #tpu.memory_space<hbm>> -> memref<16x128xi32, #tpu.memory_space<hbm>>
        tpu.enqueue_dma source(%dma_start3A_474 : memref<16x128xi32, #tpu.memory_space<hbm>>) target(%arg8 : memref<16x128xi32, #tpu.memory_space<vmem>>) target_semaphore(%run_scoped3A : memref<!tpu.dma_semaphore, #tpu.memory_space<semaphore_mem>>)
        %dma_wait3A_475 = arith.constant 0 : i32
        %dma_wait3A_476 = tpu.memref_slice %arg4[%add3A_24, %dma_wait3A_475] : memref<5120x128xi32, #tpu.memory_space<hbm>> -> memref<16x128xi32, #tpu.memory_space<hbm>>
        %dma_wait3A_477 = arith.constant 0 : i32
        %dma_wait3A_478 = tpu.memref_slice %arg4[%add3A_24, %dma_wait3A_477] : memref<5120x128xi32, #tpu.memory_space<hbm>> -> memref<16x128xi32, #tpu.memory_space<hbm>>
        tpu.wait_dma2 semaphore(%run_scoped3A : memref<!tpu.dma_semaphore, #tpu.memory_space<semaphore_mem>>) src(%dma_wait3A_478 : memref<16x128xi32, #tpu.memory_space<hbm>>) dst(%arg8 : memref<16x128xi32, #tpu.memory_space<vmem>>)
        tpu.yield
      }) : () -> ()
      %dma_start3A = arith.constant 0 : i32
      %dma_start3A_25 = arith.constant 0 : i32
      %dma_start3A_26 = tpu.memref_slice %arg7[%dma_start3A, %dma_start3A_25] : memref<16x128xi32, #tpu.memory_space<vmem>> -> memref<1x128xi32, #tpu.memory_space<vmem>>
      %dma_start3A_27 = tpu.memref_squeeze %dma_start3A_26 : memref<1x128xi32, #tpu.memory_space<vmem>> -> memref<128xi32, #tpu.memory_space<vmem>>
      %dma_start3A_28 = arith.constant 0 : i32
      %dma_start3A_29 = arith.constant 0 : i32
      %dma_start3A_30 = tpu.memref_slice %arg2[%dma_start3A_28, %dma_start3A_29] : memref<10240x128xf32, #tpu.memory_space<hbm>> -> memref<10240x128xf32, #tpu.memory_space<hbm>>
      tpu.enqueue_indirect_dma source(%dma_start3A_30 : memref<10240x128xf32, #tpu.memory_space<hbm>>) target(%arg9 : memref<128x128xf32, #tpu.memory_space<vmem>>) offsets(%dma_start3A_27 : memref<128xi32, #tpu.memory_space<vmem>>) semaphore(%arg12 : memref<!tpu.dma_semaphore, #tpu.memory_space<semaphore_mem>>)
      %dma_start3A_31 = arith.constant 1 : i32
      %dma_start3A_32 = arith.constant 0 : i32
      %dma_start3A_33 = tpu.memref_slice %arg7[%dma_start3A_31, %dma_start3A_32] : memref<16x128xi32, #tpu.memory_space<vmem>> -> memref<1x128xi32, #tpu.memory_space<vmem>>
      %dma_start3A_34 = tpu.memref_squeeze %dma_start3A_33 : memref<1x128xi32, #tpu.memory_space<vmem>> -> memref<128xi32, #tpu.memory_space<vmem>>
      %dma_start3A_35 = arith.constant 0 : i32
      %dma_start3A_36 = arith.constant 0 : i32
      %dma_start3A_37 = tpu.memref_slice %arg2[%dma_start3A_35, %dma_start3A_36] : memref<10240x128xf32, #tpu.memory_space<hbm>> -> memref<10240x128xf32, #tpu.memory_space<hbm>>
      tpu.enqueue_indirect_dma source(%dma_start3A_37 : memref<10240x128xf32, #tpu.memory_space<hbm>>) target(%arg10 : memref<128x128xf32, #tpu.memory_space<vmem>>) offsets(%dma_start3A_34 : memref<128xi32, #tpu.memory_space<vmem>>) semaphore(%arg13 : memref<!tpu.dma_semaphore, #tpu.memory_space<semaphore_mem>>)
      %dma_wait3A = arith.constant 0 : i32
      %dma_wait3A_38 = arith.constant 0 : i32
      %dma_wait3A_39 = tpu.memref_slice %arg7[%dma_wait3A, %dma_wait3A_38] : memref<16x128xi32, #tpu.memory_space<vmem>> -> memref<1x128xi32, #tpu.memory_space<vmem>>
      %dma_wait3A_40 = tpu.memref_squeeze %dma_wait3A_39 : memref<1x128xi32, #tpu.memory_space<vmem>> -> memref<128xi32, #tpu.memory_space<vmem>>
      %dma_wait3A_41 = arith.constant 0 : i32
      %dma_wait3A_42 = arith.constant 0 : i32
      %dma_wait3A_43 = tpu.memref_slice %arg2[%dma_wait3A_41, %dma_wait3A_42] : memref<10240x128xf32, #tpu.memory_space<hbm>> -> memref<10240x128xf32, #tpu.memory_space<hbm>>
      tpu.wait_indirect_dma semaphore(%arg12 : memref<!tpu.dma_semaphore, #tpu.memory_space<semaphore_mem>>) src(%dma_wait3A_43 : memref<10240x128xf32, #tpu.memory_space<hbm>>) dst(%arg9 : memref<128x128xf32, #tpu.memory_space<vmem>>)
      %dma_start3A_44 = arith.constant 0 : i32
      %dma_start3A_45 = arith.constant 0 : i32
      %dma_start3A_46 = tpu.memref_slice %arg8[%dma_start3A_44, %dma_start3A_45] : memref<16x128xi32, #tpu.memory_space<vmem>> -> memref<1x128xi32, #tpu.memory_space<vmem>>
      %dma_start3A_47 = tpu.memref_squeeze %dma_start3A_46 : memref<1x128xi32, #tpu.memory_space<vmem>> -> memref<128xi32, #tpu.memory_space<vmem>>
      %dma_start3A_48 = arith.constant 0 : i32
      %dma_start3A_49 = arith.constant 0 : i32
      %dma_start3A_50 = tpu.memref_slice %arg11[%dma_start3A_48, %dma_start3A_49] : memref<10240x128xf32, #tpu.memory_space<vmem_shared>> -> memref<10240x128xf32, #tpu.memory_space<vmem_shared>>
      tpu.enqueue_indirect_dma source(%arg9 : memref<128x128xf32, #tpu.memory_space<vmem>>) target(%dma_start3A_50 : memref<10240x128xf32, #tpu.memory_space<vmem_shared>>) offsets(%dma_start3A_47 : memref<128xi32, #tpu.memory_space<vmem>>) semaphore(%arg14 : memref<!tpu.dma_semaphore, #tpu.memory_space<semaphore_mem>>) {add = true}
      %dma_wait3A_51 = arith.constant 0 : i32
      %dma_wait3A_52 = arith.constant 0 : i32
      %dma_wait3A_53 = tpu.memref_slice %arg8[%dma_wait3A_51, %dma_wait3A_52] : memref<16x128xi32, #tpu.memory_space<vmem>> -> memref<1x128xi32, #tpu.memory_space<vmem>>
      %dma_wait3A_54 = tpu.memref_squeeze %dma_wait3A_53 : memref<1x128xi32, #tpu.memory_space<vmem>> -> memref<128xi32, #tpu.memory_space<vmem>>
      %dma_wait3A_55 = arith.constant 0 : i32
      %dma_wait3A_56 = arith.constant 0 : i32
      %dma_wait3A_57 = tpu.memref_slice %arg11[%dma_wait3A_55, %dma_wait3A_56] : memref<10240x128xf32, #tpu.memory_space<vmem_shared>> -> memref<10240x128xf32, #tpu.memory_space<vmem_shared>>
      tpu.wait_indirect_dma semaphore(%arg14 : memref<!tpu.dma_semaphore, #tpu.memory_space<semaphore_mem>>) src(%arg9 : memref<128x128xf32, #tpu.memory_space<vmem>>) dst(%dma_wait3A_57 : memref<10240x128xf32, #tpu.memory_space<vmem_shared>>)
      %dma_start3A_58 = arith.constant 2 : i32
      %dma_start3A_59 = arith.constant 0 : i32
      %dma_start3A_60 = tpu.memref_slice %arg7[%dma_start3A_58, %dma_start3A_59] : memref<16x128xi32, #tpu.memory_space<vmem>> -> memref<1x128xi32, #tpu.memory_space<vmem>>
      %dma_start3A_61 = tpu.memref_squeeze %dma_start3A_60 : memref<1x128xi32, #tpu.memory_space<vmem>> -> memref<128xi32, #tpu.memory_space<vmem>>
      %dma_start3A_62 = arith.constant 0 : i32
      %dma_start3A_63 = arith.constant 0 : i32
      %dma_start3A_64 = tpu.memref_slice %arg2[%dma_start3A_62, %dma_start3A_63] : memref<10240x128xf32, #tpu.memory_space<hbm>> -> memref<10240x128xf32, #tpu.memory_space<hbm>>
      tpu.enqueue_indirect_dma source(%dma_start3A_64 : memref<10240x128xf32, #tpu.memory_space<hbm>>) target(%arg9 : memref<128x128xf32, #tpu.memory_space<vmem>>) offsets(%dma_start3A_61 : memref<128xi32, #tpu.memory_space<vmem>>) semaphore(%arg12 : memref<!tpu.dma_semaphore, #tpu.memory_space<semaphore_mem>>)
      %dma_wait3A_65 = arith.constant 1 : i32
      %dma_wait3A_66 = arith.constant 0 : i32
      %dma_wait3A_67 = tpu.memref_slice %arg7[%dma_wait3A_65, %dma_wait3A_66] : memref<16x128xi32, #tpu.memory_space<vmem>> -> memref<1x128xi32, #tpu.memory_space<vmem>>
      %dma_wait3A_68 = tpu.memref_squeeze %dma_wait3A_67 : memref<1x128xi32, #tpu.memory_space<vmem>> -> memref<128xi32, #tpu.memory_space<vmem>>
      %dma_wait3A_69 = arith.constant 0 : i32
      %dma_wait3A_70 = arith.constant 0 : i32
      %dma_wait3A_71 = tpu.memref_slice %arg2[%dma_wait3A_69, %dma_wait3A_70] : memref<10240x128xf32, #tpu.memory_space<hbm>> -> memref<10240x128xf32, #tpu.memory_space<hbm>>
      tpu.wait_indirect_dma semaphore(%arg13 : memref<!tpu.dma_semaphore, #tpu.memory_space<semaphore_mem>>) src(%dma_wait3A_71 : memref<10240x128xf32, #tpu.memory_space<hbm>>) dst(%arg10 : memref<128x128xf32, #tpu.memory_space<vmem>>)
      %dma_start3A_72 = arith.constant 1 : i32
      %dma_start3A_73 = arith.constant 0 : i32
      %dma_start3A_74 = tpu.memref_slice %arg8[%dma_start3A_72, %dma_start3A_73] : memref<16x128xi32, #tpu.memory_space<vmem>> -> memref<1x128xi32, #tpu.memory_space<vmem>>
      %dma_start3A_75 = tpu.memref_squeeze %dma_start3A_74 : memref<1x128xi32, #tpu.memory_space<vmem>> -> memref<128xi32, #tpu.memory_space<vmem>>
      %dma_start3A_76 = arith.constant 0 : i32
      %dma_start3A_77 = arith.constant 0 : i32
      %dma_start3A_78 = tpu.memref_slice %arg11[%dma_start3A_76, %dma_start3A_77] : memref<10240x128xf32, #tpu.memory_space<vmem_shared>> -> memref<10240x128xf32, #tpu.memory_space<vmem_shared>>
      tpu.enqueue_indirect_dma source(%arg10 : memref<128x128xf32, #tpu.memory_space<vmem>>) target(%dma_start3A_78 : memref<10240x128xf32, #tpu.memory_space<vmem_shared>>) offsets(%dma_start3A_75 : memref<128xi32, #tpu.memory_space<vmem>>) semaphore(%arg15 : memref<!tpu.dma_semaphore, #tpu.memory_space<semaphore_mem>>) {add = true}
      %dma_wait3A_79 = arith.constant 1 : i32
      %dma_wait3A_80 = arith.constant 0 : i32
      %dma_wait3A_81 = tpu.memref_slice %arg8[%dma_wait3A_79, %dma_wait3A_80] : memref<16x128xi32, #tpu.memory_space<vmem>> -> memref<1x128xi32, #tpu.memory_space<vmem>>
      %dma_wait3A_82 = tpu.memref_squeeze %dma_wait3A_81 : memref<1x128xi32, #tpu.memory_space<vmem>> -> memref<128xi32, #tpu.memory_space<vmem>>
      %dma_wait3A_83 = arith.constant 0 : i32
      %dma_wait3A_84 = arith.constant 0 : i32
      %dma_wait3A_85 = tpu.memref_slice %arg11[%dma_wait3A_83, %dma_wait3A_84] : memref<10240x128xf32, #tpu.memory_space<vmem_shared>> -> memref<10240x128xf32, #tpu.memory_space<vmem_shared>>
      tpu.wait_indirect_dma semaphore(%arg15 : memref<!tpu.dma_semaphore, #tpu.memory_space<semaphore_mem>>) src(%arg10 : memref<128x128xf32, #tpu.memory_space<vmem>>) dst(%dma_wait3A_85 : memref<10240x128xf32, #tpu.memory_space<vmem_shared>>)
      %dma_start3A_86 = arith.constant 3 : i32
      %dma_start3A_87 = arith.constant 0 : i32
      %dma_start3A_88 = tpu.memref_slice %arg7[%dma_start3A_86, %dma_start3A_87] : memref<16x128xi32, #tpu.memory_space<vmem>> -> memref<1x128xi32, #tpu.memory_space<vmem>>
      %dma_start3A_89 = tpu.memref_squeeze %dma_start3A_88 : memref<1x128xi32, #tpu.memory_space<vmem>> -> memref<128xi32, #tpu.memory_space<vmem>>
      %dma_start3A_90 = arith.constant 0 : i32
      %dma_start3A_91 = arith.constant 0 : i32
      %dma_start3A_92 = tpu.memref_slice %arg2[%dma_start3A_90, %dma_start3A_91] : memref<10240x128xf32, #tpu.memory_space<hbm>> -> memref<10240x128xf32, #tpu.memory_space<hbm>>
      tpu.enqueue_indirect_dma source(%dma_start3A_92 : memref<10240x128xf32, #tpu.memory_space<hbm>>) target(%arg10 : memref<128x128xf32, #tpu.memory_space<vmem>>) offsets(%dma_start3A_89 : memref<128xi32, #tpu.memory_space<vmem>>) semaphore(%arg13 : memref<!tpu.dma_semaphore, #tpu.memory_space<semaphore_mem>>)
      %dma_wait3A_93 = arith.constant 2 : i32
      %dma_wait3A_94 = arith.constant 0 : i32
      %dma_wait3A_95 = tpu.memref_slice %arg7[%dma_wait3A_93, %dma_wait3A_94] : memref<16x128xi32, #tpu.memory_space<vmem>> -> memref<1x128xi32, #tpu.memory_space<vmem>>
      %dma_wait3A_96 = tpu.memref_squeeze %dma_wait3A_95 : memref<1x128xi32, #tpu.memory_space<vmem>> -> memref<128xi32, #tpu.memory_space<vmem>>
      %dma_wait3A_97 = arith.constant 0 : i32
      %dma_wait3A_98 = arith.constant 0 : i32
      %dma_wait3A_99 = tpu.memref_slice %arg2[%dma_wait3A_97, %dma_wait3A_98] : memref<10240x128xf32, #tpu.memory_space<hbm>> -> memref<10240x128xf32, #tpu.memory_space<hbm>>
      tpu.wait_indirect_dma semaphore(%arg12 : memref<!tpu.dma_semaphore, #tpu.memory_space<semaphore_mem>>) src(%dma_wait3A_99 : memref<10240x128xf32, #tpu.memory_space<hbm>>) dst(%arg9 : memref<128x128xf32, #tpu.memory_space<vmem>>)
      %dma_start3A_100 = arith.constant 2 : i32
      %dma_start3A_101 = arith.constant 0 : i32
      %dma_start3A_102 = tpu.memref_slice %arg8[%dma_start3A_100, %dma_start3A_101] : memref<16x128xi32, #tpu.memory_space<vmem>> -> memref<1x128xi32, #tpu.memory_space<vmem>>
      %dma_start3A_103 = tpu.memref_squeeze %dma_start3A_102 : memref<1x128xi32, #tpu.memory_space<vmem>> -> memref<128xi32, #tpu.memory_space<vmem>>
      %dma_start3A_104 = arith.constant 0 : i32
      %dma_start3A_105 = arith.constant 0 : i32
      %dma_start3A_106 = tpu.memref_slice %arg11[%dma_start3A_104, %dma_start3A_105] : memref<10240x128xf32, #tpu.memory_space<vmem_shared>> -> memref<10240x128xf32, #tpu.memory_space<vmem_shared>>
      tpu.enqueue_indirect_dma source(%arg9 : memref<128x128xf32, #tpu.memory_space<vmem>>) target(%dma_start3A_106 : memref<10240x128xf32, #tpu.memory_space<vmem_shared>>) offsets(%dma_start3A_103 : memref<128xi32, #tpu.memory_space<vmem>>) semaphore(%arg14 : memref<!tpu.dma_semaphore, #tpu.memory_space<semaphore_mem>>) {add = true}
      %dma_wait3A_107 = arith.constant 2 : i32
      %dma_wait3A_108 = arith.constant 0 : i32
      %dma_wait3A_109 = tpu.memref_slice %arg8[%dma_wait3A_107, %dma_wait3A_108] : memref<16x128xi32, #tpu.memory_space<vmem>> -> memref<1x128xi32, #tpu.memory_space<vmem>>
      %dma_wait3A_110 = tpu.memref_squeeze %dma_wait3A_109 : memref<1x128xi32, #tpu.memory_space<vmem>> -> memref<128xi32, #tpu.memory_space<vmem>>
      %dma_wait3A_111 = arith.constant 0 : i32
      %dma_wait3A_112 = arith.constant 0 : i32
      %dma_wait3A_113 = tpu.memref_slice %arg11[%dma_wait3A_111, %dma_wait3A_112] : memref<10240x128xf32, #tpu.memory_space<vmem_shared>> -> memref<10240x128xf32, #tpu.memory_space<vmem_shared>>
      tpu.wait_indirect_dma semaphore(%arg14 : memref<!tpu.dma_semaphore, #tpu.memory_space<semaphore_mem>>) src(%arg9 : memref<128x128xf32, #tpu.memory_space<vmem>>) dst(%dma_wait3A_113 : memref<10240x128xf32, #tpu.memory_space<vmem_shared>>)
      %dma_start3A_114 = arith.constant 4 : i32
      %dma_start3A_115 = arith.constant 0 : i32
      %dma_start3A_116 = tpu.memref_slice %arg7[%dma_start3A_114, %dma_start3A_115] : memref<16x128xi32, #tpu.memory_space<vmem>> -> memref<1x128xi32, #tpu.memory_space<vmem>>
      %dma_start3A_117 = tpu.memref_squeeze %dma_start3A_116 : memref<1x128xi32, #tpu.memory_space<vmem>> -> memref<128xi32, #tpu.memory_space<vmem>>
      %dma_start3A_118 = arith.constant 0 : i32
      %dma_start3A_119 = arith.constant 0 : i32
      %dma_start3A_120 = tpu.memref_slice %arg2[%dma_start3A_118, %dma_start3A_119] : memref<10240x128xf32, #tpu.memory_space<hbm>> -> memref<10240x128xf32, #tpu.memory_space<hbm>>
      tpu.enqueue_indirect_dma source(%dma_start3A_120 : memref<10240x128xf32, #tpu.memory_space<hbm>>) target(%arg9 : memref<128x128xf32, #tpu.memory_space<vmem>>) offsets(%dma_start3A_117 : memref<128xi32, #tpu.memory_space<vmem>>) semaphore(%arg12 : memref<!tpu.dma_semaphore, #tpu.memory_space<semaphore_mem>>)
      %dma_wait3A_121 = arith.constant 3 : i32
      %dma_wait3A_122 = arith.constant 0 : i32
      %dma_wait3A_123 = tpu.memref_slice %arg7[%dma_wait3A_121, %dma_wait3A_122] : memref<16x128xi32, #tpu.memory_space<vmem>> -> memref<1x128xi32, #tpu.memory_space<vmem>>
      %dma_wait3A_124 = tpu.memref_squeeze %dma_wait3A_123 : memref<1x128xi32, #tpu.memory_space<vmem>> -> memref<128xi32, #tpu.memory_space<vmem>>
      %dma_wait3A_125 = arith.constant 0 : i32
      %dma_wait3A_126 = arith.constant 0 : i32
      %dma_wait3A_127 = tpu.memref_slice %arg2[%dma_wait3A_125, %dma_wait3A_126] : memref<10240x128xf32, #tpu.memory_space<hbm>> -> memref<10240x128xf32, #tpu.memory_space<hbm>>
      tpu.wait_indirect_dma semaphore(%arg13 : memref<!tpu.dma_semaphore, #tpu.memory_space<semaphore_mem>>) src(%dma_wait3A_127 : memref<10240x128xf32, #tpu.memory_space<hbm>>) dst(%arg10 : memref<128x128xf32, #tpu.memory_space<vmem>>)
      %dma_start3A_128 = arith.constant 3 : i32
      %dma_start3A_129 = arith.constant 0 : i32
      %dma_start3A_130 = tpu.memref_slice %arg8[%dma_start3A_128, %dma_start3A_129] : memref<16x128xi32, #tpu.memory_space<vmem>> -> memref<1x128xi32, #tpu.memory_space<vmem>>
      %dma_start3A_131 = tpu.memref_squeeze %dma_start3A_130 : memref<1x128xi32, #tpu.memory_space<vmem>> -> memref<128xi32, #tpu.memory_space<vmem>>
      %dma_start3A_132 = arith.constant 0 : i32
      %dma_start3A_133 = arith.constant 0 : i32
      %dma_start3A_134 = tpu.memref_slice %arg11[%dma_start3A_132, %dma_start3A_133] : memref<10240x128xf32, #tpu.memory_space<vmem_shared>> -> memref<10240x128xf32, #tpu.memory_space<vmem_shared>>
      tpu.enqueue_indirect_dma source(%arg10 : memref<128x128xf32, #tpu.memory_space<vmem>>) target(%dma_start3A_134 : memref<10240x128xf32, #tpu.memory_space<vmem_shared>>) offsets(%dma_start3A_131 : memref<128xi32, #tpu.memory_space<vmem>>) semaphore(%arg15 : memref<!tpu.dma_semaphore, #tpu.memory_space<semaphore_mem>>) {add = true}
      %dma_wait3A_135 = arith.constant 3 : i32
      %dma_wait3A_136 = arith.constant 0 : i32
      %dma_wait3A_137 = tpu.memref_slice %arg8[%dma_wait3A_135, %dma_wait3A_136] : memref<16x128xi32, #tpu.memory_space<vmem>> -> memref<1x128xi32, #tpu.memory_space<vmem>>
      %dma_wait3A_138 = tpu.memref_squeeze %dma_wait3A_137 : memref<1x128xi32, #tpu.memory_space<vmem>> -> memref<128xi32, #tpu.memory_space<vmem>>
      %dma_wait3A_139 = arith.constant 0 : i32
      %dma_wait3A_140 = arith.constant 0 : i32
      %dma_wait3A_141 = tpu.memref_slice %arg11[%dma_wait3A_139, %dma_wait3A_140] : memref<10240x128xf32, #tpu.memory_space<vmem_shared>> -> memref<10240x128xf32, #tpu.memory_space<vmem_shared>>
      tpu.wait_indirect_dma semaphore(%arg15 : memref<!tpu.dma_semaphore, #tpu.memory_space<semaphore_mem>>) src(%arg10 : memref<128x128xf32, #tpu.memory_space<vmem>>) dst(%dma_wait3A_141 : memref<10240x128xf32, #tpu.memory_space<vmem_shared>>)
      %dma_start3A_142 = arith.constant 5 : i32
      %dma_start3A_143 = arith.constant 0 : i32
      %dma_start3A_144 = tpu.memref_slice %arg7[%dma_start3A_142, %dma_start3A_143] : memref<16x128xi32, #tpu.memory_space<vmem>> -> memref<1x128xi32, #tpu.memory_space<vmem>>
      %dma_start3A_145 = tpu.memref_squeeze %dma_start3A_144 : memref<1x128xi32, #tpu.memory_space<vmem>> -> memref<128xi32, #tpu.memory_space<vmem>>
      %dma_start3A_146 = arith.constant 0 : i32
      %dma_start3A_147 = arith.constant 0 : i32
      %dma_start3A_148 = tpu.memref_slice %arg2[%dma_start3A_146, %dma_start3A_147] : memref<10240x128xf32, #tpu.memory_space<hbm>> -> memref<10240x128xf32, #tpu.memory_space<hbm>>
      tpu.enqueue_indirect_dma source(%dma_start3A_148 : memref<10240x128xf32, #tpu.memory_space<hbm>>) target(%arg10 : memref<128x128xf32, #tpu.memory_space<vmem>>) offsets(%dma_start3A_145 : memref<128xi32, #tpu.memory_space<vmem>>) semaphore(%arg13 : memref<!tpu.dma_semaphore, #tpu.memory_space<semaphore_mem>>)
      %dma_wait3A_149 = arith.constant 4 : i32
      %dma_wait3A_150 = arith.constant 0 : i32
      %dma_wait3A_151 = tpu.memref_slice %arg7[%dma_wait3A_149, %dma_wait3A_150] : memref<16x128xi32, #tpu.memory_space<vmem>> -> memref<1x128xi32, #tpu.memory_space<vmem>>
      %dma_wait3A_152 = tpu.memref_squeeze %dma_wait3A_151 : memref<1x128xi32, #tpu.memory_space<vmem>> -> memref<128xi32, #tpu.memory_space<vmem>>
      %dma_wait3A_153 = arith.constant 0 : i32
      %dma_wait3A_154 = arith.constant 0 : i32
      %dma_wait3A_155 = tpu.memref_slice %arg2[%dma_wait3A_153, %dma_wait3A_154] : memref<10240x128xf32, #tpu.memory_space<hbm>> -> memref<10240x128xf32, #tpu.memory_space<hbm>>
      tpu.wait_indirect_dma semaphore(%arg12 : memref<!tpu.dma_semaphore, #tpu.memory_space<semaphore_mem>>) src(%dma_wait3A_155 : memref<10240x128xf32, #tpu.memory_space<hbm>>) dst(%arg9 : memref<128x128xf32, #tpu.memory_space<vmem>>)
      %dma_start3A_156 = arith.constant 4 : i32
      %dma_start3A_157 = arith.constant 0 : i32
      %dma_start3A_158 = tpu.memref_slice %arg8[%dma_start3A_156, %dma_start3A_157] : memref<16x128xi32, #tpu.memory_space<vmem>> -> memref<1x128xi32, #tpu.memory_space<vmem>>
      %dma_start3A_159 = tpu.memref_squeeze %dma_start3A_158 : memref<1x128xi32, #tpu.memory_space<vmem>> -> memref<128xi32, #tpu.memory_space<vmem>>
      %dma_start3A_160 = arith.constant 0 : i32
      %dma_start3A_161 = arith.constant 0 : i32
      %dma_start3A_162 = tpu.memref_slice %arg11[%dma_start3A_160, %dma_start3A_161] : memref<10240x128xf32, #tpu.memory_space<vmem_shared>> -> memref<10240x128xf32, #tpu.memory_space<vmem_shared>>
      tpu.enqueue_indirect_dma source(%arg9 : memref<128x128xf32, #tpu.memory_space<vmem>>) target(%dma_start3A_162 : memref<10240x128xf32, #tpu.memory_space<vmem_shared>>) offsets(%dma_start3A_159 : memref<128xi32, #tpu.memory_space<vmem>>) semaphore(%arg14 : memref<!tpu.dma_semaphore, #tpu.memory_space<semaphore_mem>>) {add = true}
      %dma_wait3A_163 = arith.constant 4 : i32
      %dma_wait3A_164 = arith.constant 0 : i32
      %dma_wait3A_165 = tpu.memref_slice %arg8[%dma_wait3A_163, %dma_wait3A_164] : memref<16x128xi32, #tpu.memory_space<vmem>> -> memref<1x128xi32, #tpu.memory_space<vmem>>
      %dma_wait3A_166 = tpu.memref_squeeze %dma_wait3A_165 : memref<1x128xi32, #tpu.memory_space<vmem>> -> memref<128xi32, #tpu.memory_space<vmem>>
      %dma_wait3A_167 = arith.constant 0 : i32
      %dma_wait3A_168 = arith.constant 0 : i32
      %dma_wait3A_169 = tpu.memref_slice %arg11[%dma_wait3A_167, %dma_wait3A_168] : memref<10240x128xf32, #tpu.memory_space<vmem_shared>> -> memref<10240x128xf32, #tpu.memory_space<vmem_shared>>
      tpu.wait_indirect_dma semaphore(%arg14 : memref<!tpu.dma_semaphore, #tpu.memory_space<semaphore_mem>>) src(%arg9 : memref<128x128xf32, #tpu.memory_space<vmem>>) dst(%dma_wait3A_169 : memref<10240x128xf32, #tpu.memory_space<vmem_shared>>)
      %dma_start3A_170 = arith.constant 6 : i32
      %dma_start3A_171 = arith.constant 0 : i32
      %dma_start3A_172 = tpu.memref_slice %arg7[%dma_start3A_170, %dma_start3A_171] : memref<16x128xi32, #tpu.memory_space<vmem>> -> memref<1x128xi32, #tpu.memory_space<vmem>>
      %dma_start3A_173 = tpu.memref_squeeze %dma_start3A_172 : memref<1x128xi32, #tpu.memory_space<vmem>> -> memref<128xi32, #tpu.memory_space<vmem>>
      %dma_start3A_174 = arith.constant 0 : i32
      %dma_start3A_175 = arith.constant 0 : i32
      %dma_start3A_176 = tpu.memref_slice %arg2[%dma_start3A_174, %dma_start3A_175] : memref<10240x128xf32, #tpu.memory_space<hbm>> -> memref<10240x128xf32, #tpu.memory_space<hbm>>
      tpu.enqueue_indirect_dma source(%dma_start3A_176 : memref<10240x128xf32, #tpu.memory_space<hbm>>) target(%arg9 : memref<128x128xf32, #tpu.memory_space<vmem>>) offsets(%dma_start3A_173 : memref<128xi32, #tpu.memory_space<vmem>>) semaphore(%arg12 : memref<!tpu.dma_semaphore, #tpu.memory_space<semaphore_mem>>)
      %dma_wait3A_177 = arith.constant 5 : i32
      %dma_wait3A_178 = arith.constant 0 : i32
      %dma_wait3A_179 = tpu.memref_slice %arg7[%dma_wait3A_177, %dma_wait3A_178] : memref<16x128xi32, #tpu.memory_space<vmem>> -> memref<1x128xi32, #tpu.memory_space<vmem>>
      %dma_wait3A_180 = tpu.memref_squeeze %dma_wait3A_179 : memref<1x128xi32, #tpu.memory_space<vmem>> -> memref<128xi32, #tpu.memory_space<vmem>>
      %dma_wait3A_181 = arith.constant 0 : i32
      %dma_wait3A_182 = arith.constant 0 : i32
      %dma_wait3A_183 = tpu.memref_slice %arg2[%dma_wait3A_181, %dma_wait3A_182] : memref<10240x128xf32, #tpu.memory_space<hbm>> -> memref<10240x128xf32, #tpu.memory_space<hbm>>
      tpu.wait_indirect_dma semaphore(%arg13 : memref<!tpu.dma_semaphore, #tpu.memory_space<semaphore_mem>>) src(%dma_wait3A_183 : memref<10240x128xf32, #tpu.memory_space<hbm>>) dst(%arg10 : memref<128x128xf32, #tpu.memory_space<vmem>>)
      %dma_start3A_184 = arith.constant 5 : i32
      %dma_start3A_185 = arith.constant 0 : i32
      %dma_start3A_186 = tpu.memref_slice %arg8[%dma_start3A_184, %dma_start3A_185] : memref<16x128xi32, #tpu.memory_space<vmem>> -> memref<1x128xi32, #tpu.memory_space<vmem>>
      %dma_start3A_187 = tpu.memref_squeeze %dma_start3A_186 : memref<1x128xi32, #tpu.memory_space<vmem>> -> memref<128xi32, #tpu.memory_space<vmem>>
      %dma_start3A_188 = arith.constant 0 : i32
      %dma_start3A_189 = arith.constant 0 : i32
      %dma_start3A_190 = tpu.memref_slice %arg11[%dma_start3A_188, %dma_start3A_189] : memref<10240x128xf32, #tpu.memory_space<vmem_shared>> -> memref<10240x128xf32, #tpu.memory_space<vmem_shared>>
      tpu.enqueue_indirect_dma source(%arg10 : memref<128x128xf32, #tpu.memory_space<vmem>>) target(%dma_start3A_190 : memref<10240x128xf32, #tpu.memory_space<vmem_shared>>) offsets(%dma_start3A_187 : memref<128xi32, #tpu.memory_space<vmem>>) semaphore(%arg15 : memref<!tpu.dma_semaphore, #tpu.memory_space<semaphore_mem>>) {add = true}
      %dma_wait3A_191 = arith.constant 5 : i32
      %dma_wait3A_192 = arith.constant 0 : i32
      %dma_wait3A_193 = tpu.memref_slice %arg8[%dma_wait3A_191, %dma_wait3A_192] : memref<16x128xi32, #tpu.memory_space<vmem>> -> memref<1x128xi32, #tpu.memory_space<vmem>>
      %dma_wait3A_194 = tpu.memref_squeeze %dma_wait3A_193 : memref<1x128xi32, #tpu.memory_space<vmem>> -> memref<128xi32, #tpu.memory_space<vmem>>
      %dma_wait3A_195 = arith.constant 0 : i32
      %dma_wait3A_196 = arith.constant 0 : i32
      %dma_wait3A_197 = tpu.memref_slice %arg11[%dma_wait3A_195, %dma_wait3A_196] : memref<10240x128xf32, #tpu.memory_space<vmem_shared>> -> memref<10240x128xf32, #tpu.memory_space<vmem_shared>>
      tpu.wait_indirect_dma semaphore(%arg15 : memref<!tpu.dma_semaphore, #tpu.memory_space<semaphore_mem>>) src(%arg10 : memref<128x128xf32, #tpu.memory_space<vmem>>) dst(%dma_wait3A_197 : memref<10240x128xf32, #tpu.memory_space<vmem_shared>>)
      %dma_start3A_198 = arith.constant 7 : i32
      %dma_start3A_199 = arith.constant 0 : i32
      %dma_start3A_200 = tpu.memref_slice %arg7[%dma_start3A_198, %dma_start3A_199] : memref<16x128xi32, #tpu.memory_space<vmem>> -> memref<1x128xi32, #tpu.memory_space<vmem>>
      %dma_start3A_201 = tpu.memref_squeeze %dma_start3A_200 : memref<1x128xi32, #tpu.memory_space<vmem>> -> memref<128xi32, #tpu.memory_space<vmem>>
      %dma_start3A_202 = arith.constant 0 : i32
      %dma_start3A_203 = arith.constant 0 : i32
      %dma_start3A_204 = tpu.memref_slice %arg2[%dma_start3A_202, %dma_start3A_203] : memref<10240x128xf32, #tpu.memory_space<hbm>> -> memref<10240x128xf32, #tpu.memory_space<hbm>>
      tpu.enqueue_indirect_dma source(%dma_start3A_204 : memref<10240x128xf32, #tpu.memory_space<hbm>>) target(%arg10 : memref<128x128xf32, #tpu.memory_space<vmem>>) offsets(%dma_start3A_201 : memref<128xi32, #tpu.memory_space<vmem>>) semaphore(%arg13 : memref<!tpu.dma_semaphore, #tpu.memory_space<semaphore_mem>>)
      %dma_wait3A_205 = arith.constant 6 : i32
      %dma_wait3A_206 = arith.constant 0 : i32
      %dma_wait3A_207 = tpu.memref_slice %arg7[%dma_wait3A_205, %dma_wait3A_206] : memref<16x128xi32, #tpu.memory_space<vmem>> -> memref<1x128xi32, #tpu.memory_space<vmem>>
      %dma_wait3A_208 = tpu.memref_squeeze %dma_wait3A_207 : memref<1x128xi32, #tpu.memory_space<vmem>> -> memref<128xi32, #tpu.memory_space<vmem>>
      %dma_wait3A_209 = arith.constant 0 : i32
      %dma_wait3A_210 = arith.constant 0 : i32
      %dma_wait3A_211 = tpu.memref_slice %arg2[%dma_wait3A_209, %dma_wait3A_210] : memref<10240x128xf32, #tpu.memory_space<hbm>> -> memref<10240x128xf32, #tpu.memory_space<hbm>>
      tpu.wait_indirect_dma semaphore(%arg12 : memref<!tpu.dma_semaphore, #tpu.memory_space<semaphore_mem>>) src(%dma_wait3A_211 : memref<10240x128xf32, #tpu.memory_space<hbm>>) dst(%arg9 : memref<128x128xf32, #tpu.memory_space<vmem>>)
      %dma_start3A_212 = arith.constant 6 : i32
      %dma_start3A_213 = arith.constant 0 : i32
      %dma_start3A_214 = tpu.memref_slice %arg8[%dma_start3A_212, %dma_start3A_213] : memref<16x128xi32, #tpu.memory_space<vmem>> -> memref<1x128xi32, #tpu.memory_space<vmem>>
      %dma_start3A_215 = tpu.memref_squeeze %dma_start3A_214 : memref<1x128xi32, #tpu.memory_space<vmem>> -> memref<128xi32, #tpu.memory_space<vmem>>
      %dma_start3A_216 = arith.constant 0 : i32
      %dma_start3A_217 = arith.constant 0 : i32
      %dma_start3A_218 = tpu.memref_slice %arg11[%dma_start3A_216, %dma_start3A_217] : memref<10240x128xf32, #tpu.memory_space<vmem_shared>> -> memref<10240x128xf32, #tpu.memory_space<vmem_shared>>
      tpu.enqueue_indirect_dma source(%arg9 : memref<128x128xf32, #tpu.memory_space<vmem>>) target(%dma_start3A_218 : memref<10240x128xf32, #tpu.memory_space<vmem_shared>>) offsets(%dma_start3A_215 : memref<128xi32, #tpu.memory_space<vmem>>) semaphore(%arg14 : memref<!tpu.dma_semaphore, #tpu.memory_space<semaphore_mem>>) {add = true}
      %dma_wait3A_219 = arith.constant 6 : i32
      %dma_wait3A_220 = arith.constant 0 : i32
      %dma_wait3A_221 = tpu.memref_slice %arg8[%dma_wait3A_219, %dma_wait3A_220] : memref<16x128xi32, #tpu.memory_space<vmem>> -> memref<1x128xi32, #tpu.memory_space<vmem>>
      %dma_wait3A_222 = tpu.memref_squeeze %dma_wait3A_221 : memref<1x128xi32, #tpu.memory_space<vmem>> -> memref<128xi32, #tpu.memory_space<vmem>>
      %dma_wait3A_223 = arith.constant 0 : i32
      %dma_wait3A_224 = arith.constant 0 : i32
      %dma_wait3A_225 = tpu.memref_slice %arg11[%dma_wait3A_223, %dma_wait3A_224] : memref<10240x128xf32, #tpu.memory_space<vmem_shared>> -> memref<10240x128xf32, #tpu.memory_space<vmem_shared>>
      tpu.wait_indirect_dma semaphore(%arg14 : memref<!tpu.dma_semaphore, #tpu.memory_space<semaphore_mem>>) src(%arg9 : memref<128x128xf32, #tpu.memory_space<vmem>>) dst(%dma_wait3A_225 : memref<10240x128xf32, #tpu.memory_space<vmem_shared>>)
      %dma_start3A_226 = arith.constant 8 : i32
      %dma_start3A_227 = arith.constant 0 : i32
      %dma_start3A_228 = tpu.memref_slice %arg7[%dma_start3A_226, %dma_start3A_227] : memref<16x128xi32, #tpu.memory_space<vmem>> -> memref<1x128xi32, #tpu.memory_space<vmem>>
      %dma_start3A_229 = tpu.memref_squeeze %dma_start3A_228 : memref<1x128xi32, #tpu.memory_space<vmem>> -> memref<128xi32, #tpu.memory_space<vmem>>
      %dma_start3A_230 = arith.constant 0 : i32
      %dma_start3A_231 = arith.constant 0 : i32
      %dma_start3A_232 = tpu.memref_slice %arg2[%dma_start3A_230, %dma_start3A_231] : memref<10240x128xf32, #tpu.memory_space<hbm>> -> memref<10240x128xf32, #tpu.memory_space<hbm>>
      tpu.enqueue_indirect_dma source(%dma_start3A_232 : memref<10240x128xf32, #tpu.memory_space<hbm>>) target(%arg9 : memref<128x128xf32, #tpu.memory_space<vmem>>) offsets(%dma_start3A_229 : memref<128xi32, #tpu.memory_space<vmem>>) semaphore(%arg12 : memref<!tpu.dma_semaphore, #tpu.memory_space<semaphore_mem>>)
      %dma_wait3A_233 = arith.constant 7 : i32
      %dma_wait3A_234 = arith.constant 0 : i32
      %dma_wait3A_235 = tpu.memref_slice %arg7[%dma_wait3A_233, %dma_wait3A_234] : memref<16x128xi32, #tpu.memory_space<vmem>> -> memref<1x128xi32, #tpu.memory_space<vmem>>
      %dma_wait3A_236 = tpu.memref_squeeze %dma_wait3A_235 : memref<1x128xi32, #tpu.memory_space<vmem>> -> memref<128xi32, #tpu.memory_space<vmem>>
      %dma_wait3A_237 = arith.constant 0 : i32
      %dma_wait3A_238 = arith.constant 0 : i32
      %dma_wait3A_239 = tpu.memref_slice %arg2[%dma_wait3A_237, %dma_wait3A_238] : memref<10240x128xf32, #tpu.memory_space<hbm>> -> memref<10240x128xf32, #tpu.memory_space<hbm>>
      tpu.wait_indirect_dma semaphore(%arg13 : memref<!tpu.dma_semaphore, #tpu.memory_space<semaphore_mem>>) src(%dma_wait3A_239 : memref<10240x128xf32, #tpu.memory_space<hbm>>) dst(%arg10 : memref<128x128xf32, #tpu.memory_space<vmem>>)
      %dma_start3A_240 = arith.constant 7 : i32
      %dma_start3A_241 = arith.constant 0 : i32
      %dma_start3A_242 = tpu.memref_slice %arg8[%dma_start3A_240, %dma_start3A_241] : memref<16x128xi32, #tpu.memory_space<vmem>> -> memref<1x128xi32, #tpu.memory_space<vmem>>
      %dma_start3A_243 = tpu.memref_squeeze %dma_start3A_242 : memref<1x128xi32, #tpu.memory_space<vmem>> -> memref<128xi32, #tpu.memory_space<vmem>>
      %dma_start3A_244 = arith.constant 0 : i32
      %dma_start3A_245 = arith.constant 0 : i32
      %dma_start3A_246 = tpu.memref_slice %arg11[%dma_start3A_244, %dma_start3A_245] : memref<10240x128xf32, #tpu.memory_space<vmem_shared>> -> memref<10240x128xf32, #tpu.memory_space<vmem_shared>>
      tpu.enqueue_indirect_dma source(%arg10 : memref<128x128xf32, #tpu.memory_space<vmem>>) target(%dma_start3A_246 : memref<10240x128xf32, #tpu.memory_space<vmem_shared>>) offsets(%dma_start3A_243 : memref<128xi32, #tpu.memory_space<vmem>>) semaphore(%arg15 : memref<!tpu.dma_semaphore, #tpu.memory_space<semaphore_mem>>) {add = true}
      %dma_wait3A_247 = arith.constant 7 : i32
      %dma_wait3A_248 = arith.constant 0 : i32
      %dma_wait3A_249 = tpu.memref_slice %arg8[%dma_wait3A_247, %dma_wait3A_248] : memref<16x128xi32, #tpu.memory_space<vmem>> -> memref<1x128xi32, #tpu.memory_space<vmem>>
      %dma_wait3A_250 = tpu.memref_squeeze %dma_wait3A_249 : memref<1x128xi32, #tpu.memory_space<vmem>> -> memref<128xi32, #tpu.memory_space<vmem>>
      %dma_wait3A_251 = arith.constant 0 : i32
      %dma_wait3A_252 = arith.constant 0 : i32
      %dma_wait3A_253 = tpu.memref_slice %arg11[%dma_wait3A_251, %dma_wait3A_252] : memref<10240x128xf32, #tpu.memory_space<vmem_shared>> -> memref<10240x128xf32, #tpu.memory_space<vmem_shared>>
      tpu.wait_indirect_dma semaphore(%arg15 : memref<!tpu.dma_semaphore, #tpu.memory_space<semaphore_mem>>) src(%arg10 : memref<128x128xf32, #tpu.memory_space<vmem>>) dst(%dma_wait3A_253 : memref<10240x128xf32, #tpu.memory_space<vmem_shared>>)
      %dma_start3A_254 = arith.constant 9 : i32
      %dma_start3A_255 = arith.constant 0 : i32
      %dma_start3A_256 = tpu.memref_slice %arg7[%dma_start3A_254, %dma_start3A_255] : memref<16x128xi32, #tpu.memory_space<vmem>> -> memref<1x128xi32, #tpu.memory_space<vmem>>
      %dma_start3A_257 = tpu.memref_squeeze %dma_start3A_256 : memref<1x128xi32, #tpu.memory_space<vmem>> -> memref<128xi32, #tpu.memory_space<vmem>>
      %dma_start3A_258 = arith.constant 0 : i32
      %dma_start3A_259 = arith.constant 0 : i32
      %dma_start3A_260 = tpu.memref_slice %arg2[%dma_start3A_258, %dma_start3A_259] : memref<10240x128xf32, #tpu.memory_space<hbm>> -> memref<10240x128xf32, #tpu.memory_space<hbm>>
      tpu.enqueue_indirect_dma source(%dma_start3A_260 : memref<10240x128xf32, #tpu.memory_space<hbm>>) target(%arg10 : memref<128x128xf32, #tpu.memory_space<vmem>>) offsets(%dma_start3A_257 : memref<128xi32, #tpu.memory_space<vmem>>) semaphore(%arg13 : memref<!tpu.dma_semaphore, #tpu.memory_space<semaphore_mem>>)
      %dma_wait3A_261 = arith.constant 8 : i32
      %dma_wait3A_262 = arith.constant 0 : i32
      %dma_wait3A_263 = tpu.memref_slice %arg7[%dma_wait3A_261, %dma_wait3A_262] : memref<16x128xi32, #tpu.memory_space<vmem>> -> memref<1x128xi32, #tpu.memory_space<vmem>>
      %dma_wait3A_264 = tpu.memref_squeeze %dma_wait3A_263 : memref<1x128xi32, #tpu.memory_space<vmem>> -> memref<128xi32, #tpu.memory_space<vmem>>
      %dma_wait3A_265 = arith.constant 0 : i32
      %dma_wait3A_266 = arith.constant 0 : i32
      %dma_wait3A_267 = tpu.memref_slice %arg2[%dma_wait3A_265, %dma_wait3A_266] : memref<10240x128xf32, #tpu.memory_space<hbm>> -> memref<10240x128xf32, #tpu.memory_space<hbm>>
      tpu.wait_indirect_dma semaphore(%arg12 : memref<!tpu.dma_semaphore, #tpu.memory_space<semaphore_mem>>) src(%dma_wait3A_267 : memref<10240x128xf32, #tpu.memory_space<hbm>>) dst(%arg9 : memref<128x128xf32, #tpu.memory_space<vmem>>)
      %dma_start3A_268 = arith.constant 8 : i32
      %dma_start3A_269 = arith.constant 0 : i32
      %dma_start3A_270 = tpu.memref_slice %arg8[%dma_start3A_268, %dma_start3A_269] : memref<16x128xi32, #tpu.memory_space<vmem>> -> memref<1x128xi32, #tpu.memory_space<vmem>>
      %dma_start3A_271 = tpu.memref_squeeze %dma_start3A_270 : memref<1x128xi32, #tpu.memory_space<vmem>> -> memref<128xi32, #tpu.memory_space<vmem>>
      %dma_start3A_272 = arith.constant 0 : i32
      %dma_start3A_273 = arith.constant 0 : i32
      %dma_start3A_274 = tpu.memref_slice %arg11[%dma_start3A_272, %dma_start3A_273] : memref<10240x128xf32, #tpu.memory_space<vmem_shared>> -> memref<10240x128xf32, #tpu.memory_space<vmem_shared>>
      tpu.enqueue_indirect_dma source(%arg9 : memref<128x128xf32, #tpu.memory_space<vmem>>) target(%dma_start3A_274 : memref<10240x128xf32, #tpu.memory_space<vmem_shared>>) offsets(%dma_start3A_271 : memref<128xi32, #tpu.memory_space<vmem>>) semaphore(%arg14 : memref<!tpu.dma_semaphore, #tpu.memory_space<semaphore_mem>>) {add = true}
      %dma_wait3A_275 = arith.constant 8 : i32
      %dma_wait3A_276 = arith.constant 0 : i32
      %dma_wait3A_277 = tpu.memref_slice %arg8[%dma_wait3A_275, %dma_wait3A_276] : memref<16x128xi32, #tpu.memory_space<vmem>> -> memref<1x128xi32, #tpu.memory_space<vmem>>
      %dma_wait3A_278 = tpu.memref_squeeze %dma_wait3A_277 : memref<1x128xi32, #tpu.memory_space<vmem>> -> memref<128xi32, #tpu.memory_space<vmem>>
      %dma_wait3A_279 = arith.constant 0 : i32
      %dma_wait3A_280 = arith.constant 0 : i32
      %dma_wait3A_281 = tpu.memref_slice %arg11[%dma_wait3A_279, %dma_wait3A_280] : memref<10240x128xf32, #tpu.memory_space<vmem_shared>> -> memref<10240x128xf32, #tpu.memory_space<vmem_shared>>
      tpu.wait_indirect_dma semaphore(%arg14 : memref<!tpu.dma_semaphore, #tpu.memory_space<semaphore_mem>>) src(%arg9 : memref<128x128xf32, #tpu.memory_space<vmem>>) dst(%dma_wait3A_281 : memref<10240x128xf32, #tpu.memory_space<vmem_shared>>)
      %dma_start3A_282 = arith.constant 10 : i32
      %dma_start3A_283 = arith.constant 0 : i32
      %dma_start3A_284 = tpu.memref_slice %arg7[%dma_start3A_282, %dma_start3A_283] : memref<16x128xi32, #tpu.memory_space<vmem>> -> memref<1x128xi32, #tpu.memory_space<vmem>>
      %dma_start3A_285 = tpu.memref_squeeze %dma_start3A_284 : memref<1x128xi32, #tpu.memory_space<vmem>> -> memref<128xi32, #tpu.memory_space<vmem>>
      %dma_start3A_286 = arith.constant 0 : i32
      %dma_start3A_287 = arith.constant 0 : i32
      %dma_start3A_288 = tpu.memref_slice %arg2[%dma_start3A_286, %dma_start3A_287] : memref<10240x128xf32, #tpu.memory_space<hbm>> -> memref<10240x128xf32, #tpu.memory_space<hbm>>
      tpu.enqueue_indirect_dma source(%dma_start3A_288 : memref<10240x128xf32, #tpu.memory_space<hbm>>) target(%arg9 : memref<128x128xf32, #tpu.memory_space<vmem>>) offsets(%dma_start3A_285 : memref<128xi32, #tpu.memory_space<vmem>>) semaphore(%arg12 : memref<!tpu.dma_semaphore, #tpu.memory_space<semaphore_mem>>)
      %dma_wait3A_289 = arith.constant 9 : i32
      %dma_wait3A_290 = arith.constant 0 : i32
      %dma_wait3A_291 = tpu.memref_slice %arg7[%dma_wait3A_289, %dma_wait3A_290] : memref<16x128xi32, #tpu.memory_space<vmem>> -> memref<1x128xi32, #tpu.memory_space<vmem>>
      %dma_wait3A_292 = tpu.memref_squeeze %dma_wait3A_291 : memref<1x128xi32, #tpu.memory_space<vmem>> -> memref<128xi32, #tpu.memory_space<vmem>>
      %dma_wait3A_293 = arith.constant 0 : i32
      %dma_wait3A_294 = arith.constant 0 : i32
      %dma_wait3A_295 = tpu.memref_slice %arg2[%dma_wait3A_293, %dma_wait3A_294] : memref<10240x128xf32, #tpu.memory_space<hbm>> -> memref<10240x128xf32, #tpu.memory_space<hbm>>
      tpu.wait_indirect_dma semaphore(%arg13 : memref<!tpu.dma_semaphore, #tpu.memory_space<semaphore_mem>>) src(%dma_wait3A_295 : memref<10240x128xf32, #tpu.memory_space<hbm>>) dst(%arg10 : memref<128x128xf32, #tpu.memory_space<vmem>>)
      %dma_start3A_296 = arith.constant 9 : i32
      %dma_start3A_297 = arith.constant 0 : i32
      %dma_start3A_298 = tpu.memref_slice %arg8[%dma_start3A_296, %dma_start3A_297] : memref<16x128xi32, #tpu.memory_space<vmem>> -> memref<1x128xi32, #tpu.memory_space<vmem>>
      %dma_start3A_299 = tpu.memref_squeeze %dma_start3A_298 : memref<1x128xi32, #tpu.memory_space<vmem>> -> memref<128xi32, #tpu.memory_space<vmem>>
      %dma_start3A_300 = arith.constant 0 : i32
      %dma_start3A_301 = arith.constant 0 : i32
      %dma_start3A_302 = tpu.memref_slice %arg11[%dma_start3A_300, %dma_start3A_301] : memref<10240x128xf32, #tpu.memory_space<vmem_shared>> -> memref<10240x128xf32, #tpu.memory_space<vmem_shared>>
      tpu.enqueue_indirect_dma source(%arg10 : memref<128x128xf32, #tpu.memory_space<vmem>>) target(%dma_start3A_302 : memref<10240x128xf32, #tpu.memory_space<vmem_shared>>) offsets(%dma_start3A_299 : memref<128xi32, #tpu.memory_space<vmem>>) semaphore(%arg15 : memref<!tpu.dma_semaphore, #tpu.memory_space<semaphore_mem>>) {add = true}
      %dma_wait3A_303 = arith.constant 9 : i32
      %dma_wait3A_304 = arith.constant 0 : i32
      %dma_wait3A_305 = tpu.memref_slice %arg8[%dma_wait3A_303, %dma_wait3A_304] : memref<16x128xi32, #tpu.memory_space<vmem>> -> memref<1x128xi32, #tpu.memory_space<vmem>>
      %dma_wait3A_306 = tpu.memref_squeeze %dma_wait3A_305 : memref<1x128xi32, #tpu.memory_space<vmem>> -> memref<128xi32, #tpu.memory_space<vmem>>
      %dma_wait3A_307 = arith.constant 0 : i32
      %dma_wait3A_308 = arith.constant 0 : i32
      %dma_wait3A_309 = tpu.memref_slice %arg11[%dma_wait3A_307, %dma_wait3A_308] : memref<10240x128xf32, #tpu.memory_space<vmem_shared>> -> memref<10240x128xf32, #tpu.memory_space<vmem_shared>>
      tpu.wait_indirect_dma semaphore(%arg15 : memref<!tpu.dma_semaphore, #tpu.memory_space<semaphore_mem>>) src(%arg10 : memref<128x128xf32, #tpu.memory_space<vmem>>) dst(%dma_wait3A_309 : memref<10240x128xf32, #tpu.memory_space<vmem_shared>>)
      %dma_start3A_310 = arith.constant 11 : i32
      %dma_start3A_311 = arith.constant 0 : i32
      %dma_start3A_312 = tpu.memref_slice %arg7[%dma_start3A_310, %dma_start3A_311] : memref<16x128xi32, #tpu.memory_space<vmem>> -> memref<1x128xi32, #tpu.memory_space<vmem>>
      %dma_start3A_313 = tpu.memref_squeeze %dma_start3A_312 : memref<1x128xi32, #tpu.memory_space<vmem>> -> memref<128xi32, #tpu.memory_space<vmem>>
      %dma_start3A_314 = arith.constant 0 : i32
      %dma_start3A_315 = arith.constant 0 : i32
      %dma_start3A_316 = tpu.memref_slice %arg2[%dma_start3A_314, %dma_start3A_315] : memref<10240x128xf32, #tpu.memory_space<hbm>> -> memref<10240x128xf32, #tpu.memory_space<hbm>>
      tpu.enqueue_indirect_dma source(%dma_start3A_316 : memref<10240x128xf32, #tpu.memory_space<hbm>>) target(%arg10 : memref<128x128xf32, #tpu.memory_space<vmem>>) offsets(%dma_start3A_313 : memref<128xi32, #tpu.memory_space<vmem>>) semaphore(%arg13 : memref<!tpu.dma_semaphore, #tpu.memory_space<semaphore_mem>>)
      %dma_wait3A_317 = arith.constant 10 : i32
      %dma_wait3A_318 = arith.constant 0 : i32
      %dma_wait3A_319 = tpu.memref_slice %arg7[%dma_wait3A_317, %dma_wait3A_318] : memref<16x128xi32, #tpu.memory_space<vmem>> -> memref<1x128xi32, #tpu.memory_space<vmem>>
      %dma_wait3A_320 = tpu.memref_squeeze %dma_wait3A_319 : memref<1x128xi32, #tpu.memory_space<vmem>> -> memref<128xi32, #tpu.memory_space<vmem>>
      %dma_wait3A_321 = arith.constant 0 : i32
      %dma_wait3A_322 = arith.constant 0 : i32
      %dma_wait3A_323 = tpu.memref_slice %arg2[%dma_wait3A_321, %dma_wait3A_322] : memref<10240x128xf32, #tpu.memory_space<hbm>> -> memref<10240x128xf32, #tpu.memory_space<hbm>>
      tpu.wait_indirect_dma semaphore(%arg12 : memref<!tpu.dma_semaphore, #tpu.memory_space<semaphore_mem>>) src(%dma_wait3A_323 : memref<10240x128xf32, #tpu.memory_space<hbm>>) dst(%arg9 : memref<128x128xf32, #tpu.memory_space<vmem>>)
      %dma_start3A_324 = arith.constant 10 : i32
      %dma_start3A_325 = arith.constant 0 : i32
      %dma_start3A_326 = tpu.memref_slice %arg8[%dma_start3A_324, %dma_start3A_325] : memref<16x128xi32, #tpu.memory_space<vmem>> -> memref<1x128xi32, #tpu.memory_space<vmem>>
      %dma_start3A_327 = tpu.memref_squeeze %dma_start3A_326 : memref<1x128xi32, #tpu.memory_space<vmem>> -> memref<128xi32, #tpu.memory_space<vmem>>
      %dma_start3A_328 = arith.constant 0 : i32
      %dma_start3A_329 = arith.constant 0 : i32
      %dma_start3A_330 = tpu.memref_slice %arg11[%dma_start3A_328, %dma_start3A_329] : memref<10240x128xf32, #tpu.memory_space<vmem_shared>> -> memref<10240x128xf32, #tpu.memory_space<vmem_shared>>
      tpu.enqueue_indirect_dma source(%arg9 : memref<128x128xf32, #tpu.memory_space<vmem>>) target(%dma_start3A_330 : memref<10240x128xf32, #tpu.memory_space<vmem_shared>>) offsets(%dma_start3A_327 : memref<128xi32, #tpu.memory_space<vmem>>) semaphore(%arg14 : memref<!tpu.dma_semaphore, #tpu.memory_space<semaphore_mem>>) {add = true}
      %dma_wait3A_331 = arith.constant 10 : i32
      %dma_wait3A_332 = arith.constant 0 : i32
      %dma_wait3A_333 = tpu.memref_slice %arg8[%dma_wait3A_331, %dma_wait3A_332] : memref<16x128xi32, #tpu.memory_space<vmem>> -> memref<1x128xi32, #tpu.memory_space<vmem>>
      %dma_wait3A_334 = tpu.memref_squeeze %dma_wait3A_333 : memref<1x128xi32, #tpu.memory_space<vmem>> -> memref<128xi32, #tpu.memory_space<vmem>>
      %dma_wait3A_335 = arith.constant 0 : i32
      %dma_wait3A_336 = arith.constant 0 : i32
      %dma_wait3A_337 = tpu.memref_slice %arg11[%dma_wait3A_335, %dma_wait3A_336] : memref<10240x128xf32, #tpu.memory_space<vmem_shared>> -> memref<10240x128xf32, #tpu.memory_space<vmem_shared>>
      tpu.wait_indirect_dma semaphore(%arg14 : memref<!tpu.dma_semaphore, #tpu.memory_space<semaphore_mem>>) src(%arg9 : memref<128x128xf32, #tpu.memory_space<vmem>>) dst(%dma_wait3A_337 : memref<10240x128xf32, #tpu.memory_space<vmem_shared>>)
      %dma_start3A_338 = arith.constant 12 : i32
      %dma_start3A_339 = arith.constant 0 : i32
      %dma_start3A_340 = tpu.memref_slice %arg7[%dma_start3A_338, %dma_start3A_339] : memref<16x128xi32, #tpu.memory_space<vmem>> -> memref<1x128xi32, #tpu.memory_space<vmem>>
      %dma_start3A_341 = tpu.memref_squeeze %dma_start3A_340 : memref<1x128xi32, #tpu.memory_space<vmem>> -> memref<128xi32, #tpu.memory_space<vmem>>
      %dma_start3A_342 = arith.constant 0 : i32
      %dma_start3A_343 = arith.constant 0 : i32
      %dma_start3A_344 = tpu.memref_slice %arg2[%dma_start3A_342, %dma_start3A_343] : memref<10240x128xf32, #tpu.memory_space<hbm>> -> memref<10240x128xf32, #tpu.memory_space<hbm>>
      tpu.enqueue_indirect_dma source(%dma_start3A_344 : memref<10240x128xf32, #tpu.memory_space<hbm>>) target(%arg9 : memref<128x128xf32, #tpu.memory_space<vmem>>) offsets(%dma_start3A_341 : memref<128xi32, #tpu.memory_space<vmem>>) semaphore(%arg12 : memref<!tpu.dma_semaphore, #tpu.memory_space<semaphore_mem>>)
      %dma_wait3A_345 = arith.constant 11 : i32
      %dma_wait3A_346 = arith.constant 0 : i32
      %dma_wait3A_347 = tpu.memref_slice %arg7[%dma_wait3A_345, %dma_wait3A_346] : memref<16x128xi32, #tpu.memory_space<vmem>> -> memref<1x128xi32, #tpu.memory_space<vmem>>
      %dma_wait3A_348 = tpu.memref_squeeze %dma_wait3A_347 : memref<1x128xi32, #tpu.memory_space<vmem>> -> memref<128xi32, #tpu.memory_space<vmem>>
      %dma_wait3A_349 = arith.constant 0 : i32
      %dma_wait3A_350 = arith.constant 0 : i32
      %dma_wait3A_351 = tpu.memref_slice %arg2[%dma_wait3A_349, %dma_wait3A_350] : memref<10240x128xf32, #tpu.memory_space<hbm>> -> memref<10240x128xf32, #tpu.memory_space<hbm>>
      tpu.wait_indirect_dma semaphore(%arg13 : memref<!tpu.dma_semaphore, #tpu.memory_space<semaphore_mem>>) src(%dma_wait3A_351 : memref<10240x128xf32, #tpu.memory_space<hbm>>) dst(%arg10 : memref<128x128xf32, #tpu.memory_space<vmem>>)
      %dma_start3A_352 = arith.constant 11 : i32
      %dma_start3A_353 = arith.constant 0 : i32
      %dma_start3A_354 = tpu.memref_slice %arg8[%dma_start3A_352, %dma_start3A_353] : memref<16x128xi32, #tpu.memory_space<vmem>> -> memref<1x128xi32, #tpu.memory_space<vmem>>
      %dma_start3A_355 = tpu.memref_squeeze %dma_start3A_354 : memref<1x128xi32, #tpu.memory_space<vmem>> -> memref<128xi32, #tpu.memory_space<vmem>>
      %dma_start3A_356 = arith.constant 0 : i32
      %dma_start3A_357 = arith.constant 0 : i32
      %dma_start3A_358 = tpu.memref_slice %arg11[%dma_start3A_356, %dma_start3A_357] : memref<10240x128xf32, #tpu.memory_space<vmem_shared>> -> memref<10240x128xf32, #tpu.memory_space<vmem_shared>>
      tpu.enqueue_indirect_dma source(%arg10 : memref<128x128xf32, #tpu.memory_space<vmem>>) target(%dma_start3A_358 : memref<10240x128xf32, #tpu.memory_space<vmem_shared>>) offsets(%dma_start3A_355 : memref<128xi32, #tpu.memory_space<vmem>>) semaphore(%arg15 : memref<!tpu.dma_semaphore, #tpu.memory_space<semaphore_mem>>) {add = true}
      %dma_wait3A_359 = arith.constant 11 : i32
      %dma_wait3A_360 = arith.constant 0 : i32
      %dma_wait3A_361 = tpu.memref_slice %arg8[%dma_wait3A_359, %dma_wait3A_360] : memref<16x128xi32, #tpu.memory_space<vmem>> -> memref<1x128xi32, #tpu.memory_space<vmem>>
      %dma_wait3A_362 = tpu.memref_squeeze %dma_wait3A_361 : memref<1x128xi32, #tpu.memory_space<vmem>> -> memref<128xi32, #tpu.memory_space<vmem>>
      %dma_wait3A_363 = arith.constant 0 : i32
      %dma_wait3A_364 = arith.constant 0 : i32
      %dma_wait3A_365 = tpu.memref_slice %arg11[%dma_wait3A_363, %dma_wait3A_364] : memref<10240x128xf32, #tpu.memory_space<vmem_shared>> -> memref<10240x128xf32, #tpu.memory_space<vmem_shared>>
      tpu.wait_indirect_dma semaphore(%arg15 : memref<!tpu.dma_semaphore, #tpu.memory_space<semaphore_mem>>) src(%arg10 : memref<128x128xf32, #tpu.memory_space<vmem>>) dst(%dma_wait3A_365 : memref<10240x128xf32, #tpu.memory_space<vmem_shared>>)
      %dma_start3A_366 = arith.constant 13 : i32
      %dma_start3A_367 = arith.constant 0 : i32
      %dma_start3A_368 = tpu.memref_slice %arg7[%dma_start3A_366, %dma_start3A_367] : memref<16x128xi32, #tpu.memory_space<vmem>> -> memref<1x128xi32, #tpu.memory_space<vmem>>
      %dma_start3A_369 = tpu.memref_squeeze %dma_start3A_368 : memref<1x128xi32, #tpu.memory_space<vmem>> -> memref<128xi32, #tpu.memory_space<vmem>>
      %dma_start3A_370 = arith.constant 0 : i32
      %dma_start3A_371 = arith.constant 0 : i32
      %dma_start3A_372 = tpu.memref_slice %arg2[%dma_start3A_370, %dma_start3A_371] : memref<10240x128xf32, #tpu.memory_space<hbm>> -> memref<10240x128xf32, #tpu.memory_space<hbm>>
      tpu.enqueue_indirect_dma source(%dma_start3A_372 : memref<10240x128xf32, #tpu.memory_space<hbm>>) target(%arg10 : memref<128x128xf32, #tpu.memory_space<vmem>>) offsets(%dma_start3A_369 : memref<128xi32, #tpu.memory_space<vmem>>) semaphore(%arg13 : memref<!tpu.dma_semaphore, #tpu.memory_space<semaphore_mem>>)
      %dma_wait3A_373 = arith.constant 12 : i32
      %dma_wait3A_374 = arith.constant 0 : i32
      %dma_wait3A_375 = tpu.memref_slice %arg7[%dma_wait3A_373, %dma_wait3A_374] : memref<16x128xi32, #tpu.memory_space<vmem>> -> memref<1x128xi32, #tpu.memory_space<vmem>>
      %dma_wait3A_376 = tpu.memref_squeeze %dma_wait3A_375 : memref<1x128xi32, #tpu.memory_space<vmem>> -> memref<128xi32, #tpu.memory_space<vmem>>
      %dma_wait3A_377 = arith.constant 0 : i32
      %dma_wait3A_378 = arith.constant 0 : i32
      %dma_wait3A_379 = tpu.memref_slice %arg2[%dma_wait3A_377, %dma_wait3A_378] : memref<10240x128xf32, #tpu.memory_space<hbm>> -> memref<10240x128xf32, #tpu.memory_space<hbm>>
      tpu.wait_indirect_dma semaphore(%arg12 : memref<!tpu.dma_semaphore, #tpu.memory_space<semaphore_mem>>) src(%dma_wait3A_379 : memref<10240x128xf32, #tpu.memory_space<hbm>>) dst(%arg9 : memref<128x128xf32, #tpu.memory_space<vmem>>)
      %dma_start3A_380 = arith.constant 12 : i32
      %dma_start3A_381 = arith.constant 0 : i32
      %dma_start3A_382 = tpu.memref_slice %arg8[%dma_start3A_380, %dma_start3A_381] : memref<16x128xi32, #tpu.memory_space<vmem>> -> memref<1x128xi32, #tpu.memory_space<vmem>>
      %dma_start3A_383 = tpu.memref_squeeze %dma_start3A_382 : memref<1x128xi32, #tpu.memory_space<vmem>> -> memref<128xi32, #tpu.memory_space<vmem>>
      %dma_start3A_384 = arith.constant 0 : i32
      %dma_start3A_385 = arith.constant 0 : i32
      %dma_start3A_386 = tpu.memref_slice %arg11[%dma_start3A_384, %dma_start3A_385] : memref<10240x128xf32, #tpu.memory_space<vmem_shared>> -> memref<10240x128xf32, #tpu.memory_space<vmem_shared>>
      tpu.enqueue_indirect_dma source(%arg9 : memref<128x128xf32, #tpu.memory_space<vmem>>) target(%dma_start3A_386 : memref<10240x128xf32, #tpu.memory_space<vmem_shared>>) offsets(%dma_start3A_383 : memref<128xi32, #tpu.memory_space<vmem>>) semaphore(%arg14 : memref<!tpu.dma_semaphore, #tpu.memory_space<semaphore_mem>>) {add = true}
      %dma_wait3A_387 = arith.constant 12 : i32
      %dma_wait3A_388 = arith.constant 0 : i32
      %dma_wait3A_389 = tpu.memref_slice %arg8[%dma_wait3A_387, %dma_wait3A_388] : memref<16x128xi32, #tpu.memory_space<vmem>> -> memref<1x128xi32, #tpu.memory_space<vmem>>
      %dma_wait3A_390 = tpu.memref_squeeze %dma_wait3A_389 : memref<1x128xi32, #tpu.memory_space<vmem>> -> memref<128xi32, #tpu.memory_space<vmem>>
      %dma_wait3A_391 = arith.constant 0 : i32
      %dma_wait3A_392 = arith.constant 0 : i32
      %dma_wait3A_393 = tpu.memref_slice %arg11[%dma_wait3A_391, %dma_wait3A_392] : memref<10240x128xf32, #tpu.memory_space<vmem_shared>> -> memref<10240x128xf32, #tpu.memory_space<vmem_shared>>
      tpu.wait_indirect_dma semaphore(%arg14 : memref<!tpu.dma_semaphore, #tpu.memory_space<semaphore_mem>>) src(%arg9 : memref<128x128xf32, #tpu.memory_space<vmem>>) dst(%dma_wait3A_393 : memref<10240x128xf32, #tpu.memory_space<vmem_shared>>)
      %dma_start3A_394 = arith.constant 14 : i32
      %dma_start3A_395 = arith.constant 0 : i32
      %dma_start3A_396 = tpu.memref_slice %arg7[%dma_start3A_394, %dma_start3A_395] : memref<16x128xi32, #tpu.memory_space<vmem>> -> memref<1x128xi32, #tpu.memory_space<vmem>>
      %dma_start3A_397 = tpu.memref_squeeze %dma_start3A_396 : memref<1x128xi32, #tpu.memory_space<vmem>> -> memref<128xi32, #tpu.memory_space<vmem>>
      %dma_start3A_398 = arith.constant 0 : i32
      %dma_start3A_399 = arith.constant 0 : i32
      %dma_start3A_400 = tpu.memref_slice %arg2[%dma_start3A_398, %dma_start3A_399] : memref<10240x128xf32, #tpu.memory_space<hbm>> -> memref<10240x128xf32, #tpu.memory_space<hbm>>
      tpu.enqueue_indirect_dma source(%dma_start3A_400 : memref<10240x128xf32, #tpu.memory_space<hbm>>) target(%arg9 : memref<128x128xf32, #tpu.memory_space<vmem>>) offsets(%dma_start3A_397 : memref<128xi32, #tpu.memory_space<vmem>>) semaphore(%arg12 : memref<!tpu.dma_semaphore, #tpu.memory_space<semaphore_mem>>)
      %dma_wait3A_401 = arith.constant 13 : i32
      %dma_wait3A_402 = arith.constant 0 : i32
      %dma_wait3A_403 = tpu.memref_slice %arg7[%dma_wait3A_401, %dma_wait3A_402] : memref<16x128xi32, #tpu.memory_space<vmem>> -> memref<1x128xi32, #tpu.memory_space<vmem>>
      %dma_wait3A_404 = tpu.memref_squeeze %dma_wait3A_403 : memref<1x128xi32, #tpu.memory_space<vmem>> -> memref<128xi32, #tpu.memory_space<vmem>>
      %dma_wait3A_405 = arith.constant 0 : i32
      %dma_wait3A_406 = arith.constant 0 : i32
      %dma_wait3A_407 = tpu.memref_slice %arg2[%dma_wait3A_405, %dma_wait3A_406] : memref<10240x128xf32, #tpu.memory_space<hbm>> -> memref<10240x128xf32, #tpu.memory_space<hbm>>
      tpu.wait_indirect_dma semaphore(%arg13 : memref<!tpu.dma_semaphore, #tpu.memory_space<semaphore_mem>>) src(%dma_wait3A_407 : memref<10240x128xf32, #tpu.memory_space<hbm>>) dst(%arg10 : memref<128x128xf32, #tpu.memory_space<vmem>>)
      %dma_start3A_408 = arith.constant 13 : i32
      %dma_start3A_409 = arith.constant 0 : i32
      %dma_start3A_410 = tpu.memref_slice %arg8[%dma_start3A_408, %dma_start3A_409] : memref<16x128xi32, #tpu.memory_space<vmem>> -> memref<1x128xi32, #tpu.memory_space<vmem>>
      %dma_start3A_411 = tpu.memref_squeeze %dma_start3A_410 : memref<1x128xi32, #tpu.memory_space<vmem>> -> memref<128xi32, #tpu.memory_space<vmem>>
      %dma_start3A_412 = arith.constant 0 : i32
      %dma_start3A_413 = arith.constant 0 : i32
      %dma_start3A_414 = tpu.memref_slice %arg11[%dma_start3A_412, %dma_start3A_413] : memref<10240x128xf32, #tpu.memory_space<vmem_shared>> -> memref<10240x128xf32, #tpu.memory_space<vmem_shared>>
      tpu.enqueue_indirect_dma source(%arg10 : memref<128x128xf32, #tpu.memory_space<vmem>>) target(%dma_start3A_414 : memref<10240x128xf32, #tpu.memory_space<vmem_shared>>) offsets(%dma_start3A_411 : memref<128xi32, #tpu.memory_space<vmem>>) semaphore(%arg15 : memref<!tpu.dma_semaphore, #tpu.memory_space<semaphore_mem>>) {add = true}
      %dma_wait3A_415 = arith.constant 13 : i32
      %dma_wait3A_416 = arith.constant 0 : i32
      %dma_wait3A_417 = tpu.memref_slice %arg8[%dma_wait3A_415, %dma_wait3A_416] : memref<16x128xi32, #tpu.memory_space<vmem>> -> memref<1x128xi32, #tpu.memory_space<vmem>>
      %dma_wait3A_418 = tpu.memref_squeeze %dma_wait3A_417 : memref<1x128xi32, #tpu.memory_space<vmem>> -> memref<128xi32, #tpu.memory_space<vmem>>
      %dma_wait3A_419 = arith.constant 0 : i32
      %dma_wait3A_420 = arith.constant 0 : i32
      %dma_wait3A_421 = tpu.memref_slice %arg11[%dma_wait3A_419, %dma_wait3A_420] : memref<10240x128xf32, #tpu.memory_space<vmem_shared>> -> memref<10240x128xf32, #tpu.memory_space<vmem_shared>>
      tpu.wait_indirect_dma semaphore(%arg15 : memref<!tpu.dma_semaphore, #tpu.memory_space<semaphore_mem>>) src(%arg10 : memref<128x128xf32, #tpu.memory_space<vmem>>) dst(%dma_wait3A_421 : memref<10240x128xf32, #tpu.memory_space<vmem_shared>>)
      %dma_start3A_422 = arith.constant 15 : i32
      %dma_start3A_423 = arith.constant 0 : i32
      %dma_start3A_424 = tpu.memref_slice %arg7[%dma_start3A_422, %dma_start3A_423] : memref<16x128xi32, #tpu.memory_space<vmem>> -> memref<1x128xi32, #tpu.memory_space<vmem>>
      %dma_start3A_425 = tpu.memref_squeeze %dma_start3A_424 : memref<1x128xi32, #tpu.memory_space<vmem>> -> memref<128xi32, #tpu.memory_space<vmem>>
      %dma_start3A_426 = arith.constant 0 : i32
      %dma_start3A_427 = arith.constant 0 : i32
      %dma_start3A_428 = tpu.memref_slice %arg2[%dma_start3A_426, %dma_start3A_427] : memref<10240x128xf32, #tpu.memory_space<hbm>> -> memref<10240x128xf32, #tpu.memory_space<hbm>>
      tpu.enqueue_indirect_dma source(%dma_start3A_428 : memref<10240x128xf32, #tpu.memory_space<hbm>>) target(%arg10 : memref<128x128xf32, #tpu.memory_space<vmem>>) offsets(%dma_start3A_425 : memref<128xi32, #tpu.memory_space<vmem>>) semaphore(%arg13 : memref<!tpu.dma_semaphore, #tpu.memory_space<semaphore_mem>>)
      %dma_wait3A_429 = arith.constant 14 : i32
      %dma_wait3A_430 = arith.constant 0 : i32
      %dma_wait3A_431 = tpu.memref_slice %arg7[%dma_wait3A_429, %dma_wait3A_430] : memref<16x128xi32, #tpu.memory_space<vmem>> -> memref<1x128xi32, #tpu.memory_space<vmem>>
      %dma_wait3A_432 = tpu.memref_squeeze %dma_wait3A_431 : memref<1x128xi32, #tpu.memory_space<vmem>> -> memref<128xi32, #tpu.memory_space<vmem>>
      %dma_wait3A_433 = arith.constant 0 : i32
      %dma_wait3A_434 = arith.constant 0 : i32
      %dma_wait3A_435 = tpu.memref_slice %arg2[%dma_wait3A_433, %dma_wait3A_434] : memref<10240x128xf32, #tpu.memory_space<hbm>> -> memref<10240x128xf32, #tpu.memory_space<hbm>>
      tpu.wait_indirect_dma semaphore(%arg12 : memref<!tpu.dma_semaphore, #tpu.memory_space<semaphore_mem>>) src(%dma_wait3A_435 : memref<10240x128xf32, #tpu.memory_space<hbm>>) dst(%arg9 : memref<128x128xf32, #tpu.memory_space<vmem>>)
      %dma_start3A_436 = arith.constant 14 : i32
      %dma_start3A_437 = arith.constant 0 : i32
      %dma_start3A_438 = tpu.memref_slice %arg8[%dma_start3A_436, %dma_start3A_437] : memref<16x128xi32, #tpu.memory_space<vmem>> -> memref<1x128xi32, #tpu.memory_space<vmem>>
      %dma_start3A_439 = tpu.memref_squeeze %dma_start3A_438 : memref<1x128xi32, #tpu.memory_space<vmem>> -> memref<128xi32, #tpu.memory_space<vmem>>
      %dma_start3A_440 = arith.constant 0 : i32
      %dma_start3A_441 = arith.constant 0 : i32
      %dma_start3A_442 = tpu.memref_slice %arg11[%dma_start3A_440, %dma_start3A_441] : memref<10240x128xf32, #tpu.memory_space<vmem_shared>> -> memref<10240x128xf32, #tpu.memory_space<vmem_shared>>
      tpu.enqueue_indirect_dma source(%arg9 : memref<128x128xf32, #tpu.memory_space<vmem>>) target(%dma_start3A_442 : memref<10240x128xf32, #tpu.memory_space<vmem_shared>>) offsets(%dma_start3A_439 : memref<128xi32, #tpu.memory_space<vmem>>) semaphore(%arg14 : memref<!tpu.dma_semaphore, #tpu.memory_space<semaphore_mem>>) {add = true}
      %dma_wait3A_443 = arith.constant 15 : i32
      %dma_wait3A_444 = arith.constant 0 : i32
      %dma_wait3A_445 = tpu.memref_slice %arg7[%dma_wait3A_443, %dma_wait3A_444] : memref<16x128xi32, #tpu.memory_space<vmem>> -> memref<1x128xi32, #tpu.memory_space<vmem>>
      %dma_wait3A_446 = tpu.memref_squeeze %dma_wait3A_445 : memref<1x128xi32, #tpu.memory_space<vmem>> -> memref<128xi32, #tpu.memory_space<vmem>>
      %dma_wait3A_447 = arith.constant 0 : i32
      %dma_wait3A_448 = arith.constant 0 : i32
      %dma_wait3A_449 = tpu.memref_slice %arg2[%dma_wait3A_447, %dma_wait3A_448] : memref<10240x128xf32, #tpu.memory_space<hbm>> -> memref<10240x128xf32, #tpu.memory_space<hbm>>
      tpu.wait_indirect_dma semaphore(%arg13 : memref<!tpu.dma_semaphore, #tpu.memory_space<semaphore_mem>>) src(%dma_wait3A_449 : memref<10240x128xf32, #tpu.memory_space<hbm>>) dst(%arg10 : memref<128x128xf32, #tpu.memory_space<vmem>>)
      %dma_start3A_450 = arith.constant 15 : i32
      %dma_start3A_451 = arith.constant 0 : i32
      %dma_start3A_452 = tpu.memref_slice %arg8[%dma_start3A_450, %dma_start3A_451] : memref<16x128xi32, #tpu.memory_space<vmem>> -> memref<1x128xi32, #tpu.memory_space<vmem>>
      %dma_start3A_453 = tpu.memref_squeeze %dma_start3A_452 : memref<1x128xi32, #tpu.memory_space<vmem>> -> memref<128xi32, #tpu.memory_space<vmem>>
      %dma_start3A_454 = arith.constant 0 : i32
      %dma_start3A_455 = arith.constant 0 : i32
      %dma_start3A_456 = tpu.memref_slice %arg11[%dma_start3A_454, %dma_start3A_455] : memref<10240x128xf32, #tpu.memory_space<vmem_shared>> -> memref<10240x128xf32, #tpu.memory_space<vmem_shared>>
      tpu.enqueue_indirect_dma source(%arg10 : memref<128x128xf32, #tpu.memory_space<vmem>>) target(%dma_start3A_456 : memref<10240x128xf32, #tpu.memory_space<vmem_shared>>) offsets(%dma_start3A_453 : memref<128xi32, #tpu.memory_space<vmem>>) semaphore(%arg15 : memref<!tpu.dma_semaphore, #tpu.memory_space<semaphore_mem>>) {add = true}
      %dma_wait3A_457 = arith.constant 14 : i32
      %dma_wait3A_458 = arith.constant 0 : i32
      %dma_wait3A_459 = tpu.memref_slice %arg8[%dma_wait3A_457, %dma_wait3A_458] : memref<16x128xi32, #tpu.memory_space<vmem>> -> memref<1x128xi32, #tpu.memory_space<vmem>>
      %dma_wait3A_460 = tpu.memref_squeeze %dma_wait3A_459 : memref<1x128xi32, #tpu.memory_space<vmem>> -> memref<128xi32, #tpu.memory_space<vmem>>
      %dma_wait3A_461 = arith.constant 0 : i32
      %dma_wait3A_462 = arith.constant 0 : i32
      %dma_wait3A_463 = tpu.memref_slice %arg11[%dma_wait3A_461, %dma_wait3A_462] : memref<10240x128xf32, #tpu.memory_space<vmem_shared>> -> memref<10240x128xf32, #tpu.memory_space<vmem_shared>>
      tpu.wait_indirect_dma semaphore(%arg14 : memref<!tpu.dma_semaphore, #tpu.memory_space<semaphore_mem>>) src(%arg9 : memref<128x128xf32, #tpu.memory_space<vmem>>) dst(%dma_wait3A_463 : memref<10240x128xf32, #tpu.memory_space<vmem_shared>>)
      %dma_wait3A_464 = arith.constant 15 : i32
      %dma_wait3A_465 = arith.constant 0 : i32
      %dma_wait3A_466 = tpu.memref_slice %arg8[%dma_wait3A_464, %dma_wait3A_465] : memref<16x128xi32, #tpu.memory_space<vmem>> -> memref<1x128xi32, #tpu.memory_space<vmem>>
      %dma_wait3A_467 = tpu.memref_squeeze %dma_wait3A_466 : memref<1x128xi32, #tpu.memory_space<vmem>> -> memref<128xi32, #tpu.memory_space<vmem>>
      %dma_wait3A_468 = arith.constant 0 : i32
      %dma_wait3A_469 = arith.constant 0 : i32
      %dma_wait3A_470 = tpu.memref_slice %arg11[%dma_wait3A_468, %dma_wait3A_469] : memref<10240x128xf32, #tpu.memory_space<vmem_shared>> -> memref<10240x128xf32, #tpu.memory_space<vmem_shared>>
      tpu.wait_indirect_dma semaphore(%arg15 : memref<!tpu.dma_semaphore, #tpu.memory_space<semaphore_mem>>) src(%arg10 : memref<128x128xf32, #tpu.memory_space<vmem>>) dst(%dma_wait3A_470 : memref<10240x128xf32, #tpu.memory_space<vmem_shared>>)
    }
    %while3A_19 = arith.constant 1 : i32
    scf.for %while3A_21 = %while3A_17 to %while3A_13 step %while3A_19  : i32 {
      %mul3A_22 = arith.constant 16 : i32
      %mul3A_23 = arith.muli %while3A_21, %mul3A_22 : i32
      %add3A_24 = arith.addi %select_n3A, %mul3A_23 : i32
      "tpu.region"() ({
        %run_scoped3A = tpu.sem_alloc : memref<!tpu.dma_semaphore, #tpu.memory_space<semaphore_mem>>
        %dma_start3A_471 = arith.constant 0 : i32
        %dma_start3A_472 = tpu.memref_slice %arg3[%add3A_24, %dma_start3A_471] : memref<5120x128xi32, #tpu.memory_space<hbm>> -> memref<16x128xi32, #tpu.memory_space<hbm>>
        %dma_start3A_473 = arith.constant 0 : i32
        %dma_start3A_474 = tpu.memref_slice %arg3[%add3A_24, %dma_start3A_473] : memref<5120x128xi32, #tpu.memory_space<hbm>> -> memref<16x128xi32, #tpu.memory_space<hbm>>
        tpu.enqueue_dma source(%dma_start3A_474 : memref<16x128xi32, #tpu.memory_space<hbm>>) target(%arg7 : memref<16x128xi32, #tpu.memory_space<vmem>>) target_semaphore(%run_scoped3A : memref<!tpu.dma_semaphore, #tpu.memory_space<semaphore_mem>>)
        %dma_wait3A_475 = arith.constant 0 : i32
        %dma_wait3A_476 = tpu.memref_slice %arg3[%add3A_24, %dma_wait3A_475] : memref<5120x128xi32, #tpu.memory_space<hbm>> -> memref<16x128xi32, #tpu.memory_space<hbm>>
        %dma_wait3A_477 = arith.constant 0 : i32
        %dma_wait3A_478 = tpu.memref_slice %arg3[%add3A_24, %dma_wait3A_477] : memref<5120x128xi32, #tpu.memory_space<hbm>> -> memref<16x128xi32, #tpu.memory_space<hbm>>
        tpu.wait_dma2 semaphore(%run_scoped3A : memref<!tpu.dma_semaphore, #tpu.memory_space<semaphore_mem>>) src(%dma_wait3A_478 : memref<16x128xi32, #tpu.memory_space<hbm>>) dst(%arg7 : memref<16x128xi32, #tpu.memory_space<vmem>>)
        tpu.yield
      }) : () -> ()
      "tpu.region"() ({
        %run_scoped3A = tpu.sem_alloc : memref<!tpu.dma_semaphore, #tpu.memory_space<semaphore_mem>>
        %dma_start3A_471 = arith.constant 0 : i32
        %dma_start3A_472 = tpu.memref_slice %arg4[%add3A_24, %dma_start3A_471] : memref<5120x128xi32, #tpu.memory_space<hbm>> -> memref<16x128xi32, #tpu.memory_space<hbm>>
        %dma_start3A_473 = arith.constant 0 : i32
        %dma_start3A_474 = tpu.memref_slice %arg4[%add3A_24, %dma_start3A_473] : memref<5120x128xi32, #tpu.memory_space<hbm>> -> memref<16x128xi32, #tpu.memory_space<hbm>>
        tpu.enqueue_dma source(%dma_start3A_474 : memref<16x128xi32, #tpu.memory_space<hbm>>) target(%arg8 : memref<16x128xi32, #tpu.memory_space<vmem>>) target_semaphore(%run_scoped3A : memref<!tpu.dma_semaphore, #tpu.memory_space<semaphore_mem>>)
        %dma_wait3A_475 = arith.constant 0 : i32
        %dma_wait3A_476 = tpu.memref_slice %arg4[%add3A_24, %dma_wait3A_475] : memref<5120x128xi32, #tpu.memory_space<hbm>> -> memref<16x128xi32, #tpu.memory_space<hbm>>
        %dma_wait3A_477 = arith.constant 0 : i32
        %dma_wait3A_478 = tpu.memref_slice %arg4[%add3A_24, %dma_wait3A_477] : memref<5120x128xi32, #tpu.memory_space<hbm>> -> memref<16x128xi32, #tpu.memory_space<hbm>>
        tpu.wait_dma2 semaphore(%run_scoped3A : memref<!tpu.dma_semaphore, #tpu.memory_space<semaphore_mem>>) src(%dma_wait3A_478 : memref<16x128xi32, #tpu.memory_space<hbm>>) dst(%arg8 : memref<16x128xi32, #tpu.memory_space<vmem>>)
        tpu.yield
      }) : () -> ()
      %dma_start3A = arith.constant 0 : i32
      %dma_start3A_25 = arith.constant 0 : i32
      %dma_start3A_26 = tpu.memref_slice %arg7[%dma_start3A, %dma_start3A_25] : memref<16x128xi32, #tpu.memory_space<vmem>> -> memref<1x128xi32, #tpu.memory_space<vmem>>
      %dma_start3A_27 = tpu.memref_squeeze %dma_start3A_26 : memref<1x128xi32, #tpu.memory_space<vmem>> -> memref<128xi32, #tpu.memory_space<vmem>>
      %dma_start3A_28 = arith.constant 0 : i32
      %dma_start3A_29 = arith.constant 0 : i32
      %dma_start3A_30 = tpu.memref_slice %arg2[%dma_start3A_28, %dma_start3A_29] : memref<10240x128xf32, #tpu.memory_space<hbm>> -> memref<10240x128xf32, #tpu.memory_space<hbm>>
      tpu.enqueue_indirect_dma source(%dma_start3A_30 : memref<10240x128xf32, #tpu.memory_space<hbm>>) target(%arg9 : memref<128x128xf32, #tpu.memory_space<vmem>>) offsets(%dma_start3A_27 : memref<128xi32, #tpu.memory_space<vmem>>) semaphore(%arg12 : memref<!tpu.dma_semaphore, #tpu.memory_space<semaphore_mem>>)
      %dma_start3A_31 = arith.constant 1 : i32
      %dma_start3A_32 = arith.constant 0 : i32
      %dma_start3A_33 = tpu.memref_slice %arg7[%dma_start3A_31, %dma_start3A_32] : memref<16x128xi32, #tpu.memory_space<vmem>> -> memref<1x128xi32, #tpu.memory_space<vmem>>
      %dma_start3A_34 = tpu.memref_squeeze %dma_start3A_33 : memref<1x128xi32, #tpu.memory_space<vmem>> -> memref<128xi32, #tpu.memory_space<vmem>>
      %dma_start3A_35 = arith.constant 0 : i32
      %dma_start3A_36 = arith.constant 0 : i32
      %dma_start3A_37 = tpu.memref_slice %arg2[%dma_start3A_35, %dma_start3A_36] : memref<10240x128xf32, #tpu.memory_space<hbm>> -> memref<10240x128xf32, #tpu.memory_space<hbm>>
      tpu.enqueue_indirect_dma source(%dma_start3A_37 : memref<10240x128xf32, #tpu.memory_space<hbm>>) target(%arg10 : memref<128x128xf32, #tpu.memory_space<vmem>>) offsets(%dma_start3A_34 : memref<128xi32, #tpu.memory_space<vmem>>) semaphore(%arg13 : memref<!tpu.dma_semaphore, #tpu.memory_space<semaphore_mem>>)
      %dma_wait3A = arith.constant 0 : i32
      %dma_wait3A_38 = arith.constant 0 : i32
      %dma_wait3A_39 = tpu.memref_slice %arg7[%dma_wait3A, %dma_wait3A_38] : memref<16x128xi32, #tpu.memory_space<vmem>> -> memref<1x128xi32, #tpu.memory_space<vmem>>
      %dma_wait3A_40 = tpu.memref_squeeze %dma_wait3A_39 : memref<1x128xi32, #tpu.memory_space<vmem>> -> memref<128xi32, #tpu.memory_space<vmem>>
      %dma_wait3A_41 = arith.constant 0 : i32
      %dma_wait3A_42 = arith.constant 0 : i32
      %dma_wait3A_43 = tpu.memref_slice %arg2[%dma_wait3A_41, %dma_wait3A_42] : memref<10240x128xf32, #tpu.memory_space<hbm>> -> memref<10240x128xf32, #tpu.memory_space<hbm>>
      tpu.wait_indirect_dma semaphore(%arg12 : memref<!tpu.dma_semaphore, #tpu.memory_space<semaphore_mem>>) src(%dma_wait3A_43 : memref<10240x128xf32, #tpu.memory_space<hbm>>) dst(%arg9 : memref<128x128xf32, #tpu.memory_space<vmem>>)
      %dma_start3A_44 = arith.constant 0 : i32
      %dma_start3A_45 = arith.constant 0 : i32
      %dma_start3A_46 = tpu.memref_slice %arg8[%dma_start3A_44, %dma_start3A_45] : memref<16x128xi32, #tpu.memory_space<vmem>> -> memref<1x128xi32, #tpu.memory_space<vmem>>
      %dma_start3A_47 = tpu.memref_squeeze %dma_start3A_46 : memref<1x128xi32, #tpu.memory_space<vmem>> -> memref<128xi32, #tpu.memory_space<vmem>>
      %dma_start3A_48 = arith.constant 0 : i32
      %dma_start3A_49 = arith.constant 0 : i32
      %dma_start3A_50 = tpu.memref_slice %arg11[%dma_start3A_48, %dma_start3A_49] : memref<10240x128xf32, #tpu.memory_space<vmem_shared>> -> memref<10240x128xf32, #tpu.memory_space<vmem_shared>>
      tpu.enqueue_indirect_dma source(%arg9 : memref<128x128xf32, #tpu.memory_space<vmem>>) target(%dma_start3A_50 : memref<10240x128xf32, #tpu.memory_space<vmem_shared>>) offsets(%dma_start3A_47 : memref<128xi32, #tpu.memory_space<vmem>>) semaphore(%arg14 : memref<!tpu.dma_semaphore, #tpu.memory_space<semaphore_mem>>) {add = true}
      %dma_wait3A_51 = arith.constant 0 : i32
      %dma_wait3A_52 = arith.constant 0 : i32
      %dma_wait3A_53 = tpu.memref_slice %arg8[%dma_wait3A_51, %dma_wait3A_52] : memref<16x128xi32, #tpu.memory_space<vmem>> -> memref<1x128xi32, #tpu.memory_space<vmem>>
      %dma_wait3A_54 = tpu.memref_squeeze %dma_wait3A_53 : memref<1x128xi32, #tpu.memory_space<vmem>> -> memref<128xi32, #tpu.memory_space<vmem>>
      %dma_wait3A_55 = arith.constant 0 : i32
      %dma_wait3A_56 = arith.constant 0 : i32
      %dma_wait3A_57 = tpu.memref_slice %arg11[%dma_wait3A_55, %dma_wait3A_56] : memref<10240x128xf32, #tpu.memory_space<vmem_shared>> -> memref<10240x128xf32, #tpu.memory_space<vmem_shared>>
      tpu.wait_indirect_dma semaphore(%arg14 : memref<!tpu.dma_semaphore, #tpu.memory_space<semaphore_mem>>) src(%arg9 : memref<128x128xf32, #tpu.memory_space<vmem>>) dst(%dma_wait3A_57 : memref<10240x128xf32, #tpu.memory_space<vmem_shared>>)
      %dma_start3A_58 = arith.constant 2 : i32
      %dma_start3A_59 = arith.constant 0 : i32
      %dma_start3A_60 = tpu.memref_slice %arg7[%dma_start3A_58, %dma_start3A_59] : memref<16x128xi32, #tpu.memory_space<vmem>> -> memref<1x128xi32, #tpu.memory_space<vmem>>
      %dma_start3A_61 = tpu.memref_squeeze %dma_start3A_60 : memref<1x128xi32, #tpu.memory_space<vmem>> -> memref<128xi32, #tpu.memory_space<vmem>>
      %dma_start3A_62 = arith.constant 0 : i32
      %dma_start3A_63 = arith.constant 0 : i32
      %dma_start3A_64 = tpu.memref_slice %arg2[%dma_start3A_62, %dma_start3A_63] : memref<10240x128xf32, #tpu.memory_space<hbm>> -> memref<10240x128xf32, #tpu.memory_space<hbm>>
      tpu.enqueue_indirect_dma source(%dma_start3A_64 : memref<10240x128xf32, #tpu.memory_space<hbm>>) target(%arg9 : memref<128x128xf32, #tpu.memory_space<vmem>>) offsets(%dma_start3A_61 : memref<128xi32, #tpu.memory_space<vmem>>) semaphore(%arg12 : memref<!tpu.dma_semaphore, #tpu.memory_space<semaphore_mem>>)
      %dma_wait3A_65 = arith.constant 1 : i32
      %dma_wait3A_66 = arith.constant 0 : i32
      %dma_wait3A_67 = tpu.memref_slice %arg7[%dma_wait3A_65, %dma_wait3A_66] : memref<16x128xi32, #tpu.memory_space<vmem>> -> memref<1x128xi32, #tpu.memory_space<vmem>>
      %dma_wait3A_68 = tpu.memref_squeeze %dma_wait3A_67 : memref<1x128xi32, #tpu.memory_space<vmem>> -> memref<128xi32, #tpu.memory_space<vmem>>
      %dma_wait3A_69 = arith.constant 0 : i32
      %dma_wait3A_70 = arith.constant 0 : i32
      %dma_wait3A_71 = tpu.memref_slice %arg2[%dma_wait3A_69, %dma_wait3A_70] : memref<10240x128xf32, #tpu.memory_space<hbm>> -> memref<10240x128xf32, #tpu.memory_space<hbm>>
      tpu.wait_indirect_dma semaphore(%arg13 : memref<!tpu.dma_semaphore, #tpu.memory_space<semaphore_mem>>) src(%dma_wait3A_71 : memref<10240x128xf32, #tpu.memory_space<hbm>>) dst(%arg10 : memref<128x128xf32, #tpu.memory_space<vmem>>)
      %dma_start3A_72 = arith.constant 1 : i32
      %dma_start3A_73 = arith.constant 0 : i32
      %dma_start3A_74 = tpu.memref_slice %arg8[%dma_start3A_72, %dma_start3A_73] : memref<16x128xi32, #tpu.memory_space<vmem>> -> memref<1x128xi32, #tpu.memory_space<vmem>>
      %dma_start3A_75 = tpu.memref_squeeze %dma_start3A_74 : memref<1x128xi32, #tpu.memory_space<vmem>> -> memref<128xi32, #tpu.memory_space<vmem>>
      %dma_start3A_76 = arith.constant 0 : i32
      %dma_start3A_77 = arith.constant 0 : i32
      %dma_start3A_78 = tpu.memref_slice %arg11[%dma_start3A_76, %dma_start3A_77] : memref<10240x128xf32, #tpu.memory_space<vmem_shared>> -> memref<10240x128xf32, #tpu.memory_space<vmem_shared>>
      tpu.enqueue_indirect_dma source(%arg10 : memref<128x128xf32, #tpu.memory_space<vmem>>) target(%dma_start3A_78 : memref<10240x128xf32, #tpu.memory_space<vmem_shared>>) offsets(%dma_start3A_75 : memref<128xi32, #tpu.memory_space<vmem>>) semaphore(%arg15 : memref<!tpu.dma_semaphore, #tpu.memory_space<semaphore_mem>>) {add = true}
      %dma_wait3A_79 = arith.constant 1 : i32
      %dma_wait3A_80 = arith.constant 0 : i32
      %dma_wait3A_81 = tpu.memref_slice %arg8[%dma_wait3A_79, %dma_wait3A_80] : memref<16x128xi32, #tpu.memory_space<vmem>> -> memref<1x128xi32, #tpu.memory_space<vmem>>
      %dma_wait3A_82 = tpu.memref_squeeze %dma_wait3A_81 : memref<1x128xi32, #tpu.memory_space<vmem>> -> memref<128xi32, #tpu.memory_space<vmem>>
      %dma_wait3A_83 = arith.constant 0 : i32
      %dma_wait3A_84 = arith.constant 0 : i32
      %dma_wait3A_85 = tpu.memref_slice %arg11[%dma_wait3A_83, %dma_wait3A_84] : memref<10240x128xf32, #tpu.memory_space<vmem_shared>> -> memref<10240x128xf32, #tpu.memory_space<vmem_shared>>
      tpu.wait_indirect_dma semaphore(%arg15 : memref<!tpu.dma_semaphore, #tpu.memory_space<semaphore_mem>>) src(%arg10 : memref<128x128xf32, #tpu.memory_space<vmem>>) dst(%dma_wait3A_85 : memref<10240x128xf32, #tpu.memory_space<vmem_shared>>)
      %dma_start3A_86 = arith.constant 3 : i32
      %dma_start3A_87 = arith.constant 0 : i32
      %dma_start3A_88 = tpu.memref_slice %arg7[%dma_start3A_86, %dma_start3A_87] : memref<16x128xi32, #tpu.memory_space<vmem>> -> memref<1x128xi32, #tpu.memory_space<vmem>>
      %dma_start3A_89 = tpu.memref_squeeze %dma_start3A_88 : memref<1x128xi32, #tpu.memory_space<vmem>> -> memref<128xi32, #tpu.memory_space<vmem>>
      %dma_start3A_90 = arith.constant 0 : i32
      %dma_start3A_91 = arith.constant 0 : i32
      %dma_start3A_92 = tpu.memref_slice %arg2[%dma_start3A_90, %dma_start3A_91] : memref<10240x128xf32, #tpu.memory_space<hbm>> -> memref<10240x128xf32, #tpu.memory_space<hbm>>
      tpu.enqueue_indirect_dma source(%dma_start3A_92 : memref<10240x128xf32, #tpu.memory_space<hbm>>) target(%arg10 : memref<128x128xf32, #tpu.memory_space<vmem>>) offsets(%dma_start3A_89 : memref<128xi32, #tpu.memory_space<vmem>>) semaphore(%arg13 : memref<!tpu.dma_semaphore, #tpu.memory_space<semaphore_mem>>)
      %dma_wait3A_93 = arith.constant 2 : i32
      %dma_wait3A_94 = arith.constant 0 : i32
      %dma_wait3A_95 = tpu.memref_slice %arg7[%dma_wait3A_93, %dma_wait3A_94] : memref<16x128xi32, #tpu.memory_space<vmem>> -> memref<1x128xi32, #tpu.memory_space<vmem>>
      %dma_wait3A_96 = tpu.memref_squeeze %dma_wait3A_95 : memref<1x128xi32, #tpu.memory_space<vmem>> -> memref<128xi32, #tpu.memory_space<vmem>>
      %dma_wait3A_97 = arith.constant 0 : i32
      %dma_wait3A_98 = arith.constant 0 : i32
      %dma_wait3A_99 = tpu.memref_slice %arg2[%dma_wait3A_97, %dma_wait3A_98] : memref<10240x128xf32, #tpu.memory_space<hbm>> -> memref<10240x128xf32, #tpu.memory_space<hbm>>
      tpu.wait_indirect_dma semaphore(%arg12 : memref<!tpu.dma_semaphore, #tpu.memory_space<semaphore_mem>>) src(%dma_wait3A_99 : memref<10240x128xf32, #tpu.memory_space<hbm>>) dst(%arg9 : memref<128x128xf32, #tpu.memory_space<vmem>>)
      %dma_start3A_100 = arith.constant 2 : i32
      %dma_start3A_101 = arith.constant 0 : i32
      %dma_start3A_102 = tpu.memref_slice %arg8[%dma_start3A_100, %dma_start3A_101] : memref<16x128xi32, #tpu.memory_space<vmem>> -> memref<1x128xi32, #tpu.memory_space<vmem>>
      %dma_start3A_103 = tpu.memref_squeeze %dma_start3A_102 : memref<1x128xi32, #tpu.memory_space<vmem>> -> memref<128xi32, #tpu.memory_space<vmem>>
      %dma_start3A_104 = arith.constant 0 : i32
      %dma_start3A_105 = arith.constant 0 : i32
      %dma_start3A_106 = tpu.memref_slice %arg11[%dma_start3A_104, %dma_start3A_105] : memref<10240x128xf32, #tpu.memory_space<vmem_shared>> -> memref<10240x128xf32, #tpu.memory_space<vmem_shared>>
      tpu.enqueue_indirect_dma source(%arg9 : memref<128x128xf32, #tpu.memory_space<vmem>>) target(%dma_start3A_106 : memref<10240x128xf32, #tpu.memory_space<vmem_shared>>) offsets(%dma_start3A_103 : memref<128xi32, #tpu.memory_space<vmem>>) semaphore(%arg14 : memref<!tpu.dma_semaphore, #tpu.memory_space<semaphore_mem>>) {add = true}
      %dma_wait3A_107 = arith.constant 2 : i32
      %dma_wait3A_108 = arith.constant 0 : i32
      %dma_wait3A_109 = tpu.memref_slice %arg8[%dma_wait3A_107, %dma_wait3A_108] : memref<16x128xi32, #tpu.memory_space<vmem>> -> memref<1x128xi32, #tpu.memory_space<vmem>>
      %dma_wait3A_110 = tpu.memref_squeeze %dma_wait3A_109 : memref<1x128xi32, #tpu.memory_space<vmem>> -> memref<128xi32, #tpu.memory_space<vmem>>
      %dma_wait3A_111 = arith.constant 0 : i32
      %dma_wait3A_112 = arith.constant 0 : i32
      %dma_wait3A_113 = tpu.memref_slice %arg11[%dma_wait3A_111, %dma_wait3A_112] : memref<10240x128xf32, #tpu.memory_space<vmem_shared>> -> memref<10240x128xf32, #tpu.memory_space<vmem_shared>>
      tpu.wait_indirect_dma semaphore(%arg14 : memref<!tpu.dma_semaphore, #tpu.memory_space<semaphore_mem>>) src(%arg9 : memref<128x128xf32, #tpu.memory_space<vmem>>) dst(%dma_wait3A_113 : memref<10240x128xf32, #tpu.memory_space<vmem_shared>>)
      %dma_start3A_114 = arith.constant 4 : i32
      %dma_start3A_115 = arith.constant 0 : i32
      %dma_start3A_116 = tpu.memref_slice %arg7[%dma_start3A_114, %dma_start3A_115] : memref<16x128xi32, #tpu.memory_space<vmem>> -> memref<1x128xi32, #tpu.memory_space<vmem>>
      %dma_start3A_117 = tpu.memref_squeeze %dma_start3A_116 : memref<1x128xi32, #tpu.memory_space<vmem>> -> memref<128xi32, #tpu.memory_space<vmem>>
      %dma_start3A_118 = arith.constant 0 : i32
      %dma_start3A_119 = arith.constant 0 : i32
      %dma_start3A_120 = tpu.memref_slice %arg2[%dma_start3A_118, %dma_start3A_119] : memref<10240x128xf32, #tpu.memory_space<hbm>> -> memref<10240x128xf32, #tpu.memory_space<hbm>>
      tpu.enqueue_indirect_dma source(%dma_start3A_120 : memref<10240x128xf32, #tpu.memory_space<hbm>>) target(%arg9 : memref<128x128xf32, #tpu.memory_space<vmem>>) offsets(%dma_start3A_117 : memref<128xi32, #tpu.memory_space<vmem>>) semaphore(%arg12 : memref<!tpu.dma_semaphore, #tpu.memory_space<semaphore_mem>>)
      %dma_wait3A_121 = arith.constant 3 : i32
      %dma_wait3A_122 = arith.constant 0 : i32
      %dma_wait3A_123 = tpu.memref_slice %arg7[%dma_wait3A_121, %dma_wait3A_122] : memref<16x128xi32, #tpu.memory_space<vmem>> -> memref<1x128xi32, #tpu.memory_space<vmem>>
      %dma_wait3A_124 = tpu.memref_squeeze %dma_wait3A_123 : memref<1x128xi32, #tpu.memory_space<vmem>> -> memref<128xi32, #tpu.memory_space<vmem>>
      %dma_wait3A_125 = arith.constant 0 : i32
      %dma_wait3A_126 = arith.constant 0 : i32
      %dma_wait3A_127 = tpu.memref_slice %arg2[%dma_wait3A_125, %dma_wait3A_126] : memref<10240x128xf32, #tpu.memory_space<hbm>> -> memref<10240x128xf32, #tpu.memory_space<hbm>>
      tpu.wait_indirect_dma semaphore(%arg13 : memref<!tpu.dma_semaphore, #tpu.memory_space<semaphore_mem>>) src(%dma_wait3A_127 : memref<10240x128xf32, #tpu.memory_space<hbm>>) dst(%arg10 : memref<128x128xf32, #tpu.memory_space<vmem>>)
      %dma_start3A_128 = arith.constant 3 : i32
      %dma_start3A_129 = arith.constant 0 : i32
      %dma_start3A_130 = tpu.memref_slice %arg8[%dma_start3A_128, %dma_start3A_129] : memref<16x128xi32, #tpu.memory_space<vmem>> -> memref<1x128xi32, #tpu.memory_space<vmem>>
      %dma_start3A_131 = tpu.memref_squeeze %dma_start3A_130 : memref<1x128xi32, #tpu.memory_space<vmem>> -> memref<128xi32, #tpu.memory_space<vmem>>
      %dma_start3A_132 = arith.constant 0 : i32
      %dma_start3A_133 = arith.constant 0 : i32
      %dma_start3A_134 = tpu.memref_slice %arg11[%dma_start3A_132, %dma_start3A_133] : memref<10240x128xf32, #tpu.memory_space<vmem_shared>> -> memref<10240x128xf32, #tpu.memory_space<vmem_shared>>
      tpu.enqueue_indirect_dma source(%arg10 : memref<128x128xf32, #tpu.memory_space<vmem>>) target(%dma_start3A_134 : memref<10240x128xf32, #tpu.memory_space<vmem_shared>>) offsets(%dma_start3A_131 : memref<128xi32, #tpu.memory_space<vmem>>) semaphore(%arg15 : memref<!tpu.dma_semaphore, #tpu.memory_space<semaphore_mem>>) {add = true}
      %dma_wait3A_135 = arith.constant 3 : i32
      %dma_wait3A_136 = arith.constant 0 : i32
      %dma_wait3A_137 = tpu.memref_slice %arg8[%dma_wait3A_135, %dma_wait3A_136] : memref<16x128xi32, #tpu.memory_space<vmem>> -> memref<1x128xi32, #tpu.memory_space<vmem>>
      %dma_wait3A_138 = tpu.memref_squeeze %dma_wait3A_137 : memref<1x128xi32, #tpu.memory_space<vmem>> -> memref<128xi32, #tpu.memory_space<vmem>>
      %dma_wait3A_139 = arith.constant 0 : i32
      %dma_wait3A_140 = arith.constant 0 : i32
      %dma_wait3A_141 = tpu.memref_slice %arg11[%dma_wait3A_139, %dma_wait3A_140] : memref<10240x128xf32, #tpu.memory_space<vmem_shared>> -> memref<10240x128xf32, #tpu.memory_space<vmem_shared>>
      tpu.wait_indirect_dma semaphore(%arg15 : memref<!tpu.dma_semaphore, #tpu.memory_space<semaphore_mem>>) src(%arg10 : memref<128x128xf32, #tpu.memory_space<vmem>>) dst(%dma_wait3A_141 : memref<10240x128xf32, #tpu.memory_space<vmem_shared>>)
      %dma_start3A_142 = arith.constant 5 : i32
      %dma_start3A_143 = arith.constant 0 : i32
      %dma_start3A_144 = tpu.memref_slice %arg7[%dma_start3A_142, %dma_start3A_143] : memref<16x128xi32, #tpu.memory_space<vmem>> -> memref<1x128xi32, #tpu.memory_space<vmem>>
      %dma_start3A_145 = tpu.memref_squeeze %dma_start3A_144 : memref<1x128xi32, #tpu.memory_space<vmem>> -> memref<128xi32, #tpu.memory_space<vmem>>
      %dma_start3A_146 = arith.constant 0 : i32
      %dma_start3A_147 = arith.constant 0 : i32
      %dma_start3A_148 = tpu.memref_slice %arg2[%dma_start3A_146, %dma_start3A_147] : memref<10240x128xf32, #tpu.memory_space<hbm>> -> memref<10240x128xf32, #tpu.memory_space<hbm>>
      tpu.enqueue_indirect_dma source(%dma_start3A_148 : memref<10240x128xf32, #tpu.memory_space<hbm>>) target(%arg10 : memref<128x128xf32, #tpu.memory_space<vmem>>) offsets(%dma_start3A_145 : memref<128xi32, #tpu.memory_space<vmem>>) semaphore(%arg13 : memref<!tpu.dma_semaphore, #tpu.memory_space<semaphore_mem>>)
      %dma_wait3A_149 = arith.constant 4 : i32
      %dma_wait3A_150 = arith.constant 0 : i32
      %dma_wait3A_151 = tpu.memref_slice %arg7[%dma_wait3A_149, %dma_wait3A_150] : memref<16x128xi32, #tpu.memory_space<vmem>> -> memref<1x128xi32, #tpu.memory_space<vmem>>
      %dma_wait3A_152 = tpu.memref_squeeze %dma_wait3A_151 : memref<1x128xi32, #tpu.memory_space<vmem>> -> memref<128xi32, #tpu.memory_space<vmem>>
      %dma_wait3A_153 = arith.constant 0 : i32
      %dma_wait3A_154 = arith.constant 0 : i32
      %dma_wait3A_155 = tpu.memref_slice %arg2[%dma_wait3A_153, %dma_wait3A_154] : memref<10240x128xf32, #tpu.memory_space<hbm>> -> memref<10240x128xf32, #tpu.memory_space<hbm>>
      tpu.wait_indirect_dma semaphore(%arg12 : memref<!tpu.dma_semaphore, #tpu.memory_space<semaphore_mem>>) src(%dma_wait3A_155 : memref<10240x128xf32, #tpu.memory_space<hbm>>) dst(%arg9 : memref<128x128xf32, #tpu.memory_space<vmem>>)
      %dma_start3A_156 = arith.constant 4 : i32
      %dma_start3A_157 = arith.constant 0 : i32
      %dma_start3A_158 = tpu.memref_slice %arg8[%dma_start3A_156, %dma_start3A_157] : memref<16x128xi32, #tpu.memory_space<vmem>> -> memref<1x128xi32, #tpu.memory_space<vmem>>
      %dma_start3A_159 = tpu.memref_squeeze %dma_start3A_158 : memref<1x128xi32, #tpu.memory_space<vmem>> -> memref<128xi32, #tpu.memory_space<vmem>>
      %dma_start3A_160 = arith.constant 0 : i32
      %dma_start3A_161 = arith.constant 0 : i32
      %dma_start3A_162 = tpu.memref_slice %arg11[%dma_start3A_160, %dma_start3A_161] : memref<10240x128xf32, #tpu.memory_space<vmem_shared>> -> memref<10240x128xf32, #tpu.memory_space<vmem_shared>>
      tpu.enqueue_indirect_dma source(%arg9 : memref<128x128xf32, #tpu.memory_space<vmem>>) target(%dma_start3A_162 : memref<10240x128xf32, #tpu.memory_space<vmem_shared>>) offsets(%dma_start3A_159 : memref<128xi32, #tpu.memory_space<vmem>>) semaphore(%arg14 : memref<!tpu.dma_semaphore, #tpu.memory_space<semaphore_mem>>) {add = true}
      %dma_wait3A_163 = arith.constant 4 : i32
      %dma_wait3A_164 = arith.constant 0 : i32
      %dma_wait3A_165 = tpu.memref_slice %arg8[%dma_wait3A_163, %dma_wait3A_164] : memref<16x128xi32, #tpu.memory_space<vmem>> -> memref<1x128xi32, #tpu.memory_space<vmem>>
      %dma_wait3A_166 = tpu.memref_squeeze %dma_wait3A_165 : memref<1x128xi32, #tpu.memory_space<vmem>> -> memref<128xi32, #tpu.memory_space<vmem>>
      %dma_wait3A_167 = arith.constant 0 : i32
      %dma_wait3A_168 = arith.constant 0 : i32
      %dma_wait3A_169 = tpu.memref_slice %arg11[%dma_wait3A_167, %dma_wait3A_168] : memref<10240x128xf32, #tpu.memory_space<vmem_shared>> -> memref<10240x128xf32, #tpu.memory_space<vmem_shared>>
      tpu.wait_indirect_dma semaphore(%arg14 : memref<!tpu.dma_semaphore, #tpu.memory_space<semaphore_mem>>) src(%arg9 : memref<128x128xf32, #tpu.memory_space<vmem>>) dst(%dma_wait3A_169 : memref<10240x128xf32, #tpu.memory_space<vmem_shared>>)
      %dma_start3A_170 = arith.constant 6 : i32
      %dma_start3A_171 = arith.constant 0 : i32
      %dma_start3A_172 = tpu.memref_slice %arg7[%dma_start3A_170, %dma_start3A_171] : memref<16x128xi32, #tpu.memory_space<vmem>> -> memref<1x128xi32, #tpu.memory_space<vmem>>
      %dma_start3A_173 = tpu.memref_squeeze %dma_start3A_172 : memref<1x128xi32, #tpu.memory_space<vmem>> -> memref<128xi32, #tpu.memory_space<vmem>>
      %dma_start3A_174 = arith.constant 0 : i32
      %dma_start3A_175 = arith.constant 0 : i32
      %dma_start3A_176 = tpu.memref_slice %arg2[%dma_start3A_174, %dma_start3A_175] : memref<10240x128xf32, #tpu.memory_space<hbm>> -> memref<10240x128xf32, #tpu.memory_space<hbm>>
      tpu.enqueue_indirect_dma source(%dma_start3A_176 : memref<10240x128xf32, #tpu.memory_space<hbm>>) target(%arg9 : memref<128x128xf32, #tpu.memory_space<vmem>>) offsets(%dma_start3A_173 : memref<128xi32, #tpu.memory_space<vmem>>) semaphore(%arg12 : memref<!tpu.dma_semaphore, #tpu.memory_space<semaphore_mem>>)
      %dma_wait3A_177 = arith.constant 5 : i32
      %dma_wait3A_178 = arith.constant 0 : i32
      %dma_wait3A_179 = tpu.memref_slice %arg7[%dma_wait3A_177, %dma_wait3A_178] : memref<16x128xi32, #tpu.memory_space<vmem>> -> memref<1x128xi32, #tpu.memory_space<vmem>>
      %dma_wait3A_180 = tpu.memref_squeeze %dma_wait3A_179 : memref<1x128xi32, #tpu.memory_space<vmem>> -> memref<128xi32, #tpu.memory_space<vmem>>
      %dma_wait3A_181 = arith.constant 0 : i32
      %dma_wait3A_182 = arith.constant 0 : i32
      %dma_wait3A_183 = tpu.memref_slice %arg2[%dma_wait3A_181, %dma_wait3A_182] : memref<10240x128xf32, #tpu.memory_space<hbm>> -> memref<10240x128xf32, #tpu.memory_space<hbm>>
      tpu.wait_indirect_dma semaphore(%arg13 : memref<!tpu.dma_semaphore, #tpu.memory_space<semaphore_mem>>) src(%dma_wait3A_183 : memref<10240x128xf32, #tpu.memory_space<hbm>>) dst(%arg10 : memref<128x128xf32, #tpu.memory_space<vmem>>)
      %dma_start3A_184 = arith.constant 5 : i32
      %dma_start3A_185 = arith.constant 0 : i32
      %dma_start3A_186 = tpu.memref_slice %arg8[%dma_start3A_184, %dma_start3A_185] : memref<16x128xi32, #tpu.memory_space<vmem>> -> memref<1x128xi32, #tpu.memory_space<vmem>>
      %dma_start3A_187 = tpu.memref_squeeze %dma_start3A_186 : memref<1x128xi32, #tpu.memory_space<vmem>> -> memref<128xi32, #tpu.memory_space<vmem>>
      %dma_start3A_188 = arith.constant 0 : i32
      %dma_start3A_189 = arith.constant 0 : i32
      %dma_start3A_190 = tpu.memref_slice %arg11[%dma_start3A_188, %dma_start3A_189] : memref<10240x128xf32, #tpu.memory_space<vmem_shared>> -> memref<10240x128xf32, #tpu.memory_space<vmem_shared>>
      tpu.enqueue_indirect_dma source(%arg10 : memref<128x128xf32, #tpu.memory_space<vmem>>) target(%dma_start3A_190 : memref<10240x128xf32, #tpu.memory_space<vmem_shared>>) offsets(%dma_start3A_187 : memref<128xi32, #tpu.memory_space<vmem>>) semaphore(%arg15 : memref<!tpu.dma_semaphore, #tpu.memory_space<semaphore_mem>>) {add = true}
      %dma_wait3A_191 = arith.constant 5 : i32
      %dma_wait3A_192 = arith.constant 0 : i32
      %dma_wait3A_193 = tpu.memref_slice %arg8[%dma_wait3A_191, %dma_wait3A_192] : memref<16x128xi32, #tpu.memory_space<vmem>> -> memref<1x128xi32, #tpu.memory_space<vmem>>
      %dma_wait3A_194 = tpu.memref_squeeze %dma_wait3A_193 : memref<1x128xi32, #tpu.memory_space<vmem>> -> memref<128xi32, #tpu.memory_space<vmem>>
      %dma_wait3A_195 = arith.constant 0 : i32
      %dma_wait3A_196 = arith.constant 0 : i32
      %dma_wait3A_197 = tpu.memref_slice %arg11[%dma_wait3A_195, %dma_wait3A_196] : memref<10240x128xf32, #tpu.memory_space<vmem_shared>> -> memref<10240x128xf32, #tpu.memory_space<vmem_shared>>
      tpu.wait_indirect_dma semaphore(%arg15 : memref<!tpu.dma_semaphore, #tpu.memory_space<semaphore_mem>>) src(%arg10 : memref<128x128xf32, #tpu.memory_space<vmem>>) dst(%dma_wait3A_197 : memref<10240x128xf32, #tpu.memory_space<vmem_shared>>)
      %dma_start3A_198 = arith.constant 7 : i32
      %dma_start3A_199 = arith.constant 0 : i32
      %dma_start3A_200 = tpu.memref_slice %arg7[%dma_start3A_198, %dma_start3A_199] : memref<16x128xi32, #tpu.memory_space<vmem>> -> memref<1x128xi32, #tpu.memory_space<vmem>>
      %dma_start3A_201 = tpu.memref_squeeze %dma_start3A_200 : memref<1x128xi32, #tpu.memory_space<vmem>> -> memref<128xi32, #tpu.memory_space<vmem>>
      %dma_start3A_202 = arith.constant 0 : i32
      %dma_start3A_203 = arith.constant 0 : i32
      %dma_start3A_204 = tpu.memref_slice %arg2[%dma_start3A_202, %dma_start3A_203] : memref<10240x128xf32, #tpu.memory_space<hbm>> -> memref<10240x128xf32, #tpu.memory_space<hbm>>
      tpu.enqueue_indirect_dma source(%dma_start3A_204 : memref<10240x128xf32, #tpu.memory_space<hbm>>) target(%arg10 : memref<128x128xf32, #tpu.memory_space<vmem>>) offsets(%dma_start3A_201 : memref<128xi32, #tpu.memory_space<vmem>>) semaphore(%arg13 : memref<!tpu.dma_semaphore, #tpu.memory_space<semaphore_mem>>)
      %dma_wait3A_205 = arith.constant 6 : i32
      %dma_wait3A_206 = arith.constant 0 : i32
      %dma_wait3A_207 = tpu.memref_slice %arg7[%dma_wait3A_205, %dma_wait3A_206] : memref<16x128xi32, #tpu.memory_space<vmem>> -> memref<1x128xi32, #tpu.memory_space<vmem>>
      %dma_wait3A_208 = tpu.memref_squeeze %dma_wait3A_207 : memref<1x128xi32, #tpu.memory_space<vmem>> -> memref<128xi32, #tpu.memory_space<vmem>>
      %dma_wait3A_209 = arith.constant 0 : i32
      %dma_wait3A_210 = arith.constant 0 : i32
      %dma_wait3A_211 = tpu.memref_slice %arg2[%dma_wait3A_209, %dma_wait3A_210] : memref<10240x128xf32, #tpu.memory_space<hbm>> -> memref<10240x128xf32, #tpu.memory_space<hbm>>
      tpu.wait_indirect_dma semaphore(%arg12 : memref<!tpu.dma_semaphore, #tpu.memory_space<semaphore_mem>>) src(%dma_wait3A_211 : memref<10240x128xf32, #tpu.memory_space<hbm>>) dst(%arg9 : memref<128x128xf32, #tpu.memory_space<vmem>>)
      %dma_start3A_212 = arith.constant 6 : i32
      %dma_start3A_213 = arith.constant 0 : i32
      %dma_start3A_214 = tpu.memref_slice %arg8[%dma_start3A_212, %dma_start3A_213] : memref<16x128xi32, #tpu.memory_space<vmem>> -> memref<1x128xi32, #tpu.memory_space<vmem>>
      %dma_start3A_215 = tpu.memref_squeeze %dma_start3A_214 : memref<1x128xi32, #tpu.memory_space<vmem>> -> memref<128xi32, #tpu.memory_space<vmem>>
      %dma_start3A_216 = arith.constant 0 : i32
      %dma_start3A_217 = arith.constant 0 : i32
      %dma_start3A_218 = tpu.memref_slice %arg11[%dma_start3A_216, %dma_start3A_217] : memref<10240x128xf32, #tpu.memory_space<vmem_shared>> -> memref<10240x128xf32, #tpu.memory_space<vmem_shared>>
      tpu.enqueue_indirect_dma source(%arg9 : memref<128x128xf32, #tpu.memory_space<vmem>>) target(%dma_start3A_218 : memref<10240x128xf32, #tpu.memory_space<vmem_shared>>) offsets(%dma_start3A_215 : memref<128xi32, #tpu.memory_space<vmem>>) semaphore(%arg14 : memref<!tpu.dma_semaphore, #tpu.memory_space<semaphore_mem>>) {add = true}
      %dma_wait3A_219 = arith.constant 6 : i32
      %dma_wait3A_220 = arith.constant 0 : i32
      %dma_wait3A_221 = tpu.memref_slice %arg8[%dma_wait3A_219, %dma_wait3A_220] : memref<16x128xi32, #tpu.memory_space<vmem>> -> memref<1x128xi32, #tpu.memory_space<vmem>>
      %dma_wait3A_222 = tpu.memref_squeeze %dma_wait3A_221 : memref<1x128xi32, #tpu.memory_space<vmem>> -> memref<128xi32, #tpu.memory_space<vmem>>
      %dma_wait3A_223 = arith.constant 0 : i32
      %dma_wait3A_224 = arith.constant 0 : i32
      %dma_wait3A_225 = tpu.memref_slice %arg11[%dma_wait3A_223, %dma_wait3A_224] : memref<10240x128xf32, #tpu.memory_space<vmem_shared>> -> memref<10240x128xf32, #tpu.memory_space<vmem_shared>>
      tpu.wait_indirect_dma semaphore(%arg14 : memref<!tpu.dma_semaphore, #tpu.memory_space<semaphore_mem>>) src(%arg9 : memref<128x128xf32, #tpu.memory_space<vmem>>) dst(%dma_wait3A_225 : memref<10240x128xf32, #tpu.memory_space<vmem_shared>>)
      %dma_start3A_226 = arith.constant 8 : i32
      %dma_start3A_227 = arith.constant 0 : i32
      %dma_start3A_228 = tpu.memref_slice %arg7[%dma_start3A_226, %dma_start3A_227] : memref<16x128xi32, #tpu.memory_space<vmem>> -> memref<1x128xi32, #tpu.memory_space<vmem>>
      %dma_start3A_229 = tpu.memref_squeeze %dma_start3A_228 : memref<1x128xi32, #tpu.memory_space<vmem>> -> memref<128xi32, #tpu.memory_space<vmem>>
      %dma_start3A_230 = arith.constant 0 : i32
      %dma_start3A_231 = arith.constant 0 : i32
      %dma_start3A_232 = tpu.memref_slice %arg2[%dma_start3A_230, %dma_start3A_231] : memref<10240x128xf32, #tpu.memory_space<hbm>> -> memref<10240x128xf32, #tpu.memory_space<hbm>>
      tpu.enqueue_indirect_dma source(%dma_start3A_232 : memref<10240x128xf32, #tpu.memory_space<hbm>>) target(%arg9 : memref<128x128xf32, #tpu.memory_space<vmem>>) offsets(%dma_start3A_229 : memref<128xi32, #tpu.memory_space<vmem>>) semaphore(%arg12 : memref<!tpu.dma_semaphore, #tpu.memory_space<semaphore_mem>>)
      %dma_wait3A_233 = arith.constant 7 : i32
      %dma_wait3A_234 = arith.constant 0 : i32
      %dma_wait3A_235 = tpu.memref_slice %arg7[%dma_wait3A_233, %dma_wait3A_234] : memref<16x128xi32, #tpu.memory_space<vmem>> -> memref<1x128xi32, #tpu.memory_space<vmem>>
      %dma_wait3A_236 = tpu.memref_squeeze %dma_wait3A_235 : memref<1x128xi32, #tpu.memory_space<vmem>> -> memref<128xi32, #tpu.memory_space<vmem>>
      %dma_wait3A_237 = arith.constant 0 : i32
      %dma_wait3A_238 = arith.constant 0 : i32
      %dma_wait3A_239 = tpu.memref_slice %arg2[%dma_wait3A_237, %dma_wait3A_238] : memref<10240x128xf32, #tpu.memory_space<hbm>> -> memref<10240x128xf32, #tpu.memory_space<hbm>>
      tpu.wait_indirect_dma semaphore(%arg13 : memref<!tpu.dma_semaphore, #tpu.memory_space<semaphore_mem>>) src(%dma_wait3A_239 : memref<10240x128xf32, #tpu.memory_space<hbm>>) dst(%arg10 : memref<128x128xf32, #tpu.memory_space<vmem>>)
      %dma_start3A_240 = arith.constant 7 : i32
      %dma_start3A_241 = arith.constant 0 : i32
      %dma_start3A_242 = tpu.memref_slice %arg8[%dma_start3A_240, %dma_start3A_241] : memref<16x128xi32, #tpu.memory_space<vmem>> -> memref<1x128xi32, #tpu.memory_space<vmem>>
      %dma_start3A_243 = tpu.memref_squeeze %dma_start3A_242 : memref<1x128xi32, #tpu.memory_space<vmem>> -> memref<128xi32, #tpu.memory_space<vmem>>
      %dma_start3A_244 = arith.constant 0 : i32
      %dma_start3A_245 = arith.constant 0 : i32
      %dma_start3A_246 = tpu.memref_slice %arg11[%dma_start3A_244, %dma_start3A_245] : memref<10240x128xf32, #tpu.memory_space<vmem_shared>> -> memref<10240x128xf32, #tpu.memory_space<vmem_shared>>
      tpu.enqueue_indirect_dma source(%arg10 : memref<128x128xf32, #tpu.memory_space<vmem>>) target(%dma_start3A_246 : memref<10240x128xf32, #tpu.memory_space<vmem_shared>>) offsets(%dma_start3A_243 : memref<128xi32, #tpu.memory_space<vmem>>) semaphore(%arg15 : memref<!tpu.dma_semaphore, #tpu.memory_space<semaphore_mem>>) {add = true}
      %dma_wait3A_247 = arith.constant 7 : i32
      %dma_wait3A_248 = arith.constant 0 : i32
      %dma_wait3A_249 = tpu.memref_slice %arg8[%dma_wait3A_247, %dma_wait3A_248] : memref<16x128xi32, #tpu.memory_space<vmem>> -> memref<1x128xi32, #tpu.memory_space<vmem>>
      %dma_wait3A_250 = tpu.memref_squeeze %dma_wait3A_249 : memref<1x128xi32, #tpu.memory_space<vmem>> -> memref<128xi32, #tpu.memory_space<vmem>>
      %dma_wait3A_251 = arith.constant 0 : i32
      %dma_wait3A_252 = arith.constant 0 : i32
      %dma_wait3A_253 = tpu.memref_slice %arg11[%dma_wait3A_251, %dma_wait3A_252] : memref<10240x128xf32, #tpu.memory_space<vmem_shared>> -> memref<10240x128xf32, #tpu.memory_space<vmem_shared>>
      tpu.wait_indirect_dma semaphore(%arg15 : memref<!tpu.dma_semaphore, #tpu.memory_space<semaphore_mem>>) src(%arg10 : memref<128x128xf32, #tpu.memory_space<vmem>>) dst(%dma_wait3A_253 : memref<10240x128xf32, #tpu.memory_space<vmem_shared>>)
      %dma_start3A_254 = arith.constant 9 : i32
      %dma_start3A_255 = arith.constant 0 : i32
      %dma_start3A_256 = tpu.memref_slice %arg7[%dma_start3A_254, %dma_start3A_255] : memref<16x128xi32, #tpu.memory_space<vmem>> -> memref<1x128xi32, #tpu.memory_space<vmem>>
      %dma_start3A_257 = tpu.memref_squeeze %dma_start3A_256 : memref<1x128xi32, #tpu.memory_space<vmem>> -> memref<128xi32, #tpu.memory_space<vmem>>
      %dma_start3A_258 = arith.constant 0 : i32
      %dma_start3A_259 = arith.constant 0 : i32
      %dma_start3A_260 = tpu.memref_slice %arg2[%dma_start3A_258, %dma_start3A_259] : memref<10240x128xf32, #tpu.memory_space<hbm>> -> memref<10240x128xf32, #tpu.memory_space<hbm>>
      tpu.enqueue_indirect_dma source(%dma_start3A_260 : memref<10240x128xf32, #tpu.memory_space<hbm>>) target(%arg10 : memref<128x128xf32, #tpu.memory_space<vmem>>) offsets(%dma_start3A_257 : memref<128xi32, #tpu.memory_space<vmem>>) semaphore(%arg13 : memref<!tpu.dma_semaphore, #tpu.memory_space<semaphore_mem>>)
      %dma_wait3A_261 = arith.constant 8 : i32
      %dma_wait3A_262 = arith.constant 0 : i32
      %dma_wait3A_263 = tpu.memref_slice %arg7[%dma_wait3A_261, %dma_wait3A_262] : memref<16x128xi32, #tpu.memory_space<vmem>> -> memref<1x128xi32, #tpu.memory_space<vmem>>
      %dma_wait3A_264 = tpu.memref_squeeze %dma_wait3A_263 : memref<1x128xi32, #tpu.memory_space<vmem>> -> memref<128xi32, #tpu.memory_space<vmem>>
      %dma_wait3A_265 = arith.constant 0 : i32
      %dma_wait3A_266 = arith.constant 0 : i32
      %dma_wait3A_267 = tpu.memref_slice %arg2[%dma_wait3A_265, %dma_wait3A_266] : memref<10240x128xf32, #tpu.memory_space<hbm>> -> memref<10240x128xf32, #tpu.memory_space<hbm>>
      tpu.wait_indirect_dma semaphore(%arg12 : memref<!tpu.dma_semaphore, #tpu.memory_space<semaphore_mem>>) src(%dma_wait3A_267 : memref<10240x128xf32, #tpu.memory_space<hbm>>) dst(%arg9 : memref<128x128xf32, #tpu.memory_space<vmem>>)
      %dma_start3A_268 = arith.constant 8 : i32
      %dma_start3A_269 = arith.constant 0 : i32
      %dma_start3A_270 = tpu.memref_slice %arg8[%dma_start3A_268, %dma_start3A_269] : memref<16x128xi32, #tpu.memory_space<vmem>> -> memref<1x128xi32, #tpu.memory_space<vmem>>
      %dma_start3A_271 = tpu.memref_squeeze %dma_start3A_270 : memref<1x128xi32, #tpu.memory_space<vmem>> -> memref<128xi32, #tpu.memory_space<vmem>>
      %dma_start3A_272 = arith.constant 0 : i32
      %dma_start3A_273 = arith.constant 0 : i32
      %dma_start3A_274 = tpu.memref_slice %arg11[%dma_start3A_272, %dma_start3A_273] : memref<10240x128xf32, #tpu.memory_space<vmem_shared>> -> memref<10240x128xf32, #tpu.memory_space<vmem_shared>>
      tpu.enqueue_indirect_dma source(%arg9 : memref<128x128xf32, #tpu.memory_space<vmem>>) target(%dma_start3A_274 : memref<10240x128xf32, #tpu.memory_space<vmem_shared>>) offsets(%dma_start3A_271 : memref<128xi32, #tpu.memory_space<vmem>>) semaphore(%arg14 : memref<!tpu.dma_semaphore, #tpu.memory_space<semaphore_mem>>) {add = true}
      %dma_wait3A_275 = arith.constant 8 : i32
      %dma_wait3A_276 = arith.constant 0 : i32
      %dma_wait3A_277 = tpu.memref_slice %arg8[%dma_wait3A_275, %dma_wait3A_276] : memref<16x128xi32, #tpu.memory_space<vmem>> -> memref<1x128xi32, #tpu.memory_space<vmem>>
      %dma_wait3A_278 = tpu.memref_squeeze %dma_wait3A_277 : memref<1x128xi32, #tpu.memory_space<vmem>> -> memref<128xi32, #tpu.memory_space<vmem>>
      %dma_wait3A_279 = arith.constant 0 : i32
      %dma_wait3A_280 = arith.constant 0 : i32
      %dma_wait3A_281 = tpu.memref_slice %arg11[%dma_wait3A_279, %dma_wait3A_280] : memref<10240x128xf32, #tpu.memory_space<vmem_shared>> -> memref<10240x128xf32, #tpu.memory_space<vmem_shared>>
      tpu.wait_indirect_dma semaphore(%arg14 : memref<!tpu.dma_semaphore, #tpu.memory_space<semaphore_mem>>) src(%arg9 : memref<128x128xf32, #tpu.memory_space<vmem>>) dst(%dma_wait3A_281 : memref<10240x128xf32, #tpu.memory_space<vmem_shared>>)
      %dma_start3A_282 = arith.constant 10 : i32
      %dma_start3A_283 = arith.constant 0 : i32
      %dma_start3A_284 = tpu.memref_slice %arg7[%dma_start3A_282, %dma_start3A_283] : memref<16x128xi32, #tpu.memory_space<vmem>> -> memref<1x128xi32, #tpu.memory_space<vmem>>
      %dma_start3A_285 = tpu.memref_squeeze %dma_start3A_284 : memref<1x128xi32, #tpu.memory_space<vmem>> -> memref<128xi32, #tpu.memory_space<vmem>>
      %dma_start3A_286 = arith.constant 0 : i32
      %dma_start3A_287 = arith.constant 0 : i32
      %dma_start3A_288 = tpu.memref_slice %arg2[%dma_start3A_286, %dma_start3A_287] : memref<10240x128xf32, #tpu.memory_space<hbm>> -> memref<10240x128xf32, #tpu.memory_space<hbm>>
      tpu.enqueue_indirect_dma source(%dma_start3A_288 : memref<10240x128xf32, #tpu.memory_space<hbm>>) target(%arg9 : memref<128x128xf32, #tpu.memory_space<vmem>>) offsets(%dma_start3A_285 : memref<128xi32, #tpu.memory_space<vmem>>) semaphore(%arg12 : memref<!tpu.dma_semaphore, #tpu.memory_space<semaphore_mem>>)
      %dma_wait3A_289 = arith.constant 9 : i32
      %dma_wait3A_290 = arith.constant 0 : i32
      %dma_wait3A_291 = tpu.memref_slice %arg7[%dma_wait3A_289, %dma_wait3A_290] : memref<16x128xi32, #tpu.memory_space<vmem>> -> memref<1x128xi32, #tpu.memory_space<vmem>>
      %dma_wait3A_292 = tpu.memref_squeeze %dma_wait3A_291 : memref<1x128xi32, #tpu.memory_space<vmem>> -> memref<128xi32, #tpu.memory_space<vmem>>
      %dma_wait3A_293 = arith.constant 0 : i32
      %dma_wait3A_294 = arith.constant 0 : i32
      %dma_wait3A_295 = tpu.memref_slice %arg2[%dma_wait3A_293, %dma_wait3A_294] : memref<10240x128xf32, #tpu.memory_space<hbm>> -> memref<10240x128xf32, #tpu.memory_space<hbm>>
      tpu.wait_indirect_dma semaphore(%arg13 : memref<!tpu.dma_semaphore, #tpu.memory_space<semaphore_mem>>) src(%dma_wait3A_295 : memref<10240x128xf32, #tpu.memory_space<hbm>>) dst(%arg10 : memref<128x128xf32, #tpu.memory_space<vmem>>)
      %dma_start3A_296 = arith.constant 9 : i32
      %dma_start3A_297 = arith.constant 0 : i32
      %dma_start3A_298 = tpu.memref_slice %arg8[%dma_start3A_296, %dma_start3A_297] : memref<16x128xi32, #tpu.memory_space<vmem>> -> memref<1x128xi32, #tpu.memory_space<vmem>>
      %dma_start3A_299 = tpu.memref_squeeze %dma_start3A_298 : memref<1x128xi32, #tpu.memory_space<vmem>> -> memref<128xi32, #tpu.memory_space<vmem>>
      %dma_start3A_300 = arith.constant 0 : i32
      %dma_start3A_301 = arith.constant 0 : i32
      %dma_start3A_302 = tpu.memref_slice %arg11[%dma_start3A_300, %dma_start3A_301] : memref<10240x128xf32, #tpu.memory_space<vmem_shared>> -> memref<10240x128xf32, #tpu.memory_space<vmem_shared>>
      tpu.enqueue_indirect_dma source(%arg10 : memref<128x128xf32, #tpu.memory_space<vmem>>) target(%dma_start3A_302 : memref<10240x128xf32, #tpu.memory_space<vmem_shared>>) offsets(%dma_start3A_299 : memref<128xi32, #tpu.memory_space<vmem>>) semaphore(%arg15 : memref<!tpu.dma_semaphore, #tpu.memory_space<semaphore_mem>>) {add = true}
      %dma_wait3A_303 = arith.constant 9 : i32
      %dma_wait3A_304 = arith.constant 0 : i32
      %dma_wait3A_305 = tpu.memref_slice %arg8[%dma_wait3A_303, %dma_wait3A_304] : memref<16x128xi32, #tpu.memory_space<vmem>> -> memref<1x128xi32, #tpu.memory_space<vmem>>
      %dma_wait3A_306 = tpu.memref_squeeze %dma_wait3A_305 : memref<1x128xi32, #tpu.memory_space<vmem>> -> memref<128xi32, #tpu.memory_space<vmem>>
      %dma_wait3A_307 = arith.constant 0 : i32
      %dma_wait3A_308 = arith.constant 0 : i32
      %dma_wait3A_309 = tpu.memref_slice %arg11[%dma_wait3A_307, %dma_wait3A_308] : memref<10240x128xf32, #tpu.memory_space<vmem_shared>> -> memref<10240x128xf32, #tpu.memory_space<vmem_shared>>
      tpu.wait_indirect_dma semaphore(%arg15 : memref<!tpu.dma_semaphore, #tpu.memory_space<semaphore_mem>>) src(%arg10 : memref<128x128xf32, #tpu.memory_space<vmem>>) dst(%dma_wait3A_309 : memref<10240x128xf32, #tpu.memory_space<vmem_shared>>)
      %dma_start3A_310 = arith.constant 11 : i32
      %dma_start3A_311 = arith.constant 0 : i32
      %dma_start3A_312 = tpu.memref_slice %arg7[%dma_start3A_310, %dma_start3A_311] : memref<16x128xi32, #tpu.memory_space<vmem>> -> memref<1x128xi32, #tpu.memory_space<vmem>>
      %dma_start3A_313 = tpu.memref_squeeze %dma_start3A_312 : memref<1x128xi32, #tpu.memory_space<vmem>> -> memref<128xi32, #tpu.memory_space<vmem>>
      %dma_start3A_314 = arith.constant 0 : i32
      %dma_start3A_315 = arith.constant 0 : i32
      %dma_start3A_316 = tpu.memref_slice %arg2[%dma_start3A_314, %dma_start3A_315] : memref<10240x128xf32, #tpu.memory_space<hbm>> -> memref<10240x128xf32, #tpu.memory_space<hbm>>
      tpu.enqueue_indirect_dma source(%dma_start3A_316 : memref<10240x128xf32, #tpu.memory_space<hbm>>) target(%arg10 : memref<128x128xf32, #tpu.memory_space<vmem>>) offsets(%dma_start3A_313 : memref<128xi32, #tpu.memory_space<vmem>>) semaphore(%arg13 : memref<!tpu.dma_semaphore, #tpu.memory_space<semaphore_mem>>)
      %dma_wait3A_317 = arith.constant 10 : i32
      %dma_wait3A_318 = arith.constant 0 : i32
      %dma_wait3A_319 = tpu.memref_slice %arg7[%dma_wait3A_317, %dma_wait3A_318] : memref<16x128xi32, #tpu.memory_space<vmem>> -> memref<1x128xi32, #tpu.memory_space<vmem>>
      %dma_wait3A_320 = tpu.memref_squeeze %dma_wait3A_319 : memref<1x128xi32, #tpu.memory_space<vmem>> -> memref<128xi32, #tpu.memory_space<vmem>>
      %dma_wait3A_321 = arith.constant 0 : i32
      %dma_wait3A_322 = arith.constant 0 : i32
      %dma_wait3A_323 = tpu.memref_slice %arg2[%dma_wait3A_321, %dma_wait3A_322] : memref<10240x128xf32, #tpu.memory_space<hbm>> -> memref<10240x128xf32, #tpu.memory_space<hbm>>
      tpu.wait_indirect_dma semaphore(%arg12 : memref<!tpu.dma_semaphore, #tpu.memory_space<semaphore_mem>>) src(%dma_wait3A_323 : memref<10240x128xf32, #tpu.memory_space<hbm>>) dst(%arg9 : memref<128x128xf32, #tpu.memory_space<vmem>>)
      %dma_start3A_324 = arith.constant 10 : i32
      %dma_start3A_325 = arith.constant 0 : i32
      %dma_start3A_326 = tpu.memref_slice %arg8[%dma_start3A_324, %dma_start3A_325] : memref<16x128xi32, #tpu.memory_space<vmem>> -> memref<1x128xi32, #tpu.memory_space<vmem>>
      %dma_start3A_327 = tpu.memref_squeeze %dma_start3A_326 : memref<1x128xi32, #tpu.memory_space<vmem>> -> memref<128xi32, #tpu.memory_space<vmem>>
      %dma_start3A_328 = arith.constant 0 : i32
      %dma_start3A_329 = arith.constant 0 : i32
      %dma_start3A_330 = tpu.memref_slice %arg11[%dma_start3A_328, %dma_start3A_329] : memref<10240x128xf32, #tpu.memory_space<vmem_shared>> -> memref<10240x128xf32, #tpu.memory_space<vmem_shared>>
      tpu.enqueue_indirect_dma source(%arg9 : memref<128x128xf32, #tpu.memory_space<vmem>>) target(%dma_start3A_330 : memref<10240x128xf32, #tpu.memory_space<vmem_shared>>) offsets(%dma_start3A_327 : memref<128xi32, #tpu.memory_space<vmem>>) semaphore(%arg14 : memref<!tpu.dma_semaphore, #tpu.memory_space<semaphore_mem>>) {add = true}
      %dma_wait3A_331 = arith.constant 10 : i32
      %dma_wait3A_332 = arith.constant 0 : i32
      %dma_wait3A_333 = tpu.memref_slice %arg8[%dma_wait3A_331, %dma_wait3A_332] : memref<16x128xi32, #tpu.memory_space<vmem>> -> memref<1x128xi32, #tpu.memory_space<vmem>>
      %dma_wait3A_334 = tpu.memref_squeeze %dma_wait3A_333 : memref<1x128xi32, #tpu.memory_space<vmem>> -> memref<128xi32, #tpu.memory_space<vmem>>
      %dma_wait3A_335 = arith.constant 0 : i32
      %dma_wait3A_336 = arith.constant 0 : i32
      %dma_wait3A_337 = tpu.memref_slice %arg11[%dma_wait3A_335, %dma_wait3A_336] : memref<10240x128xf32, #tpu.memory_space<vmem_shared>> -> memref<10240x128xf32, #tpu.memory_space<vmem_shared>>
      tpu.wait_indirect_dma semaphore(%arg14 : memref<!tpu.dma_semaphore, #tpu.memory_space<semaphore_mem>>) src(%arg9 : memref<128x128xf32, #tpu.memory_space<vmem>>) dst(%dma_wait3A_337 : memref<10240x128xf32, #tpu.memory_space<vmem_shared>>)
      %dma_start3A_338 = arith.constant 12 : i32
      %dma_start3A_339 = arith.constant 0 : i32
      %dma_start3A_340 = tpu.memref_slice %arg7[%dma_start3A_338, %dma_start3A_339] : memref<16x128xi32, #tpu.memory_space<vmem>> -> memref<1x128xi32, #tpu.memory_space<vmem>>
      %dma_start3A_341 = tpu.memref_squeeze %dma_start3A_340 : memref<1x128xi32, #tpu.memory_space<vmem>> -> memref<128xi32, #tpu.memory_space<vmem>>
      %dma_start3A_342 = arith.constant 0 : i32
      %dma_start3A_343 = arith.constant 0 : i32
      %dma_start3A_344 = tpu.memref_slice %arg2[%dma_start3A_342, %dma_start3A_343] : memref<10240x128xf32, #tpu.memory_space<hbm>> -> memref<10240x128xf32, #tpu.memory_space<hbm>>
      tpu.enqueue_indirect_dma source(%dma_start3A_344 : memref<10240x128xf32, #tpu.memory_space<hbm>>) target(%arg9 : memref<128x128xf32, #tpu.memory_space<vmem>>) offsets(%dma_start3A_341 : memref<128xi32, #tpu.memory_space<vmem>>) semaphore(%arg12 : memref<!tpu.dma_semaphore, #tpu.memory_space<semaphore_mem>>)
      %dma_wait3A_345 = arith.constant 11 : i32
      %dma_wait3A_346 = arith.constant 0 : i32
      %dma_wait3A_347 = tpu.memref_slice %arg7[%dma_wait3A_345, %dma_wait3A_346] : memref<16x128xi32, #tpu.memory_space<vmem>> -> memref<1x128xi32, #tpu.memory_space<vmem>>
      %dma_wait3A_348 = tpu.memref_squeeze %dma_wait3A_347 : memref<1x128xi32, #tpu.memory_space<vmem>> -> memref<128xi32, #tpu.memory_space<vmem>>
      %dma_wait3A_349 = arith.constant 0 : i32
      %dma_wait3A_350 = arith.constant 0 : i32
      %dma_wait3A_351 = tpu.memref_slice %arg2[%dma_wait3A_349, %dma_wait3A_350] : memref<10240x128xf32, #tpu.memory_space<hbm>> -> memref<10240x128xf32, #tpu.memory_space<hbm>>
      tpu.wait_indirect_dma semaphore(%arg13 : memref<!tpu.dma_semaphore, #tpu.memory_space<semaphore_mem>>) src(%dma_wait3A_351 : memref<10240x128xf32, #tpu.memory_space<hbm>>) dst(%arg10 : memref<128x128xf32, #tpu.memory_space<vmem>>)
      %dma_start3A_352 = arith.constant 11 : i32
      %dma_start3A_353 = arith.constant 0 : i32
      %dma_start3A_354 = tpu.memref_slice %arg8[%dma_start3A_352, %dma_start3A_353] : memref<16x128xi32, #tpu.memory_space<vmem>> -> memref<1x128xi32, #tpu.memory_space<vmem>>
      %dma_start3A_355 = tpu.memref_squeeze %dma_start3A_354 : memref<1x128xi32, #tpu.memory_space<vmem>> -> memref<128xi32, #tpu.memory_space<vmem>>
      %dma_start3A_356 = arith.constant 0 : i32
      %dma_start3A_357 = arith.constant 0 : i32
      %dma_start3A_358 = tpu.memref_slice %arg11[%dma_start3A_356, %dma_start3A_357] : memref<10240x128xf32, #tpu.memory_space<vmem_shared>> -> memref<10240x128xf32, #tpu.memory_space<vmem_shared>>
      tpu.enqueue_indirect_dma source(%arg10 : memref<128x128xf32, #tpu.memory_space<vmem>>) target(%dma_start3A_358 : memref<10240x128xf32, #tpu.memory_space<vmem_shared>>) offsets(%dma_start3A_355 : memref<128xi32, #tpu.memory_space<vmem>>) semaphore(%arg15 : memref<!tpu.dma_semaphore, #tpu.memory_space<semaphore_mem>>) {add = true}
      %dma_wait3A_359 = arith.constant 11 : i32
      %dma_wait3A_360 = arith.constant 0 : i32
      %dma_wait3A_361 = tpu.memref_slice %arg8[%dma_wait3A_359, %dma_wait3A_360] : memref<16x128xi32, #tpu.memory_space<vmem>> -> memref<1x128xi32, #tpu.memory_space<vmem>>
      %dma_wait3A_362 = tpu.memref_squeeze %dma_wait3A_361 : memref<1x128xi32, #tpu.memory_space<vmem>> -> memref<128xi32, #tpu.memory_space<vmem>>
      %dma_wait3A_363 = arith.constant 0 : i32
      %dma_wait3A_364 = arith.constant 0 : i32
      %dma_wait3A_365 = tpu.memref_slice %arg11[%dma_wait3A_363, %dma_wait3A_364] : memref<10240x128xf32, #tpu.memory_space<vmem_shared>> -> memref<10240x128xf32, #tpu.memory_space<vmem_shared>>
      tpu.wait_indirect_dma semaphore(%arg15 : memref<!tpu.dma_semaphore, #tpu.memory_space<semaphore_mem>>) src(%arg10 : memref<128x128xf32, #tpu.memory_space<vmem>>) dst(%dma_wait3A_365 : memref<10240x128xf32, #tpu.memory_space<vmem_shared>>)
      %dma_start3A_366 = arith.constant 13 : i32
      %dma_start3A_367 = arith.constant 0 : i32
      %dma_start3A_368 = tpu.memref_slice %arg7[%dma_start3A_366, %dma_start3A_367] : memref<16x128xi32, #tpu.memory_space<vmem>> -> memref<1x128xi32, #tpu.memory_space<vmem>>
      %dma_start3A_369 = tpu.memref_squeeze %dma_start3A_368 : memref<1x128xi32, #tpu.memory_space<vmem>> -> memref<128xi32, #tpu.memory_space<vmem>>
      %dma_start3A_370 = arith.constant 0 : i32
      %dma_start3A_371 = arith.constant 0 : i32
      %dma_start3A_372 = tpu.memref_slice %arg2[%dma_start3A_370, %dma_start3A_371] : memref<10240x128xf32, #tpu.memory_space<hbm>> -> memref<10240x128xf32, #tpu.memory_space<hbm>>
      tpu.enqueue_indirect_dma source(%dma_start3A_372 : memref<10240x128xf32, #tpu.memory_space<hbm>>) target(%arg10 : memref<128x128xf32, #tpu.memory_space<vmem>>) offsets(%dma_start3A_369 : memref<128xi32, #tpu.memory_space<vmem>>) semaphore(%arg13 : memref<!tpu.dma_semaphore, #tpu.memory_space<semaphore_mem>>)
      %dma_wait3A_373 = arith.constant 12 : i32
      %dma_wait3A_374 = arith.constant 0 : i32
      %dma_wait3A_375 = tpu.memref_slice %arg7[%dma_wait3A_373, %dma_wait3A_374] : memref<16x128xi32, #tpu.memory_space<vmem>> -> memref<1x128xi32, #tpu.memory_space<vmem>>
      %dma_wait3A_376 = tpu.memref_squeeze %dma_wait3A_375 : memref<1x128xi32, #tpu.memory_space<vmem>> -> memref<128xi32, #tpu.memory_space<vmem>>
      %dma_wait3A_377 = arith.constant 0 : i32
      %dma_wait3A_378 = arith.constant 0 : i32
      %dma_wait3A_379 = tpu.memref_slice %arg2[%dma_wait3A_377, %dma_wait3A_378] : memref<10240x128xf32, #tpu.memory_space<hbm>> -> memref<10240x128xf32, #tpu.memory_space<hbm>>
      tpu.wait_indirect_dma semaphore(%arg12 : memref<!tpu.dma_semaphore, #tpu.memory_space<semaphore_mem>>) src(%dma_wait3A_379 : memref<10240x128xf32, #tpu.memory_space<hbm>>) dst(%arg9 : memref<128x128xf32, #tpu.memory_space<vmem>>)
      %dma_start3A_380 = arith.constant 12 : i32
      %dma_start3A_381 = arith.constant 0 : i32
      %dma_start3A_382 = tpu.memref_slice %arg8[%dma_start3A_380, %dma_start3A_381] : memref<16x128xi32, #tpu.memory_space<vmem>> -> memref<1x128xi32, #tpu.memory_space<vmem>>
      %dma_start3A_383 = tpu.memref_squeeze %dma_start3A_382 : memref<1x128xi32, #tpu.memory_space<vmem>> -> memref<128xi32, #tpu.memory_space<vmem>>
      %dma_start3A_384 = arith.constant 0 : i32
      %dma_start3A_385 = arith.constant 0 : i32
      %dma_start3A_386 = tpu.memref_slice %arg11[%dma_start3A_384, %dma_start3A_385] : memref<10240x128xf32, #tpu.memory_space<vmem_shared>> -> memref<10240x128xf32, #tpu.memory_space<vmem_shared>>
      tpu.enqueue_indirect_dma source(%arg9 : memref<128x128xf32, #tpu.memory_space<vmem>>) target(%dma_start3A_386 : memref<10240x128xf32, #tpu.memory_space<vmem_shared>>) offsets(%dma_start3A_383 : memref<128xi32, #tpu.memory_space<vmem>>) semaphore(%arg14 : memref<!tpu.dma_semaphore, #tpu.memory_space<semaphore_mem>>) {add = true}
      %dma_wait3A_387 = arith.constant 12 : i32
      %dma_wait3A_388 = arith.constant 0 : i32
      %dma_wait3A_389 = tpu.memref_slice %arg8[%dma_wait3A_387, %dma_wait3A_388] : memref<16x128xi32, #tpu.memory_space<vmem>> -> memref<1x128xi32, #tpu.memory_space<vmem>>
      %dma_wait3A_390 = tpu.memref_squeeze %dma_wait3A_389 : memref<1x128xi32, #tpu.memory_space<vmem>> -> memref<128xi32, #tpu.memory_space<vmem>>
      %dma_wait3A_391 = arith.constant 0 : i32
      %dma_wait3A_392 = arith.constant 0 : i32
      %dma_wait3A_393 = tpu.memref_slice %arg11[%dma_wait3A_391, %dma_wait3A_392] : memref<10240x128xf32, #tpu.memory_space<vmem_shared>> -> memref<10240x128xf32, #tpu.memory_space<vmem_shared>>
      tpu.wait_indirect_dma semaphore(%arg14 : memref<!tpu.dma_semaphore, #tpu.memory_space<semaphore_mem>>) src(%arg9 : memref<128x128xf32, #tpu.memory_space<vmem>>) dst(%dma_wait3A_393 : memref<10240x128xf32, #tpu.memory_space<vmem_shared>>)
      %dma_start3A_394 = arith.constant 14 : i32
      %dma_start3A_395 = arith.constant 0 : i32
      %dma_start3A_396 = tpu.memref_slice %arg7[%dma_start3A_394, %dma_start3A_395] : memref<16x128xi32, #tpu.memory_space<vmem>> -> memref<1x128xi32, #tpu.memory_space<vmem>>
      %dma_start3A_397 = tpu.memref_squeeze %dma_start3A_396 : memref<1x128xi32, #tpu.memory_space<vmem>> -> memref<128xi32, #tpu.memory_space<vmem>>
      %dma_start3A_398 = arith.constant 0 : i32
      %dma_start3A_399 = arith.constant 0 : i32
      %dma_start3A_400 = tpu.memref_slice %arg2[%dma_start3A_398, %dma_start3A_399] : memref<10240x128xf32, #tpu.memory_space<hbm>> -> memref<10240x128xf32, #tpu.memory_space<hbm>>
      tpu.enqueue_indirect_dma source(%dma_start3A_400 : memref<10240x128xf32, #tpu.memory_space<hbm>>) target(%arg9 : memref<128x128xf32, #tpu.memory_space<vmem>>) offsets(%dma_start3A_397 : memref<128xi32, #tpu.memory_space<vmem>>) semaphore(%arg12 : memref<!tpu.dma_semaphore, #tpu.memory_space<semaphore_mem>>)
      %dma_wait3A_401 = arith.constant 13 : i32
      %dma_wait3A_402 = arith.constant 0 : i32
      %dma_wait3A_403 = tpu.memref_slice %arg7[%dma_wait3A_401, %dma_wait3A_402] : memref<16x128xi32, #tpu.memory_space<vmem>> -> memref<1x128xi32, #tpu.memory_space<vmem>>
      %dma_wait3A_404 = tpu.memref_squeeze %dma_wait3A_403 : memref<1x128xi32, #tpu.memory_space<vmem>> -> memref<128xi32, #tpu.memory_space<vmem>>
      %dma_wait3A_405 = arith.constant 0 : i32
      %dma_wait3A_406 = arith.constant 0 : i32
      %dma_wait3A_407 = tpu.memref_slice %arg2[%dma_wait3A_405, %dma_wait3A_406] : memref<10240x128xf32, #tpu.memory_space<hbm>> -> memref<10240x128xf32, #tpu.memory_space<hbm>>
      tpu.wait_indirect_dma semaphore(%arg13 : memref<!tpu.dma_semaphore, #tpu.memory_space<semaphore_mem>>) src(%dma_wait3A_407 : memref<10240x128xf32, #tpu.memory_space<hbm>>) dst(%arg10 : memref<128x128xf32, #tpu.memory_space<vmem>>)
      %dma_start3A_408 = arith.constant 13 : i32
      %dma_start3A_409 = arith.constant 0 : i32
      %dma_start3A_410 = tpu.memref_slice %arg8[%dma_start3A_408, %dma_start3A_409] : memref<16x128xi32, #tpu.memory_space<vmem>> -> memref<1x128xi32, #tpu.memory_space<vmem>>
      %dma_start3A_411 = tpu.memref_squeeze %dma_start3A_410 : memref<1x128xi32, #tpu.memory_space<vmem>> -> memref<128xi32, #tpu.memory_space<vmem>>
      %dma_start3A_412 = arith.constant 0 : i32
      %dma_start3A_413 = arith.constant 0 : i32
      %dma_start3A_414 = tpu.memref_slice %arg11[%dma_start3A_412, %dma_start3A_413] : memref<10240x128xf32, #tpu.memory_space<vmem_shared>> -> memref<10240x128xf32, #tpu.memory_space<vmem_shared>>
      tpu.enqueue_indirect_dma source(%arg10 : memref<128x128xf32, #tpu.memory_space<vmem>>) target(%dma_start3A_414 : memref<10240x128xf32, #tpu.memory_space<vmem_shared>>) offsets(%dma_start3A_411 : memref<128xi32, #tpu.memory_space<vmem>>) semaphore(%arg15 : memref<!tpu.dma_semaphore, #tpu.memory_space<semaphore_mem>>) {add = true}
      %dma_wait3A_415 = arith.constant 13 : i32
      %dma_wait3A_416 = arith.constant 0 : i32
      %dma_wait3A_417 = tpu.memref_slice %arg8[%dma_wait3A_415, %dma_wait3A_416] : memref<16x128xi32, #tpu.memory_space<vmem>> -> memref<1x128xi32, #tpu.memory_space<vmem>>
      %dma_wait3A_418 = tpu.memref_squeeze %dma_wait3A_417 : memref<1x128xi32, #tpu.memory_space<vmem>> -> memref<128xi32, #tpu.memory_space<vmem>>
      %dma_wait3A_419 = arith.constant 0 : i32
      %dma_wait3A_420 = arith.constant 0 : i32
      %dma_wait3A_421 = tpu.memref_slice %arg11[%dma_wait3A_419, %dma_wait3A_420] : memref<10240x128xf32, #tpu.memory_space<vmem_shared>> -> memref<10240x128xf32, #tpu.memory_space<vmem_shared>>
      tpu.wait_indirect_dma semaphore(%arg15 : memref<!tpu.dma_semaphore, #tpu.memory_space<semaphore_mem>>) src(%arg10 : memref<128x128xf32, #tpu.memory_space<vmem>>) dst(%dma_wait3A_421 : memref<10240x128xf32, #tpu.memory_space<vmem_shared>>)
      %dma_start3A_422 = arith.constant 15 : i32
      %dma_start3A_423 = arith.constant 0 : i32
      %dma_start3A_424 = tpu.memref_slice %arg7[%dma_start3A_422, %dma_start3A_423] : memref<16x128xi32, #tpu.memory_space<vmem>> -> memref<1x128xi32, #tpu.memory_space<vmem>>
      %dma_start3A_425 = tpu.memref_squeeze %dma_start3A_424 : memref<1x128xi32, #tpu.memory_space<vmem>> -> memref<128xi32, #tpu.memory_space<vmem>>
      %dma_start3A_426 = arith.constant 0 : i32
      %dma_start3A_427 = arith.constant 0 : i32
      %dma_start3A_428 = tpu.memref_slice %arg2[%dma_start3A_426, %dma_start3A_427] : memref<10240x128xf32, #tpu.memory_space<hbm>> -> memref<10240x128xf32, #tpu.memory_space<hbm>>
      tpu.enqueue_indirect_dma source(%dma_start3A_428 : memref<10240x128xf32, #tpu.memory_space<hbm>>) target(%arg10 : memref<128x128xf32, #tpu.memory_space<vmem>>) offsets(%dma_start3A_425 : memref<128xi32, #tpu.memory_space<vmem>>) semaphore(%arg13 : memref<!tpu.dma_semaphore, #tpu.memory_space<semaphore_mem>>)
      %dma_wait3A_429 = arith.constant 14 : i32
      %dma_wait3A_430 = arith.constant 0 : i32
      %dma_wait3A_431 = tpu.memref_slice %arg7[%dma_wait3A_429, %dma_wait3A_430] : memref<16x128xi32, #tpu.memory_space<vmem>> -> memref<1x128xi32, #tpu.memory_space<vmem>>
      %dma_wait3A_432 = tpu.memref_squeeze %dma_wait3A_431 : memref<1x128xi32, #tpu.memory_space<vmem>> -> memref<128xi32, #tpu.memory_space<vmem>>
      %dma_wait3A_433 = arith.constant 0 : i32
      %dma_wait3A_434 = arith.constant 0 : i32
      %dma_wait3A_435 = tpu.memref_slice %arg2[%dma_wait3A_433, %dma_wait3A_434] : memref<10240x128xf32, #tpu.memory_space<hbm>> -> memref<10240x128xf32, #tpu.memory_space<hbm>>
      tpu.wait_indirect_dma semaphore(%arg12 : memref<!tpu.dma_semaphore, #tpu.memory_space<semaphore_mem>>) src(%dma_wait3A_435 : memref<10240x128xf32, #tpu.memory_space<hbm>>) dst(%arg9 : memref<128x128xf32, #tpu.memory_space<vmem>>)
      %dma_start3A_436 = arith.constant 14 : i32
      %dma_start3A_437 = arith.constant 0 : i32
      %dma_start3A_438 = tpu.memref_slice %arg8[%dma_start3A_436, %dma_start3A_437] : memref<16x128xi32, #tpu.memory_space<vmem>> -> memref<1x128xi32, #tpu.memory_space<vmem>>
      %dma_start3A_439 = tpu.memref_squeeze %dma_start3A_438 : memref<1x128xi32, #tpu.memory_space<vmem>> -> memref<128xi32, #tpu.memory_space<vmem>>
      %dma_start3A_440 = arith.constant 0 : i32
      %dma_start3A_441 = arith.constant 0 : i32
      %dma_start3A_442 = tpu.memref_slice %arg11[%dma_start3A_440, %dma_start3A_441] : memref<10240x128xf32, #tpu.memory_space<vmem_shared>> -> memref<10240x128xf32, #tpu.memory_space<vmem_shared>>
      tpu.enqueue_indirect_dma source(%arg9 : memref<128x128xf32, #tpu.memory_space<vmem>>) target(%dma_start3A_442 : memref<10240x128xf32, #tpu.memory_space<vmem_shared>>) offsets(%dma_start3A_439 : memref<128xi32, #tpu.memory_space<vmem>>) semaphore(%arg14 : memref<!tpu.dma_semaphore, #tpu.memory_space<semaphore_mem>>) {add = true}
      %dma_wait3A_443 = arith.constant 15 : i32
      %dma_wait3A_444 = arith.constant 0 : i32
      %dma_wait3A_445 = tpu.memref_slice %arg7[%dma_wait3A_443, %dma_wait3A_444] : memref<16x128xi32, #tpu.memory_space<vmem>> -> memref<1x128xi32, #tpu.memory_space<vmem>>
      %dma_wait3A_446 = tpu.memref_squeeze %dma_wait3A_445 : memref<1x128xi32, #tpu.memory_space<vmem>> -> memref<128xi32, #tpu.memory_space<vmem>>
      %dma_wait3A_447 = arith.constant 0 : i32
      %dma_wait3A_448 = arith.constant 0 : i32
      %dma_wait3A_449 = tpu.memref_slice %arg2[%dma_wait3A_447, %dma_wait3A_448] : memref<10240x128xf32, #tpu.memory_space<hbm>> -> memref<10240x128xf32, #tpu.memory_space<hbm>>
      tpu.wait_indirect_dma semaphore(%arg13 : memref<!tpu.dma_semaphore, #tpu.memory_space<semaphore_mem>>) src(%dma_wait3A_449 : memref<10240x128xf32, #tpu.memory_space<hbm>>) dst(%arg10 : memref<128x128xf32, #tpu.memory_space<vmem>>)
      %dma_start3A_450 = arith.constant 15 : i32
      %dma_start3A_451 = arith.constant 0 : i32
      %dma_start3A_452 = tpu.memref_slice %arg8[%dma_start3A_450, %dma_start3A_451] : memref<16x128xi32, #tpu.memory_space<vmem>> -> memref<1x128xi32, #tpu.memory_space<vmem>>
      %dma_start3A_453 = tpu.memref_squeeze %dma_start3A_452 : memref<1x128xi32, #tpu.memory_space<vmem>> -> memref<128xi32, #tpu.memory_space<vmem>>
      %dma_start3A_454 = arith.constant 0 : i32
      %dma_start3A_455 = arith.constant 0 : i32
      %dma_start3A_456 = tpu.memref_slice %arg11[%dma_start3A_454, %dma_start3A_455] : memref<10240x128xf32, #tpu.memory_space<vmem_shared>> -> memref<10240x128xf32, #tpu.memory_space<vmem_shared>>
      tpu.enqueue_indirect_dma source(%arg10 : memref<128x128xf32, #tpu.memory_space<vmem>>) target(%dma_start3A_456 : memref<10240x128xf32, #tpu.memory_space<vmem_shared>>) offsets(%dma_start3A_453 : memref<128xi32, #tpu.memory_space<vmem>>) semaphore(%arg15 : memref<!tpu.dma_semaphore, #tpu.memory_space<semaphore_mem>>) {add = true}
      %dma_wait3A_457 = arith.constant 14 : i32
      %dma_wait3A_458 = arith.constant 0 : i32
      %dma_wait3A_459 = tpu.memref_slice %arg8[%dma_wait3A_457, %dma_wait3A_458] : memref<16x128xi32, #tpu.memory_space<vmem>> -> memref<1x128xi32, #tpu.memory_space<vmem>>
      %dma_wait3A_460 = tpu.memref_squeeze %dma_wait3A_459 : memref<1x128xi32, #tpu.memory_space<vmem>> -> memref<128xi32, #tpu.memory_space<vmem>>
      %dma_wait3A_461 = arith.constant 0 : i32
      %dma_wait3A_462 = arith.constant 0 : i32
      %dma_wait3A_463 = tpu.memref_slice %arg11[%dma_wait3A_461, %dma_wait3A_462] : memref<10240x128xf32, #tpu.memory_space<vmem_shared>> -> memref<10240x128xf32, #tpu.memory_space<vmem_shared>>
      tpu.wait_indirect_dma semaphore(%arg14 : memref<!tpu.dma_semaphore, #tpu.memory_space<semaphore_mem>>) src(%arg9 : memref<128x128xf32, #tpu.memory_space<vmem>>) dst(%dma_wait3A_463 : memref<10240x128xf32, #tpu.memory_space<vmem_shared>>)
      %dma_wait3A_464 = arith.constant 15 : i32
      %dma_wait3A_465 = arith.constant 0 : i32
      %dma_wait3A_466 = tpu.memref_slice %arg8[%dma_wait3A_464, %dma_wait3A_465] : memref<16x128xi32, #tpu.memory_space<vmem>> -> memref<1x128xi32, #tpu.memory_space<vmem>>
      %dma_wait3A_467 = tpu.memref_squeeze %dma_wait3A_466 : memref<1x128xi32, #tpu.memory_space<vmem>> -> memref<128xi32, #tpu.memory_space<vmem>>
      %dma_wait3A_468 = arith.constant 0 : i32
      %dma_wait3A_469 = arith.constant 0 : i32
      %dma_wait3A_470 = tpu.memref_slice %arg11[%dma_wait3A_468, %dma_wait3A_469] : memref<10240x128xf32, #tpu.memory_space<vmem_shared>> -> memref<10240x128xf32, #tpu.memory_space<vmem_shared>>
      tpu.wait_indirect_dma semaphore(%arg15 : memref<!tpu.dma_semaphore, #tpu.memory_space<semaphore_mem>>) src(%arg10 : memref<128x128xf32, #tpu.memory_space<vmem>>) dst(%dma_wait3A_470 : memref<10240x128xf32, #tpu.memory_space<vmem_shared>>)
    }
    %barrier3A_20 = arith.constant 0 : index
    tpu.barrier barrier_id(%barrier3A_20)
    "tpu.region"() ({
      %run_scoped3A = tpu.sem_alloc : memref<!tpu.dma_semaphore, #tpu.memory_space<semaphore_mem>>
      %dma_start3A = arith.constant 0 : i32
      %dma_start3A_21 = tpu.memref_slice %arg6[%arg0, %mul3A_10, %dma_start3A] : memref<2x10240x128xf32, #tpu.memory_space<hbm>> -> memref<1x640x128xf32, #tpu.memory_space<hbm>>
      %dma_start3A_22 = tpu.memref_squeeze %dma_start3A_21 : memref<1x640x128xf32, #tpu.memory_space<hbm>> -> memref<640x128xf32, #tpu.memory_space<hbm>>
      %dma_start3A_23 = arith.constant 0 : i32
      %dma_start3A_24 = tpu.memref_slice %arg11[%mul3A_10, %dma_start3A_23] : memref<10240x128xf32, #tpu.memory_space<vmem_shared>> -> memref<640x128xf32, #tpu.memory_space<vmem_shared>>
      tpu.enqueue_dma source(%dma_start3A_24 : memref<640x128xf32, #tpu.memory_space<vmem_shared>>) target(%dma_start3A_22 : memref<640x128xf32, #tpu.memory_space<hbm>>) target_semaphore(%run_scoped3A : memref<!tpu.dma_semaphore, #tpu.memory_space<semaphore_mem>>)
      %dma_wait3A = arith.constant 0 : i32
      %dma_wait3A_25 = tpu.memref_slice %arg6[%arg0, %mul3A_10, %dma_wait3A] : memref<2x10240x128xf32, #tpu.memory_space<hbm>> -> memref<1x640x128xf32, #tpu.memory_space<hbm>>
      %dma_wait3A_26 = tpu.memref_squeeze %dma_wait3A_25 : memref<1x640x128xf32, #tpu.memory_space<hbm>> -> memref<640x128xf32, #tpu.memory_space<hbm>>
      %dma_wait3A_27 = arith.constant 0 : i32
      %dma_wait3A_28 = tpu.memref_slice %arg11[%mul3A_10, %dma_wait3A_27] : memref<10240x128xf32, #tpu.memory_space<vmem_shared>> -> memref<640x128xf32, #tpu.memory_space<vmem_shared>>
      tpu.wait_dma2 semaphore(%run_scoped3A : memref<!tpu.dma_semaphore, #tpu.memory_space<semaphore_mem>>) src(%dma_wait3A_28 : memref<640x128xf32, #tpu.memory_space<vmem_shared>>) dst(%dma_wait3A_26 : memref<640x128xf32, #tpu.memory_space<hbm>>)
      tpu.yield
    }) : () -> ()
    return
  }
}

module attributes {stable_mosaic.version = 14 : i64} {
  func.func @_dense0_body(%arg0: i32, %arg1: memref<2560x128xf32, #tpu.memory_space<vmem>>, %arg2: memref<128x128xf32, #tpu.memory_space<vmem>>, %arg3: memref<1x128xf32, #tpu.memory_space<vmem>>, %arg4: memref<128x128xf32, #tpu.memory_space<vmem>>, %arg5: memref<1x128xf32, #tpu.memory_space<vmem>>, %arg6: memref<2560x128xf32, #tpu.memory_space<vmem>>, %arg7: memref<2560x128xf32, #tpu.memory_space<vmem>>) attributes {dimension_semantics = [#tpu.dimension_semantics<arbitrary>], iteration_bounds = array<i64: 4>, scalar_prefetch = 0 : i64, scratch_operands = 0 : i64, tpu.core_type = #tpu.core_type<tc>, window_params = [{transform_indices = @transform_0, window_bounds = array<i64: 2560, 128>}, {pipeline_mode = #tpu.pipeline_mode<synchronous>, transform_indices = @transform_1, window_bounds = array<i64: 128, 128>}, {pipeline_mode = #tpu.pipeline_mode<synchronous>, transform_indices = @transform_2, window_bounds = array<i64: 1, 128>}, {pipeline_mode = #tpu.pipeline_mode<synchronous>, transform_indices = @transform_3, window_bounds = array<i64: 128, 128>}, {pipeline_mode = #tpu.pipeline_mode<synchronous>, transform_indices = @transform_4, window_bounds = array<i64: 1, 128>}, {transform_indices = @transform_5, window_bounds = array<i64: 2560, 128>}, {transform_indices = @transform_6, window_bounds = array<i64: 2560, 128>}]} {
    %get3A = arith.constant 0 : index
    %get3A_0 = arith.constant 0 : index
    %get3A_1 = vector.load %arg1[%get3A, %get3A_0] : memref<2560x128xf32, #tpu.memory_space<vmem>>, vector<2560x128xf32>
    %get3A_2 = arith.constant 0 : index
    %get3A_3 = arith.constant 0 : index
    %get3A_4 = vector.load %arg2[%get3A_2, %get3A_3] : memref<128x128xf32, #tpu.memory_space<vmem>>, vector<128x128xf32>
    %dot_general3A = arith.constant dense<0.000000e+00> : vector<2560x128xf32>
    %dot_general3A_5 = tpu.matmul %get3A_1, %get3A_4, %dot_general3A {dimension_numbers = #tpu.dot_dimension_numbers<[1], [1], [0], [0], [0, 0, 1, 0], [], []>, transpose_lhs_hint = false} : vector<2560x128xf32>, vector<128x128xf32>, vector<2560x128xf32> -> vector<2560x128xf32>
    %get3A_6 = arith.constant 0 : index
    %get3A_7 = arith.constant 0 : index
    %get3A_8 = vector.load %arg3[%get3A_6, %get3A_7] : memref<1x128xf32, #tpu.memory_space<vmem>>, vector<1x128xf32>
    %add3A = vector.broadcast %get3A_8 : vector<1x128xf32> to vector<2560x128xf32>
    %add3A_9 = arith.addf %dot_general3A_5, %add3A : vector<2560x128xf32>
    %swap3A = arith.constant 0 : index
    %swap3A_10 = arith.constant 0 : index
    %swap3A_11 = vector.load %arg6[%swap3A, %swap3A_10] : memref<2560x128xf32, #tpu.memory_space<vmem>>, vector<2560x128xf32>
    tpu.vector_store %arg6[%swap3A, %swap3A_10], %add3A_9 {strides = array<i32>} : memref<2560x128xf32, #tpu.memory_space<vmem>>, vector<2560x128xf32>,
    %get3A_12 = arith.constant 0 : index
    %get3A_13 = arith.constant 0 : index
    %get3A_14 = vector.load %arg4[%get3A_12, %get3A_13] : memref<128x128xf32, #tpu.memory_space<vmem>>, vector<128x128xf32>
    %dot_general3A_15 = arith.constant dense<0.000000e+00> : vector<2560x128xf32>
    %dot_general3A_16 = tpu.matmul %get3A_1, %get3A_14, %dot_general3A_15 {dimension_numbers = #tpu.dot_dimension_numbers<[1], [1], [0], [0], [0, 0, 1, 0], [], []>, transpose_lhs_hint = false} : vector<2560x128xf32>, vector<128x128xf32>, vector<2560x128xf32> -> vector<2560x128xf32>
    %get3A_17 = arith.constant 0 : index
    %get3A_18 = arith.constant 0 : index
    %get3A_19 = vector.load %arg5[%get3A_17, %get3A_18] : memref<1x128xf32, #tpu.memory_space<vmem>>, vector<1x128xf32>
    %add3A_20 = vector.broadcast %get3A_19 : vector<1x128xf32> to vector<2560x128xf32>
    %add3A_21 = arith.addf %dot_general3A_16, %add3A_20 : vector<2560x128xf32>
    %swap3A_22 = arith.constant 0 : index
    %swap3A_23 = arith.constant 0 : index
    %swap3A_24 = vector.load %arg7[%swap3A_22, %swap3A_23] : memref<2560x128xf32, #tpu.memory_space<vmem>>, vector<2560x128xf32>
    tpu.vector_store %arg7[%swap3A_22, %swap3A_23], %add3A_21 {strides = array<i32>} : memref<2560x128xf32, #tpu.memory_space<vmem>>, vector<2560x128xf32>,
    return
  }
  func.func @transform_0(%arg0: i32) -> (i32, i32) {
    %c0_i32 = arith.constant 0 : i32
    %c0_i32_0 = arith.constant 0 : i32
    return %arg0, %c0_i32 : i32, i32
  }
  func.func @transform_1(%arg0: i32) -> (i32, i32) {
    %c0_i32 = arith.constant 0 : i32
    %c0_i32_0 = arith.constant 0 : i32
    %c0_i32_1 = arith.constant 0 : i32
    return %c0_i32, %c0_i32_0 : i32, i32
  }
  func.func @transform_2(%arg0: i32) -> (i32, i32) {
    %c0_i32 = arith.constant 0 : i32
    %c0_i32_0 = arith.constant 0 : i32
    %c0_i32_1 = arith.constant 0 : i32
    return %c0_i32, %c0_i32_0 : i32, i32
  }
  func.func @transform_3(%arg0: i32) -> (i32, i32) {
    %c0_i32 = arith.constant 0 : i32
    %c0_i32_0 = arith.constant 0 : i32
    %c0_i32_1 = arith.constant 0 : i32
    return %c0_i32, %c0_i32_0 : i32, i32
  }
  func.func @transform_4(%arg0: i32) -> (i32, i32) {
    %c0_i32 = arith.constant 0 : i32
    %c0_i32_0 = arith.constant 0 : i32
    %c0_i32_1 = arith.constant 0 : i32
    return %c0_i32, %c0_i32_0 : i32, i32
  }
  func.func @transform_5(%arg0: i32) -> (i32, i32) {
    %c0_i32 = arith.constant 0 : i32
    %c0_i32_0 = arith.constant 0 : i32
    return %arg0, %c0_i32 : i32, i32
  }
  func.func @transform_6(%arg0: i32) -> (i32, i32) {
    %c0_i32 = arith.constant 0 : i32
    %c0_i32_0 = arith.constant 0 : i32
    return %arg0, %c0_i32 : i32, i32
  }
}

module attributes {stable_mosaic.version = 14 : i64} {
  func.func @_dense1_body(%arg0: i32, %arg1: memref<2560x128xf32, #tpu.memory_space<vmem>>, %arg2: memref<2x2560x128xf32, #tpu.memory_space<vmem>>, %arg3: memref<128x128xf32, #tpu.memory_space<vmem>>, %arg4: memref<1x128xf32, #tpu.memory_space<vmem>>, %arg5: memref<128x128xf32, #tpu.memory_space<vmem>>, %arg6: memref<1x128xf32, #tpu.memory_space<vmem>>, %arg7: memref<2560x128xf32, #tpu.memory_space<vmem>>, %arg8: memref<2560x128xf32, #tpu.memory_space<vmem>>) attributes {dimension_semantics = [#tpu.dimension_semantics<arbitrary>], iteration_bounds = array<i64: 4>, scalar_prefetch = 0 : i64, scratch_operands = 0 : i64, tpu.core_type = #tpu.core_type<tc>, window_params = [{transform_indices = @transform_0, window_bounds = array<i64: 2560, 128>}, {transform_indices = @transform_1, window_bounds = array<i64: 2, 2560, 128>}, {pipeline_mode = #tpu.pipeline_mode<synchronous>, transform_indices = @transform_2, window_bounds = array<i64: 128, 128>}, {pipeline_mode = #tpu.pipeline_mode<synchronous>, transform_indices = @transform_3, window_bounds = array<i64: 1, 128>}, {pipeline_mode = #tpu.pipeline_mode<synchronous>, transform_indices = @transform_4, window_bounds = array<i64: 128, 128>}, {pipeline_mode = #tpu.pipeline_mode<synchronous>, transform_indices = @transform_5, window_bounds = array<i64: 1, 128>}, {transform_indices = @transform_6, window_bounds = array<i64: 2560, 128>}, {transform_indices = @transform_7, window_bounds = array<i64: 2560, 128>}]} {
    %get3A = arith.constant 0 : index
    %get3A_0 = arith.constant 0 : index
    %get3A_1 = vector.load %arg1[%get3A, %get3A_0] : memref<2560x128xf32, #tpu.memory_space<vmem>>, vector<2560x128xf32>
    %get3A_2 = arith.constant 0 : index
    %get3A_3 = arith.constant 0 : index
    %get3A_4 = arith.constant 0 : index
    %get3A_5 = vector.load %arg2[%get3A_2, %get3A_3, %get3A_4] : memref<2x2560x128xf32, #tpu.memory_space<vmem>>, vector<1x2560x128xf32>
    %get3A_6 = vector.shape_cast %get3A_5 : vector<1x2560x128xf32> to vector<2560x128xf32>
    %add3A = arith.addf %get3A_1, %get3A_6 : vector<2560x128xf32>
    %get3A_7 = arith.constant 1 : index
    %get3A_8 = arith.constant 0 : index
    %get3A_9 = arith.constant 0 : index
    %get3A_10 = vector.load %arg2[%get3A_7, %get3A_8, %get3A_9] : memref<2x2560x128xf32, #tpu.memory_space<vmem>>, vector<1x2560x128xf32>
    %get3A_11 = vector.shape_cast %get3A_10 : vector<1x2560x128xf32> to vector<2560x128xf32>
    %add3A_12 = arith.addf %add3A, %get3A_11 : vector<2560x128xf32>
    %max3A = arith.constant 0.000000e+00 : f32
    %max3A_13 = vector.broadcast %max3A : f32 to vector<2560x128xf32>
    %max3A_14 = arith.maximumf %add3A_12, %max3A_13 : vector<2560x128xf32>
    %get3A_15 = arith.constant 0 : index
    %get3A_16 = arith.constant 0 : index
    %get3A_17 = vector.load %arg3[%get3A_15, %get3A_16] : memref<128x128xf32, #tpu.memory_space<vmem>>, vector<128x128xf32>
    %dot_general3A = arith.constant dense<0.000000e+00> : vector<2560x128xf32>
    %dot_general3A_18 = tpu.matmul %max3A_14, %get3A_17, %dot_general3A {dimension_numbers = #tpu.dot_dimension_numbers<[1], [1], [0], [0], [0, 0, 1, 0], [], []>, transpose_lhs_hint = false} : vector<2560x128xf32>, vector<128x128xf32>, vector<2560x128xf32> -> vector<2560x128xf32>
    %get3A_19 = arith.constant 0 : index
    %get3A_20 = arith.constant 0 : index
    %get3A_21 = vector.load %arg4[%get3A_19, %get3A_20] : memref<1x128xf32, #tpu.memory_space<vmem>>, vector<1x128xf32>
    %add3A_22 = vector.broadcast %get3A_21 : vector<1x128xf32> to vector<2560x128xf32>
    %add3A_23 = arith.addf %dot_general3A_18, %add3A_22 : vector<2560x128xf32>
    %swap3A = arith.constant 0 : index
    %swap3A_24 = arith.constant 0 : index
    %swap3A_25 = vector.load %arg7[%swap3A, %swap3A_24] : memref<2560x128xf32, #tpu.memory_space<vmem>>, vector<2560x128xf32>
    tpu.vector_store %arg7[%swap3A, %swap3A_24], %add3A_23 {strides = array<i32>} : memref<2560x128xf32, #tpu.memory_space<vmem>>, vector<2560x128xf32>,
    %get3A_26 = arith.constant 0 : index
    %get3A_27 = arith.constant 0 : index
    %get3A_28 = vector.load %arg5[%get3A_26, %get3A_27] : memref<128x128xf32, #tpu.memory_space<vmem>>, vector<128x128xf32>
    %dot_general3A_29 = arith.constant dense<0.000000e+00> : vector<2560x128xf32>
    %dot_general3A_30 = tpu.matmul %max3A_14, %get3A_28, %dot_general3A_29 {dimension_numbers = #tpu.dot_dimension_numbers<[1], [1], [0], [0], [0, 0, 1, 0], [], []>, transpose_lhs_hint = false} : vector<2560x128xf32>, vector<128x128xf32>, vector<2560x128xf32> -> vector<2560x128xf32>
    %get3A_31 = arith.constant 0 : index
    %get3A_32 = arith.constant 0 : index
    %get3A_33 = vector.load %arg6[%get3A_31, %get3A_32] : memref<1x128xf32, #tpu.memory_space<vmem>>, vector<1x128xf32>
    %add3A_34 = vector.broadcast %get3A_33 : vector<1x128xf32> to vector<2560x128xf32>
    %add3A_35 = arith.addf %dot_general3A_30, %add3A_34 : vector<2560x128xf32>
    %swap3A_36 = arith.constant 0 : index
    %swap3A_37 = arith.constant 0 : index
    %swap3A_38 = vector.load %arg8[%swap3A_36, %swap3A_37] : memref<2560x128xf32, #tpu.memory_space<vmem>>, vector<2560x128xf32>
    tpu.vector_store %arg8[%swap3A_36, %swap3A_37], %add3A_35 {strides = array<i32>} : memref<2560x128xf32, #tpu.memory_space<vmem>>, vector<2560x128xf32>,
    return
  }
  func.func @transform_0(%arg0: i32) -> (i32, i32) {
    %c0_i32 = arith.constant 0 : i32
    %c0_i32_0 = arith.constant 0 : i32
    return %arg0, %c0_i32 : i32, i32
  }
  func.func @transform_1(%arg0: i32) -> (i32, i32, i32) {
    %c0_i32 = arith.constant 0 : i32
    %c0_i32_0 = arith.constant 0 : i32
    %c0_i32_1 = arith.constant 0 : i32
    return %c0_i32, %arg0, %c0_i32_0 : i32, i32, i32
  }
  func.func @transform_2(%arg0: i32) -> (i32, i32) {
    %c0_i32 = arith.constant 0 : i32
    %c0_i32_0 = arith.constant 0 : i32
    %c0_i32_1 = arith.constant 0 : i32
    return %c0_i32, %c0_i32_0 : i32, i32
  }
  func.func @transform_3(%arg0: i32) -> (i32, i32) {
    %c0_i32 = arith.constant 0 : i32
    %c0_i32_0 = arith.constant 0 : i32
    %c0_i32_1 = arith.constant 0 : i32
    return %c0_i32, %c0_i32_0 : i32, i32
  }
  func.func @transform_4(%arg0: i32) -> (i32, i32) {
    %c0_i32 = arith.constant 0 : i32
    %c0_i32_0 = arith.constant 0 : i32
    %c0_i32_1 = arith.constant 0 : i32
    return %c0_i32, %c0_i32_0 : i32, i32
  }
  func.func @transform_5(%arg0: i32) -> (i32, i32) {
    %c0_i32 = arith.constant 0 : i32
    %c0_i32_0 = arith.constant 0 : i32
    %c0_i32_1 = arith.constant 0 : i32
    return %c0_i32, %c0_i32_0 : i32, i32
  }
  func.func @transform_6(%arg0: i32) -> (i32, i32) {
    %c0_i32 = arith.constant 0 : i32
    %c0_i32_0 = arith.constant 0 : i32
    return %arg0, %c0_i32 : i32, i32
  }
  func.func @transform_7(%arg0: i32) -> (i32, i32) {
    %c0_i32 = arith.constant 0 : i32
    %c0_i32_0 = arith.constant 0 : i32
    return %arg0, %c0_i32 : i32, i32
  }
}

module attributes {stable_mosaic.version = 14 : i64} {
  func.func @_head_body(%arg0: memref<10240x128xf32, #tpu.memory_space<vmem>>, %arg1: memref<2x10240x128xf32, #tpu.memory_space<vmem>>, %arg2: memref<10240x1xi32, #tpu.memory_space<vmem>>, %arg3: memref<1024x256xf32, #tpu.memory_space<vmem>>, %arg4: memref<1x1024xf32, #tpu.memory_space<vmem>>, %arg5: memref<10x1024xf32, #tpu.memory_space<vmem>>, %arg6: memref<1x10xf32, #tpu.memory_space<vmem>>, %arg7: memref<8x10xf32, #tpu.memory_space<vmem>>) attributes {dimension_semantics = [], scalar_prefetch = 0 : i64, scratch_operands = 0 : i64, tpu.core_type = #tpu.core_type<tc>} {
    %get3A = arith.constant 0 : index
    %get3A_0 = arith.constant 0 : index
    %get3A_1 = vector.load %arg0[%get3A, %get3A_0] : memref<10240x128xf32, #tpu.memory_space<vmem>>, vector<10240x128xf32>
    %get3A_2 = arith.constant 0 : index
    %get3A_3 = arith.constant 0 : index
    %get3A_4 = arith.constant 0 : index
    %get3A_5 = vector.load %arg1[%get3A_2, %get3A_3, %get3A_4] : memref<2x10240x128xf32, #tpu.memory_space<vmem>>, vector<1x10240x128xf32>
    %get3A_6 = vector.shape_cast %get3A_5 : vector<1x10240x128xf32> to vector<10240x128xf32>
    %add3A = arith.addf %get3A_1, %get3A_6 : vector<10240x128xf32>
    %get3A_7 = arith.constant 1 : index
    %get3A_8 = arith.constant 0 : index
    %get3A_9 = arith.constant 0 : index
    %get3A_10 = vector.load %arg1[%get3A_7, %get3A_8, %get3A_9] : memref<2x10240x128xf32, #tpu.memory_space<vmem>>, vector<1x10240x128xf32>
    %get3A_11 = vector.shape_cast %get3A_10 : vector<1x10240x128xf32> to vector<10240x128xf32>
    %add3A_12 = arith.addf %add3A, %get3A_11 : vector<10240x128xf32>
    %max3A = arith.constant 0.000000e+00 : f32
    %max3A_13 = vector.broadcast %max3A : f32 to vector<10240x128xf32>
    %max3A_14 = arith.maximumf %add3A_12, %max3A_13 : vector<10240x128xf32>
    %get3A_15 = arith.constant 0 : index
    %get3A_16 = arith.constant 0 : index
    %get3A_17 = vector.load %arg2[%get3A_15, %get3A_16] : memref<10240x1xi32, #tpu.memory_space<vmem>>, vector<10240x1xi32>
    %iota3A = tpu.iota {dimensions = array<i32: 1>} : vector<10240x8xi32>
    %eq3A = vector.broadcast %get3A_17 : vector<10240x1xi32> to vector<10240x8xi32>
    %eq3A_18 = arith.cmpi eq, %eq3A, %iota3A : vector<10240x8xi32>
    %convert_element_type3A = arith.extui %eq3A_18 : vector<10240x8xi1> to vector<10240x8xi32>
    %convert_element_type3A_19 = arith.sitofp %convert_element_type3A : vector<10240x8xi32> to vector<10240x8xf32>
    %reduce_sum3A = arith.constant dense<0.000000e+00> : vector<8xf32>
    %reduce_sum3A_20 = vector.multi_reduction <add>, %convert_element_type3A_19, %reduce_sum3A [0] : vector<10240x8xf32> to vector<8xf32>
    %dot_general3A = arith.constant dense<0.000000e+00> : vector<8x128xf32>
    %dot_general3A_21 = tpu.matmul %convert_element_type3A_19, %max3A_14, %dot_general3A {dimension_numbers = #tpu.dot_dimension_numbers<[0], [0], [1], [1], [0, 1, 1, 1], [], []>, transpose_lhs_hint = false} : vector<10240x8xf32>, vector<10240x128xf32>, vector<8x128xf32> -> vector<8x128xf32>
    %max3A_22 = arith.constant 1.000000e+00 : f32
    %max3A_23 = vector.broadcast %max3A_22 : f32 to vector<8xf32>
    %max3A_24 = arith.maximumf %reduce_sum3A_20, %max3A_23 : vector<8xf32>
    %broadcast_in_dim3A = vector.shape_cast %max3A_24 : vector<8xf32> to vector<8x1xf32>
    %div3A = vector.broadcast %broadcast_in_dim3A : vector<8x1xf32> to vector<8x128xf32>
    %div3A_25 = arith.divf %dot_general3A_21, %div3A : vector<8x128xf32>
    %eq3A_26 = arith.constant 0 : i32
    %eq3A_27 = vector.broadcast %eq3A_26 : i32 to vector<10240x1xi32>
    %eq3A_28 = arith.cmpi eq, %get3A_17, %eq3A_27 : vector<10240x1xi32>
    %jit3A = arith.constant 0xFF800000 : f32
    %broadcast_in_dim3A_29 = vector.shape_cast %eq3A_28 : vector<10240x1xi1> to vector<10240x1xi1>
    %broadcast_in_dim3A_30 = vector.broadcast %broadcast_in_dim3A_29 : vector<10240x1xi1> to vector<10240x128xi1>
    %broadcast_in_dim3A_31 = vector.broadcast %jit3A : f32 to vector<10240x128xf32>
    %select_n3A = arith.select %broadcast_in_dim3A_30, %max3A_14, %broadcast_in_dim3A_31 : vector<10240x128xi1>, vector<10240x128xf32>
    %reduce_max3A = arith.constant dense<0xFF800000> : vector<128xf32>
    %reduce_max3A_32 = vector.multi_reduction <maximumf>, %select_n3A, %reduce_max3A [0] : vector<10240x128xf32> to vector<128xf32>
    %eq3A_33 = arith.constant 1 : i32
    %eq3A_34 = vector.broadcast %eq3A_33 : i32 to vector<10240x1xi32>
    %eq3A_35 = arith.cmpi eq, %get3A_17, %eq3A_34 : vector<10240x1xi32>
    %jit3A_36 = arith.constant 0xFF800000 : f32
    %broadcast_in_dim3A_37 = vector.shape_cast %eq3A_35 : vector<10240x1xi1> to vector<10240x1xi1>
    %broadcast_in_dim3A_38 = vector.broadcast %broadcast_in_dim3A_37 : vector<10240x1xi1> to vector<10240x128xi1>
    %broadcast_in_dim3A_39 = vector.broadcast %jit3A_36 : f32 to vector<10240x128xf32>
    %select_n3A_40 = arith.select %broadcast_in_dim3A_38, %max3A_14, %broadcast_in_dim3A_39 : vector<10240x128xi1>, vector<10240x128xf32>
    %reduce_max3A_41 = arith.constant dense<0xFF800000> : vector<128xf32>
    %reduce_max3A_42 = vector.multi_reduction <maximumf>, %select_n3A_40, %reduce_max3A_41 [0] : vector<10240x128xf32> to vector<128xf32>
    %eq3A_43 = arith.constant 2 : i32
    %eq3A_44 = vector.broadcast %eq3A_43 : i32 to vector<10240x1xi32>
    %eq3A_45 = arith.cmpi eq, %get3A_17, %eq3A_44 : vector<10240x1xi32>
    %jit3A_46 = arith.constant 0xFF800000 : f32
    %broadcast_in_dim3A_47 = vector.shape_cast %eq3A_45 : vector<10240x1xi1> to vector<10240x1xi1>
    %broadcast_in_dim3A_48 = vector.broadcast %broadcast_in_dim3A_47 : vector<10240x1xi1> to vector<10240x128xi1>
    %broadcast_in_dim3A_49 = vector.broadcast %jit3A_46 : f32 to vector<10240x128xf32>
    %select_n3A_50 = arith.select %broadcast_in_dim3A_48, %max3A_14, %broadcast_in_dim3A_49 : vector<10240x128xi1>, vector<10240x128xf32>
    %reduce_max3A_51 = arith.constant dense<0xFF800000> : vector<128xf32>
    %reduce_max3A_52 = vector.multi_reduction <maximumf>, %select_n3A_50, %reduce_max3A_51 [0] : vector<10240x128xf32> to vector<128xf32>
    %eq3A_53 = arith.constant 3 : i32
    %eq3A_54 = vector.broadcast %eq3A_53 : i32 to vector<10240x1xi32>
    %eq3A_55 = arith.cmpi eq, %get3A_17, %eq3A_54 : vector<10240x1xi32>
    %jit3A_56 = arith.constant 0xFF800000 : f32
    %broadcast_in_dim3A_57 = vector.shape_cast %eq3A_55 : vector<10240x1xi1> to vector<10240x1xi1>
    %broadcast_in_dim3A_58 = vector.broadcast %broadcast_in_dim3A_57 : vector<10240x1xi1> to vector<10240x128xi1>
    %broadcast_in_dim3A_59 = vector.broadcast %jit3A_56 : f32 to vector<10240x128xf32>
    %select_n3A_60 = arith.select %broadcast_in_dim3A_58, %max3A_14, %broadcast_in_dim3A_59 : vector<10240x128xi1>, vector<10240x128xf32>
    %reduce_max3A_61 = arith.constant dense<0xFF800000> : vector<128xf32>
    %reduce_max3A_62 = vector.multi_reduction <maximumf>, %select_n3A_60, %reduce_max3A_61 [0] : vector<10240x128xf32> to vector<128xf32>
    %eq3A_63 = arith.constant 4 : i32
    %eq3A_64 = vector.broadcast %eq3A_63 : i32 to vector<10240x1xi32>
    %eq3A_65 = arith.cmpi eq, %get3A_17, %eq3A_64 : vector<10240x1xi32>
    %jit3A_66 = arith.constant 0xFF800000 : f32
    %broadcast_in_dim3A_67 = vector.shape_cast %eq3A_65 : vector<10240x1xi1> to vector<10240x1xi1>
    %broadcast_in_dim3A_68 = vector.broadcast %broadcast_in_dim3A_67 : vector<10240x1xi1> to vector<10240x128xi1>
    %broadcast_in_dim3A_69 = vector.broadcast %jit3A_66 : f32 to vector<10240x128xf32>
    %select_n3A_70 = arith.select %broadcast_in_dim3A_68, %max3A_14, %broadcast_in_dim3A_69 : vector<10240x128xi1>, vector<10240x128xf32>
    %reduce_max3A_71 = arith.constant dense<0xFF800000> : vector<128xf32>
    %reduce_max3A_72 = vector.multi_reduction <maximumf>, %select_n3A_70, %reduce_max3A_71 [0] : vector<10240x128xf32> to vector<128xf32>
    %eq3A_73 = arith.constant 5 : i32
    %eq3A_74 = vector.broadcast %eq3A_73 : i32 to vector<10240x1xi32>
    %eq3A_75 = arith.cmpi eq, %get3A_17, %eq3A_74 : vector<10240x1xi32>
    %jit3A_76 = arith.constant 0xFF800000 : f32
    %broadcast_in_dim3A_77 = vector.shape_cast %eq3A_75 : vector<10240x1xi1> to vector<10240x1xi1>
    %broadcast_in_dim3A_78 = vector.broadcast %broadcast_in_dim3A_77 : vector<10240x1xi1> to vector<10240x128xi1>
    %broadcast_in_dim3A_79 = vector.broadcast %jit3A_76 : f32 to vector<10240x128xf32>
    %select_n3A_80 = arith.select %broadcast_in_dim3A_78, %max3A_14, %broadcast_in_dim3A_79 : vector<10240x128xi1>, vector<10240x128xf32>
    %reduce_max3A_81 = arith.constant dense<0xFF800000> : vector<128xf32>
    %reduce_max3A_82 = vector.multi_reduction <maximumf>, %select_n3A_80, %reduce_max3A_81 [0] : vector<10240x128xf32> to vector<128xf32>
    %eq3A_83 = arith.constant 6 : i32
    %eq3A_84 = vector.broadcast %eq3A_83 : i32 to vector<10240x1xi32>
    %eq3A_85 = arith.cmpi eq, %get3A_17, %eq3A_84 : vector<10240x1xi32>
    %jit3A_86 = arith.constant 0xFF800000 : f32
    %broadcast_in_dim3A_87 = vector.shape_cast %eq3A_85 : vector<10240x1xi1> to vector<10240x1xi1>
    %broadcast_in_dim3A_88 = vector.broadcast %broadcast_in_dim3A_87 : vector<10240x1xi1> to vector<10240x128xi1>
    %broadcast_in_dim3A_89 = vector.broadcast %jit3A_86 : f32 to vector<10240x128xf32>
    %select_n3A_90 = arith.select %broadcast_in_dim3A_88, %max3A_14, %broadcast_in_dim3A_89 : vector<10240x128xi1>, vector<10240x128xf32>
    %reduce_max3A_91 = arith.constant dense<0xFF800000> : vector<128xf32>
    %reduce_max3A_92 = vector.multi_reduction <maximumf>, %select_n3A_90, %reduce_max3A_91 [0] : vector<10240x128xf32> to vector<128xf32>
    %eq3A_93 = arith.constant 7 : i32
    %eq3A_94 = vector.broadcast %eq3A_93 : i32 to vector<10240x1xi32>
    %eq3A_95 = arith.cmpi eq, %get3A_17, %eq3A_94 : vector<10240x1xi32>
    %jit3A_96 = arith.constant 0xFF800000 : f32
    %broadcast_in_dim3A_97 = vector.shape_cast %eq3A_95 : vector<10240x1xi1> to vector<10240x1xi1>
    %broadcast_in_dim3A_98 = vector.broadcast %broadcast_in_dim3A_97 : vector<10240x1xi1> to vector<10240x128xi1>
    %broadcast_in_dim3A_99 = vector.broadcast %jit3A_96 : f32 to vector<10240x128xf32>
    %select_n3A_100 = arith.select %broadcast_in_dim3A_98, %max3A_14, %broadcast_in_dim3A_99 : vector<10240x128xi1>, vector<10240x128xf32>
    %reduce_max3A_101 = arith.constant dense<0xFF800000> : vector<128xf32>
    %reduce_max3A_102 = vector.multi_reduction <maximumf>, %select_n3A_100, %reduce_max3A_101 [0] : vector<10240x128xf32> to vector<128xf32>
    %stack3A = vector.shape_cast %reduce_max3A_32 : vector<128xf32> to vector<1x128xf32>
    %stack3A_103 = vector.shape_cast %reduce_max3A_42 : vector<128xf32> to vector<1x128xf32>
    %stack3A_104 = vector.shape_cast %reduce_max3A_52 : vector<128xf32> to vector<1x128xf32>
    %stack3A_105 = vector.shape_cast %reduce_max3A_62 : vector<128xf32> to vector<1x128xf32>
    %stack3A_106 = vector.shape_cast %reduce_max3A_72 : vector<128xf32> to vector<1x128xf32>
    %stack3A_107 = vector.shape_cast %reduce_max3A_82 : vector<128xf32> to vector<1x128xf32>
    %stack3A_108 = vector.shape_cast %reduce_max3A_92 : vector<128xf32> to vector<1x128xf32>
    %stack3A_109 = vector.shape_cast %reduce_max3A_102 : vector<128xf32> to vector<1x128xf32>
    %stack3A_110 = tpu.concatenate %stack3A, %stack3A_103, %stack3A_104, %stack3A_105, %stack3A_106, %stack3A_107, %stack3A_108, %stack3A_109 in 0 : vector<1x128xf32>, vector<1x128xf32>, vector<1x128xf32>, vector<1x128xf32>, vector<1x128xf32>, vector<1x128xf32>, vector<1x128xf32>, vector<1x128xf32> -> vector<8x128xf32>
    %concatenate3A = tpu.concatenate %div3A_25, %stack3A_110 in 1 : vector<8x128xf32>, vector<8x128xf32> -> vector<8x256xf32>
    %get3A_111 = arith.constant 0 : index
    %get3A_112 = arith.constant 0 : index
    %get3A_113 = vector.load %arg3[%get3A_111, %get3A_112] : memref<1024x256xf32, #tpu.memory_space<vmem>>, vector<1024x256xf32>
    %dot_general3A_114 = arith.constant dense<0.000000e+00> : vector<8x1024xf32>
    %dot_general3A_115 = tpu.matmul %concatenate3A, %get3A_113, %dot_general3A_114 {dimension_numbers = #tpu.dot_dimension_numbers<[1], [1], [0], [0], [0, 0, 1, 0], [], []>, transpose_lhs_hint = false} : vector<8x256xf32>, vector<1024x256xf32>, vector<8x1024xf32> -> vector<8x1024xf32>
    %get3A_116 = arith.constant 0 : index
    %get3A_117 = arith.constant 0 : index
    %get3A_118 = vector.load %arg4[%get3A_116, %get3A_117] : memref<1x1024xf32, #tpu.memory_space<vmem>>, vector<1x1024xf32>
    %add3A_119 = vector.broadcast %get3A_118 : vector<1x1024xf32> to vector<8x1024xf32>
    %add3A_120 = arith.addf %dot_general3A_115, %add3A_119 : vector<8x1024xf32>
    %max3A_121 = arith.constant 0.000000e+00 : f32
    %max3A_122 = vector.broadcast %max3A_121 : f32 to vector<8x1024xf32>
    %max3A_123 = arith.maximumf %add3A_120, %max3A_122 : vector<8x1024xf32>
    %get3A_124 = arith.constant 0 : index
    %get3A_125 = arith.constant 0 : index
    %get3A_126 = vector.load %arg5[%get3A_124, %get3A_125] : memref<10x1024xf32, #tpu.memory_space<vmem>>, vector<10x1024xf32>
    %dot_general3A_127 = arith.constant dense<0.000000e+00> : vector<8x10xf32>
    %dot_general3A_128 = tpu.matmul %max3A_123, %get3A_126, %dot_general3A_127 {dimension_numbers = #tpu.dot_dimension_numbers<[1], [1], [0], [0], [0, 0, 1, 0], [], []>, transpose_lhs_hint = false} : vector<8x1024xf32>, vector<10x1024xf32>, vector<8x10xf32> -> vector<8x10xf32>
    %get3A_129 = arith.constant 0 : index
    %get3A_130 = arith.constant 0 : index
    %get3A_131 = vector.load %arg6[%get3A_129, %get3A_130] : memref<1x10xf32, #tpu.memory_space<vmem>>, vector<1x10xf32>
    %add3A_132 = vector.broadcast %get3A_131 : vector<1x10xf32> to vector<8x10xf32>
    %add3A_133 = arith.addf %dot_general3A_128, %add3A_132 : vector<8x10xf32>
    %swap3A = arith.constant 0 : index
    %swap3A_134 = arith.constant 0 : index
    %swap3A_135 = vector.load %arg7[%swap3A, %swap3A_134] : memref<8x10xf32, #tpu.memory_space<vmem>>, vector<8x10xf32>
    tpu.vector_store %arg7[%swap3A, %swap3A_134], %add3A_133 {strides = array<i32>} : memref<8x10xf32, #tpu.memory_space<vmem>>, vector<8x10xf32>,
    return
  }
}

</mosaic_0001>

<sc_bundles>
// kernel: kernel.10.cloned.1.call-start
scs
__scs_entry_jumppad:
0x0: {  	(pc) =	sbr.rel $0x88, $3  }
0x1: {  	(tag) =	ssettag $0x0;
	lr =	simm.s32 $0x1  }
0x2: {  	[smem:$0x3F92] =	sst lr;
	_ =	strace $0xD0000000  }
0x3: {  	_ = 	snop  }
0x4: {  	_ = 	snop  }
0x5: {  	_ = 	snop  }
0x6: {  	_ = 	snop  }
0x7: {  	_ = 	snop  }
__scs_overlays_trampoline_lowered:
0x8: {  	[smem:$0x3FA1] =	sst s0  }
0x9: {  	[smem:$0x3FA2] =	sst s1  }
0xa: {  	[smem:$0x3FA3] =	sst s2  }
0xb: {  	[smem:$0x3FA4] =	sst s3  }
0xc: {  	[smem:$0x3FA5] =	sst s4  }
0xd: {  	[smem:$0x3FA6] =	sst s5  }
0xe: {  	[smem:$0x3FA7] =	sst s6  }
0xf: {  	[smem:$0x3FA8] =	sst s7  }
0x10: {  	[smem:$0x3FA9] =	sst s8  }
0x11: {  	[smem:$0x3FAA] =	sst s9;
	s0 =	simm.s32 @!p0 $0x0  }
0x12: {  	s1 =	sld [smem:$0x3F90];
	s0 =	simm.s32 @p0 $0x1  }
0x13: {  	[smem:$0x3FAB] =	sst s0;
	s0 =	simm.s32 @!p1 $0x0  }
0x14: {  	s2 =	sld [smem:$0x3F8F];
	s0 =	simm.s32 @p1 $0x1  }
0x15: {  	[smem:$0x3FAC] =	sst s0;
	s0 =	simm.s32 @!p2 $0x0  }
0x16: {  	s3 =	sld [smem:$0x3FDB];
	s0 =	simm.s32 @p2 $0x1  }
0x17: {  	s4 =	simm.s32 $0x1BF5;
	[smem:$0x3FAE] =	sst s0  }
0x18: {  	s0 =	sld [smem:$0x3F91];
	_ =	swait.ge [sflag:s4], $0x0  }
0x19: {  	s7 =	sld [smem:$0x3F92]  }
0x1a: {  	s8 =	sadd.s32 $0xFFFFE003, lr  }
0x1b: {  	s9 =	sadd.s32 $0xFFFFFEF7, lr;
	s5 =	simm.s32 $0xFFFFFFFF;
	p2 =	slt.u32 s8, $0xFFFFF086  }
0x1c: {  	p1 =	slt.u32 s9, $0xF7A;
	s5 =	simm.s32 @!p2 $0x0  }
0x1d: {  	s5 =	simm.s32 @p1 $0x1;
	p0 =	seq.s32 s7, s2  }
0x1e: {  	s7 =	smul.u32 @!p0 $0xF7A, s2;
	p2 =	seq.s32 @!p0 s5, $0x0  }
0x1f: {  	s9 =	smul.u32 $0xF7A, s1;
	s8 =	simm.s32 @!p0 $0x1BF5;
	p2 =	por !p2, p0  }
0x20: {  	[sflag:s8] =	ssyncset.s32 @!p0 $0xFFFFF086;
	s6 =	sadd.s32 @!p0 s3, s7;
	s7 =	simm.s32 @!p0 $0x108  }
0x21: {  	s3 =	sadd.s32 s3, s9;
	s6 =	sadd.s32 @!p0 $0x88, s6;
	s7 =	simm.s32 @p2 $0x1082  }
0x22: {  	[simem:s7], [sflag:s8] =	dma.local @!p0 [hbm:s6], $0xF7A  }
0x23: {  	s9 =	sor.u32 $0xD0000000, s2;
	s6 =	simm.s32 $0x108;
	_ =	swait.ge @!p0 [sflag:s8], $0x0  }
0x24: {  	s3 =	sadd.s32 $0x88, s3;
	s6 =	simm.s32 @!p1 $0x1082;
	[sflag:s4] =	ssyncset.s32 $0xFFFFF086  }
0x25: {  	[simem:s6], [sflag:s4] =	dma.local [hbm:s3], $0xF7A  }
0x26: {  	[smem:$0x3F92] =	sst s1;
	(tag) =	ssettag s2;
	_ =	strace s9  }
0x27: {  	s1 =	sld [smem:$0x3FA2]  }
0x28: {  	s2 =	sld [smem:$0x3FA3]  }
0x29: {  	s4 =	sld [smem:$0x3FA5]  }
0x2a: {  	p0 =	seq.s32 s5, $0x0;
	s5 =	sld [smem:$0x3FA6]  }
0x2b: {  	s6 =	sld [smem:$0x3FA7]  }
0x2c: {  	s7 =	sld [smem:$0x3FA8]  }
0x2d: {  	s3 =	simm.s32 $0x108;
	s8 =	sld [smem:$0x3FA9]  }
0x2e: {  	s3 =	simm.s32 @!p0 $0x1082;
	s9 =	sld [smem:$0x3FAA]  }
0x2f: {  	lr =	sadd.s32 s0, s3;
	s0 =	sld [smem:$0x3FA1]  }
0x30: {  	s3 =	sld [smem:$0x3FA4]  }
0x31: {  	[smem:$0x3FAD] =	sst s10  }
0x32: {  	s10 =	sld [smem:$0x3FAB];
	_ =	sdelay $0x3  }
0x33: {  	p0 =	seq.s32 s10, $0x1;
	s10 =	sld [smem:$0x3FAD];
	_ =	sdelay $0x3  }
0x34: {  	[smem:$0x3FAD] =	sst s10  }
0x35: {  	s10 =	sld [smem:$0x3FAC];
	_ =	sdelay $0x3  }
0x36: {  	p1 =	seq.s32 s10, $0x1;
	s10 =	sld [smem:$0x3FAD];
	_ =	sdelay $0x3  }
0x37: {  	[smem:$0x3FAD] =	sst s10  }
0x38: {  	s10 =	sld [smem:$0x3FAE]  }
0x39: {  	_ = 	snop;
	(pc) =	sbr.ind lr, $3  }
0x3a: {  	_ = 	snop  }
0x3b: {  	_ = 	snop  }
0x3c: {  	p2 =	seq.s32 s10, $0x1;
	s10 =	sld [smem:$0x3FAD]  }
0x3d: {  	_ =	shalt  }
0x3e: {  	_ =	shalt  }
0x3f: {  	_ =	shalt  }
0x40: {  	_ =	shalt  }
0x41: {  	_ =	shalt  }
0x42: {  	_ =	shalt  }
0x43: {  	_ =	shalt  }
0x44: {  	_ =	shalt  }
0x45: {  	_ =	shalt  }
0x46: {  	_ =	shalt  }
0x47: {  	_ =	shalt  }
0x48: {  	_ =	shalt  }
0x49: {  	_ =	shalt  }
0x4a: {  	_ =	shalt  }
0x4b: {  	_ =	shalt  }
0x4c: {  	_ =	shalt  }
0x4d: {  	_ =	shalt  }
0x4e: {  	_ =	shalt  }
0x4f: {  	_ =	shalt  }
0x50: {  	_ =	shalt  }
0x51: {  	_ =	shalt  }
0x52: {  	_ =	shalt  }
0x53: {  	_ =	shalt  }
0x54: {  	_ =	shalt  }
0x55: {  	_ =	shalt  }
0x56: {  	_ =	shalt  }
0x57: {  	_ =	shalt  }
0x58: {  	_ =	shalt  }
0x59: {  	_ =	shalt  }
0x5a: {  	_ =	shalt  }
0x5b: {  	_ =	shalt  }
0x5c: {  	_ =	shalt  }
0x5d: {  	_ =	shalt  }
0x5e: {  	_ =	shalt  }
0x5f: {  	_ =	shalt  }
0x60: {  	_ =	shalt  }
0x61: {  	_ =	shalt  }
0x62: {  	_ =	shalt  }
0x63: {  	_ =	shalt  }
0x64: {  	_ =	shalt  }
0x65: {  	_ =	shalt  }
0x66: {  	_ =	shalt  }
0x67: {  	_ =	shalt  }
0x68: {  	_ =	shalt  }
0x69: {  	_ =	shalt  }
0x6a: {  	_ =	shalt  }
0x6b: {  	_ =	shalt  }
0x6c: {  	_ =	shalt  }
0x6d: {  	_ =	shalt  }
0x6e: {  	_ =	shalt  }
0x6f: {  	_ =	shalt  }
0x70: {  	_ =	shalt  }
0x71: {  	_ =	shalt  }
0x72: {  	_ =	shalt  }
0x73: {  	_ =	shalt  }
0x74: {  	_ =	shalt  }
0x75: {  	_ =	shalt  }
0x76: {  	_ =	shalt  }
0x77: {  	_ =	shalt  }
0x78: {  	_ =	shalt  }
0x79: {  	_ =	shalt  }
0x7a: {  	_ =	shalt  }
0x7b: {  	_ =	shalt  }
0x7c: {  	_ =	shalt  }
0x7d: {  	_ =	shalt  }
0x7e: {  	_ =	shalt  }
0x7f: {  	_ =	shalt  }
0x80: {  	_ =	shalt  }
0x81: {  	_ =	shalt  }
0x82: {  	_ =	shalt  }
0x83: {  	_ =	shalt  }
0x84: {  	_ =	shalt  }
0x85: {  	_ =	shalt  }
0x86: {  	_ =	shalt  }
0x87: {  	_ =	shalt  }
.Lfunc_end0:
.L_simem_size_0:
called_computation.1_lowered:
.L_overlay_start_0:
0x88: {  	s2 =	sld [smem:$0x3FD9]  }
0x89: {  	s3 =	sld [smem:$0x3FFE];
	_ =	sdelay $0x1  }
0x8a: {  	s1 =	srdreg.scid  }
0x8b: {  	s0 =	sand.u32 $0x1, s1  }
0x8c: {  	s16 =	sshll.u32 s0, $0xA;
	s2 =	sadd.s32 s3, s2  }
0x8d: {  	s2 =	sadd.s32 s2, s16  }
0x8e: {  	[smem:$0x3FB9] =	sst s2  }
0x8f: {  	_ = 	snop  }
0x90: {  	(tm) =	ssettm $0x1  }
0x91: {  	s17 =	sld [smem:$0x3FFB];
	_ =	sdelay $0x3  }
0x92: {  	_ =	strace s17  }
0x93: {  	s2 =	sld [smem:$0x3FFC];
	_ =	sdelay $0x3  }
0x94: {  	_ =	strace s2  }
0x95: {  	s2 =	sld [smem:$0x3FFD];
	_ =	sdelay $0x3  }
0x96: {  	_ =	strace s2  }
0x97: {  	_ =	strace $0x8FFFFFFF  }
0x98: {  	s18 =	sld [smem:$0x3FDB];
	_ =	sdelay $0x1  }
0x99: {  	s19 =	simm.s32 $_scs_section_size  }
0x9a: {  	s4 =	simm.s32 $_size__tile_overlayer_lowered;
	s5 =	simm.s32 $_tile_overlayer_lowered  }
0x9b: {  	s22 =	simm.s32 $0x1BFF;
	s21 =	sshll.u32 s5, $0x1;
	s2 =	sadd.s32 s19, s18  }
0x9c: {  	s6 =	simm.s32 $0x0;
	s20 =	sshll.u32 s4, $0x1;
	s4 =	sadd.s32 s21, s2  }
0x9d: {  	[timem:s6], [sflag:s22] =	dma.local [hbm:s4], s20  }
0x9e: {  	_ =	swait.ge [sflag:s22], s20  }
0x9f: {  	s3 =	ssub.s32 $0x0, s20;
	[sflag:s22] =	ssyncset.done $0x0  }
0xa0: {  	[sflag:s22] =	ssyncadd.s32 s3;
	_ =	sdelay $0x1  }
0xa1: {  	s23 =	simm.s32 $0x1B8B  }
0xa2: {  	_ =	swait.ge [sflag:s23], $0x1  }
0xa3: {  	[sflag:s23] =	ssyncset.done $0x0  }
0xa4: {  	s25 =	simm.s32 $0x1B8E;
	s24 =	sld [smem:$0x3FFE];
	[sflag:s23] =	ssyncadd.s32 $0xFFFFFFFF  }
0xa5: {  	s26 =	simm.s32 $execute0_lowered;
	[smem:$0x3FD2] =	sst s25  }
0xa6: {  	s4 =	sshll.u32 s26, $0x1;
	_ =	strace $0x80000049;
	[dreg:$0x1] =	wrdreg $0xFFFFFFFF  }
0xa7: {  	s28 =	simm.s32 $_size_execute0_lowered;
	s2 =	sadd.s32 s2, s4;
	[dreg:$0x0] =	wrdreg $0x0  }
0xa8: {  	s4 =	sshll.u32 s28, $0x1;
	[dreg:$0x2] =	wrdreg s2  }
0xa9: {  	[dreg:$0x3] =	wrdreg s4  }
0xaa: {  	[dreg:$0x4] =	wrdreg $0xC0  }
0xab: {  	_ =	task [dreg:s6], $0x5FFFF  }
0xac: {  	[dreg:$0x1] =	wrdreg $0xFFFFFFFF  }
0xad: {  	[dreg:$0x0] =	wrdreg $0x60  }
0xae: {  	[dreg:$0x2] =	wrdreg s24  }
0xaf: {  	[dreg:$0x3] =	wrdreg $0x90000  }
0xb0: {  	[dreg:$0x4] =	wrdreg $0x9  }
0xb1: {  	_ =	task.clear_ibuf [dreg:s6], $0x5FFFF;
	_ =	strace $0x90000049  }
0xb2: {  	s29 =	simm.s32 $0x9;
	_ =	strace $0x8000004B  }
0xb3: {  	_ =	swait.ge [sflag:s29], $0x1  }
0xb4: {  	[sflag:s29] =	ssyncadd.s32 $0xFFFFFFFF  }
0xb5: {  	_ =	strace $0x9000004B  }
0xb6: {  	_ =	sfence  }
0xb7: {  	s30 =	sld [smem:$0x0];
	_ =	sdelay $0x2  }
0xb8: {  	s31 =	sshll.u32 s1, $0xD;
	s1 =	sshrl.u32 s1, $0x2  }
0xb9: {  	s3 =	sand.u32 $0x4000, s31;
	s1 =	sadd.s32 s1, s30  }
0xba: {  	s0 =	sor.u32 s3, s0;
	s1 =	sshll.u32 s1, $0x11  }
0xbb: {  	s0 =	sor.u32 s1, s0  }
0xbc: {  	s0 =	sadd.s32 $0x8F2B, s0  }
0xbd: {  	[sflag:s0] =	ssyncadd.remote.s32 $0x1  }
0xbe: {  	_ =	sfence.sel $0xFFFF  }
0xbf: {  	[dreg:$0x0] =	wrdreg $0xFFFFFFFF;
	(pc) =	sbr.abs _section_cstart, $3  }
0xc0: {  	[dreg:$0x1] =	wrdreg $0xFFFFFFFF  }
0xc1: {  	_ =	task.clear_ibuf [dreg:s6], $0x2FFFF;
	_ =	strace $0x9FFFFFFF  }
0xc2: {  	(tm) =	ssettm $0x7FFFFFFF  }
0xc3: {  	_ =	shalt  }
tec
execute0_lowered:
.L_overlay_start_1:
0x0: {  	(tag) =	ssettag $0x1  }
0x1: {  	s0 =	rddreg [dreg:$0x0]  }
0x2: {  	s2 =	rddreg [dreg:$0x1];
	s3 =	simm.s32 $0x0;
	s10 =	stileid.u32  }
0x3: {  	s1 =	srdreg.scid;
	s25 =	simm.s32 $0x100;
	s26 =	simm.s32 $0x880  }
0x4: {  	s11 =	simm.s32 $0x900;
	s13 =	simm.s32 $0x200;
	s14 =	simm.s32 $0x980  }
0x5: {  	s15 =	simm.s32 $0x280;
	s17 =	simm.s32 $0xA00;
	s18 =	simm.s32 $0x300  }
0x6: {  	s19 =	simm.s32 $0xA80;
	[smem:$0x7FF] =	sst s3;
	s6 =	sadd.s32 $0x16800, s0  }
0x7: {  	s20 =	sadd.s32 $0x2800, s0;
	_ =	strace $0x8000004A;
	[dreg:$0x3] =	wrdreg s6  }
0x8: {  	s28 =	simm.s32 $0xE00;
	s29 =	simm.s32 $0x700;
	[dreg:$0x4] =	wrdreg s20  }
0x9: {  	s30 =	simm.s32 $0xE80;
	s31 =	simm.s32 $0x780;
	[dreg:$0x5] =	wrdreg s25  }
0xa: {  	s5 =	smul.u32 $0x14000, s10;
	s1 =	sand.u32 $0x1, s1;
	[dreg:$0x6] =	wrdreg s26  }
0xb: {  	s4 =	sadd.s32 $0x2A800, s0;
	s23 =	sshll.u32 s10, $0xD;
	[dreg:$0x8] =	wrdreg s11  }
0xc: {  	s24 =	smul.u32 $0x50000, s10;
	s12 =	sshll.u32 s10, $0x6;
	[dreg:$0x9] =	wrdreg s13  }
0xd: {  	s7 =	smul.u32 $0x140000, s1;
	s22 =	ssub.s32 $0x2, s1;
	[dreg:$0xa] =	wrdreg s14  }
0xe: {  	p0 =	seq.s32 s1, $0x0;
	s1 =	sshll.u32 s10, $0xF;
	[dreg:$0xb] =	wrdreg s15  }
0xf: {  	s9 =	sor.u32 $0x80000, s23;
	s11 =	sor.u32 $0x1C05, s12;
	[dreg:$0xc] =	wrdreg s17  }
0x10: {  	s12 =	simm.s32 $0x5;
	[dreg:$0xd] =	wrdreg s18;
	s13 =	simm.s32 $0x800  }
0x11: {  	[dreg:$0xe] =	wrdreg s19;
	s20 =	simm.s32 $0x380;
	s14 =	simm.s32 $0x80  }
0x12: {  	s15 =	simm.s32 $0x1000;
	s23 =	simm.s32 $0xB80;
	s17 =	simm.s32 $0x1  }
0x13: {  	s18 =	simm.s32 $0x3;
	s25 =	simm.s32 $0xC00;
	[dreg:$0xf] =	wrdreg s20  }
0x14: {  	s19 =	simm.s32 $0x2;
	s26 =	simm.s32 $0x500;
	[dreg:$0x12] =	wrdreg s23  }
0x15: {  	s8 =	sshrl.u32 s22, $0x1;
	s9 =	smov.u32 @p0 s1;
	[dreg:$0x14] =	wrdreg s25  }
0x16: {  	s20 =	simm.s32 $0x4;
	[dreg:$0x15] =	wrdreg s26;
	s23 =	simm.s32 $0xD00  }
0x17: {  	s25 =	simm.s32 $0xD80;
	s26 =	simm.s32 $0x680;
	s1 =	simm.s32 $0xF80  }
0x18: {  	s21 =	sadd.s32 s5, s7;
	s5 =	sshrl.u32 s5, $0x3;
	s7 =	ssub.s32 s22, s8  }
0x19: {  	s8 =	sshrl.u32 s24, $0x2;
	s22 =	simm.s32 $0x400;
	s24 =	simm.s32 $0x480  }
0x1a: {  	s6 =	sshrl.u32 s21, $0x3;
	s5 =	sadd.s32 s5, s0;
	[dreg:$0x11] =	wrdreg s22  }
0x1b: {  	s8 =	sadd.s32 s8, s2;
	s16 =	smax.u32 s7, $0x1;
	[dreg:$0x13] =	wrdreg s24  }
0x1c: {  	s21 =	simm.s32 $0xB00;
	s22 =	simm.s32 $0x580;
	[dreg:$0x19] =	wrdreg s16  }
0x1d: {  	s0 =	sadd.s32 s6, s0;
	s5 =	sadd.s32 $0x52800, s5;
	[dreg:$0x10] =	wrdreg s21  }
0x1e: {  	s6 =	simm.s32 $0x10;
	s10 =	sshrl.u32 s8, $0x3;
	[dreg:$0x17] =	wrdreg s5  }
0x1f: {  	s24 =	simm.s32 $0x600;
	s6 =	simm.s32 @!p0 $0x4;
	[dreg:$0x1a] =	wrdreg s10  }
0x20: {  	s7 =	simm.s32 $0x0;
	s0 =	sadd.s32 $0x7A800, s0;
	[dreg:$0x16] =	wrdreg s6  }
0x21: {  	s16 =	simm.s32 $0x5000;
	s6 =	simm.s32 $0x180;
	[dreg:$0x18] =	wrdreg s0  }
0x22: {  	s21 =	simm.s32 $0xC80;
	s0 =	simm.s32 $0xF00;
	[dreg:$0x7] =	wrdreg s6  }
.LBB2_1:
0x23: {  	s5 =	rddreg [dreg:$0x17]  }
0x24: {  	[spmem:s10], [sflag:s11] =	dma.local [hbm:s5], $0x2800  }
0x25: {  	_ =	swait.ge [sflag:s12], $0x2800  }
0x26: {  	[sflag:s12] =	ssyncset.done $0x0  }
0x27: {  	[sflag:s12] =	ssyncadd.s32 $0xFFFFD800  }
0x28: {  	[bflag:$0x0] =	sbarrier.arrive $0xFFFF  }
0x29: {  	s8 =	rddreg [dreg:$0x16]  }
0x2a: {  	p1 =	sne.s32 s8, $0x1  }
.Ltmp0:
0x2b: {  	_ = 	snop;
	(pc) =	sbr.rel @!p1 .LBB2_2-.Ltmp0, $2  }
0x2c: {  	_ =	sdelay $0x2  }
0x2d: {  	p0 =	por $0x0, $0x0;
	s5 =	sadd.s32 $0xFFFFFFFF, s8;
	s8 =	rddreg [dreg:$0x3]  }
0x2e: {  	s10 =	sshrl.u32 s9, $0x3  }
0x2f: {  	s8 =	sadd.s32 s8, s10  }
0x30: {  	[tilespmem:s3], [sflag:$0x5] =	stream.linear.gather [hbm4b:s8+s3], $0x800, $0x38;
	[tilespmem:$0x1D000] =	vst v63  }
0x31: {  	_ =	swait.ge [sflag:s12], $0x800  }
0x32: {  	s6 =	rddreg [dreg:$0x4];
	[sflag:s12] =	ssyncset.done $0x0  }
0x33: {  	[sflag:s12] =	ssyncadd.s32 $0xFFFFF800;
	s8 =	sadd.s32 s6, s10  }
0x34: {  	[tilespmem:s13], [sflag:$0x5] =	stream.linear.gather [hbm4b:s8+s3], $0x800, $0x38;
	[tilespmem:$0x1D000] =	vst v63  }
0x35: {  	_ =	swait.ge [sflag:s12], $0x800  }
0x36: {  	[sflag:s12] =	ssyncset.done $0x0  }
0x37: {  	[sflag:s12] =	ssyncadd.s32 $0xFFFFF800  }
0x38: {  	[tilespmem:s15], [sflag:$0x1] =	stream.indirect.gather [hbm4b:s4+s14], $0x80, s3, s14, $0xb8;
	[tilespmem:$0x1D000] =	vst v63  }
0x39: {  	_ = 	snop  }
0x3a: {  	[tilespmem:s16], [sflag:$0x2] =	stream.indirect.gather [hbm4b:s4+s14], $0x80, s14, s14, $0xb8;
	[tilespmem:$0x1D000] =	vst v63  }
0x3b: {  	_ =	swait.ge [sflag:s17], $0x4000  }
0x3c: {  	[sflag:s17] =	ssyncset.done $0x0  }
0x3d: {  	[sflag:s17] =	ssyncadd.s32 $0xFFFFC000  }
0x3e: {  	[spmem:s2] =	stream.indirect.scatter.add.f32 [tilespmem:s15], [sflag:$0x3], $0x80, s13, s14, $0xb8;
	[tilespmem:$0x1D000] =	vst v63  }
0x3f: {  	_ =	swait.ge [sflag:s18], $0x4000  }
0x40: {  	[sflag:s18] =	ssyncset.done $0x0  }
0x41: {  	s10 =	rddreg [dreg:$0x5];
	[sflag:s18] =	ssyncadd.s32 $0xFFFFC000  }
0x42: {  	[tilespmem:s15], [sflag:$0x1] =	stream.indirect.gather [hbm4b:s4+s14], $0x80, s10, s14, $0xb8;
	[tilespmem:$0x1D000] =	vst v63  }
0x43: {  	_ =	swait.ge [sflag:s19], $0x4000  }
0x44: {  	[sflag:s19] =	ssyncset.done $0x0  }
0x45: {  	s6 =	rddreg [dreg:$0x6];
	[sflag:s19] =	ssyncadd.s32 $0xFFFFC000  }
0x46: {  	[spmem:s2] =	stream.indirect.scatter.add.f32 [tilespmem:s16], [sflag:$0x4], $0x80, s6, s14, $0xb8;
	[tilespmem:$0x1D000] =	vst v63  }
0x47: {  	_ =	swait.ge [sflag:s20], $0x4000  }
0x48: {  	[sflag:s20] =	ssyncset.done $0x0  }
0x49: {  	s10 =	rddreg [dreg:$0x7];
	[sflag:s20] =	ssyncadd.s32 $0xFFFFC000  }
0x4a: {  	[tilespmem:s16], [sflag:$0x2] =	stream.indirect.gather [hbm4b:s4+s14], $0x80, s10, s14, $0xb8;
	[tilespmem:$0x1D000] =	vst v63  }
0x4b: {  	_ =	swait.ge [sflag:s17], $0x4000  }
0x4c: {  	[sflag:s17] =	ssyncset.done $0x0  }
0x4d: {  	s6 =	rddreg [dreg:$0x8];
	[sflag:s17] =	ssyncadd.s32 $0xFFFFC000  }
0x4e: {  	[spmem:s2] =	stream.indirect.scatter.add.f32 [tilespmem:s15], [sflag:$0x3], $0x80, s6, s14, $0xb8;
	[tilespmem:$0x1D000] =	vst v63  }
0x4f: {  	_ =	swait.ge [sflag:s18], $0x4000  }
0x50: {  	[sflag:s18] =	ssyncset.done $0x0  }
0x51: {  	s10 =	rddreg [dreg:$0x9];
	[sflag:s18] =	ssyncadd.s32 $0xFFFFC000  }
0x52: {  	[tilespmem:s15], [sflag:$0x1] =	stream.indirect.gather [hbm4b:s4+s14], $0x80, s10, s14, $0xb8;
	[tilespmem:$0x1D000] =	vst v63  }
0x53: {  	_ =	swait.ge [sflag:s19], $0x4000  }
0x54: {  	[sflag:s19] =	ssyncset.done $0x0  }
0x55: {  	s6 =	rddreg [dreg:$0xa];
	[sflag:s19] =	ssyncadd.s32 $0xFFFFC000  }
0x56: {  	[spmem:s2] =	stream.indirect.scatter.add.f32 [tilespmem:s16], [sflag:$0x4], $0x80, s6, s14, $0xb8;
	[tilespmem:$0x1D000] =	vst v63  }
0x57: {  	_ =	swait.ge [sflag:s20], $0x4000  }
0x58: {  	[sflag:s20] =	ssyncset.done $0x0  }
0x59: {  	s10 =	rddreg [dreg:$0xb];
	[sflag:s20] =	ssyncadd.s32 $0xFFFFC000  }
0x5a: {  	[tilespmem:s16], [sflag:$0x2] =	stream.indirect.gather [hbm4b:s4+s14], $0x80, s10, s14, $0xb8;
	[tilespmem:$0x1D000] =	vst v63  }
0x5b: {  	_ =	swait.ge [sflag:s17], $0x4000  }
0x5c: {  	[sflag:s17] =	ssyncset.done $0x0  }
0x5d: {  	s6 =	rddreg [dreg:$0xc];
	[sflag:s17] =	ssyncadd.s32 $0xFFFFC000  }
0x5e: {  	[spmem:s2] =	stream.indirect.scatter.add.f32 [tilespmem:s15], [sflag:$0x3], $0x80, s6, s14, $0xb8;
	[tilespmem:$0x1D000] =	vst v63  }
0x5f: {  	_ =	swait.ge [sflag:s18], $0x4000  }
0x60: {  	[sflag:s18] =	ssyncset.done $0x0  }
0x61: {  	s10 =	rddreg [dreg:$0xd];
	[sflag:s18] =	ssyncadd.s32 $0xFFFFC000  }
0x62: {  	[tilespmem:s15], [sflag:$0x1] =	stream.indirect.gather [hbm4b:s4+s14], $0x80, s10, s14, $0xb8;
	[tilespmem:$0x1D000] =	vst v63  }
0x63: {  	_ =	swait.ge [sflag:s19], $0x4000  }
0x64: {  	[sflag:s19] =	ssyncset.done $0x0  }
0x65: {  	s6 =	rddreg [dreg:$0xe];
	[sflag:s19] =	ssyncadd.s32 $0xFFFFC000  }
0x66: {  	[spmem:s2] =	stream.indirect.scatter.add.f32 [tilespmem:s16], [sflag:$0x4], $0x80, s6, s14, $0xb8;
	[tilespmem:$0x1D000] =	vst v63  }
0x67: {  	_ =	swait.ge [sflag:s20], $0x4000  }
0x68: {  	[sflag:s20] =	ssyncset.done $0x0  }
0x69: {  	s10 =	rddreg [dreg:$0xf];
	[sflag:s20] =	ssyncadd.s32 $0xFFFFC000  }
0x6a: {  	[tilespmem:s16], [sflag:$0x2] =	stream.indirect.gather [hbm4b:s4+s14], $0x80, s10, s14, $0xb8;
	[tilespmem:$0x1D000] =	vst v63  }
0x6b: {  	_ =	swait.ge [sflag:s17], $0x4000  }
0x6c: {  	[sflag:s17] =	ssyncset.done $0x0  }
0x6d: {  	s6 =	rddreg [dreg:$0x10];
	[sflag:s17] =	ssyncadd.s32 $0xFFFFC000  }
0x6e: {  	[spmem:s2] =	stream.indirect.scatter.add.f32 [tilespmem:s15], [sflag:$0x3], $0x80, s6, s14, $0xb8;
	[tilespmem:$0x1D000] =	vst v63  }
0x6f: {  	_ =	swait.ge [sflag:s18], $0x4000  }
0x70: {  	[sflag:s18] =	ssyncset.done $0x0  }
0x71: {  	s10 =	rddreg [dreg:$0x11];
	[sflag:s18] =	ssyncadd.s32 $0xFFFFC000  }
0x72: {  	[tilespmem:s15], [sflag:$0x1] =	stream.indirect.gather [hbm4b:s4+s14], $0x80, s10, s14, $0xb8;
	[tilespmem:$0x1D000] =	vst v63  }
0x73: {  	_ =	swait.ge [sflag:s19], $0x4000  }
0x74: {  	[sflag:s19] =	ssyncset.done $0x0  }
0x75: {  	s6 =	rddreg [dreg:$0x12];
	[sflag:s19] =	ssyncadd.s32 $0xFFFFC000  }
0x76: {  	[spmem:s2] =	stream.indirect.scatter.add.f32 [tilespmem:s16], [sflag:$0x4], $0x80, s6, s14, $0xb8;
	[tilespmem:$0x1D000] =	vst v63  }
0x77: {  	_ =	swait.ge [sflag:s20], $0x4000  }
0x78: {  	[sflag:s20] =	ssyncset.done $0x0  }
0x79: {  	s10 =	rddreg [dreg:$0x13];
	[sflag:s20] =	ssyncadd.s32 $0xFFFFC000  }
0x7a: {  	[tilespmem:s16], [sflag:$0x2] =	stream.indirect.gather [hbm4b:s4+s14], $0x80, s10, s14, $0xb8;
	[tilespmem:$0x1D000] =	vst v63  }
0x7b: {  	_ =	swait.ge [sflag:s17], $0x4000  }
0x7c: {  	[sflag:s17] =	ssyncset.done $0x0  }
0x7d: {  	s6 =	rddreg [dreg:$0x14];
	[sflag:s17] =	ssyncadd.s32 $0xFFFFC000  }
0x7e: {  	[spmem:s2] =	stream.indirect.scatter.add.f32 [tilespmem:s15], [sflag:$0x3], $0x80, s6, s14, $0xb8;
	[tilespmem:$0x1D000] =	vst v63  }
0x7f: {  	_ =	swait.ge [sflag:s18], $0x4000  }
0x80: {  	[sflag:s18] =	ssyncset.done $0x0  }
0x81: {  	s10 =	rddreg [dreg:$0x15];
	[sflag:s18] =	ssyncadd.s32 $0xFFFFC000  }
0x82: {  	[tilespmem:s15], [sflag:$0x1] =	stream.indirect.gather [hbm4b:s4+s14], $0x80, s10, s14, $0xb8;
	[tilespmem:$0x1D000] =	vst v63  }
0x83: {  	_ =	swait.ge [sflag:s19], $0x4000  }
0x84: {  	[sflag:s19] =	ssyncset.done $0x0  }
0x85: {  	[sflag:s19] =	ssyncadd.s32 $0xFFFFC000  }
0x86: {  	[spmem:s2] =	stream.indirect.scatter.add.f32 [tilespmem:s16], [sflag:$0x4], $0x80, s21, s14, $0xb8;
	[tilespmem:$0x1D000] =	vst v63  }
0x87: {  	_ =	swait.ge [sflag:s20], $0x4000  }
0x88: {  	[sflag:s20] =	ssyncset.done $0x0  }
0x89: {  	[sflag:s20] =	ssyncadd.s32 $0xFFFFC000  }
0x8a: {  	[tilespmem:s16], [sflag:$0x2] =	stream.indirect.gather [hbm4b:s4+s14], $0x80, s22, s14, $0xb8;
	[tilespmem:$0x1D000] =	vst v63  }
0x8b: {  	_ =	swait.ge [sflag:s17], $0x4000  }
0x8c: {  	[sflag:s17] =	ssyncset.done $0x0  }
0x8d: {  	[sflag:s17] =	ssyncadd.s32 $0xFFFFC000  }
0x8e: {  	[spmem:s2] =	stream.indirect.scatter.add.f32 [tilespmem:s15], [sflag:$0x3], $0x80, s23, s14, $0xb8;
	[tilespmem:$0x1D000] =	vst v63  }
0x8f: {  	_ =	swait.ge [sflag:s18], $0x4000  }
0x90: {  	[sflag:s18] =	ssyncset.done $0x0  }
0x91: {  	[sflag:s18] =	ssyncadd.s32 $0xFFFFC000  }
0x92: {  	[tilespmem:s15], [sflag:$0x1] =	stream.indirect.gather [hbm4b:s4+s14], $0x80, s24, s14, $0xb8;
	[tilespmem:$0x1D000] =	vst v63  }
0x93: {  	_ =	swait.ge [sflag:s19], $0x4000  }
0x94: {  	[sflag:s19] =	ssyncset.done $0x0  }
0x95: {  	[sflag:s19] =	ssyncadd.s32 $0xFFFFC000  }
0x96: {  	[spmem:s2] =	stream.indirect.scatter.add.f32 [tilespmem:s16], [sflag:$0x4], $0x80, s25, s14, $0xb8;
	[tilespmem:$0x1D000] =	vst v63  }
0x97: {  	_ =	swait.ge [sflag:s20], $0x4000  }
0x98: {  	[sflag:s20] =	ssyncset.done $0x0  }
0x99: {  	[sflag:s20] =	ssyncadd.s32 $0xFFFFC000  }
0x9a: {  	[tilespmem:s16], [sflag:$0x2] =	stream.indirect.gather [hbm4b:s4+s14], $0x80, s26, s14, $0xb8;
	[tilespmem:$0x1D000] =	vst v63  }
0x9b: {  	_ =	swait.ge [sflag:s17], $0x4000  }
0x9c: {  	[sflag:s17] =	ssyncset.done $0x0  }
0x9d: {  	[sflag:s17] =	ssyncadd.s32 $0xFFFFC000  }
0x9e: {  	[spmem:s2] =	stream.indirect.scatter.add.f32 [tilespmem:s15], [sflag:$0x3], $0x80, s28, s14, $0xb8;
	[tilespmem:$0x1D000] =	vst v63  }
0x9f: {  	_ =	swait.ge [sflag:s18], $0x4000  }
0xa0: {  	[sflag:s18] =	ssyncset.done $0x0  }
0xa1: {  	[sflag:s18] =	ssyncadd.s32 $0xFFFFC000  }
0xa2: {  	[tilespmem:s15], [sflag:$0x1] =	stream.indirect.gather [hbm4b:s4+s14], $0x80, s29, s14, $0xb8;
	[tilespmem:$0x1D000] =	vst v63  }
0xa3: {  	_ =	swait.ge [sflag:s19], $0x4000  }
0xa4: {  	[sflag:s19] =	ssyncset.done $0x0  }
0xa5: {  	[sflag:s19] =	ssyncadd.s32 $0xFFFFC000  }
0xa6: {  	[spmem:s2] =	stream.indirect.scatter.add.f32 [tilespmem:s16], [sflag:$0x4], $0x80, s30, s14, $0xb8;
	[tilespmem:$0x1D000] =	vst v63  }
0xa7: {  	_ =	swait.ge [sflag:s20], $0x4000  }
0xa8: {  	[sflag:s20] =	ssyncset.done $0x0  }
0xa9: {  	[sflag:s20] =	ssyncadd.s32 $0xFFFFC000  }
0xaa: {  	[tilespmem:s16], [sflag:$0x2] =	stream.indirect.gather [hbm4b:s4+s14], $0x80, s31, s14, $0xb8;
	[tilespmem:$0x1D000] =	vst v63  }
0xab: {  	_ =	swait.ge [sflag:s17], $0x4000  }
0xac: {  	[sflag:s17] =	ssyncset.done $0x0  }
0xad: {  	[sflag:s17] =	ssyncadd.s32 $0xFFFFC000  }
0xae: {  	[spmem:s2] =	stream.indirect.scatter.add.f32 [tilespmem:s15], [sflag:$0x3], $0x80, s0, s14, $0xb8;
	[tilespmem:$0x1D000] =	vst v63  }
0xaf: {  	_ =	swait.ge [sflag:s19], $0x4000  }
0xb0: {  	[sflag:s19] =	ssyncset.done $0x0  }
0xb1: {  	p1 =	sne.s32 s5, $0x1;
	[sflag:s19] =	ssyncadd.s32 $0xFFFFC000  }
0xb2: {  	[spmem:s2] =	stream.indirect.scatter.add.f32 [tilespmem:s16], [sflag:$0x4], $0x80, s1, s14, $0xb8;
	[tilespmem:$0x1D000] =	vst v63  }
.Ltmp1:
0xb3: {  	_ =	swait.ge [sflag:s18], $0x4000;
	(pc) =	sbr.rel @!p1 .LBB2_4-.Ltmp1, $4  }
0xb4: {  	[sflag:s18] =	ssyncset.done $0x0  }
0xb5: {  	[sflag:s18] =	ssyncadd.s32 $0xFFFFC000  }
0xb6: {  	p0 =	por $0x1, $0x1;
	s10 =	sadd.s32 $0xFFFFFFFF, s5;
	_ =	swait.ge [sflag:s20], $0x4000  }
0xb7: {  	s5 =	smov.u32 s9;
	s8 =	rddreg [dreg:$0x3];
	[sflag:s20] =	ssyncset.done $0x0  }
.LBB2_5:
0xb8: {  	s5 =	sadd.s32 $0x800, s5  }
0xb9: {  	s6 =	sshrl.u32 s5, $0x3  }
0xba: {  	[sflag:s20] =	ssyncadd.s32 $0xFFFFC000;
	s8 =	sadd.s32 s8, s6  }
0xbb: {  	[tilespmem:s3], [sflag:$0x5] =	stream.linear.gather [hbm4b:s8+s3], $0x800, $0x38;
	[tilespmem:$0x1D000] =	vst v63  }
0xbc: {  	_ =	swait.ge [sflag:s12], $0x800  }
0xbd: {  	s8 =	rddreg [dreg:$0x4];
	[sflag:s12] =	ssyncset.done $0x0  }
0xbe: {  	[sflag:s12] =	ssyncadd.s32 $0xFFFFF800;
	s6 =	sadd.s32 s8, s6  }
0xbf: {  	[tilespmem:s13], [sflag:$0x5] =	stream.linear.gather [hbm4b:s6+s3], $0x800, $0x38;
	[tilespmem:$0x1D000] =	vst v63  }
0xc0: {  	_ =	swait.ge [sflag:s12], $0x800  }
0xc1: {  	[sflag:s12] =	ssyncset.done $0x0  }
0xc2: {  	[sflag:s12] =	ssyncadd.s32 $0xFFFFF800  }
0xc3: {  	[tilespmem:s15], [sflag:$0x1] =	stream.indirect.gather [hbm4b:s4+s14], $0x80, s3, s14, $0xb8;
	[tilespmem:$0x1D000] =	vst v63  }
0xc4: {  	_ = 	snop  }
0xc5: {  	[tilespmem:s16], [sflag:$0x2] =	stream.indirect.gather [hbm4b:s4+s14], $0x80, s14, s14, $0xb8;
	[tilespmem:$0x1D000] =	vst v63  }
0xc6: {  	_ =	swait.ge [sflag:s17], $0x4000  }
0xc7: {  	[sflag:s17] =	ssyncset.done $0x0  }
0xc8: {  	[sflag:s17] =	ssyncadd.s32 $0xFFFFC000  }
0xc9: {  	[spmem:s2] =	stream.indirect.scatter.add.f32 [tilespmem:s15], [sflag:$0x3], $0x80, s13, s14, $0xb8;
	[tilespmem:$0x1D000] =	vst v63  }
0xca: {  	_ =	swait.ge [sflag:s18], $0x4000  }
0xcb: {  	[sflag:s18] =	ssyncset.done $0x0  }
0xcc: {  	s8 =	rddreg [dreg:$0x5];
	[sflag:s18] =	ssyncadd.s32 $0xFFFFC000  }
0xcd: {  	[tilespmem:s15], [sflag:$0x1] =	stream.indirect.gather [hbm4b:s4+s14], $0x80, s8, s14, $0xb8;
	[tilespmem:$0x1D000] =	vst v63  }
0xce: {  	_ =	swait.ge [sflag:s19], $0x4000  }
0xcf: {  	[sflag:s19] =	ssyncset.done $0x0  }
0xd0: {  	s8 =	rddreg [dreg:$0x6];
	[sflag:s19] =	ssyncadd.s32 $0xFFFFC000  }
0xd1: {  	[spmem:s2] =	stream.indirect.scatter.add.f32 [tilespmem:s16], [sflag:$0x4], $0x80, s8, s14, $0xb8;
	[tilespmem:$0x1D000] =	vst v63  }
0xd2: {  	_ =	swait.ge [sflag:s20], $0x4000  }
0xd3: {  	[sflag:s20] =	ssyncset.done $0x0  }
0xd4: {  	s8 =	rddreg [dreg:$0x7];
	[sflag:s20] =	ssyncadd.s32 $0xFFFFC000  }
0xd5: {  	[tilespmem:s16], [sflag:$0x2] =	stream.indirect.gather [hbm4b:s4+s14], $0x80, s8, s14, $0xb8;
	[tilespmem:$0x1D000] =	vst v63  }
0xd6: {  	_ =	swait.ge [sflag:s17], $0x4000  }
0xd7: {  	[sflag:s17] =	ssyncset.done $0x0  }
0xd8: {  	s8 =	rddreg [dreg:$0x8];
	[sflag:s17] =	ssyncadd.s32 $0xFFFFC000  }
0xd9: {  	[spmem:s2] =	stream.indirect.scatter.add.f32 [tilespmem:s15], [sflag:$0x3], $0x80, s8, s14, $0xb8;
	[tilespmem:$0x1D000] =	vst v63  }
0xda: {  	_ =	swait.ge [sflag:s18], $0x4000  }
0xdb: {  	[sflag:s18] =	ssyncset.done $0x0  }
0xdc: {  	s8 =	rddreg [dreg:$0x9];
	[sflag:s18] =	ssyncadd.s32 $0xFFFFC000  }
0xdd: {  	[tilespmem:s15], [sflag:$0x1] =	stream.indirect.gather [hbm4b:s4+s14], $0x80, s8, s14, $0xb8;
	[tilespmem:$0x1D000] =	vst v63  }
0xde: {  	_ =	swait.ge [sflag:s19], $0x4000  }
0xdf: {  	[sflag:s19] =	ssyncset.done $0x0  }
0xe0: {  	s8 =	rddreg [dreg:$0xa];
	[sflag:s19] =	ssyncadd.s32 $0xFFFFC000  }
0xe1: {  	[spmem:s2] =	stream.indirect.scatter.add.f32 [tilespmem:s16], [sflag:$0x4], $0x80, s8, s14, $0xb8;
	[tilespmem:$0x1D000] =	vst v63  }
0xe2: {  	_ =	swait.ge [sflag:s20], $0x4000  }
0xe3: {  	[sflag:s20] =	ssyncset.done $0x0  }
0xe4: {  	s8 =	rddreg [dreg:$0xb];
	[sflag:s20] =	ssyncadd.s32 $0xFFFFC000  }
0xe5: {  	[tilespmem:s16], [sflag:$0x2] =	stream.indirect.gather [hbm4b:s4+s14], $0x80, s8, s14, $0xb8;
	[tilespmem:$0x1D000] =	vst v63  }
0xe6: {  	_ =	swait.ge [sflag:s17], $0x4000  }
0xe7: {  	[sflag:s17] =	ssyncset.done $0x0  }
0xe8: {  	s8 =	rddreg [dreg:$0xc];
	[sflag:s17] =	ssyncadd.s32 $0xFFFFC000  }
0xe9: {  	[spmem:s2] =	stream.indirect.scatter.add.f32 [tilespmem:s15], [sflag:$0x3], $0x80, s8, s14, $0xb8;
	[tilespmem:$0x1D000] =	vst v63  }
0xea: {  	_ =	swait.ge [sflag:s18], $0x4000  }
0xeb: {  	[sflag:s18] =	ssyncset.done $0x0  }
0xec: {  	s8 =	rddreg [dreg:$0xd];
	[sflag:s18] =	ssyncadd.s32 $0xFFFFC000  }
0xed: {  	[tilespmem:s15], [sflag:$0x1] =	stream.indirect.gather [hbm4b:s4+s14], $0x80, s8, s14, $0xb8;
	[tilespmem:$0x1D000] =	vst v63  }
0xee: {  	_ =	swait.ge [sflag:s19], $0x4000  }
0xef: {  	[sflag:s19] =	ssyncset.done $0x0  }
0xf0: {  	s8 =	rddreg [dreg:$0xe];
	[sflag:s19] =	ssyncadd.s32 $0xFFFFC000  }
0xf1: {  	[spmem:s2] =	stream.indirect.scatter.add.f32 [tilespmem:s16], [sflag:$0x4], $0x80, s8, s14, $0xb8;
	[tilespmem:$0x1D000] =	vst v63  }
0xf2: {  	_ =	swait.ge [sflag:s20], $0x4000  }
0xf3: {  	[sflag:s20] =	ssyncset.done $0x0  }
0xf4: {  	s8 =	rddreg [dreg:$0xf];
	[sflag:s20] =	ssyncadd.s32 $0xFFFFC000  }
0xf5: {  	[tilespmem:s16], [sflag:$0x2] =	stream.indirect.gather [hbm4b:s4+s14], $0x80, s8, s14, $0xb8;
	[tilespmem:$0x1D000] =	vst v63  }
0xf6: {  	_ =	swait.ge [sflag:s17], $0x4000  }
0xf7: {  	[sflag:s17] =	ssyncset.done $0x0  }
0xf8: {  	s8 =	rddreg [dreg:$0x10];
	[sflag:s17] =	ssyncadd.s32 $0xFFFFC000  }
0xf9: {  	[spmem:s2] =	stream.indirect.scatter.add.f32 [tilespmem:s15], [sflag:$0x3], $0x80, s8, s14, $0xb8;
	[tilespmem:$0x1D000] =	vst v63  }
0xfa: {  	_ =	swait.ge [sflag:s18], $0x4000  }
0xfb: {  	[sflag:s18] =	ssyncset.done $0x0  }
0xfc: {  	s8 =	rddreg [dreg:$0x11];
	[sflag:s18] =	ssyncadd.s32 $0xFFFFC000  }
0xfd: {  	[tilespmem:s15], [sflag:$0x1] =	stream.indirect.gather [hbm4b:s4+s14], $0x80, s8, s14, $0xb8;
	[tilespmem:$0x1D000] =	vst v63  }
0xfe: {  	_ =	swait.ge [sflag:s19], $0x4000  }
0xff: {  	[sflag:s19] =	ssyncset.done $0x0  }
0x100: {  	s8 =	rddreg [dreg:$0x12];
	[sflag:s19] =	ssyncadd.s32 $0xFFFFC000  }
0x101: {  	[spmem:s2] =	stream.indirect.scatter.add.f32 [tilespmem:s16], [sflag:$0x4], $0x80, s8, s14, $0xb8;
	[tilespmem:$0x1D000] =	vst v63  }
0x102: {  	_ =	swait.ge [sflag:s20], $0x4000  }
0x103: {  	[sflag:s20] =	ssyncset.done $0x0  }
0x104: {  	s8 =	rddreg [dreg:$0x13];
	[sflag:s20] =	ssyncadd.s32 $0xFFFFC000  }
0x105: {  	[tilespmem:s16], [sflag:$0x2] =	stream.indirect.gather [hbm4b:s4+s14], $0x80, s8, s14, $0xb8;
	[tilespmem:$0x1D000] =	vst v63  }
0x106: {  	_ =	swait.ge [sflag:s17], $0x4000  }
0x107: {  	[sflag:s17] =	ssyncset.done $0x0  }
0x108: {  	s8 =	rddreg [dreg:$0x14];
	[sflag:s17] =	ssyncadd.s32 $0xFFFFC000  }
0x109: {  	[spmem:s2] =	stream.indirect.scatter.add.f32 [tilespmem:s15], [sflag:$0x3], $0x80, s8, s14, $0xb8;
	[tilespmem:$0x1D000] =	vst v63  }
0x10a: {  	_ =	swait.ge [sflag:s18], $0x4000  }
0x10b: {  	[sflag:s18] =	ssyncset.done $0x0  }
0x10c: {  	s8 =	rddreg [dreg:$0x15];
	[sflag:s18] =	ssyncadd.s32 $0xFFFFC000  }
0x10d: {  	[tilespmem:s15], [sflag:$0x1] =	stream.indirect.gather [hbm4b:s4+s14], $0x80, s8, s14, $0xb8;
	[tilespmem:$0x1D000] =	vst v63  }
0x10e: {  	_ =	swait.ge [sflag:s19], $0x4000  }
0x10f: {  	[sflag:s19] =	ssyncset.done $0x0  }
0x110: {  	[sflag:s19] =	ssyncadd.s32 $0xFFFFC000  }
0x111: {  	[spmem:s2] =	stream.indirect.scatter.add.f32 [tilespmem:s16], [sflag:$0x4], $0x80, s21, s14, $0xb8;
	[tilespmem:$0x1D000] =	vst v63  }
0x112: {  	_ =	swait.ge [sflag:s20], $0x4000  }
0x113: {  	[sflag:s20] =	ssyncset.done $0x0  }
0x114: {  	[sflag:s20] =	ssyncadd.s32 $0xFFFFC000  }
0x115: {  	[tilespmem:s16], [sflag:$0x2] =	stream.indirect.gather [hbm4b:s4+s14], $0x80, s22, s14, $0xb8;
	[tilespmem:$0x1D000] =	vst v63  }
0x116: {  	_ =	swait.ge [sflag:s17], $0x4000  }
0x117: {  	[sflag:s17] =	ssyncset.done $0x0  }
0x118: {  	[sflag:s17] =	ssyncadd.s32 $0xFFFFC000  }
0x119: {  	[spmem:s2] =	stream.indirect.scatter.add.f32 [tilespmem:s15], [sflag:$0x3], $0x80, s23, s14, $0xb8;
	[tilespmem:$0x1D000] =	vst v63  }
0x11a: {  	_ =	swait.ge [sflag:s18], $0x4000  }
0x11b: {  	[sflag:s18] =	ssyncset.done $0x0  }
0x11c: {  	[sflag:s18] =	ssyncadd.s32 $0xFFFFC000  }
0x11d: {  	[tilespmem:s15], [sflag:$0x1] =	stream.indirect.gather [hbm4b:s4+s14], $0x80, s24, s14, $0xb8;
	[tilespmem:$0x1D000] =	vst v63  }
0x11e: {  	_ =	swait.ge [sflag:s19], $0x4000  }
0x11f: {  	[sflag:s19] =	ssyncset.done $0x0  }
0x120: {  	[sflag:s19] =	ssyncadd.s32 $0xFFFFC000  }
0x121: {  	[spmem:s2] =	stream.indirect.scatter.add.f32 [tilespmem:s16], [sflag:$0x4], $0x80, s25, s14, $0xb8;
	[tilespmem:$0x1D000] =	vst v63  }
0x122: {  	_ =	swait.ge [sflag:s20], $0x4000  }
0x123: {  	[sflag:s20] =	ssyncset.done $0x0  }
0x124: {  	[sflag:s20] =	ssyncadd.s32 $0xFFFFC000  }
0x125: {  	[tilespmem:s16], [sflag:$0x2] =	stream.indirect.gather [hbm4b:s4+s14], $0x80, s26, s14, $0xb8;
	[tilespmem:$0x1D000] =	vst v63  }
0x126: {  	_ =	swait.ge [sflag:s17], $0x4000  }
0x127: {  	[sflag:s17] =	ssyncset.done $0x0  }
0x128: {  	[sflag:s17] =	ssyncadd.s32 $0xFFFFC000  }
0x129: {  	[spmem:s2] =	stream.indirect.scatter.add.f32 [tilespmem:s15], [sflag:$0x3], $0x80, s28, s14, $0xb8;
	[tilespmem:$0x1D000] =	vst v63  }
0x12a: {  	_ =	swait.ge [sflag:s18], $0x4000  }
0x12b: {  	[sflag:s18] =	ssyncset.done $0x0  }
0x12c: {  	[sflag:s18] =	ssyncadd.s32 $0xFFFFC000  }
0x12d: {  	[tilespmem:s15], [sflag:$0x1] =	stream.indirect.gather [hbm4b:s4+s14], $0x80, s29, s14, $0xb8;
	[tilespmem:$0x1D000] =	vst v63  }
0x12e: {  	_ =	swait.ge [sflag:s19], $0x4000  }
0x12f: {  	[sflag:s19] =	ssyncset.done $0x0  }
0x130: {  	[sflag:s19] =	ssyncadd.s32 $0xFFFFC000  }
0x131: {  	[spmem:s2] =	stream.indirect.scatter.add.f32 [tilespmem:s16], [sflag:$0x4], $0x80, s30, s14, $0xb8;
	[tilespmem:$0x1D000] =	vst v63  }
0x132: {  	_ =	swait.ge [sflag:s20], $0x4000  }
0x133: {  	[sflag:s20] =	ssyncset.done $0x0  }
0x134: {  	[sflag:s20] =	ssyncadd.s32 $0xFFFFC000  }
0x135: {  	[tilespmem:s16], [sflag:$0x2] =	stream.indirect.gather [hbm4b:s4+s14], $0x80, s31, s14, $0xb8;
	[tilespmem:$0x1D000] =	vst v63  }
0x136: {  	_ =	swait.ge [sflag:s17], $0x4000  }
0x137: {  	[sflag:s17] =	ssyncset.done $0x0  }
0x138: {  	[sflag:s17] =	ssyncadd.s32 $0xFFFFC000  }
0x139: {  	[spmem:s2] =	stream.indirect.scatter.add.f32 [tilespmem:s15], [sflag:$0x3], $0x80, s0, s14, $0xb8;
	[tilespmem:$0x1D000] =	vst v63  }
0x13a: {  	_ =	swait.ge [sflag:s19], $0x4000  }
0x13b: {  	[sflag:s19] =	ssyncset.done $0x0  }
0x13c: {  	p1 =	sne.s32 s10, $0x1;
	[sflag:s19] =	ssyncadd.s32 $0xFFFFC000  }
0x13d: {  	[spmem:s2] =	stream.indirect.scatter.add.f32 [tilespmem:s16], [sflag:$0x4], $0x80, s1, s14, $0xb8;
	[tilespmem:$0x1D000] =	vst v63  }
.Ltmp2:
0x13e: {  	_ =	swait.ge [sflag:s18], $0x4000;
	(pc) =	sbr.rel @p1 .LBB2_5-.Ltmp2, $4  }
0x13f: {  	[sflag:s18] =	ssyncset.done $0x0  }
0x140: {  	[sflag:s18] =	ssyncadd.s32 $0xFFFFC000  }
0x141: {  	_ =	swait.ge [sflag:s20], $0x4000  }
0x142: {  	s10 =	sadd.s32 $0xFFFFFFFF, s10;
	s8 =	rddreg [dreg:$0x3];
	[sflag:s20] =	ssyncset.done $0x0  }
0x143: {  	s10 =	rddreg [dreg:$0x1a]  }
.LBB2_7:
0x144: {  	s5 =	sadd.s32 @p0 $0x800, s5;
	s6 =	smov.u32 s9  }
0x145: {  	s6 =	smov.u32 @p0 s5  }
0x146: {  	s5 =	sshrl.u32 s6, $0x3  }
0x147: {  	[sflag:s20] =	ssyncadd.s32 @p0 $0xFFFFC000;
	s6 =	sadd.s32 s8, s5  }
0x148: {  	[tilespmem:s3], [sflag:$0x5] =	stream.linear.gather [hbm4b:s6+s3], $0x800, $0x38;
	[tilespmem:$0x1D000] =	vst v63  }
0x149: {  	_ =	swait.ge [sflag:s12], $0x800  }
0x14a: {  	s8 =	rddreg [dreg:$0x4];
	[sflag:s12] =	ssyncset.done $0x0  }
0x14b: {  	s5 =	sadd.s32 s8, s5;
	[sflag:s12] =	ssyncadd.s32 $0xFFFFF800  }
0x14c: {  	[tilespmem:s13], [sflag:$0x5] =	stream.linear.gather [hbm4b:s5+s3], $0x800, $0x38;
	[tilespmem:$0x1D000] =	vst v63  }
0x14d: {  	_ =	swait.ge [sflag:s12], $0x800  }
0x14e: {  	[sflag:s12] =	ssyncset.done $0x0  }
0x14f: {  	[sflag:s12] =	ssyncadd.s32 $0xFFFFF800  }
0x150: {  	[tilespmem:s15], [sflag:$0x1] =	stream.indirect.gather [hbm4b:s4+s14], $0x80, s3, s14, $0xb8;
	[tilespmem:$0x1D000] =	vst v63  }
0x151: {  	_ = 	snop  }
0x152: {  	[tilespmem:s16], [sflag:$0x2] =	stream.indirect.gather [hbm4b:s4+s14], $0x80, s14, s14, $0xb8;
	[tilespmem:$0x1D000] =	vst v63  }
0x153: {  	_ =	swait.ge [sflag:s17], $0x4000  }
0x154: {  	[sflag:s17] =	ssyncset.done $0x0  }
0x155: {  	[sflag:s17] =	ssyncadd.s32 $0xFFFFC000  }
0x156: {  	[spmem:s2] =	stream.indirect.scatter.add.f32 [tilespmem:s15], [sflag:$0x3], $0x80, s13, s14, $0xb8;
	[tilespmem:$0x1D000] =	vst v63  }
0x157: {  	_ =	swait.ge [sflag:s18], $0x4000  }
0x158: {  	[sflag:s18] =	ssyncset.done $0x0  }
0x159: {  	s8 =	rddreg [dreg:$0x5];
	[sflag:s18] =	ssyncadd.s32 $0xFFFFC000  }
0x15a: {  	[tilespmem:s15], [sflag:$0x1] =	stream.indirect.gather [hbm4b:s4+s14], $0x80, s8, s14, $0xb8;
	[tilespmem:$0x1D000] =	vst v63  }
0x15b: {  	_ =	swait.ge [sflag:s19], $0x4000  }
0x15c: {  	[sflag:s19] =	ssyncset.done $0x0  }
0x15d: {  	s6 =	rddreg [dreg:$0x6];
	[sflag:s19] =	ssyncadd.s32 $0xFFFFC000  }
0x15e: {  	[spmem:s2] =	stream.indirect.scatter.add.f32 [tilespmem:s16], [sflag:$0x4], $0x80, s6, s14, $0xb8;
	[tilespmem:$0x1D000] =	vst v63  }
0x15f: {  	_ =	swait.ge [sflag:s20], $0x4000  }
0x160: {  	[sflag:s20] =	ssyncset.done $0x0  }
0x161: {  	s8 =	rddreg [dreg:$0x7];
	[sflag:s20] =	ssyncadd.s32 $0xFFFFC000  }
0x162: {  	[tilespmem:s16], [sflag:$0x2] =	stream.indirect.gather [hbm4b:s4+s14], $0x80, s8, s14, $0xb8;
	[tilespmem:$0x1D000] =	vst v63  }
0x163: {  	_ =	swait.ge [sflag:s17], $0x4000  }
0x164: {  	[sflag:s17] =	ssyncset.done $0x0  }
0x165: {  	s6 =	rddreg [dreg:$0x8];
	[sflag:s17] =	ssyncadd.s32 $0xFFFFC000  }
0x166: {  	[spmem:s2] =	stream.indirect.scatter.add.f32 [tilespmem:s15], [sflag:$0x3], $0x80, s6, s14, $0xb8;
	[tilespmem:$0x1D000] =	vst v63  }
0x167: {  	_ =	swait.ge [sflag:s18], $0x4000  }
0x168: {  	[sflag:s18] =	ssyncset.done $0x0  }
0x169: {  	s8 =	rddreg [dreg:$0x9];
	[sflag:s18] =	ssyncadd.s32 $0xFFFFC000  }
0x16a: {  	[tilespmem:s15], [sflag:$0x1] =	stream.indirect.gather [hbm4b:s4+s14], $0x80, s8, s14, $0xb8;
	[tilespmem:$0x1D000] =	vst v63  }
0x16b: {  	_ =	swait.ge [sflag:s19], $0x4000  }
0x16c: {  	[sflag:s19] =	ssyncset.done $0x0  }
0x16d: {  	s6 =	rddreg [dreg:$0xa];
	[sflag:s19] =	ssyncadd.s32 $0xFFFFC000  }
0x16e: {  	[spmem:s2] =	stream.indirect.scatter.add.f32 [tilespmem:s16], [sflag:$0x4], $0x80, s6, s14, $0xb8;
	[tilespmem:$0x1D000] =	vst v63  }
0x16f: {  	_ =	swait.ge [sflag:s20], $0x4000  }
0x170: {  	[sflag:s20] =	ssyncset.done $0x0  }
0x171: {  	s8 =	rddreg [dreg:$0xb];
	[sflag:s20] =	ssyncadd.s32 $0xFFFFC000  }
0x172: {  	[tilespmem:s16], [sflag:$0x2] =	stream.indirect.gather [hbm4b:s4+s14], $0x80, s8, s14, $0xb8;
	[tilespmem:$0x1D000] =	vst v63  }
0x173: {  	_ =	swait.ge [sflag:s17], $0x4000  }
0x174: {  	[sflag:s17] =	ssyncset.done $0x0  }
0x175: {  	s6 =	rddreg [dreg:$0xc];
	[sflag:s17] =	ssyncadd.s32 $0xFFFFC000  }
0x176: {  	[spmem:s2] =	stream.indirect.scatter.add.f32 [tilespmem:s15], [sflag:$0x3], $0x80, s6, s14, $0xb8;
	[tilespmem:$0x1D000] =	vst v63  }
0x177: {  	_ =	swait.ge [sflag:s18], $0x4000  }
0x178: {  	[sflag:s18] =	ssyncset.done $0x0  }
0x179: {  	s8 =	rddreg [dreg:$0xd];
	[sflag:s18] =	ssyncadd.s32 $0xFFFFC000  }
0x17a: {  	[tilespmem:s15], [sflag:$0x1] =	stream.indirect.gather [hbm4b:s4+s14], $0x80, s8, s14, $0xb8;
	[tilespmem:$0x1D000] =	vst v63  }
0x17b: {  	_ =	swait.ge [sflag:s19], $0x4000  }
0x17c: {  	[sflag:s19] =	ssyncset.done $0x0  }
0x17d: {  	s6 =	rddreg [dreg:$0xe];
	[sflag:s19] =	ssyncadd.s32 $0xFFFFC000  }
0x17e: {  	[spmem:s2] =	stream.indirect.scatter.add.f32 [tilespmem:s16], [sflag:$0x4], $0x80, s6, s14, $0xb8;
	[tilespmem:$0x1D000] =	vst v63  }
0x17f: {  	_ =	swait.ge [sflag:s20], $0x4000  }
0x180: {  	[sflag:s20] =	ssyncset.done $0x0  }
0x181: {  	s8 =	rddreg [dreg:$0xf];
	[sflag:s20] =	ssyncadd.s32 $0xFFFFC000  }
0x182: {  	[tilespmem:s16], [sflag:$0x2] =	stream.indirect.gather [hbm4b:s4+s14], $0x80, s8, s14, $0xb8;
	[tilespmem:$0x1D000] =	vst v63  }
0x183: {  	_ =	swait.ge [sflag:s17], $0x4000  }
0x184: {  	[sflag:s17] =	ssyncset.done $0x0  }
0x185: {  	s6 =	rddreg [dreg:$0x10];
	[sflag:s17] =	ssyncadd.s32 $0xFFFFC000  }
0x186: {  	[spmem:s2] =	stream.indirect.scatter.add.f32 [tilespmem:s15], [sflag:$0x3], $0x80, s6, s14, $0xb8;
	[tilespmem:$0x1D000] =	vst v63  }
0x187: {  	_ =	swait.ge [sflag:s18], $0x4000  }
0x188: {  	[sflag:s18] =	ssyncset.done $0x0  }
0x189: {  	s8 =	rddreg [dreg:$0x11];
	[sflag:s18] =	ssyncadd.s32 $0xFFFFC000  }
0x18a: {  	[tilespmem:s15], [sflag:$0x1] =	stream.indirect.gather [hbm4b:s4+s14], $0x80, s8, s14, $0xb8;
	[tilespmem:$0x1D000] =	vst v63  }
0x18b: {  	_ =	swait.ge [sflag:s19], $0x4000  }
0x18c: {  	[sflag:s19] =	ssyncset.done $0x0  }
0x18d: {  	s6 =	rddreg [dreg:$0x12];
	[sflag:s19] =	ssyncadd.s32 $0xFFFFC000  }
0x18e: {  	[spmem:s2] =	stream.indirect.scatter.add.f32 [tilespmem:s16], [sflag:$0x4], $0x80, s6, s14, $0xb8;
	[tilespmem:$0x1D000] =	vst v63  }
0x18f: {  	_ =	swait.ge [sflag:s20], $0x4000  }
0x190: {  	[sflag:s20] =	ssyncset.done $0x0  }
0x191: {  	s8 =	rddreg [dreg:$0x13];
	[sflag:s20] =	ssyncadd.s32 $0xFFFFC000  }
0x192: {  	[tilespmem:s16], [sflag:$0x2] =	stream.indirect.gather [hbm4b:s4+s14], $0x80, s8, s14, $0xb8;
	[tilespmem:$0x1D000] =	vst v63  }
0x193: {  	_ =	swait.ge [sflag:s17], $0x4000  }
0x194: {  	[sflag:s17] =	ssyncset.done $0x0  }
0x195: {  	s6 =	rddreg [dreg:$0x14];
	[sflag:s17] =	ssyncadd.s32 $0xFFFFC000  }
0x196: {  	[spmem:s2] =	stream.indirect.scatter.add.f32 [tilespmem:s15], [sflag:$0x3], $0x80, s6, s14, $0xb8;
	[tilespmem:$0x1D000] =	vst v63  }
0x197: {  	_ =	swait.ge [sflag:s18], $0x4000  }
0x198: {  	[sflag:s18] =	ssyncset.done $0x0  }
0x199: {  	s8 =	rddreg [dreg:$0x15];
	[sflag:s18] =	ssyncadd.s32 $0xFFFFC000  }
0x19a: {  	[tilespmem:s15], [sflag:$0x1] =	stream.indirect.gather [hbm4b:s4+s14], $0x80, s8, s14, $0xb8;
	[tilespmem:$0x1D000] =	vst v63  }
0x19b: {  	_ =	swait.ge [sflag:s19], $0x4000  }
0x19c: {  	[sflag:s19] =	ssyncset.done $0x0  }
0x19d: {  	[sflag:s19] =	ssyncadd.s32 $0xFFFFC000  }
0x19e: {  	[spmem:s2] =	stream.indirect.scatter.add.f32 [tilespmem:s16], [sflag:$0x4], $0x80, s21, s14, $0xb8;
	[tilespmem:$0x1D000] =	vst v63  }
0x19f: {  	_ =	swait.ge [sflag:s20], $0x4000  }
0x1a0: {  	[sflag:s20] =	ssyncset.done $0x0  }
0x1a1: {  	[sflag:s20] =	ssyncadd.s32 $0xFFFFC000  }
0x1a2: {  	[tilespmem:s16], [sflag:$0x2] =	stream.indirect.gather [hbm4b:s4+s14], $0x80, s22, s14, $0xb8;
	[tilespmem:$0x1D000] =	vst v63  }
0x1a3: {  	_ =	swait.ge [sflag:s17], $0x4000  }
0x1a4: {  	[sflag:s17] =	ssyncset.done $0x0  }
0x1a5: {  	[sflag:s17] =	ssyncadd.s32 $0xFFFFC000  }
0x1a6: {  	[spmem:s2] =	stream.indirect.scatter.add.f32 [tilespmem:s15], [sflag:$0x3], $0x80, s23, s14, $0xb8;
	[tilespmem:$0x1D000] =	vst v63  }
0x1a7: {  	_ =	swait.ge [sflag:s18], $0x4000  }
0x1a8: {  	[sflag:s18] =	ssyncset.done $0x0  }
0x1a9: {  	[sflag:s18] =	ssyncadd.s32 $0xFFFFC000  }
0x1aa: {  	[tilespmem:s15], [sflag:$0x1] =	stream.indirect.gather [hbm4b:s4+s14], $0x80, s24, s14, $0xb8;
	[tilespmem:$0x1D000] =	vst v63  }
0x1ab: {  	_ =	swait.ge [sflag:s19], $0x4000  }
0x1ac: {  	[sflag:s19] =	ssyncset.done $0x0  }
0x1ad: {  	[sflag:s19] =	ssyncadd.s32 $0xFFFFC000  }
0x1ae: {  	[spmem:s2] =	stream.indirect.scatter.add.f32 [tilespmem:s16], [sflag:$0x4], $0x80, s25, s14, $0xb8;
	[tilespmem:$0x1D000] =	vst v63  }
0x1af: {  	_ =	swait.ge [sflag:s20], $0x4000  }
0x1b0: {  	[sflag:s20] =	ssyncset.done $0x0  }
0x1b1: {  	[sflag:s20] =	ssyncadd.s32 $0xFFFFC000  }
0x1b2: {  	[tilespmem:s16], [sflag:$0x2] =	stream.indirect.gather [hbm4b:s4+s14], $0x80, s26, s14, $0xb8;
	[tilespmem:$0x1D000] =	vst v63  }
0x1b3: {  	_ =	swait.ge [sflag:s17], $0x4000  }
0x1b4: {  	[sflag:s17] =	ssyncset.done $0x0  }
0x1b5: {  	[sflag:s17] =	ssyncadd.s32 $0xFFFFC000  }
0x1b6: {  	[spmem:s2] =	stream.indirect.scatter.add.f32 [tilespmem:s15], [sflag:$0x3], $0x80, s28, s14, $0xb8;
	[tilespmem:$0x1D000] =	vst v63  }
0x1b7: {  	_ =	swait.ge [sflag:s18], $0x4000  }
0x1b8: {  	[sflag:s18] =	ssyncset.done $0x0  }
0x1b9: {  	[sflag:s18] =	ssyncadd.s32 $0xFFFFC000  }
0x1ba: {  	[tilespmem:s15], [sflag:$0x1] =	stream.indirect.gather [hbm4b:s4+s14], $0x80, s29, s14, $0xb8;
	[tilespmem:$0x1D000] =	vst v63  }
0x1bb: {  	_ =	swait.ge [sflag:s19], $0x4000  }
0x1bc: {  	[sflag:s19] =	ssyncset.done $0x0  }
0x1bd: {  	[sflag:s19] =	ssyncadd.s32 $0xFFFFC000  }
0x1be: {  	[spmem:s2] =	stream.indirect.scatter.add.f32 [tilespmem:s16], [sflag:$0x4], $0x80, s30, s14, $0xb8;
	[tilespmem:$0x1D000] =	vst v63  }
0x1bf: {  	_ =	swait.ge [sflag:s20], $0x4000  }
0x1c0: {  	[sflag:s20] =	ssyncset.done $0x0  }
0x1c1: {  	[sflag:s20] =	ssyncadd.s32 $0xFFFFC000  }
0x1c2: {  	[tilespmem:s16], [sflag:$0x2] =	stream.indirect.gather [hbm4b:s4+s14], $0x80, s31, s14, $0xb8;
	[tilespmem:$0x1D000] =	vst v63  }
0x1c3: {  	_ =	swait.ge [sflag:s17], $0x4000  }
0x1c4: {  	[sflag:s17] =	ssyncset.done $0x0  }
0x1c5: {  	[sflag:s17] =	ssyncadd.s32 $0xFFFFC000  }
0x1c6: {  	[spmem:s2] =	stream.indirect.scatter.add.f32 [tilespmem:s15], [sflag:$0x3], $0x80, s0, s14, $0xb8;
	[tilespmem:$0x1D000] =	vst v63  }
0x1c7: {  	_ =	swait.ge [sflag:s19], $0x4000  }
0x1c8: {  	[sflag:s19] =	ssyncset.done $0x0  }
0x1c9: {  	[sflag:s19] =	ssyncadd.s32 $0xFFFFC000  }
0x1ca: {  	[spmem:s2] =	stream.indirect.scatter.add.f32 [tilespmem:s16], [sflag:$0x4], $0x80, s1, s14, $0xb8;
	[tilespmem:$0x1D000] =	vst v63  }
0x1cb: {  	_ =	swait.ge [sflag:s18], $0x4000  }
0x1cc: {  	[sflag:s18] =	ssyncset.done $0x0  }
0x1cd: {  	[sflag:s18] =	ssyncadd.s32 $0xFFFFC000  }
0x1ce: {  	_ =	swait.ge [sflag:s20], $0x4000  }
0x1cf: {  	[sflag:s20] =	ssyncset.done $0x0  }
0x1d0: {  	[sflag:s20] =	ssyncadd.s32 $0xFFFFC000  }
0x1d1: {  	[bflag:$0x0] =	sbarrier.arrive $0xFFFF  }
0x1d2: {  	s6 =	rddreg [dreg:$0x18]  }
0x1d3: {  	[hbm:s6], [sflag:s11] =	dma.local [spmem:s10], $0x2800  }
0x1d4: {  	_ =	swait.ge [sflag:s12], $0x2800  }
0x1d5: {  	s7 =	sadd.s32 $0x1, s7;
	s8 =	rddreg [dreg:$0x19]  }
0x1d6: {  	p0 =	sne.s32 s7, s8  }
.Ltmp3:
0x1d7: {  	_ = 	snop;
	(pc) =	sbr.rel @p0 .LBB2_1-.Ltmp3, $4  }
.Ltmp4:
0x1d8: {  	_ = 	snop;
	(pc) =	sbr.rel @!p0 .LBB2_8-.Ltmp4, $4  }
0x1d9: {  	_ = 	snop  }
0x1da: {  	[sflag:s12] =	ssyncset.done $0x0  }
0x1db: {  	[sflag:s12] =	ssyncadd.s32 $0xFFFFD800  }
0x1dc: {  	_ = 	snop  }
.LBB2_2:
.Ltmp5:
0x1dd: {  	(pc) =	sbr.rel .LBB2_7-.Ltmp5, $2  }
0x1de: {  	_ =	sdelay $0x2  }
0x1df: {  	s5 =	smov.u32 s9  }
.LBB2_4:
.Ltmp6:
0x1e0: {  	(pc) =	sbr.rel .LBB2_7-.Ltmp6, $2  }
0x1e1: {  	_ =	sdelay $0x2  }
0x1e2: {  	s5 =	smov.u32 s9;
	s10 =	rddreg [dreg:$0x1a]  }
.LBB2_8:
0x1e3: {  	_ =	sfence.sel $0x180000  }
0x1e4: {  	[bflag:$0x0] =	sbarrier.arrive $0xFFFF  }
0x1e5: {  	_ =	strace $0x9000004A  }
0x1e6: {  	s0 =	stileid.u32;
	[bflag:$0x2] =	sbarrier.arrive $0xFFFF  }
0x1e7: {  	p0 =	sne.s32 s0, $0x0;
	s0 =	rddreg [dreg:$0x2]  }
0x1e8: {  	s0 =	sadd.s32 @!p0 $0x100000, s0  }
0x1e9: {  	[sflag:s0] =	ssyncadd.tile.s32 @!p0 $0x1;
	_ =	shalt  }
.Lfunc_end2:
_tile_overlayer_lowered:
.L_overlay_start_2:
0x1ea: {  	(tag) =	ssettag $0x2  }
0x1eb: {  	s0 =	rddreg [dreg:$0x0];
	s2 =	stileid.u32  }
0x1ec: {  	s1 =	rddreg [dreg:$0x1];
	p0 =	sne.s32 s2, $0x0  }
0x1ed: {  	s3 =	rddreg [dreg:$0x2];
	[bflag:$0x3] =	sbarrier.arrive $0xFFFF;
	s2 =	simm.s32 @!p0 $0x1C05  }
0x1ee: {  	[timem:s3], [sflag:s2] =	dma.local @!p0 [hbm:s0], s1  }
0x1ef: {  	s0 =	simm.s32 @!p0 $0x5  }
0x1f0: {  	_ =	swait.ge @!p0 [sflag:s0], s1  }
0x1f1: {  	s1 =	ssub.s32 @!p0 $0x0, s1;
	[sflag:s0] =	ssyncset.done @!p0 $0x0  }
0x1f2: {  	[sflag:s0] =	ssyncadd.s32 @!p0 s1  }
0x1f3: {  	[bflag:$0x3] =	sbarrier.arrive $0xFFFF  }
0x1f4: {  	_ =	shalt  }

// kernel: kernel.7.cloned.1.call-start
scs
__scs_entry_jumppad:
0x0: {  	(pc) =	sbr.rel $0x88, $3  }
0x1: {  	(tag) =	ssettag $0x0;
	lr =	simm.s32 $0x1  }
0x2: {  	[smem:$0x3F92] =	sst lr;
	_ =	strace $0xD0000000  }
0x3: {  	_ = 	snop  }
0x4: {  	_ = 	snop  }
0x5: {  	_ = 	snop  }
0x6: {  	_ = 	snop  }
0x7: {  	_ = 	snop  }
__scs_overlays_trampoline_lowered:
0x8: {  	[smem:$0x3FA1] =	sst s0  }
0x9: {  	[smem:$0x3FA2] =	sst s1  }
0xa: {  	[smem:$0x3FA3] =	sst s2  }
0xb: {  	[smem:$0x3FA4] =	sst s3  }
0xc: {  	[smem:$0x3FA5] =	sst s4  }
0xd: {  	[smem:$0x3FA6] =	sst s5  }
0xe: {  	[smem:$0x3FA7] =	sst s6  }
0xf: {  	[smem:$0x3FA8] =	sst s7  }
0x10: {  	[smem:$0x3FA9] =	sst s8  }
0x11: {  	[smem:$0x3FAA] =	sst s9;
	s0 =	simm.s32 @!p0 $0x0  }
0x12: {  	s1 =	sld [smem:$0x3F90];
	s0 =	simm.s32 @p0 $0x1  }
0x13: {  	[smem:$0x3FAB] =	sst s0;
	s0 =	simm.s32 @!p1 $0x0  }
0x14: {  	s2 =	sld [smem:$0x3F8F];
	s0 =	simm.s32 @p1 $0x1  }
0x15: {  	[smem:$0x3FAC] =	sst s0;
	s0 =	simm.s32 @!p2 $0x0  }
0x16: {  	s3 =	sld [smem:$0x3FDB];
	s0 =	simm.s32 @p2 $0x1  }
0x17: {  	s4 =	simm.s32 $0x1BF5;
	[smem:$0x3FAE] =	sst s0  }
0x18: {  	s0 =	sld [smem:$0x3F91];
	_ =	swait.ge [sflag:s4], $0x0  }
0x19: {  	s7 =	sld [smem:$0x3F92]  }
0x1a: {  	s8 =	sadd.s32 $0xFFFFE003, lr  }
0x1b: {  	s9 =	sadd.s32 $0xFFFFFEF7, lr;
	s5 =	simm.s32 $0xFFFFFFFF;
	p2 =	slt.u32 s8, $0xFFFFF086  }
0x1c: {  	p1 =	slt.u32 s9, $0xF7A;
	s5 =	simm.s32 @!p2 $0x0  }
0x1d: {  	s5 =	simm.s32 @p1 $0x1;
	p0 =	seq.s32 s7, s2  }
0x1e: {  	s7 =	smul.u32 @!p0 $0xF7A, s2;
	p2 =	seq.s32 @!p0 s5, $0x0  }
0x1f: {  	s9 =	smul.u32 $0xF7A, s1;
	s8 =	simm.s32 @!p0 $0x1BF5;
	p2 =	por !p2, p0  }
0x20: {  	[sflag:s8] =	ssyncset.s32 @!p0 $0xFFFFF086;
	s6 =	sadd.s32 @!p0 s3, s7;
	s7 =	simm.s32 @!p0 $0x108  }
0x21: {  	s3 =	sadd.s32 s3, s9;
	s6 =	sadd.s32 @!p0 $0x88, s6;
	s7 =	simm.s32 @p2 $0x1082  }
0x22: {  	[simem:s7], [sflag:s8] =	dma.local @!p0 [hbm:s6], $0xF7A  }
0x23: {  	s9 =	sor.u32 $0xD0000000, s2;
	s6 =	simm.s32 $0x108;
	_ =	swait.ge @!p0 [sflag:s8], $0x0  }
0x24: {  	s3 =	sadd.s32 $0x88, s3;
	s6 =	simm.s32 @!p1 $0x1082;
	[sflag:s4] =	ssyncset.s32 $0xFFFFF086  }
0x25: {  	[simem:s6], [sflag:s4] =	dma.local [hbm:s3], $0xF7A  }
0x26: {  	[smem:$0x3F92] =	sst s1;
	(tag) =	ssettag s2;
	_ =	strace s9  }
0x27: {  	s1 =	sld [smem:$0x3FA2]  }
0x28: {  	s2 =	sld [smem:$0x3FA3]  }
0x29: {  	s4 =	sld [smem:$0x3FA5]  }
0x2a: {  	p0 =	seq.s32 s5, $0x0;
	s5 =	sld [smem:$0x3FA6]  }
0x2b: {  	s6 =	sld [smem:$0x3FA7]  }
0x2c: {  	s7 =	sld [smem:$0x3FA8]  }
0x2d: {  	s3 =	simm.s32 $0x108;
	s8 =	sld [smem:$0x3FA9]  }
0x2e: {  	s3 =	simm.s32 @!p0 $0x1082;
	s9 =	sld [smem:$0x3FAA]  }
0x2f: {  	lr =	sadd.s32 s0, s3;
	s0 =	sld [smem:$0x3FA1]  }
0x30: {  	s3 =	sld [smem:$0x3FA4]  }
0x31: {  	[smem:$0x3FAD] =	sst s10  }
0x32: {  	s10 =	sld [smem:$0x3FAB];
	_ =	sdelay $0x3  }
0x33: {  	p0 =	seq.s32 s10, $0x1;
	s10 =	sld [smem:$0x3FAD];
	_ =	sdelay $0x3  }
0x34: {  	[smem:$0x3FAD] =	sst s10  }
0x35: {  	s10 =	sld [smem:$0x3FAC];
	_ =	sdelay $0x3  }
0x36: {  	p1 =	seq.s32 s10, $0x1;
	s10 =	sld [smem:$0x3FAD];
	_ =	sdelay $0x3  }
0x37: {  	[smem:$0x3FAD] =	sst s10  }
0x38: {  	s10 =	sld [smem:$0x3FAE]  }
0x39: {  	_ = 	snop;
	(pc) =	sbr.ind lr, $3  }
0x3a: {  	_ = 	snop  }
0x3b: {  	_ = 	snop  }
0x3c: {  	p2 =	seq.s32 s10, $0x1;
	s10 =	sld [smem:$0x3FAD]  }
0x3d: {  	_ =	shalt  }
0x3e: {  	_ =	shalt  }
0x3f: {  	_ =	shalt  }
0x40: {  	_ =	shalt  }
0x41: {  	_ =	shalt  }
0x42: {  	_ =	shalt  }
0x43: {  	_ =	shalt  }
0x44: {  	_ =	shalt  }
0x45: {  	_ =	shalt  }
0x46: {  	_ =	shalt  }
0x47: {  	_ =	shalt  }
0x48: {  	_ =	shalt  }
0x49: {  	_ =	shalt  }
0x4a: {  	_ =	shalt  }
0x4b: {  	_ =	shalt  }
0x4c: {  	_ =	shalt  }
0x4d: {  	_ =	shalt  }
0x4e: {  	_ =	shalt  }
0x4f: {  	_ =	shalt  }
0x50: {  	_ =	shalt  }
0x51: {  	_ =	shalt  }
0x52: {  	_ =	shalt  }
0x53: {  	_ =	shalt  }
0x54: {  	_ =	shalt  }
0x55: {  	_ =	shalt  }
0x56: {  	_ =	shalt  }
0x57: {  	_ =	shalt  }
0x58: {  	_ =	shalt  }
0x59: {  	_ =	shalt  }
0x5a: {  	_ =	shalt  }
0x5b: {  	_ =	shalt  }
0x5c: {  	_ =	shalt  }
0x5d: {  	_ =	shalt  }
0x5e: {  	_ =	shalt  }
0x5f: {  	_ =	shalt  }
0x60: {  	_ =	shalt  }
0x61: {  	_ =	shalt  }
0x62: {  	_ =	shalt  }
0x63: {  	_ =	shalt  }
0x64: {  	_ =	shalt  }
0x65: {  	_ =	shalt  }
0x66: {  	_ =	shalt  }
0x67: {  	_ =	shalt  }
0x68: {  	_ =	shalt  }
0x69: {  	_ =	shalt  }
0x6a: {  	_ =	shalt  }
0x6b: {  	_ =	shalt  }
0x6c: {  	_ =	shalt  }
0x6d: {  	_ =	shalt  }
0x6e: {  	_ =	shalt  }
0x6f: {  	_ =	shalt  }
0x70: {  	_ =	shalt  }
0x71: {  	_ =	shalt  }
0x72: {  	_ =	shalt  }
0x73: {  	_ =	shalt  }
0x74: {  	_ =	shalt  }
0x75: {  	_ =	shalt  }
0x76: {  	_ =	shalt  }
0x77: {  	_ =	shalt  }
0x78: {  	_ =	shalt  }
0x79: {  	_ =	shalt  }
0x7a: {  	_ =	shalt  }
0x7b: {  	_ =	shalt  }
0x7c: {  	_ =	shalt  }
0x7d: {  	_ =	shalt  }
0x7e: {  	_ =	shalt  }
0x7f: {  	_ =	shalt  }
0x80: {  	_ =	shalt  }
0x81: {  	_ =	shalt  }
0x82: {  	_ =	shalt  }
0x83: {  	_ =	shalt  }
0x84: {  	_ =	shalt  }
0x85: {  	_ =	shalt  }
0x86: {  	_ =	shalt  }
0x87: {  	_ =	shalt  }
.Lfunc_end0:
.L_simem_size_0:
called_computation_lowered:
.L_overlay_start_0:
0x88: {  	s2 =	sld [smem:$0x3FD9]  }
0x89: {  	s3 =	sld [smem:$0x3FFE];
	_ =	sdelay $0x1  }
0x8a: {  	s1 =	srdreg.scid  }
0x8b: {  	s0 =	sand.u32 $0x1, s1  }
0x8c: {  	s16 =	sshll.u32 s0, $0xA;
	s2 =	sadd.s32 s3, s2  }
0x8d: {  	s2 =	sadd.s32 s2, s16  }
0x8e: {  	[smem:$0x3FB9] =	sst s2  }
0x8f: {  	_ = 	snop  }
0x90: {  	(tm) =	ssettm $0x1  }
0x91: {  	s17 =	sld [smem:$0x3FFB];
	_ =	sdelay $0x3  }
0x92: {  	_ =	strace s17  }
0x93: {  	s2 =	sld [smem:$0x3FFC];
	_ =	sdelay $0x3  }
0x94: {  	_ =	strace s2  }
0x95: {  	s2 =	sld [smem:$0x3FFD];
	_ =	sdelay $0x3  }
0x96: {  	_ =	strace s2  }
0x97: {  	_ =	strace $0x8FFFFFFF  }
0x98: {  	s18 =	sld [smem:$0x3FDB];
	_ =	sdelay $0x1  }
0x99: {  	s19 =	simm.s32 $_scs_section_size  }
0x9a: {  	s4 =	simm.s32 $_size__tile_overlayer_lowered;
	s5 =	simm.s32 $_tile_overlayer_lowered  }
0x9b: {  	s22 =	simm.s32 $0x1BFF;
	s21 =	sshll.u32 s5, $0x1;
	s2 =	sadd.s32 s19, s18  }
0x9c: {  	s6 =	simm.s32 $0x0;
	s20 =	sshll.u32 s4, $0x1;
	s4 =	sadd.s32 s21, s2  }
0x9d: {  	[timem:s6], [sflag:s22] =	dma.local [hbm:s4], s20  }
0x9e: {  	_ =	swait.ge [sflag:s22], s20  }
0x9f: {  	s3 =	ssub.s32 $0x0, s20;
	[sflag:s22] =	ssyncset.done $0x0  }
0xa0: {  	[sflag:s22] =	ssyncadd.s32 s3;
	_ =	sdelay $0x1  }
0xa1: {  	s23 =	simm.s32 $0x1B8B  }
0xa2: {  	_ =	swait.ge [sflag:s23], $0x1  }
0xa3: {  	[sflag:s23] =	ssyncset.done $0x0  }
0xa4: {  	s25 =	simm.s32 $0x1B8E;
	s24 =	sld [smem:$0x3FFE];
	[sflag:s23] =	ssyncadd.s32 $0xFFFFFFFF  }
0xa5: {  	s26 =	simm.s32 $execute0_lowered;
	[smem:$0x3FD2] =	sst s25  }
0xa6: {  	s4 =	sshll.u32 s26, $0x1;
	_ =	strace $0x80000046;
	[dreg:$0x1] =	wrdreg $0xFFFFFFFF  }
0xa7: {  	s28 =	simm.s32 $_size_execute0_lowered;
	s2 =	sadd.s32 s2, s4;
	[dreg:$0x0] =	wrdreg $0x0  }
0xa8: {  	s4 =	sshll.u32 s28, $0x1;
	[dreg:$0x2] =	wrdreg s2  }
0xa9: {  	[dreg:$0x3] =	wrdreg s4  }
0xaa: {  	[dreg:$0x4] =	wrdreg $0xC0  }
0xab: {  	_ =	task [dreg:s6], $0x5FFFF  }
0xac: {  	[dreg:$0x1] =	wrdreg $0xFFFFFFFF  }
0xad: {  	[dreg:$0x0] =	wrdreg $0x60  }
0xae: {  	[dreg:$0x2] =	wrdreg s24  }
0xaf: {  	[dreg:$0x3] =	wrdreg $0x90000  }
0xb0: {  	[dreg:$0x4] =	wrdreg $0x9  }
0xb1: {  	_ =	task.clear_ibuf [dreg:s6], $0x5FFFF;
	_ =	strace $0x90000046  }
0xb2: {  	s29 =	simm.s32 $0x9;
	_ =	strace $0x80000048  }
0xb3: {  	_ =	swait.ge [sflag:s29], $0x1  }
0xb4: {  	[sflag:s29] =	ssyncadd.s32 $0xFFFFFFFF  }
0xb5: {  	_ =	strace $0x90000048  }
0xb6: {  	_ =	sfence  }
0xb7: {  	s30 =	sld [smem:$0x0];
	_ =	sdelay $0x2  }
0xb8: {  	s31 =	sshll.u32 s1, $0xD;
	s1 =	sshrl.u32 s1, $0x2  }
0xb9: {  	s3 =	sand.u32 $0x4000, s31;
	s1 =	sadd.s32 s1, s30  }
0xba: {  	s0 =	sor.u32 s3, s0;
	s1 =	sshll.u32 s1, $0x11  }
0xbb: {  	s0 =	sor.u32 s1, s0  }
0xbc: {  	s0 =	sadd.s32 $0x8F2B, s0  }
0xbd: {  	[sflag:s0] =	ssyncadd.remote.s32 $0x1  }
0xbe: {  	_ =	sfence.sel $0xFFFF  }
0xbf: {  	[dreg:$0x0] =	wrdreg $0xFFFFFFFF;
	(pc) =	sbr.abs _section_cstart, $3  }
0xc0: {  	[dreg:$0x1] =	wrdreg $0xFFFFFFFF  }
0xc1: {  	_ =	task.clear_ibuf [dreg:s6], $0x2FFFF;
	_ =	strace $0x9FFFFFFF  }
0xc2: {  	(tm) =	ssettm $0x7FFFFFFF  }
0xc3: {  	_ =	shalt  }
tec
execute0_lowered:
.L_overlay_start_1:
0x0: {  	(tag) =	ssettag $0x1  }
0x1: {  	s0 =	rddreg [dreg:$0x0]  }
0x2: {  	s2 =	rddreg [dreg:$0x1];
	s3 =	simm.s32 $0x0;
	s10 =	stileid.u32  }
0x3: {  	s1 =	srdreg.scid;
	s25 =	simm.s32 $0x100;
	s26 =	simm.s32 $0x880  }
0x4: {  	s11 =	simm.s32 $0x900;
	s13 =	simm.s32 $0x200;
	s14 =	simm.s32 $0x980  }
0x5: {  	s15 =	simm.s32 $0x280;
	s17 =	simm.s32 $0xA00;
	s18 =	simm.s32 $0x300  }
0x6: {  	s19 =	simm.s32 $0xA80;
	[smem:$0x7FF] =	sst s3;
	s6 =	sadd.s32 $0x16800, s0  }
0x7: {  	s20 =	sadd.s32 $0x2800, s0;
	_ =	strace $0x80000047;
	[dreg:$0x3] =	wrdreg s6  }
0x8: {  	s28 =	simm.s32 $0xE00;
	s29 =	simm.s32 $0x700;
	[dreg:$0x4] =	wrdreg s20  }
0x9: {  	s30 =	simm.s32 $0xE80;
	s31 =	simm.s32 $0x780;
	[dreg:$0x5] =	wrdreg s25  }
0xa: {  	s5 =	smul.u32 $0x14000, s10;
	s1 =	sand.u32 $0x1, s1;
	[dreg:$0x6] =	wrdreg s26  }
0xb: {  	s4 =	sadd.s32 $0x2A800, s0;
	s23 =	sshll.u32 s10, $0xD;
	[dreg:$0x8] =	wrdreg s11  }
0xc: {  	s24 =	smul.u32 $0x50000, s10;
	s12 =	sshll.u32 s10, $0x6;
	[dreg:$0x9] =	wrdreg s13  }
0xd: {  	s7 =	smul.u32 $0x140000, s1;
	s22 =	ssub.s32 $0x2, s1;
	[dreg:$0xa] =	wrdreg s14  }
0xe: {  	p0 =	seq.s32 s1, $0x0;
	s1 =	sshll.u32 s10, $0xF;
	[dreg:$0xb] =	wrdreg s15  }
0xf: {  	s9 =	sor.u32 $0x80000, s23;
	s11 =	sor.u32 $0x1C05, s12;
	[dreg:$0xc] =	wrdreg s17  }
0x10: {  	s12 =	simm.s32 $0x5;
	[dreg:$0xd] =	wrdreg s18;
	s13 =	simm.s32 $0x800  }
0x11: {  	[dreg:$0xe] =	wrdreg s19;
	s20 =	simm.s32 $0x380;
	s14 =	simm.s32 $0x80  }
0x12: {  	s15 =	simm.s32 $0x1000;
	s23 =	simm.s32 $0xB80;
	s17 =	simm.s32 $0x1  }
0x13: {  	s18 =	simm.s32 $0x3;
	s25 =	simm.s32 $0xC00;
	[dreg:$0xf] =	wrdreg s20  }
0x14: {  	s19 =	simm.s32 $0x2;
	s26 =	simm.s32 $0x500;
	[dreg:$0x12] =	wrdreg s23  }
0x15: {  	s8 =	sshrl.u32 s22, $0x1;
	s9 =	smov.u32 @p0 s1;
	[dreg:$0x14] =	wrdreg s25  }
0x16: {  	s20 =	simm.s32 $0x4;
	[dreg:$0x15] =	wrdreg s26;
	s23 =	simm.s32 $0xD00  }
0x17: {  	s25 =	simm.s32 $0xD80;
	s26 =	simm.s32 $0x680;
	s1 =	simm.s32 $0xF80  }
0x18: {  	s21 =	sadd.s32 s5, s7;
	s5 =	sshrl.u32 s5, $0x3;
	s7 =	ssub.s32 s22, s8  }
0x19: {  	s8 =	sshrl.u32 s24, $0x2;
	s22 =	simm.s32 $0x400;
	s24 =	simm.s32 $0x480  }
0x1a: {  	s6 =	sshrl.u32 s21, $0x3;
	s5 =	sadd.s32 s5, s0;
	[dreg:$0x11] =	wrdreg s22  }
0x1b: {  	s8 =	sadd.s32 s8, s2;
	s16 =	smax.u32 s7, $0x1;
	[dreg:$0x13] =	wrdreg s24  }
0x1c: {  	s21 =	simm.s32 $0xB00;
	s22 =	simm.s32 $0x580;
	[dreg:$0x19] =	wrdreg s16  }
0x1d: {  	s0 =	sadd.s32 s6, s0;
	s5 =	sadd.s32 $0x52800, s5;
	[dreg:$0x10] =	wrdreg s21  }
0x1e: {  	s6 =	simm.s32 $0x10;
	s10 =	sshrl.u32 s8, $0x3;
	[dreg:$0x17] =	wrdreg s5  }
0x1f: {  	s24 =	simm.s32 $0x600;
	s6 =	simm.s32 @!p0 $0x4;
	[dreg:$0x1a] =	wrdreg s10  }
0x20: {  	s7 =	simm.s32 $0x0;
	s0 =	sadd.s32 $0x7A800, s0;
	[dreg:$0x16] =	wrdreg s6  }
0x21: {  	s16 =	simm.s32 $0x5000;
	s6 =	simm.s32 $0x180;
	[dreg:$0x18] =	wrdreg s0  }
0x22: {  	s21 =	simm.s32 $0xC80;
	s0 =	simm.s32 $0xF00;
	[dreg:$0x7] =	wrdreg s6  }
.LBB2_1:
0x23: {  	s5 =	rddreg [dreg:$0x17]  }
0x24: {  	[spmem:s10], [sflag:s11] =	dma.local [hbm:s5], $0x2800  }
0x25: {  	_ =	swait.ge [sflag:s12], $0x2800  }
0x26: {  	[sflag:s12] =	ssyncset.done $0x0  }
0x27: {  	[sflag:s12] =	ssyncadd.s32 $0xFFFFD800  }
0x28: {  	[bflag:$0x0] =	sbarrier.arrive $0xFFFF  }
0x29: {  	s8 =	rddreg [dreg:$0x16]  }
0x2a: {  	p1 =	sne.s32 s8, $0x1  }
.Ltmp0:
0x2b: {  	_ = 	snop;
	(pc) =	sbr.rel @!p1 .LBB2_2-.Ltmp0, $2  }
0x2c: {  	_ =	sdelay $0x2  }
0x2d: {  	p0 =	por $0x0, $0x0;
	s5 =	sadd.s32 $0xFFFFFFFF, s8;
	s8 =	rddreg [dreg:$0x3]  }
0x2e: {  	s10 =	sshrl.u32 s9, $0x3  }
0x2f: {  	s8 =	sadd.s32 s8, s10  }
0x30: {  	[tilespmem:s3], [sflag:$0x5] =	stream.linear.gather [hbm4b:s8+s3], $0x800, $0x38;
	[tilespmem:$0x1D000] =	vst v63  }
0x31: {  	_ =	swait.ge [sflag:s12], $0x800  }
0x32: {  	s6 =	rddreg [dreg:$0x4];
	[sflag:s12] =	ssyncset.done $0x0  }
0x33: {  	[sflag:s12] =	ssyncadd.s32 $0xFFFFF800;
	s8 =	sadd.s32 s6, s10  }
0x34: {  	[tilespmem:s13], [sflag:$0x5] =	stream.linear.gather [hbm4b:s8+s3], $0x800, $0x38;
	[tilespmem:$0x1D000] =	vst v63  }
0x35: {  	_ =	swait.ge [sflag:s12], $0x800  }
0x36: {  	[sflag:s12] =	ssyncset.done $0x0  }
0x37: {  	[sflag:s12] =	ssyncadd.s32 $0xFFFFF800  }
0x38: {  	[tilespmem:s15], [sflag:$0x1] =	stream.indirect.gather [hbm4b:s4+s14], $0x80, s3, s14, $0xb8;
	[tilespmem:$0x1D000] =	vst v63  }
0x39: {  	_ = 	snop  }
0x3a: {  	[tilespmem:s16], [sflag:$0x2] =	stream.indirect.gather [hbm4b:s4+s14], $0x80, s14, s14, $0xb8;
	[tilespmem:$0x1D000] =	vst v63  }
0x3b: {  	_ =	swait.ge [sflag:s17], $0x4000  }
0x3c: {  	[sflag:s17] =	ssyncset.done $0x0  }
0x3d: {  	[sflag:s17] =	ssyncadd.s32 $0xFFFFC000  }
0x3e: {  	[spmem:s2] =	stream.indirect.scatter.add.f32 [tilespmem:s15], [sflag:$0x3], $0x80, s13, s14, $0xb8;
	[tilespmem:$0x1D000] =	vst v63  }
0x3f: {  	_ =	swait.ge [sflag:s18], $0x4000  }
0x40: {  	[sflag:s18] =	ssyncset.done $0x0  }
0x41: {  	s10 =	rddreg [dreg:$0x5];
	[sflag:s18] =	ssyncadd.s32 $0xFFFFC000  }
0x42: {  	[tilespmem:s15], [sflag:$0x1] =	stream.indirect.gather [hbm4b:s4+s14], $0x80, s10, s14, $0xb8;
	[tilespmem:$0x1D000] =	vst v63  }
0x43: {  	_ =	swait.ge [sflag:s19], $0x4000  }
0x44: {  	[sflag:s19] =	ssyncset.done $0x0  }
0x45: {  	s6 =	rddreg [dreg:$0x6];
	[sflag:s19] =	ssyncadd.s32 $0xFFFFC000  }
0x46: {  	[spmem:s2] =	stream.indirect.scatter.add.f32 [tilespmem:s16], [sflag:$0x4], $0x80, s6, s14, $0xb8;
	[tilespmem:$0x1D000] =	vst v63  }
0x47: {  	_ =	swait.ge [sflag:s20], $0x4000  }
0x48: {  	[sflag:s20] =	ssyncset.done $0x0  }
0x49: {  	s10 =	rddreg [dreg:$0x7];
	[sflag:s20] =	ssyncadd.s32 $0xFFFFC000  }
0x4a: {  	[tilespmem:s16], [sflag:$0x2] =	stream.indirect.gather [hbm4b:s4+s14], $0x80, s10, s14, $0xb8;
	[tilespmem:$0x1D000] =	vst v63  }
0x4b: {  	_ =	swait.ge [sflag:s17], $0x4000  }
0x4c: {  	[sflag:s17] =	ssyncset.done $0x0  }
0x4d: {  	s6 =	rddreg [dreg:$0x8];
	[sflag:s17] =	ssyncadd.s32 $0xFFFFC000  }
0x4e: {  	[spmem:s2] =	stream.indirect.scatter.add.f32 [tilespmem:s15], [sflag:$0x3], $0x80, s6, s14, $0xb8;
	[tilespmem:$0x1D000] =	vst v63  }
0x4f: {  	_ =	swait.ge [sflag:s18], $0x4000  }
0x50: {  	[sflag:s18] =	ssyncset.done $0x0  }
0x51: {  	s10 =	rddreg [dreg:$0x9];
	[sflag:s18] =	ssyncadd.s32 $0xFFFFC000  }
0x52: {  	[tilespmem:s15], [sflag:$0x1] =	stream.indirect.gather [hbm4b:s4+s14], $0x80, s10, s14, $0xb8;
	[tilespmem:$0x1D000] =	vst v63  }
0x53: {  	_ =	swait.ge [sflag:s19], $0x4000  }
0x54: {  	[sflag:s19] =	ssyncset.done $0x0  }
0x55: {  	s6 =	rddreg [dreg:$0xa];
	[sflag:s19] =	ssyncadd.s32 $0xFFFFC000  }
0x56: {  	[spmem:s2] =	stream.indirect.scatter.add.f32 [tilespmem:s16], [sflag:$0x4], $0x80, s6, s14, $0xb8;
	[tilespmem:$0x1D000] =	vst v63  }
0x57: {  	_ =	swait.ge [sflag:s20], $0x4000  }
0x58: {  	[sflag:s20] =	ssyncset.done $0x0  }
0x59: {  	s10 =	rddreg [dreg:$0xb];
	[sflag:s20] =	ssyncadd.s32 $0xFFFFC000  }
0x5a: {  	[tilespmem:s16], [sflag:$0x2] =	stream.indirect.gather [hbm4b:s4+s14], $0x80, s10, s14, $0xb8;
	[tilespmem:$0x1D000] =	vst v63  }
0x5b: {  	_ =	swait.ge [sflag:s17], $0x4000  }
0x5c: {  	[sflag:s17] =	ssyncset.done $0x0  }
0x5d: {  	s6 =	rddreg [dreg:$0xc];
	[sflag:s17] =	ssyncadd.s32 $0xFFFFC000  }
0x5e: {  	[spmem:s2] =	stream.indirect.scatter.add.f32 [tilespmem:s15], [sflag:$0x3], $0x80, s6, s14, $0xb8;
	[tilespmem:$0x1D000] =	vst v63  }
0x5f: {  	_ =	swait.ge [sflag:s18], $0x4000  }
0x60: {  	[sflag:s18] =	ssyncset.done $0x0  }
0x61: {  	s10 =	rddreg [dreg:$0xd];
	[sflag:s18] =	ssyncadd.s32 $0xFFFFC000  }
0x62: {  	[tilespmem:s15], [sflag:$0x1] =	stream.indirect.gather [hbm4b:s4+s14], $0x80, s10, s14, $0xb8;
	[tilespmem:$0x1D000] =	vst v63  }
0x63: {  	_ =	swait.ge [sflag:s19], $0x4000  }
0x64: {  	[sflag:s19] =	ssyncset.done $0x0  }
0x65: {  	s6 =	rddreg [dreg:$0xe];
	[sflag:s19] =	ssyncadd.s32 $0xFFFFC000  }
0x66: {  	[spmem:s2] =	stream.indirect.scatter.add.f32 [tilespmem:s16], [sflag:$0x4], $0x80, s6, s14, $0xb8;
	[tilespmem:$0x1D000] =	vst v63  }
0x67: {  	_ =	swait.ge [sflag:s20], $0x4000  }
0x68: {  	[sflag:s20] =	ssyncset.done $0x0  }
0x69: {  	s10 =	rddreg [dreg:$0xf];
	[sflag:s20] =	ssyncadd.s32 $0xFFFFC000  }
0x6a: {  	[tilespmem:s16], [sflag:$0x2] =	stream.indirect.gather [hbm4b:s4+s14], $0x80, s10, s14, $0xb8;
	[tilespmem:$0x1D000] =	vst v63  }
0x6b: {  	_ =	swait.ge [sflag:s17], $0x4000  }
0x6c: {  	[sflag:s17] =	ssyncset.done $0x0  }
0x6d: {  	s6 =	rddreg [dreg:$0x10];
	[sflag:s17] =	ssyncadd.s32 $0xFFFFC000  }
0x6e: {  	[spmem:s2] =	stream.indirect.scatter.add.f32 [tilespmem:s15], [sflag:$0x3], $0x80, s6, s14, $0xb8;
	[tilespmem:$0x1D000] =	vst v63  }
0x6f: {  	_ =	swait.ge [sflag:s18], $0x4000  }
0x70: {  	[sflag:s18] =	ssyncset.done $0x0  }
0x71: {  	s10 =	rddreg [dreg:$0x11];
	[sflag:s18] =	ssyncadd.s32 $0xFFFFC000  }
0x72: {  	[tilespmem:s15], [sflag:$0x1] =	stream.indirect.gather [hbm4b:s4+s14], $0x80, s10, s14, $0xb8;
	[tilespmem:$0x1D000] =	vst v63  }
0x73: {  	_ =	swait.ge [sflag:s19], $0x4000  }
0x74: {  	[sflag:s19] =	ssyncset.done $0x0  }
0x75: {  	s6 =	rddreg [dreg:$0x12];
	[sflag:s19] =	ssyncadd.s32 $0xFFFFC000  }
0x76: {  	[spmem:s2] =	stream.indirect.scatter.add.f32 [tilespmem:s16], [sflag:$0x4], $0x80, s6, s14, $0xb8;
	[tilespmem:$0x1D000] =	vst v63  }
0x77: {  	_ =	swait.ge [sflag:s20], $0x4000  }
0x78: {  	[sflag:s20] =	ssyncset.done $0x0  }
0x79: {  	s10 =	rddreg [dreg:$0x13];
	[sflag:s20] =	ssyncadd.s32 $0xFFFFC000  }
0x7a: {  	[tilespmem:s16], [sflag:$0x2] =	stream.indirect.gather [hbm4b:s4+s14], $0x80, s10, s14, $0xb8;
	[tilespmem:$0x1D000] =	vst v63  }
0x7b: {  	_ =	swait.ge [sflag:s17], $0x4000  }
0x7c: {  	[sflag:s17] =	ssyncset.done $0x0  }
0x7d: {  	s6 =	rddreg [dreg:$0x14];
	[sflag:s17] =	ssyncadd.s32 $0xFFFFC000  }
0x7e: {  	[spmem:s2] =	stream.indirect.scatter.add.f32 [tilespmem:s15], [sflag:$0x3], $0x80, s6, s14, $0xb8;
	[tilespmem:$0x1D000] =	vst v63  }
0x7f: {  	_ =	swait.ge [sflag:s18], $0x4000  }
0x80: {  	[sflag:s18] =	ssyncset.done $0x0  }
0x81: {  	s10 =	rddreg [dreg:$0x15];
	[sflag:s18] =	ssyncadd.s32 $0xFFFFC000  }
0x82: {  	[tilespmem:s15], [sflag:$0x1] =	stream.indirect.gather [hbm4b:s4+s14], $0x80, s10, s14, $0xb8;
	[tilespmem:$0x1D000] =	vst v63  }
0x83: {  	_ =	swait.ge [sflag:s19], $0x4000  }
0x84: {  	[sflag:s19] =	ssyncset.done $0x0  }
0x85: {  	[sflag:s19] =	ssyncadd.s32 $0xFFFFC000  }
0x86: {  	[spmem:s2] =	stream.indirect.scatter.add.f32 [tilespmem:s16], [sflag:$0x4], $0x80, s21, s14, $0xb8;
	[tilespmem:$0x1D000] =	vst v63  }
0x87: {  	_ =	swait.ge [sflag:s20], $0x4000  }
0x88: {  	[sflag:s20] =	ssyncset.done $0x0  }
0x89: {  	[sflag:s20] =	ssyncadd.s32 $0xFFFFC000  }
0x8a: {  	[tilespmem:s16], [sflag:$0x2] =	stream.indirect.gather [hbm4b:s4+s14], $0x80, s22, s14, $0xb8;
	[tilespmem:$0x1D000] =	vst v63  }
0x8b: {  	_ =	swait.ge [sflag:s17], $0x4000  }
0x8c: {  	[sflag:s17] =	ssyncset.done $0x0  }
0x8d: {  	[sflag:s17] =	ssyncadd.s32 $0xFFFFC000  }
0x8e: {  	[spmem:s2] =	stream.indirect.scatter.add.f32 [tilespmem:s15], [sflag:$0x3], $0x80, s23, s14, $0xb8;
	[tilespmem:$0x1D000] =	vst v63  }
0x8f: {  	_ =	swait.ge [sflag:s18], $0x4000  }
0x90: {  	[sflag:s18] =	ssyncset.done $0x0  }
0x91: {  	[sflag:s18] =	ssyncadd.s32 $0xFFFFC000  }
0x92: {  	[tilespmem:s15], [sflag:$0x1] =	stream.indirect.gather [hbm4b:s4+s14], $0x80, s24, s14, $0xb8;
	[tilespmem:$0x1D000] =	vst v63  }
0x93: {  	_ =	swait.ge [sflag:s19], $0x4000  }
0x94: {  	[sflag:s19] =	ssyncset.done $0x0  }
0x95: {  	[sflag:s19] =	ssyncadd.s32 $0xFFFFC000  }
0x96: {  	[spmem:s2] =	stream.indirect.scatter.add.f32 [tilespmem:s16], [sflag:$0x4], $0x80, s25, s14, $0xb8;
	[tilespmem:$0x1D000] =	vst v63  }
0x97: {  	_ =	swait.ge [sflag:s20], $0x4000  }
0x98: {  	[sflag:s20] =	ssyncset.done $0x0  }
0x99: {  	[sflag:s20] =	ssyncadd.s32 $0xFFFFC000  }
0x9a: {  	[tilespmem:s16], [sflag:$0x2] =	stream.indirect.gather [hbm4b:s4+s14], $0x80, s26, s14, $0xb8;
	[tilespmem:$0x1D000] =	vst v63  }
0x9b: {  	_ =	swait.ge [sflag:s17], $0x4000  }
0x9c: {  	[sflag:s17] =	ssyncset.done $0x0  }
0x9d: {  	[sflag:s17] =	ssyncadd.s32 $0xFFFFC000  }
0x9e: {  	[spmem:s2] =	stream.indirect.scatter.add.f32 [tilespmem:s15], [sflag:$0x3], $0x80, s28, s14, $0xb8;
	[tilespmem:$0x1D000] =	vst v63  }
0x9f: {  	_ =	swait.ge [sflag:s18], $0x4000  }
0xa0: {  	[sflag:s18] =	ssyncset.done $0x0  }
0xa1: {  	[sflag:s18] =	ssyncadd.s32 $0xFFFFC000  }
0xa2: {  	[tilespmem:s15], [sflag:$0x1] =	stream.indirect.gather [hbm4b:s4+s14], $0x80, s29, s14, $0xb8;
	[tilespmem:$0x1D000] =	vst v63  }
0xa3: {  	_ =	swait.ge [sflag:s19], $0x4000  }
0xa4: {  	[sflag:s19] =	ssyncset.done $0x0  }
0xa5: {  	[sflag:s19] =	ssyncadd.s32 $0xFFFFC000  }
0xa6: {  	[spmem:s2] =	stream.indirect.scatter.add.f32 [tilespmem:s16], [sflag:$0x4], $0x80, s30, s14, $0xb8;
	[tilespmem:$0x1D000] =	vst v63  }
0xa7: {  	_ =	swait.ge [sflag:s20], $0x4000  }
0xa8: {  	[sflag:s20] =	ssyncset.done $0x0  }
0xa9: {  	[sflag:s20] =	ssyncadd.s32 $0xFFFFC000  }
0xaa: {  	[tilespmem:s16], [sflag:$0x2] =	stream.indirect.gather [hbm4b:s4+s14], $0x80, s31, s14, $0xb8;
	[tilespmem:$0x1D000] =	vst v63  }
0xab: {  	_ =	swait.ge [sflag:s17], $0x4000  }
0xac: {  	[sflag:s17] =	ssyncset.done $0x0  }
0xad: {  	[sflag:s17] =	ssyncadd.s32 $0xFFFFC000  }
0xae: {  	[spmem:s2] =	stream.indirect.scatter.add.f32 [tilespmem:s15], [sflag:$0x3], $0x80, s0, s14, $0xb8;
	[tilespmem:$0x1D000] =	vst v63  }
0xaf: {  	_ =	swait.ge [sflag:s19], $0x4000  }
0xb0: {  	[sflag:s19] =	ssyncset.done $0x0  }
0xb1: {  	p1 =	sne.s32 s5, $0x1;
	[sflag:s19] =	ssyncadd.s32 $0xFFFFC000  }
0xb2: {  	[spmem:s2] =	stream.indirect.scatter.add.f32 [tilespmem:s16], [sflag:$0x4], $0x80, s1, s14, $0xb8;
	[tilespmem:$0x1D000] =	vst v63  }
.Ltmp1:
0xb3: {  	_ =	swait.ge [sflag:s18], $0x4000;
	(pc) =	sbr.rel @!p1 .LBB2_4-.Ltmp1, $4  }
0xb4: {  	[sflag:s18] =	ssyncset.done $0x0  }
0xb5: {  	[sflag:s18] =	ssyncadd.s32 $0xFFFFC000  }
0xb6: {  	p0 =	por $0x1, $0x1;
	s10 =	sadd.s32 $0xFFFFFFFF, s5;
	_ =	swait.ge [sflag:s20], $0x4000  }
0xb7: {  	s5 =	smov.u32 s9;
	s8 =	rddreg [dreg:$0x3];
	[sflag:s20] =	ssyncset.done $0x0  }
.LBB2_5:
0xb8: {  	s5 =	sadd.s32 $0x800, s5  }
0xb9: {  	s6 =	sshrl.u32 s5, $0x3  }
0xba: {  	[sflag:s20] =	ssyncadd.s32 $0xFFFFC000;
	s8 =	sadd.s32 s8, s6  }
0xbb: {  	[tilespmem:s3], [sflag:$0x5] =	stream.linear.gather [hbm4b:s8+s3], $0x800, $0x38;
	[tilespmem:$0x1D000] =	vst v63  }
0xbc: {  	_ =	swait.ge [sflag:s12], $0x800  }
0xbd: {  	s8 =	rddreg [dreg:$0x4];
	[sflag:s12] =	ssyncset.done $0x0  }
0xbe: {  	[sflag:s12] =	ssyncadd.s32 $0xFFFFF800;
	s6 =	sadd.s32 s8, s6  }
0xbf: {  	[tilespmem:s13], [sflag:$0x5] =	stream.linear.gather [hbm4b:s6+s3], $0x800, $0x38;
	[tilespmem:$0x1D000] =	vst v63  }
0xc0: {  	_ =	swait.ge [sflag:s12], $0x800  }
0xc1: {  	[sflag:s12] =	ssyncset.done $0x0  }
0xc2: {  	[sflag:s12] =	ssyncadd.s32 $0xFFFFF800  }
0xc3: {  	[tilespmem:s15], [sflag:$0x1] =	stream.indirect.gather [hbm4b:s4+s14], $0x80, s3, s14, $0xb8;
	[tilespmem:$0x1D000] =	vst v63  }
0xc4: {  	_ = 	snop  }
0xc5: {  	[tilespmem:s16], [sflag:$0x2] =	stream.indirect.gather [hbm4b:s4+s14], $0x80, s14, s14, $0xb8;
	[tilespmem:$0x1D000] =	vst v63  }
0xc6: {  	_ =	swait.ge [sflag:s17], $0x4000  }
0xc7: {  	[sflag:s17] =	ssyncset.done $0x0  }
0xc8: {  	[sflag:s17] =	ssyncadd.s32 $0xFFFFC000  }
0xc9: {  	[spmem:s2] =	stream.indirect.scatter.add.f32 [tilespmem:s15], [sflag:$0x3], $0x80, s13, s14, $0xb8;
	[tilespmem:$0x1D000] =	vst v63  }
0xca: {  	_ =	swait.ge [sflag:s18], $0x4000  }
0xcb: {  	[sflag:s18] =	ssyncset.done $0x0  }
0xcc: {  	s8 =	rddreg [dreg:$0x5];
	[sflag:s18] =	ssyncadd.s32 $0xFFFFC000  }
0xcd: {  	[tilespmem:s15], [sflag:$0x1] =	stream.indirect.gather [hbm4b:s4+s14], $0x80, s8, s14, $0xb8;
	[tilespmem:$0x1D000] =	vst v63  }
0xce: {  	_ =	swait.ge [sflag:s19], $0x4000  }
0xcf: {  	[sflag:s19] =	ssyncset.done $0x0  }
0xd0: {  	s8 =	rddreg [dreg:$0x6];
	[sflag:s19] =	ssyncadd.s32 $0xFFFFC000  }
0xd1: {  	[spmem:s2] =	stream.indirect.scatter.add.f32 [tilespmem:s16], [sflag:$0x4], $0x80, s8, s14, $0xb8;
	[tilespmem:$0x1D000] =	vst v63  }
0xd2: {  	_ =	swait.ge [sflag:s20], $0x4000  }
0xd3: {  	[sflag:s20] =	ssyncset.done $0x0  }
0xd4: {  	s8 =	rddreg [dreg:$0x7];
	[sflag:s20] =	ssyncadd.s32 $0xFFFFC000  }
0xd5: {  	[tilespmem:s16], [sflag:$0x2] =	stream.indirect.gather [hbm4b:s4+s14], $0x80, s8, s14, $0xb8;
	[tilespmem:$0x1D000] =	vst v63  }
0xd6: {  	_ =	swait.ge [sflag:s17], $0x4000  }
0xd7: {  	[sflag:s17] =	ssyncset.done $0x0  }
0xd8: {  	s8 =	rddreg [dreg:$0x8];
	[sflag:s17] =	ssyncadd.s32 $0xFFFFC000  }
0xd9: {  	[spmem:s2] =	stream.indirect.scatter.add.f32 [tilespmem:s15], [sflag:$0x3], $0x80, s8, s14, $0xb8;
	[tilespmem:$0x1D000] =	vst v63  }
0xda: {  	_ =	swait.ge [sflag:s18], $0x4000  }
0xdb: {  	[sflag:s18] =	ssyncset.done $0x0  }
0xdc: {  	s8 =	rddreg [dreg:$0x9];
	[sflag:s18] =	ssyncadd.s32 $0xFFFFC000  }
0xdd: {  	[tilespmem:s15], [sflag:$0x1] =	stream.indirect.gather [hbm4b:s4+s14], $0x80, s8, s14, $0xb8;
	[tilespmem:$0x1D000] =	vst v63  }
0xde: {  	_ =	swait.ge [sflag:s19], $0x4000  }
0xdf: {  	[sflag:s19] =	ssyncset.done $0x0  }
0xe0: {  	s8 =	rddreg [dreg:$0xa];
	[sflag:s19] =	ssyncadd.s32 $0xFFFFC000  }
0xe1: {  	[spmem:s2] =	stream.indirect.scatter.add.f32 [tilespmem:s16], [sflag:$0x4], $0x80, s8, s14, $0xb8;
	[tilespmem:$0x1D000] =	vst v63  }
0xe2: {  	_ =	swait.ge [sflag:s20], $0x4000  }
0xe3: {  	[sflag:s20] =	ssyncset.done $0x0  }
0xe4: {  	s8 =	rddreg [dreg:$0xb];
	[sflag:s20] =	ssyncadd.s32 $0xFFFFC000  }
0xe5: {  	[tilespmem:s16], [sflag:$0x2] =	stream.indirect.gather [hbm4b:s4+s14], $0x80, s8, s14, $0xb8;
	[tilespmem:$0x1D000] =	vst v63  }
0xe6: {  	_ =	swait.ge [sflag:s17], $0x4000  }
0xe7: {  	[sflag:s17] =	ssyncset.done $0x0  }
0xe8: {  	s8 =	rddreg [dreg:$0xc];
	[sflag:s17] =	ssyncadd.s32 $0xFFFFC000  }
0xe9: {  	[spmem:s2] =	stream.indirect.scatter.add.f32 [tilespmem:s15], [sflag:$0x3], $0x80, s8, s14, $0xb8;
	[tilespmem:$0x1D000] =	vst v63  }
0xea: {  	_ =	swait.ge [sflag:s18], $0x4000  }
0xeb: {  	[sflag:s18] =	ssyncset.done $0x0  }
0xec: {  	s8 =	rddreg [dreg:$0xd];
	[sflag:s18] =	ssyncadd.s32 $0xFFFFC000  }
0xed: {  	[tilespmem:s15], [sflag:$0x1] =	stream.indirect.gather [hbm4b:s4+s14], $0x80, s8, s14, $0xb8;
	[tilespmem:$0x1D000] =	vst v63  }
0xee: {  	_ =	swait.ge [sflag:s19], $0x4000  }
0xef: {  	[sflag:s19] =	ssyncset.done $0x0  }
0xf0: {  	s8 =	rddreg [dreg:$0xe];
	[sflag:s19] =	ssyncadd.s32 $0xFFFFC000  }
0xf1: {  	[spmem:s2] =	stream.indirect.scatter.add.f32 [tilespmem:s16], [sflag:$0x4], $0x80, s8, s14, $0xb8;
	[tilespmem:$0x1D000] =	vst v63  }
0xf2: {  	_ =	swait.ge [sflag:s20], $0x4000  }
0xf3: {  	[sflag:s20] =	ssyncset.done $0x0  }
0xf4: {  	s8 =	rddreg [dreg:$0xf];
	[sflag:s20] =	ssyncadd.s32 $0xFFFFC000  }
0xf5: {  	[tilespmem:s16], [sflag:$0x2] =	stream.indirect.gather [hbm4b:s4+s14], $0x80, s8, s14, $0xb8;
	[tilespmem:$0x1D000] =	vst v63  }
0xf6: {  	_ =	swait.ge [sflag:s17], $0x4000  }
0xf7: {  	[sflag:s17] =	ssyncset.done $0x0  }
0xf8: {  	s8 =	rddreg [dreg:$0x10];
	[sflag:s17] =	ssyncadd.s32 $0xFFFFC000  }
0xf9: {  	[spmem:s2] =	stream.indirect.scatter.add.f32 [tilespmem:s15], [sflag:$0x3], $0x80, s8, s14, $0xb8;
	[tilespmem:$0x1D000] =	vst v63  }
0xfa: {  	_ =	swait.ge [sflag:s18], $0x4000  }
0xfb: {  	[sflag:s18] =	ssyncset.done $0x0  }
0xfc: {  	s8 =	rddreg [dreg:$0x11];
	[sflag:s18] =	ssyncadd.s32 $0xFFFFC000  }
0xfd: {  	[tilespmem:s15], [sflag:$0x1] =	stream.indirect.gather [hbm4b:s4+s14], $0x80, s8, s14, $0xb8;
	[tilespmem:$0x1D000] =	vst v63  }
0xfe: {  	_ =	swait.ge [sflag:s19], $0x4000  }
0xff: {  	[sflag:s19] =	ssyncset.done $0x0  }
0x100: {  	s8 =	rddreg [dreg:$0x12];
	[sflag:s19] =	ssyncadd.s32 $0xFFFFC000  }
0x101: {  	[spmem:s2] =	stream.indirect.scatter.add.f32 [tilespmem:s16], [sflag:$0x4], $0x80, s8, s14, $0xb8;
	[tilespmem:$0x1D000] =	vst v63  }
0x102: {  	_ =	swait.ge [sflag:s20], $0x4000  }
0x103: {  	[sflag:s20] =	ssyncset.done $0x0  }
0x104: {  	s8 =	rddreg [dreg:$0x13];
	[sflag:s20] =	ssyncadd.s32 $0xFFFFC000  }
0x105: {  	[tilespmem:s16], [sflag:$0x2] =	stream.indirect.gather [hbm4b:s4+s14], $0x80, s8, s14, $0xb8;
	[tilespmem:$0x1D000] =	vst v63  }
0x106: {  	_ =	swait.ge [sflag:s17], $0x4000  }
0x107: {  	[sflag:s17] =	ssyncset.done $0x0  }
0x108: {  	s8 =	rddreg [dreg:$0x14];
	[sflag:s17] =	ssyncadd.s32 $0xFFFFC000  }
0x109: {  	[spmem:s2] =	stream.indirect.scatter.add.f32 [tilespmem:s15], [sflag:$0x3], $0x80, s8, s14, $0xb8;
	[tilespmem:$0x1D000] =	vst v63  }
0x10a: {  	_ =	swait.ge [sflag:s18], $0x4000  }
0x10b: {  	[sflag:s18] =	ssyncset.done $0x0  }
0x10c: {  	s8 =	rddreg [dreg:$0x15];
	[sflag:s18] =	ssyncadd.s32 $0xFFFFC000  }
0x10d: {  	[tilespmem:s15], [sflag:$0x1] =	stream.indirect.gather [hbm4b:s4+s14], $0x80, s8, s14, $0xb8;
	[tilespmem:$0x1D000] =	vst v63  }
0x10e: {  	_ =	swait.ge [sflag:s19], $0x4000  }
0x10f: {  	[sflag:s19] =	ssyncset.done $0x0  }
0x110: {  	[sflag:s19] =	ssyncadd.s32 $0xFFFFC000  }
0x111: {  	[spmem:s2] =	stream.indirect.scatter.add.f32 [tilespmem:s16], [sflag:$0x4], $0x80, s21, s14, $0xb8;
	[tilespmem:$0x1D000] =	vst v63  }
0x112: {  	_ =	swait.ge [sflag:s20], $0x4000  }
0x113: {  	[sflag:s20] =	ssyncset.done $0x0  }
0x114: {  	[sflag:s20] =	ssyncadd.s32 $0xFFFFC000  }
0x115: {  	[tilespmem:s16], [sflag:$0x2] =	stream.indirect.gather [hbm4b:s4+s14], $0x80, s22, s14, $0xb8;
	[tilespmem:$0x1D000] =	vst v63  }
0x116: {  	_ =	swait.ge [sflag:s17], $0x4000  }
0x117: {  	[sflag:s17] =	ssyncset.done $0x0  }
0x118: {  	[sflag:s17] =	ssyncadd.s32 $0xFFFFC000  }
0x119: {  	[spmem:s2] =	stream.indirect.scatter.add.f32 [tilespmem:s15], [sflag:$0x3], $0x80, s23, s14, $0xb8;
	[tilespmem:$0x1D000] =	vst v63  }
0x11a: {  	_ =	swait.ge [sflag:s18], $0x4000  }
0x11b: {  	[sflag:s18] =	ssyncset.done $0x0  }
0x11c: {  	[sflag:s18] =	ssyncadd.s32 $0xFFFFC000  }
0x11d: {  	[tilespmem:s15], [sflag:$0x1] =	stream.indirect.gather [hbm4b:s4+s14], $0x80, s24, s14, $0xb8;
	[tilespmem:$0x1D000] =	vst v63  }
0x11e: {  	_ =	swait.ge [sflag:s19], $0x4000  }
0x11f: {  	[sflag:s19] =	ssyncset.done $0x0  }
0x120: {  	[sflag:s19] =	ssyncadd.s32 $0xFFFFC000  }
0x121: {  	[spmem:s2] =	stream.indirect.scatter.add.f32 [tilespmem:s16], [sflag:$0x4], $0x80, s25, s14, $0xb8;
	[tilespmem:$0x1D000] =	vst v63  }
0x122: {  	_ =	swait.ge [sflag:s20], $0x4000  }
0x123: {  	[sflag:s20] =	ssyncset.done $0x0  }
0x124: {  	[sflag:s20] =	ssyncadd.s32 $0xFFFFC000  }
0x125: {  	[tilespmem:s16], [sflag:$0x2] =	stream.indirect.gather [hbm4b:s4+s14], $0x80, s26, s14, $0xb8;
	[tilespmem:$0x1D000] =	vst v63  }
0x126: {  	_ =	swait.ge [sflag:s17], $0x4000  }
0x127: {  	[sflag:s17] =	ssyncset.done $0x0  }
0x128: {  	[sflag:s17] =	ssyncadd.s32 $0xFFFFC000  }
0x129: {  	[spmem:s2] =	stream.indirect.scatter.add.f32 [tilespmem:s15], [sflag:$0x3], $0x80, s28, s14, $0xb8;
	[tilespmem:$0x1D000] =	vst v63  }
0x12a: {  	_ =	swait.ge [sflag:s18], $0x4000  }
0x12b: {  	[sflag:s18] =	ssyncset.done $0x0  }
0x12c: {  	[sflag:s18] =	ssyncadd.s32 $0xFFFFC000  }
0x12d: {  	[tilespmem:s15], [sflag:$0x1] =	stream.indirect.gather [hbm4b:s4+s14], $0x80, s29, s14, $0xb8;
	[tilespmem:$0x1D000] =	vst v63  }
0x12e: {  	_ =	swait.ge [sflag:s19], $0x4000  }
0x12f: {  	[sflag:s19] =	ssyncset.done $0x0  }
0x130: {  	[sflag:s19] =	ssyncadd.s32 $0xFFFFC000  }
0x131: {  	[spmem:s2] =	stream.indirect.scatter.add.f32 [tilespmem:s16], [sflag:$0x4], $0x80, s30, s14, $0xb8;
	[tilespmem:$0x1D000] =	vst v63  }
0x132: {  	_ =	swait.ge [sflag:s20], $0x4000  }
0x133: {  	[sflag:s20] =	ssyncset.done $0x0  }
0x134: {  	[sflag:s20] =	ssyncadd.s32 $0xFFFFC000  }
0x135: {  	[tilespmem:s16], [sflag:$0x2] =	stream.indirect.gather [hbm4b:s4+s14], $0x80, s31, s14, $0xb8;
	[tilespmem:$0x1D000] =	vst v63  }
0x136: {  	_ =	swait.ge [sflag:s17], $0x4000  }
0x137: {  	[sflag:s17] =	ssyncset.done $0x0  }
0x138: {  	[sflag:s17] =	ssyncadd.s32 $0xFFFFC000  }
0x139: {  	[spmem:s2] =	stream.indirect.scatter.add.f32 [tilespmem:s15], [sflag:$0x3], $0x80, s0, s14, $0xb8;
	[tilespmem:$0x1D000] =	vst v63  }
0x13a: {  	_ =	swait.ge [sflag:s19], $0x4000  }
0x13b: {  	[sflag:s19] =	ssyncset.done $0x0  }
0x13c: {  	p1 =	sne.s32 s10, $0x1;
	[sflag:s19] =	ssyncadd.s32 $0xFFFFC000  }
0x13d: {  	[spmem:s2] =	stream.indirect.scatter.add.f32 [tilespmem:s16], [sflag:$0x4], $0x80, s1, s14, $0xb8;
	[tilespmem:$0x1D000] =	vst v63  }
.Ltmp2:
0x13e: {  	_ =	swait.ge [sflag:s18], $0x4000;
	(pc) =	sbr.rel @p1 .LBB2_5-.Ltmp2, $4  }
0x13f: {  	[sflag:s18] =	ssyncset.done $0x0  }
0x140: {  	[sflag:s18] =	ssyncadd.s32 $0xFFFFC000  }
0x141: {  	_ =	swait.ge [sflag:s20], $0x4000  }
0x142: {  	s10 =	sadd.s32 $0xFFFFFFFF, s10;
	s8 =	rddreg [dreg:$0x3];
	[sflag:s20] =	ssyncset.done $0x0  }
0x143: {  	s10 =	rddreg [dreg:$0x1a]  }
.LBB2_7:
0x144: {  	s5 =	sadd.s32 @p0 $0x800, s5;
	s6 =	smov.u32 s9  }
0x145: {  	s6 =	smov.u32 @p0 s5  }
0x146: {  	s5 =	sshrl.u32 s6, $0x3  }
0x147: {  	[sflag:s20] =	ssyncadd.s32 @p0 $0xFFFFC000;
	s6 =	sadd.s32 s8, s5  }
0x148: {  	[tilespmem:s3], [sflag:$0x5] =	stream.linear.gather [hbm4b:s6+s3], $0x800, $0x38;
	[tilespmem:$0x1D000] =	vst v63  }
0x149: {  	_ =	swait.ge [sflag:s12], $0x800  }
0x14a: {  	s8 =	rddreg [dreg:$0x4];
	[sflag:s12] =	ssyncset.done $0x0  }
0x14b: {  	s5 =	sadd.s32 s8, s5;
	[sflag:s12] =	ssyncadd.s32 $0xFFFFF800  }
0x14c: {  	[tilespmem:s13], [sflag:$0x5] =	stream.linear.gather [hbm4b:s5+s3], $0x800, $0x38;
	[tilespmem:$0x1D000] =	vst v63  }
0x14d: {  	_ =	swait.ge [sflag:s12], $0x800  }
0x14e: {  	[sflag:s12] =	ssyncset.done $0x0  }
0x14f: {  	[sflag:s12] =	ssyncadd.s32 $0xFFFFF800  }
0x150: {  	[tilespmem:s15], [sflag:$0x1] =	stream.indirect.gather [hbm4b:s4+s14], $0x80, s3, s14, $0xb8;
	[tilespmem:$0x1D000] =	vst v63  }
0x151: {  	_ = 	snop  }
0x152: {  	[tilespmem:s16], [sflag:$0x2] =	stream.indirect.gather [hbm4b:s4+s14], $0x80, s14, s14, $0xb8;
	[tilespmem:$0x1D000] =	vst v63  }
0x153: {  	_ =	swait.ge [sflag:s17], $0x4000  }
0x154: {  	[sflag:s17] =	ssyncset.done $0x0  }
0x155: {  	[sflag:s17] =	ssyncadd.s32 $0xFFFFC000  }
0x156: {  	[spmem:s2] =	stream.indirect.scatter.add.f32 [tilespmem:s15], [sflag:$0x3], $0x80, s13, s14, $0xb8;
	[tilespmem:$0x1D000] =	vst v63  }
0x157: {  	_ =	swait.ge [sflag:s18], $0x4000  }
0x158: {  	[sflag:s18] =	ssyncset.done $0x0  }
0x159: {  	s8 =	rddreg [dreg:$0x5];
	[sflag:s18] =	ssyncadd.s32 $0xFFFFC000  }
0x15a: {  	[tilespmem:s15], [sflag:$0x1] =	stream.indirect.gather [hbm4b:s4+s14], $0x80, s8, s14, $0xb8;
	[tilespmem:$0x1D000] =	vst v63  }
0x15b: {  	_ =	swait.ge [sflag:s19], $0x4000  }
0x15c: {  	[sflag:s19] =	ssyncset.done $0x0  }
0x15d: {  	s6 =	rddreg [dreg:$0x6];
	[sflag:s19] =	ssyncadd.s32 $0xFFFFC000  }
0x15e: {  	[spmem:s2] =	stream.indirect.scatter.add.f32 [tilespmem:s16], [sflag:$0x4], $0x80, s6, s14, $0xb8;
	[tilespmem:$0x1D000] =	vst v63  }
0x15f: {  	_ =	swait.ge [sflag:s20], $0x4000  }
0x160: {  	[sflag:s20] =	ssyncset.done $0x0  }
0x161: {  	s8 =	rddreg [dreg:$0x7];
	[sflag:s20] =	ssyncadd.s32 $0xFFFFC000  }
0x162: {  	[tilespmem:s16], [sflag:$0x2] =	stream.indirect.gather [hbm4b:s4+s14], $0x80, s8, s14, $0xb8;
	[tilespmem:$0x1D000] =	vst v63  }
0x163: {  	_ =	swait.ge [sflag:s17], $0x4000  }
0x164: {  	[sflag:s17] =	ssyncset.done $0x0  }
0x165: {  	s6 =	rddreg [dreg:$0x8];
	[sflag:s17] =	ssyncadd.s32 $0xFFFFC000  }
0x166: {  	[spmem:s2] =	stream.indirect.scatter.add.f32 [tilespmem:s15], [sflag:$0x3], $0x80, s6, s14, $0xb8;
	[tilespmem:$0x1D000] =	vst v63  }
0x167: {  	_ =	swait.ge [sflag:s18], $0x4000  }
0x168: {  	[sflag:s18] =	ssyncset.done $0x0  }
0x169: {  	s8 =	rddreg [dreg:$0x9];
	[sflag:s18] =	ssyncadd.s32 $0xFFFFC000  }
0x16a: {  	[tilespmem:s15], [sflag:$0x1] =	stream.indirect.gather [hbm4b:s4+s14], $0x80, s8, s14, $0xb8;
	[tilespmem:$0x1D000] =	vst v63  }
0x16b: {  	_ =	swait.ge [sflag:s19], $0x4000  }
0x16c: {  	[sflag:s19] =	ssyncset.done $0x0  }
0x16d: {  	s6 =	rddreg [dreg:$0xa];
	[sflag:s19] =	ssyncadd.s32 $0xFFFFC000  }
0x16e: {  	[spmem:s2] =	stream.indirect.scatter.add.f32 [tilespmem:s16], [sflag:$0x4], $0x80, s6, s14, $0xb8;
	[tilespmem:$0x1D000] =	vst v63  }
0x16f: {  	_ =	swait.ge [sflag:s20], $0x4000  }
0x170: {  	[sflag:s20] =	ssyncset.done $0x0  }
0x171: {  	s8 =	rddreg [dreg:$0xb];
	[sflag:s20] =	ssyncadd.s32 $0xFFFFC000  }
0x172: {  	[tilespmem:s16], [sflag:$0x2] =	stream.indirect.gather [hbm4b:s4+s14], $0x80, s8, s14, $0xb8;
	[tilespmem:$0x1D000] =	vst v63  }
0x173: {  	_ =	swait.ge [sflag:s17], $0x4000  }
0x174: {  	[sflag:s17] =	ssyncset.done $0x0  }
0x175: {  	s6 =	rddreg [dreg:$0xc];
	[sflag:s17] =	ssyncadd.s32 $0xFFFFC000  }
0x176: {  	[spmem:s2] =	stream.indirect.scatter.add.f32 [tilespmem:s15], [sflag:$0x3], $0x80, s6, s14, $0xb8;
	[tilespmem:$0x1D000] =	vst v63  }
0x177: {  	_ =	swait.ge [sflag:s18], $0x4000  }
0x178: {  	[sflag:s18] =	ssyncset.done $0x0  }
0x179: {  	s8 =	rddreg [dreg:$0xd];
	[sflag:s18] =	ssyncadd.s32 $0xFFFFC000  }
0x17a: {  	[tilespmem:s15], [sflag:$0x1] =	stream.indirect.gather [hbm4b:s4+s14], $0x80, s8, s14, $0xb8;
	[tilespmem:$0x1D000] =	vst v63  }
0x17b: {  	_ =	swait.ge [sflag:s19], $0x4000  }
0x17c: {  	[sflag:s19] =	ssyncset.done $0x0  }
0x17d: {  	s6 =	rddreg [dreg:$0xe];
	[sflag:s19] =	ssyncadd.s32 $0xFFFFC000  }
0x17e: {  	[spmem:s2] =	stream.indirect.scatter.add.f32 [tilespmem:s16], [sflag:$0x4], $0x80, s6, s14, $0xb8;
	[tilespmem:$0x1D000] =	vst v63  }
0x17f: {  	_ =	swait.ge [sflag:s20], $0x4000  }
0x180: {  	[sflag:s20] =	ssyncset.done $0x0  }
0x181: {  	s8 =	rddreg [dreg:$0xf];
	[sflag:s20] =	ssyncadd.s32 $0xFFFFC000  }
0x182: {  	[tilespmem:s16], [sflag:$0x2] =	stream.indirect.gather [hbm4b:s4+s14], $0x80, s8, s14, $0xb8;
	[tilespmem:$0x1D000] =	vst v63  }
0x183: {  	_ =	swait.ge [sflag:s17], $0x4000  }
0x184: {  	[sflag:s17] =	ssyncset.done $0x0  }
0x185: {  	s6 =	rddreg [dreg:$0x10];
	[sflag:s17] =	ssyncadd.s32 $0xFFFFC000  }
0x186: {  	[spmem:s2] =	stream.indirect.scatter.add.f32 [tilespmem:s15], [sflag:$0x3], $0x80, s6, s14, $0xb8;
	[tilespmem:$0x1D000] =	vst v63  }
0x187: {  	_ =	swait.ge [sflag:s18], $0x4000  }
0x188: {  	[sflag:s18] =	ssyncset.done $0x0  }
0x189: {  	s8 =	rddreg [dreg:$0x11];
	[sflag:s18] =	ssyncadd.s32 $0xFFFFC000  }
0x18a: {  	[tilespmem:s15], [sflag:$0x1] =	stream.indirect.gather [hbm4b:s4+s14], $0x80, s8, s14, $0xb8;
	[tilespmem:$0x1D000] =	vst v63  }
0x18b: {  	_ =	swait.ge [sflag:s19], $0x4000  }
0x18c: {  	[sflag:s19] =	ssyncset.done $0x0  }
0x18d: {  	s6 =	rddreg [dreg:$0x12];
	[sflag:s19] =	ssyncadd.s32 $0xFFFFC000  }
0x18e: {  	[spmem:s2] =	stream.indirect.scatter.add.f32 [tilespmem:s16], [sflag:$0x4], $0x80, s6, s14, $0xb8;
	[tilespmem:$0x1D000] =	vst v63  }
0x18f: {  	_ =	swait.ge [sflag:s20], $0x4000  }
0x190: {  	[sflag:s20] =	ssyncset.done $0x0  }
0x191: {  	s8 =	rddreg [dreg:$0x13];
	[sflag:s20] =	ssyncadd.s32 $0xFFFFC000  }
0x192: {  	[tilespmem:s16], [sflag:$0x2] =	stream.indirect.gather [hbm4b:s4+s14], $0x80, s8, s14, $0xb8;
	[tilespmem:$0x1D000] =	vst v63  }
0x193: {  	_ =	swait.ge [sflag:s17], $0x4000  }
0x194: {  	[sflag:s17] =	ssyncset.done $0x0  }
0x195: {  	s6 =	rddreg [dreg:$0x14];
	[sflag:s17] =	ssyncadd.s32 $0xFFFFC000  }
0x196: {  	[spmem:s2] =	stream.indirect.scatter.add.f32 [tilespmem:s15], [sflag:$0x3], $0x80, s6, s14, $0xb8;
	[tilespmem:$0x1D000] =	vst v63  }
0x197: {  	_ =	swait.ge [sflag:s18], $0x4000  }
0x198: {  	[sflag:s18] =	ssyncset.done $0x0  }
0x199: {  	s8 =	rddreg [dreg:$0x15];
	[sflag:s18] =	ssyncadd.s32 $0xFFFFC000  }
0x19a: {  	[tilespmem:s15], [sflag:$0x1] =	stream.indirect.gather [hbm4b:s4+s14], $0x80, s8, s14, $0xb8;
	[tilespmem:$0x1D000] =	vst v63  }
0x19b: {  	_ =	swait.ge [sflag:s19], $0x4000  }
0x19c: {  	[sflag:s19] =	ssyncset.done $0x0  }
0x19d: {  	[sflag:s19] =	ssyncadd.s32 $0xFFFFC000  }
0x19e: {  	[spmem:s2] =	stream.indirect.scatter.add.f32 [tilespmem:s16], [sflag:$0x4], $0x80, s21, s14, $0xb8;
	[tilespmem:$0x1D000] =	vst v63  }
0x19f: {  	_ =	swait.ge [sflag:s20], $0x4000  }
0x1a0: {  	[sflag:s20] =	ssyncset.done $0x0  }
0x1a1: {  	[sflag:s20] =	ssyncadd.s32 $0xFFFFC000  }
0x1a2: {  	[tilespmem:s16], [sflag:$0x2] =	stream.indirect.gather [hbm4b:s4+s14], $0x80, s22, s14, $0xb8;
	[tilespmem:$0x1D000] =	vst v63  }
0x1a3: {  	_ =	swait.ge [sflag:s17], $0x4000  }
0x1a4: {  	[sflag:s17] =	ssyncset.done $0x0  }
0x1a5: {  	[sflag:s17] =	ssyncadd.s32 $0xFFFFC000  }
0x1a6: {  	[spmem:s2] =	stream.indirect.scatter.add.f32 [tilespmem:s15], [sflag:$0x3], $0x80, s23, s14, $0xb8;
	[tilespmem:$0x1D000] =	vst v63  }
0x1a7: {  	_ =	swait.ge [sflag:s18], $0x4000  }
0x1a8: {  	[sflag:s18] =	ssyncset.done $0x0  }
0x1a9: {  	[sflag:s18] =	ssyncadd.s32 $0xFFFFC000  }
0x1aa: {  	[tilespmem:s15], [sflag:$0x1] =	stream.indirect.gather [hbm4b:s4+s14], $0x80, s24, s14, $0xb8;
	[tilespmem:$0x1D000] =	vst v63  }
0x1ab: {  	_ =	swait.ge [sflag:s19], $0x4000  }
0x1ac: {  	[sflag:s19] =	ssyncset.done $0x0  }
0x1ad: {  	[sflag:s19] =	ssyncadd.s32 $0xFFFFC000  }
0x1ae: {  	[spmem:s2] =	stream.indirect.scatter.add.f32 [tilespmem:s16], [sflag:$0x4], $0x80, s25, s14, $0xb8;
	[tilespmem:$0x1D000] =	vst v63  }
0x1af: {  	_ =	swait.ge [sflag:s20], $0x4000  }
0x1b0: {  	[sflag:s20] =	ssyncset.done $0x0  }
0x1b1: {  	[sflag:s20] =	ssyncadd.s32 $0xFFFFC000  }
0x1b2: {  	[tilespmem:s16], [sflag:$0x2] =	stream.indirect.gather [hbm4b:s4+s14], $0x80, s26, s14, $0xb8;
	[tilespmem:$0x1D000] =	vst v63  }
0x1b3: {  	_ =	swait.ge [sflag:s17], $0x4000  }
0x1b4: {  	[sflag:s17] =	ssyncset.done $0x0  }
0x1b5: {  	[sflag:s17] =	ssyncadd.s32 $0xFFFFC000  }
0x1b6: {  	[spmem:s2] =	stream.indirect.scatter.add.f32 [tilespmem:s15], [sflag:$0x3], $0x80, s28, s14, $0xb8;
	[tilespmem:$0x1D000] =	vst v63  }
0x1b7: {  	_ =	swait.ge [sflag:s18], $0x4000  }
0x1b8: {  	[sflag:s18] =	ssyncset.done $0x0  }
0x1b9: {  	[sflag:s18] =	ssyncadd.s32 $0xFFFFC000  }
0x1ba: {  	[tilespmem:s15], [sflag:$0x1] =	stream.indirect.gather [hbm4b:s4+s14], $0x80, s29, s14, $0xb8;
	[tilespmem:$0x1D000] =	vst v63  }
0x1bb: {  	_ =	swait.ge [sflag:s19], $0x4000  }
0x1bc: {  	[sflag:s19] =	ssyncset.done $0x0  }
0x1bd: {  	[sflag:s19] =	ssyncadd.s32 $0xFFFFC000  }
0x1be: {  	[spmem:s2] =	stream.indirect.scatter.add.f32 [tilespmem:s16], [sflag:$0x4], $0x80, s30, s14, $0xb8;
	[tilespmem:$0x1D000] =	vst v63  }
0x1bf: {  	_ =	swait.ge [sflag:s20], $0x4000  }
0x1c0: {  	[sflag:s20] =	ssyncset.done $0x0  }
0x1c1: {  	[sflag:s20] =	ssyncadd.s32 $0xFFFFC000  }
0x1c2: {  	[tilespmem:s16], [sflag:$0x2] =	stream.indirect.gather [hbm4b:s4+s14], $0x80, s31, s14, $0xb8;
	[tilespmem:$0x1D000] =	vst v63  }
0x1c3: {  	_ =	swait.ge [sflag:s17], $0x4000  }
0x1c4: {  	[sflag:s17] =	ssyncset.done $0x0  }
0x1c5: {  	[sflag:s17] =	ssyncadd.s32 $0xFFFFC000  }
0x1c6: {  	[spmem:s2] =	stream.indirect.scatter.add.f32 [tilespmem:s15], [sflag:$0x3], $0x80, s0, s14, $0xb8;
	[tilespmem:$0x1D000] =	vst v63  }
0x1c7: {  	_ =	swait.ge [sflag:s19], $0x4000  }
0x1c8: {  	[sflag:s19] =	ssyncset.done $0x0  }
0x1c9: {  	[sflag:s19] =	ssyncadd.s32 $0xFFFFC000  }
0x1ca: {  	[spmem:s2] =	stream.indirect.scatter.add.f32 [tilespmem:s16], [sflag:$0x4], $0x80, s1, s14, $0xb8;
	[tilespmem:$0x1D000] =	vst v63  }
0x1cb: {  	_ =	swait.ge [sflag:s18], $0x4000  }
0x1cc: {  	[sflag:s18] =	ssyncset.done $0x0  }
0x1cd: {  	[sflag:s18] =	ssyncadd.s32 $0xFFFFC000  }
0x1ce: {  	_ =	swait.ge [sflag:s20], $0x4000  }
0x1cf: {  	[sflag:s20] =	ssyncset.done $0x0  }
0x1d0: {  	[sflag:s20] =	ssyncadd.s32 $0xFFFFC000  }
0x1d1: {  	[bflag:$0x0] =	sbarrier.arrive $0xFFFF  }
0x1d2: {  	s6 =	rddreg [dreg:$0x18]  }
0x1d3: {  	[hbm:s6], [sflag:s11] =	dma.local [spmem:s10], $0x2800  }
0x1d4: {  	_ =	swait.ge [sflag:s12], $0x2800  }
0x1d5: {  	s7 =	sadd.s32 $0x1, s7;
	s8 =	rddreg [dreg:$0x19]  }
0x1d6: {  	p0 =	sne.s32 s7, s8  }
.Ltmp3:
0x1d7: {  	_ = 	snop;
	(pc) =	sbr.rel @p0 .LBB2_1-.Ltmp3, $4  }
.Ltmp4:
0x1d8: {  	_ = 	snop;
	(pc) =	sbr.rel @!p0 .LBB2_8-.Ltmp4, $4  }
0x1d9: {  	_ = 	snop  }
0x1da: {  	[sflag:s12] =	ssyncset.done $0x0  }
0x1db: {  	[sflag:s12] =	ssyncadd.s32 $0xFFFFD800  }
0x1dc: {  	_ = 	snop  }
.LBB2_2:
.Ltmp5:
0x1dd: {  	(pc) =	sbr.rel .LBB2_7-.Ltmp5, $2  }
0x1de: {  	_ =	sdelay $0x2  }
0x1df: {  	s5 =	smov.u32 s9  }
.LBB2_4:
.Ltmp6:
0x1e0: {  	(pc) =	sbr.rel .LBB2_7-.Ltmp6, $2  }
0x1e1: {  	_ =	sdelay $0x2  }
0x1e2: {  	s5 =	smov.u32 s9;
	s10 =	rddreg [dreg:$0x1a]  }
.LBB2_8:
0x1e3: {  	_ =	sfence.sel $0x180000  }
0x1e4: {  	[bflag:$0x0] =	sbarrier.arrive $0xFFFF  }
0x1e5: {  	_ =	strace $0x90000047  }
0x1e6: {  	s0 =	stileid.u32;
	[bflag:$0x2] =	sbarrier.arrive $0xFFFF  }
0x1e7: {  	p0 =	sne.s32 s0, $0x0;
	s0 =	rddreg [dreg:$0x2]  }
0x1e8: {  	s0 =	sadd.s32 @!p0 $0x100000, s0  }
0x1e9: {  	[sflag:s0] =	ssyncadd.tile.s32 @!p0 $0x1;
	_ =	shalt  }
.Lfunc_end2:
_tile_overlayer_lowered:
.L_overlay_start_2:
0x1ea: {  	(tag) =	ssettag $0x2  }
0x1eb: {  	s0 =	rddreg [dreg:$0x0];
	s2 =	stileid.u32  }
0x1ec: {  	s1 =	rddreg [dreg:$0x1];
	p0 =	sne.s32 s2, $0x0  }
0x1ed: {  	s3 =	rddreg [dreg:$0x2];
	[bflag:$0x3] =	sbarrier.arrive $0xFFFF;
	s2 =	simm.s32 @!p0 $0x1C05  }
0x1ee: {  	[timem:s3], [sflag:s2] =	dma.local @!p0 [hbm:s0], s1  }
0x1ef: {  	s0 =	simm.s32 @!p0 $0x5  }
0x1f0: {  	_ =	swait.ge @!p0 [sflag:s0], s1  }
0x1f1: {  	s1 =	ssub.s32 @!p0 $0x0, s1;
	[sflag:s0] =	ssyncset.done @!p0 $0x0  }
0x1f2: {  	[sflag:s0] =	ssyncadd.s32 @!p0 s1  }
0x1f3: {  	[bflag:$0x3] =	sbarrier.arrive $0xFFFF  }
0x1f4: {  	_ =	shalt  }

</sc_bundles>
